<compile_context>
chip_gen: v7x
topology: tpu7x:2x2x1
jax: 0.10.2.dev20260603
libtpu: 0.0.44.dev20260713+nightly
codegen_flags: <defaults>
</compile_context>

<pallas_src>
import functools

import jax
import jax.numpy as jnp
from jax import lax
from jax.experimental import pallas as pl
from jax.experimental.pallas import tpu as pltpu
from jax.experimental.pallas import tpu_sc as plsc

N = 10000
IN = 128
HID = 32
E = 320000

NC, NS = 2, 16
NW = NC * NS
C = 128
NPAD = 10240
RPW = NPAD // NS
CH = 80
EPW = CH * C
EPAD = EPW * NW
G = 8
L = 6
NR = CH // G
RW = E // C
REM = RW - (NW - 1) * CH
PADR = CH - REM


def _stage_indices(ei_hbm, pad_hbm, wid, row, dest, sem):

    @pl.when(wid < NW - 1)
    def _full():
        pltpu.async_copy(
            ei_hbm.at[row, pl.ds(wid * CH, REM), :], dest.at[pl.ds(0, REM), :], sem
        )
        pltpu.async_copy(
            ei_hbm.at[row, pl.ds(wid * CH + REM, PADR), :],
            dest.at[pl.ds(REM, PADR), :],
            sem,
        )

    @pl.when(wid == NW - 1)
    def _tail():
        pltpu.async_copy(
            ei_hbm.at[row, pl.ds(wid * CH, REM), :], dest.at[pl.ds(0, REM), :], sem
        )
        pltpu.async_copy(pad_hbm.at[row], dest.at[pl.ds(REM, PADR), :], sem)


def _drain_stage(ei_hbm, pad_hbm, row, dest, sem):
    pltpu.make_async_copy(
        ei_hbm.at[row, pl.ds(0, REM), :], dest.at[pl.ds(0, REM), :], sem
    ).wait()
    pltpu.make_async_copy(pad_hbm.at[row], dest.at[pl.ds(REM, PADR), :], sem).wait()


def _hist_body(ei_hbm, pad_hbm, ones_hbm, zeros_hbm, out_hbm, didx, ones_v, acc, sem):
    c = lax.axis_index("c")
    s = lax.axis_index("s")
    wid = c * NS + s
    pltpu.async_copy(zeros_hbm.at[pl.ds(s * RPW, RPW)], acc.at[pl.ds(s * RPW, RPW)], sem)
    pltpu.async_copy(ones_hbm, ones_v, sem)
    _stage_indices(ei_hbm, pad_hbm, wid, 1, didx, sem)
    pltpu.make_async_copy(
        zeros_hbm.at[pl.ds(s * RPW, RPW)], acc.at[pl.ds(s * RPW, RPW)], sem
    ).wait()
    pltpu.make_async_copy(ones_hbm, ones_v, sem).wait()
    _drain_stage(ei_hbm, pad_hbm, 1, didx, sem)
    plsc.subcore_barrier()

    def _fire(k):
        pltpu.async_copy(ones_v, acc.at[didx.at[k]], sem, add=True)

    def _drain():
        pltpu.make_async_copy(ones_v, acc.at[didx.at[0]], sem).wait()

    for b in range(G):
        _fire(b)

    def body(r, carry):
        for b in range(G):
            _fire(r * G + b)
        for _ in range(G):
            _drain()
        return carry

    lax.fori_loop(1, NR, body, 0)
    for _ in range(G):
        _drain()
    plsc.subcore_barrier()
    pltpu.sync_copy(acc.at[pl.ds(s * RPW, RPW)], out_hbm.at[c, pl.ds(s * RPW, RPW)])


def _agg_body(hs_hbm, ei_hbm, pad_hbm, zeros_hbm, out_hbm,
              sidx, didx, rows, acc, gsems, ssems):
    c = lax.axis_index("c")
    s = lax.axis_index("s")
    wid = c * NS + s
    pltpu.async_copy(
        zeros_hbm.at[pl.ds(s * RPW, RPW), :], acc.at[pl.ds(s * RPW, RPW), :], ssems[0]
    )
    _stage_indices(ei_hbm, pad_hbm, wid, 0, sidx, ssems[0])
    _stage_indices(ei_hbm, pad_hbm, wid, 1, didx, ssems[0])
    pltpu.make_async_copy(
        zeros_hbm.at[pl.ds(s * RPW, RPW), :], acc.at[pl.ds(s * RPW, RPW), :], ssems[0]
    ).wait()
    _drain_stage(ei_hbm, pad_hbm, 0, sidx, ssems[0])
    _drain_stage(ei_hbm, pad_hbm, 1, didx, ssems[0])
    plsc.subcore_barrier()

    def _gather_start(k, b):
        pltpu.async_copy(hs_hbm.at[sidx.at[k]], rows.at[b], gsems[b])

    def _gather_wait(k, b):
        pltpu.make_async_copy(hs_hbm.at[sidx.at[k]], rows.at[b], gsems[b]).wait()

    def _scatter_start(k, b):
        pltpu.async_copy(rows.at[b], acc.at[didx.at[k]], ssems[b], add=True)

    def _scatter_wait(b):
        pltpu.make_async_copy(rows.at[b], acc.at[didx.at[0]], ssems[b]).wait()

    for k in range(L):
        _gather_start(k, k % G)

    for b in range(G):
        k = b
        _gather_wait(k, b)
        _scatter_start(k, b)
        bj = (k + L) % G
        if k - (G - L) >= 0:
            _scatter_wait(bj)
        _gather_start(k + L, bj)

    def body(r, carry):
        for b in range(G):
            k = r * G + b
            _gather_wait(k, b)
            _scatter_start(k, b)
            bj = (b + L) % G
            _scatter_wait(bj)
            _gather_start(k + L, bj)
        return carry

    lax.fori_loop(1, NR - 1, body, 0)

    for b in range(G):
        k = (NR - 1) * G + b
        _gather_wait(k, b)
        _scatter_start(k, b)
        if k + L < CH:
            bj = (b + L) % G
            _scatter_wait(bj)
            _gather_start(k + L, bj)

    for b in range(G):
        _scatter_wait(b)

    plsc.subcore_barrier()
    pltpu.sync_copy(acc.at[pl.ds(s * RPW, RPW), :], out_hbm.at[c, pl.ds(s * RPW, RPW), :])


@functools.cache
def _sc_calls():
    mesh = plsc.VectorSubcoreMesh(
        core_axis_name="c", subcore_axis_name="s", num_cores=NC, num_subcores=NS
    )
    params = pltpu.CompilerParams(use_tc_tiling_on_sc=False)
    hist_call = pl.kernel(
        _hist_body,
        out_type=jax.ShapeDtypeStruct((NC, NPAD), jnp.float32),
        mesh=mesh,
        compiler_params=params,
        scratch_types=[
            pltpu.VMEM((CH, C), jnp.int32),
            pltpu.VMEM((C,), jnp.float32),
            pltpu.VMEM_SHARED((NPAD,), jnp.float32),
            pltpu.SemaphoreType.DMA,
        ],
    )
    agg_call = pl.kernel(
        _agg_body,
        out_type=jax.ShapeDtypeStruct((NC, NPAD, HID), jnp.float32),
        mesh=mesh,
        compiler_params=params,
        scratch_types=[
            pltpu.VMEM((CH, C), jnp.int32),
            pltpu.VMEM((CH, C), jnp.int32),
            pltpu.VMEM((G, C, HID), jnp.float32),
            pltpu.VMEM_SHARED((NPAD, HID), jnp.float32),
            [pltpu.SemaphoreType.DMA] * G,
            [pltpu.SemaphoreType.DMA] * G,
        ],
    )
    return hist_call, agg_call


P = 4
PRP = NPAD // P


def _tc_a(x_ref, w_ref, dinv_ref, hs_ref):
    h = jnp.dot(x_ref[...], w_ref[...], preferred_element_type=jnp.float32)
    hs_ref[...] = h * dinv_ref[...]


def _tc_b(p_ref, hs_ref, dinv_ref, b_ref, z_ref, y_ref):
    agg = p_ref[0] + p_ref[1] + hs_ref[...]
    z = jnp.maximum(agg * dinv_ref[...] + b_ref[...], 0.0)
    z_ref[...] = z
    y_ref[...] = z * dinv_ref[...]


def _tc_c(p_ref, y_ref, dinv_ref, w_ref, b_ref, out_ref):
    agg = (p_ref[0] + p_ref[1] + y_ref[...]) * dinv_ref[...]
    out_ref[...] = (
        jnp.dot(agg, w_ref[...], preferred_element_type=jnp.float32) + b_ref[...]
    )


def kernel(x, edge_index, W1, b1, W2, b2):
    ei3 = edge_index.astype(jnp.int32).reshape(2, RW, C)
    arp = jnp.arange(PADR * C, dtype=jnp.int32)
    pad3 = jnp.stack([(arp * 97) % N, N + (arp % (NPAD - N))]).reshape(2, PADR, C)

    ones_c = jnp.ones((C,), jnp.float32)
    zeros1 = jnp.zeros((NPAD,), jnp.float32)
    zeros2 = jnp.zeros((NPAD, HID), jnp.float32)

    eyep = jnp.eye(P, dtype=jnp.float32)
    w1blk = jnp.kron(eyep, W1)
    w2blk = jnp.kron(eyep, W2)
    b1p = jnp.tile(b1, P).reshape(1, P * HID)
    b2p = jnp.tile(b2, P).reshape(1, P * IN)
    xp = jnp.pad(x, ((0, NPAD - N), (0, 0))).reshape(PRP, P * IN)

    hist_call, agg_call = _sc_calls()
    hist = hist_call(ei3, pad3, ones_c, zeros1)
    dinv = lax.rsqrt(hist[0] + hist[1] + 1.0)
    dinvp = jnp.repeat(dinv.reshape(PRP, P), HID, axis=1)

    hs1p = pl.pallas_call(
        _tc_a, out_shape=jax.ShapeDtypeStruct((PRP, P * HID), jnp.float32)
    )(xp, w1blk, dinvp)

    p1 = agg_call(hs1p.reshape(NPAD, HID), ei3, pad3, zeros2)

    zp, yp = pl.pallas_call(
        _tc_b,
        out_shape=(
            jax.ShapeDtypeStruct((PRP, P * HID), jnp.float32),
            jax.ShapeDtypeStruct((PRP, P * HID), jnp.float32),
        ),
    )(p1.reshape(2, PRP, P * HID), hs1p, dinvp, b1p)

    p2 = agg_call(yp.reshape(NPAD, HID), ei3, pad3, zeros2)

    xhp = pl.pallas_call(
        _tc_c, out_shape=jax.ShapeDtypeStruct((PRP, P * IN), jnp.float32)
    )(p2.reshape(2, PRP, P * HID), yp, dinvp, w2blk, b2p)

    z = zp.reshape(NPAD, HID)[:N]
    x_hat = xhp.reshape(NPAD, IN)[:N]
    return (z, x_hat)

# --- scband reference (transcript-rebuilt; emitter-appended) ---
"""Pipeline reference for scband-autoencoder-40939628265720 (READ-ONLY COPY).

The authoritative reference and input builder live on the scoring server;
editing this copy changes nothing except your own understanding.
"""

import jax, jax.numpy as jnp
import numpy as np

N_NODES = 10000
IN_CH = 128
HID_CH = 32
N_EDGES = 320000


def _gcn_conv(x, edge_index, W, b):
    # PyG-style GCNConv: add self-loops, symmetric normalization, linear then aggregate.
    loop = jnp.arange(N_NODES, dtype=edge_index.dtype)
    src = jnp.concatenate([edge_index[0], loop])
    dst = jnp.concatenate([edge_index[1], loop])
    h = x @ W
    deg = jnp.zeros((N_NODES,), x.dtype).at[dst].add(1.0)
    dinv = jnp.where(deg > 0, jax.lax.rsqrt(deg), 0.0)
    norm = dinv[src] * dinv[dst]
    msg = h[src] * norm[:, None]
    out = jnp.zeros((N_NODES, W.shape[1]), x.dtype).at[dst].add(msg)
    return out + b


def setup_inputs(seed: int = 0) -> dict:
    key = jax.random.key(seed)
    k1, k2, k3, k4 = jax.random.split(key, 4)
    x = jax.random.normal(k1, (N_NODES, IN_CH), dtype=jnp.float32)
    edge_index = jax.random.randint(k2, (2, N_EDGES), 0, N_NODES, dtype=jnp.int64)
    W1 = jax.random.normal(k3, (IN_CH, HID_CH), dtype=jnp.float32) * (1.0 / np.sqrt(IN_CH))
    b1 = jnp.zeros((HID_CH,), dtype=jnp.float32)
    W2 = jax.random.normal(k4, (HID_CH, IN_CH), dtype=jnp.float32) * (1.0 / np.sqrt(HID_CH))
    b2 = jnp.zeros((IN_CH,), dtype=jnp.float32)
    return {"x": x, "edge_index": edge_index, "W1": W1, "b1": b1, "W2": W2, "b2": b2}


def reference(x, edge_index, W1, b1, W2, b2):
    z = jax.nn.relu(_gcn_conv(x, edge_index, W1, b1))
    x_hat = _gcn_conv(z, edge_index, W2, b2)
    return (z, x_hat)

if __name__ == "__main__":
    import jax
    _d = setup_inputs()
    print(jax.jit(kernel)(*tuple(_d.values())))

</pallas_src>

<mosaic_0001>
#map = affine_map<(d0, d1) -> (0, 0)>
#map1 = affine_map<(d0, d1) -> (0, 0, 0)>
module attributes {stable_mosaic.version = 14 : i64} {
  func.func @_agg_body(%arg0: i32, %arg1: i32, %arg2: memref<10240x32xf32, #tpu.memory_space<hbm>>, %arg3: memref<2x2500x128xi32, #tpu.memory_space<hbm>>, %arg4: memref<2x60x128xi32, #tpu.memory_space<hbm>>, %arg5: memref<10240x32xf32, #tpu.memory_space<hbm>>, %arg6: memref<2x10240x32xf32, #tpu.memory_space<hbm>>, %arg7: memref<80x128xi32, #tpu.memory_space<vmem>>, %arg8: memref<80x128xi32, #tpu.memory_space<vmem>>, %arg9: memref<8x128x32xf32, #tpu.memory_space<vmem>>, %arg10: memref<10240x32xf32, #tpu.memory_space<vmem_shared>>, %arg11: memref<!tpu.dma_semaphore, #tpu.memory_space<semaphore_mem>>, %arg12: memref<!tpu.dma_semaphore, #tpu.memory_space<semaphore_mem>>, %arg13: memref<!tpu.dma_semaphore, #tpu.memory_space<semaphore_mem>>, %arg14: memref<!tpu.dma_semaphore, #tpu.memory_space<semaphore_mem>>, %arg15: memref<!tpu.dma_semaphore, #tpu.memory_space<semaphore_mem>>, %arg16: memref<!tpu.dma_semaphore, #tpu.memory_space<semaphore_mem>>, %arg17: memref<!tpu.dma_semaphore, #tpu.memory_space<semaphore_mem>>, %arg18: memref<!tpu.dma_semaphore, #tpu.memory_space<semaphore_mem>>, %arg19: memref<!tpu.dma_semaphore, #tpu.memory_space<semaphore_mem>>, %arg20: memref<!tpu.dma_semaphore, #tpu.memory_space<semaphore_mem>>, %arg21: memref<!tpu.dma_semaphore, #tpu.memory_space<semaphore_mem>>, %arg22: memref<!tpu.dma_semaphore, #tpu.memory_space<semaphore_mem>>, %arg23: memref<!tpu.dma_semaphore, #tpu.memory_space<semaphore_mem>>, %arg24: memref<!tpu.dma_semaphore, #tpu.memory_space<semaphore_mem>>, %arg25: memref<!tpu.dma_semaphore, #tpu.memory_space<semaphore_mem>>, %arg26: memref<!tpu.dma_semaphore, #tpu.memory_space<semaphore_mem>>) attributes {dimension_semantics = [#tpu.dimension_semantics<core_parallel>, #tpu.dimension_semantics<subcore_parallel>], iteration_bounds = array<i64: 2, 16>, scalar_prefetch = 0 : i64, scratch_operands = 20 : i64, tpu.core_type = #tpu.core_type<sc_vector_subcore>, window_params = [{transform_indices = #map}, {transform_indices = #map1}, {transform_indices = #map1}, {transform_indices = #map}, {transform_indices = #map1}]} {
    %mul3A = arith.constant 16 : i32
    %mul3A_0 = arith.muli %arg0, %mul3A : i32
    %add3A = arith.addi %mul3A_0, %arg1 : i32
    %mul3A_1 = arith.constant 640 : i32
    %mul3A_2 = arith.muli %arg1, %mul3A_1 : i32
    %mul3A_3 = arith.constant 640 : i32
    %mul3A_4 = arith.muli %arg1, %mul3A_3 : i32
    %dma_start3A = arith.constant 0 : i32
    %dma_start3A_5 = tpu.memref_slice %arg10[%mul3A_4, %dma_start3A] : memref<10240x32xf32, #tpu.memory_space<vmem_shared>> -> memref<640x32xf32, #tpu.memory_space<vmem_shared>>
    %dma_start3A_6 = arith.constant 0 : i32
    %dma_start3A_7 = tpu.memref_slice %arg5[%mul3A_2, %dma_start3A_6] : memref<10240x32xf32, #tpu.memory_space<hbm>> -> memref<640x32xf32, #tpu.memory_space<hbm>>
    tpu.enqueue_dma source(%dma_start3A_7 : memref<640x32xf32, #tpu.memory_space<hbm>>) target(%dma_start3A_5 : memref<640x32xf32, #tpu.memory_space<vmem_shared>>) target_semaphore(%arg19 : memref<!tpu.dma_semaphore, #tpu.memory_space<semaphore_mem>>)
    %lt3A = arith.constant 31 : i32
    %lt3A_8 = arith.cmpi slt, %add3A, %lt3A : i32
    %convert_element_type3A = arith.extui %lt3A_8 : i1 to i32
    %cond3A = arith.constant 0 : i32
    %cond3A_9 = arith.cmpi ne, %convert_element_type3A, %cond3A : i32
    scf.if %cond3A_9 {
      %mul3A_869 = arith.constant 80 : i32
      %mul3A_870 = arith.muli %add3A, %mul3A_869 : i32
      %dma_start3A_871 = arith.constant 0 : i32
      %dma_start3A_872 = arith.constant 0 : i32
      %dma_start3A_873 = arith.constant 0 : i32
      %dma_start3A_874 = tpu.memref_slice %arg7[%dma_start3A_872, %dma_start3A_873] : memref<80x128xi32, #tpu.memory_space<vmem>> -> memref<20x128xi32, #tpu.memory_space<vmem>>
      %dma_start3A_875 = arith.constant 0 : i32
      %dma_start3A_876 = tpu.memref_slice %arg3[%dma_start3A_871, %mul3A_870, %dma_start3A_875] : memref<2x2500x128xi32, #tpu.memory_space<hbm>> -> memref<1x20x128xi32, #tpu.memory_space<hbm>>
      %dma_start3A_877 = tpu.memref_squeeze %dma_start3A_876 : memref<1x20x128xi32, #tpu.memory_space<hbm>> -> memref<20x128xi32, #tpu.memory_space<hbm>>
      %dma_start3A_878 = arith.constant 0 : i32
      %dma_start3A_879 = arith.constant 0 : i32
      %dma_start3A_880 = tpu.memref_slice %arg7[%dma_start3A_878, %dma_start3A_879] : memref<80x128xi32, #tpu.memory_space<vmem>> -> memref<20x128xi32, #tpu.memory_space<vmem>>
      %dma_start3A_881 = arith.constant 0 : i32
      %dma_start3A_882 = tpu.memref_slice %arg3[%dma_start3A_871, %mul3A_870, %dma_start3A_881] : memref<2x2500x128xi32, #tpu.memory_space<hbm>> -> memref<1x20x128xi32, #tpu.memory_space<hbm>>
      %dma_start3A_883 = tpu.memref_squeeze %dma_start3A_882 : memref<1x20x128xi32, #tpu.memory_space<hbm>> -> memref<20x128xi32, #tpu.memory_space<hbm>>
      tpu.enqueue_dma source(%dma_start3A_883 : memref<20x128xi32, #tpu.memory_space<hbm>>) target(%dma_start3A_880 : memref<20x128xi32, #tpu.memory_space<vmem>>) target_semaphore(%arg19 : memref<!tpu.dma_semaphore, #tpu.memory_space<semaphore_mem>>)
      %mul3A_884 = arith.constant 80 : i32
      %mul3A_885 = arith.muli %add3A, %mul3A_884 : i32
      %add3A_886 = arith.constant 20 : i32
      %add3A_887 = arith.addi %mul3A_885, %add3A_886 : i32
      %dma_start3A_888 = arith.constant 0 : i32
      %dma_start3A_889 = arith.constant 20 : i32
      %dma_start3A_890 = arith.constant 0 : i32
      %dma_start3A_891 = tpu.memref_slice %arg7[%dma_start3A_889, %dma_start3A_890] : memref<80x128xi32, #tpu.memory_space<vmem>> -> memref<60x128xi32, #tpu.memory_space<vmem>>
      %dma_start3A_892 = arith.constant 0 : i32
      %dma_start3A_893 = tpu.memref_slice %arg3[%dma_start3A_888, %add3A_887, %dma_start3A_892] : memref<2x2500x128xi32, #tpu.memory_space<hbm>> -> memref<1x60x128xi32, #tpu.memory_space<hbm>>
      %dma_start3A_894 = tpu.memref_squeeze %dma_start3A_893 : memref<1x60x128xi32, #tpu.memory_space<hbm>> -> memref<60x128xi32, #tpu.memory_space<hbm>>
      %dma_start3A_895 = arith.constant 20 : i32
      %dma_start3A_896 = arith.constant 0 : i32
      %dma_start3A_897 = tpu.memref_slice %arg7[%dma_start3A_895, %dma_start3A_896] : memref<80x128xi32, #tpu.memory_space<vmem>> -> memref<60x128xi32, #tpu.memory_space<vmem>>
      %dma_start3A_898 = arith.constant 0 : i32
      %dma_start3A_899 = tpu.memref_slice %arg3[%dma_start3A_888, %add3A_887, %dma_start3A_898] : memref<2x2500x128xi32, #tpu.memory_space<hbm>> -> memref<1x60x128xi32, #tpu.memory_space<hbm>>
      %dma_start3A_900 = tpu.memref_squeeze %dma_start3A_899 : memref<1x60x128xi32, #tpu.memory_space<hbm>> -> memref<60x128xi32, #tpu.memory_space<hbm>>
      tpu.enqueue_dma source(%dma_start3A_900 : memref<60x128xi32, #tpu.memory_space<hbm>>) target(%dma_start3A_897 : memref<60x128xi32, #tpu.memory_space<vmem>>) target_semaphore(%arg19 : memref<!tpu.dma_semaphore, #tpu.memory_space<semaphore_mem>>)
    } else {
    }
    %eq3A = arith.constant 31 : i32
    %eq3A_10 = arith.cmpi eq, %add3A, %eq3A : i32
    %convert_element_type3A_11 = arith.extui %eq3A_10 : i1 to i32
    %cond3A_12 = arith.constant 0 : i32
    %cond3A_13 = arith.cmpi ne, %convert_element_type3A_11, %cond3A_12 : i32
    scf.if %cond3A_13 {
      %mul3A_869 = arith.constant 80 : i32
      %mul3A_870 = arith.muli %add3A, %mul3A_869 : i32
      %dma_start3A_871 = arith.constant 0 : i32
      %dma_start3A_872 = arith.constant 0 : i32
      %dma_start3A_873 = arith.constant 0 : i32
      %dma_start3A_874 = tpu.memref_slice %arg7[%dma_start3A_872, %dma_start3A_873] : memref<80x128xi32, #tpu.memory_space<vmem>> -> memref<20x128xi32, #tpu.memory_space<vmem>>
      %dma_start3A_875 = arith.constant 0 : i32
      %dma_start3A_876 = tpu.memref_slice %arg3[%dma_start3A_871, %mul3A_870, %dma_start3A_875] : memref<2x2500x128xi32, #tpu.memory_space<hbm>> -> memref<1x20x128xi32, #tpu.memory_space<hbm>>
      %dma_start3A_877 = tpu.memref_squeeze %dma_start3A_876 : memref<1x20x128xi32, #tpu.memory_space<hbm>> -> memref<20x128xi32, #tpu.memory_space<hbm>>
      %dma_start3A_878 = arith.constant 0 : i32
      %dma_start3A_879 = arith.constant 0 : i32
      %dma_start3A_880 = tpu.memref_slice %arg7[%dma_start3A_878, %dma_start3A_879] : memref<80x128xi32, #tpu.memory_space<vmem>> -> memref<20x128xi32, #tpu.memory_space<vmem>>
      %dma_start3A_881 = arith.constant 0 : i32
      %dma_start3A_882 = tpu.memref_slice %arg3[%dma_start3A_871, %mul3A_870, %dma_start3A_881] : memref<2x2500x128xi32, #tpu.memory_space<hbm>> -> memref<1x20x128xi32, #tpu.memory_space<hbm>>
      %dma_start3A_883 = tpu.memref_squeeze %dma_start3A_882 : memref<1x20x128xi32, #tpu.memory_space<hbm>> -> memref<20x128xi32, #tpu.memory_space<hbm>>
      tpu.enqueue_dma source(%dma_start3A_883 : memref<20x128xi32, #tpu.memory_space<hbm>>) target(%dma_start3A_880 : memref<20x128xi32, #tpu.memory_space<vmem>>) target_semaphore(%arg19 : memref<!tpu.dma_semaphore, #tpu.memory_space<semaphore_mem>>)
      %dma_start3A_884 = arith.constant 0 : i32
      %dma_start3A_885 = arith.constant 20 : i32
      %dma_start3A_886 = arith.constant 0 : i32
      %dma_start3A_887 = tpu.memref_slice %arg7[%dma_start3A_885, %dma_start3A_886] : memref<80x128xi32, #tpu.memory_space<vmem>> -> memref<60x128xi32, #tpu.memory_space<vmem>>
      %dma_start3A_888 = arith.constant 0 : i32
      %dma_start3A_889 = arith.constant 0 : i32
      %dma_start3A_890 = tpu.memref_slice %arg4[%dma_start3A_884, %dma_start3A_888, %dma_start3A_889] : memref<2x60x128xi32, #tpu.memory_space<hbm>> -> memref<1x60x128xi32, #tpu.memory_space<hbm>>
      %dma_start3A_891 = tpu.memref_squeeze %dma_start3A_890 : memref<1x60x128xi32, #tpu.memory_space<hbm>> -> memref<60x128xi32, #tpu.memory_space<hbm>>
      %dma_start3A_892 = arith.constant 20 : i32
      %dma_start3A_893 = arith.constant 0 : i32
      %dma_start3A_894 = tpu.memref_slice %arg7[%dma_start3A_892, %dma_start3A_893] : memref<80x128xi32, #tpu.memory_space<vmem>> -> memref<60x128xi32, #tpu.memory_space<vmem>>
      %dma_start3A_895 = arith.constant 0 : i32
      %dma_start3A_896 = arith.constant 0 : i32
      %dma_start3A_897 = tpu.memref_slice %arg4[%dma_start3A_884, %dma_start3A_895, %dma_start3A_896] : memref<2x60x128xi32, #tpu.memory_space<hbm>> -> memref<1x60x128xi32, #tpu.memory_space<hbm>>
      %dma_start3A_898 = tpu.memref_squeeze %dma_start3A_897 : memref<1x60x128xi32, #tpu.memory_space<hbm>> -> memref<60x128xi32, #tpu.memory_space<hbm>>
      tpu.enqueue_dma source(%dma_start3A_898 : memref<60x128xi32, #tpu.memory_space<hbm>>) target(%dma_start3A_894 : memref<60x128xi32, #tpu.memory_space<vmem>>) target_semaphore(%arg19 : memref<!tpu.dma_semaphore, #tpu.memory_space<semaphore_mem>>)
    } else {
    }
    %lt3A_14 = arith.constant 31 : i32
    %lt3A_15 = arith.cmpi slt, %add3A, %lt3A_14 : i32
    %convert_element_type3A_16 = arith.extui %lt3A_15 : i1 to i32
    %cond3A_17 = arith.constant 0 : i32
    %cond3A_18 = arith.cmpi ne, %convert_element_type3A_16, %cond3A_17 : i32
    scf.if %cond3A_18 {
      %mul3A_869 = arith.constant 80 : i32
      %mul3A_870 = arith.muli %add3A, %mul3A_869 : i32
      %dma_start3A_871 = arith.constant 1 : i32
      %dma_start3A_872 = arith.constant 0 : i32
      %dma_start3A_873 = arith.constant 0 : i32
      %dma_start3A_874 = tpu.memref_slice %arg8[%dma_start3A_872, %dma_start3A_873] : memref<80x128xi32, #tpu.memory_space<vmem>> -> memref<20x128xi32, #tpu.memory_space<vmem>>
      %dma_start3A_875 = arith.constant 0 : i32
      %dma_start3A_876 = tpu.memref_slice %arg3[%dma_start3A_871, %mul3A_870, %dma_start3A_875] : memref<2x2500x128xi32, #tpu.memory_space<hbm>> -> memref<1x20x128xi32, #tpu.memory_space<hbm>>
      %dma_start3A_877 = tpu.memref_squeeze %dma_start3A_876 : memref<1x20x128xi32, #tpu.memory_space<hbm>> -> memref<20x128xi32, #tpu.memory_space<hbm>>
      %dma_start3A_878 = arith.constant 0 : i32
      %dma_start3A_879 = arith.constant 0 : i32
      %dma_start3A_880 = tpu.memref_slice %arg8[%dma_start3A_878, %dma_start3A_879] : memref<80x128xi32, #tpu.memory_space<vmem>> -> memref<20x128xi32, #tpu.memory_space<vmem>>
      %dma_start3A_881 = arith.constant 0 : i32
      %dma_start3A_882 = tpu.memref_slice %arg3[%dma_start3A_871, %mul3A_870, %dma_start3A_881] : memref<2x2500x128xi32, #tpu.memory_space<hbm>> -> memref<1x20x128xi32, #tpu.memory_space<hbm>>
      %dma_start3A_883 = tpu.memref_squeeze %dma_start3A_882 : memref<1x20x128xi32, #tpu.memory_space<hbm>> -> memref<20x128xi32, #tpu.memory_space<hbm>>
      tpu.enqueue_dma source(%dma_start3A_883 : memref<20x128xi32, #tpu.memory_space<hbm>>) target(%dma_start3A_880 : memref<20x128xi32, #tpu.memory_space<vmem>>) target_semaphore(%arg19 : memref<!tpu.dma_semaphore, #tpu.memory_space<semaphore_mem>>)
      %mul3A_884 = arith.constant 80 : i32
      %mul3A_885 = arith.muli %add3A, %mul3A_884 : i32
      %add3A_886 = arith.constant 20 : i32
      %add3A_887 = arith.addi %mul3A_885, %add3A_886 : i32
      %dma_start3A_888 = arith.constant 1 : i32
      %dma_start3A_889 = arith.constant 20 : i32
      %dma_start3A_890 = arith.constant 0 : i32
      %dma_start3A_891 = tpu.memref_slice %arg8[%dma_start3A_889, %dma_start3A_890] : memref<80x128xi32, #tpu.memory_space<vmem>> -> memref<60x128xi32, #tpu.memory_space<vmem>>
      %dma_start3A_892 = arith.constant 0 : i32
      %dma_start3A_893 = tpu.memref_slice %arg3[%dma_start3A_888, %add3A_887, %dma_start3A_892] : memref<2x2500x128xi32, #tpu.memory_space<hbm>> -> memref<1x60x128xi32, #tpu.memory_space<hbm>>
      %dma_start3A_894 = tpu.memref_squeeze %dma_start3A_893 : memref<1x60x128xi32, #tpu.memory_space<hbm>> -> memref<60x128xi32, #tpu.memory_space<hbm>>
      %dma_start3A_895 = arith.constant 20 : i32
      %dma_start3A_896 = arith.constant 0 : i32
      %dma_start3A_897 = tpu.memref_slice %arg8[%dma_start3A_895, %dma_start3A_896] : memref<80x128xi32, #tpu.memory_space<vmem>> -> memref<60x128xi32, #tpu.memory_space<vmem>>
      %dma_start3A_898 = arith.constant 0 : i32
      %dma_start3A_899 = tpu.memref_slice %arg3[%dma_start3A_888, %add3A_887, %dma_start3A_898] : memref<2x2500x128xi32, #tpu.memory_space<hbm>> -> memref<1x60x128xi32, #tpu.memory_space<hbm>>
      %dma_start3A_900 = tpu.memref_squeeze %dma_start3A_899 : memref<1x60x128xi32, #tpu.memory_space<hbm>> -> memref<60x128xi32, #tpu.memory_space<hbm>>
      tpu.enqueue_dma source(%dma_start3A_900 : memref<60x128xi32, #tpu.memory_space<hbm>>) target(%dma_start3A_897 : memref<60x128xi32, #tpu.memory_space<vmem>>) target_semaphore(%arg19 : memref<!tpu.dma_semaphore, #tpu.memory_space<semaphore_mem>>)
    } else {
    }
    %eq3A_19 = arith.constant 31 : i32
    %eq3A_20 = arith.cmpi eq, %add3A, %eq3A_19 : i32
    %convert_element_type3A_21 = arith.extui %eq3A_20 : i1 to i32
    %cond3A_22 = arith.constant 0 : i32
    %cond3A_23 = arith.cmpi ne, %convert_element_type3A_21, %cond3A_22 : i32
    scf.if %cond3A_23 {
      %mul3A_869 = arith.constant 80 : i32
      %mul3A_870 = arith.muli %add3A, %mul3A_869 : i32
      %dma_start3A_871 = arith.constant 1 : i32
      %dma_start3A_872 = arith.constant 0 : i32
      %dma_start3A_873 = arith.constant 0 : i32
      %dma_start3A_874 = tpu.memref_slice %arg8[%dma_start3A_872, %dma_start3A_873] : memref<80x128xi32, #tpu.memory_space<vmem>> -> memref<20x128xi32, #tpu.memory_space<vmem>>
      %dma_start3A_875 = arith.constant 0 : i32
      %dma_start3A_876 = tpu.memref_slice %arg3[%dma_start3A_871, %mul3A_870, %dma_start3A_875] : memref<2x2500x128xi32, #tpu.memory_space<hbm>> -> memref<1x20x128xi32, #tpu.memory_space<hbm>>
      %dma_start3A_877 = tpu.memref_squeeze %dma_start3A_876 : memref<1x20x128xi32, #tpu.memory_space<hbm>> -> memref<20x128xi32, #tpu.memory_space<hbm>>
      %dma_start3A_878 = arith.constant 0 : i32
      %dma_start3A_879 = arith.constant 0 : i32
      %dma_start3A_880 = tpu.memref_slice %arg8[%dma_start3A_878, %dma_start3A_879] : memref<80x128xi32, #tpu.memory_space<vmem>> -> memref<20x128xi32, #tpu.memory_space<vmem>>
      %dma_start3A_881 = arith.constant 0 : i32
      %dma_start3A_882 = tpu.memref_slice %arg3[%dma_start3A_871, %mul3A_870, %dma_start3A_881] : memref<2x2500x128xi32, #tpu.memory_space<hbm>> -> memref<1x20x128xi32, #tpu.memory_space<hbm>>
      %dma_start3A_883 = tpu.memref_squeeze %dma_start3A_882 : memref<1x20x128xi32, #tpu.memory_space<hbm>> -> memref<20x128xi32, #tpu.memory_space<hbm>>
      tpu.enqueue_dma source(%dma_start3A_883 : memref<20x128xi32, #tpu.memory_space<hbm>>) target(%dma_start3A_880 : memref<20x128xi32, #tpu.memory_space<vmem>>) target_semaphore(%arg19 : memref<!tpu.dma_semaphore, #tpu.memory_space<semaphore_mem>>)
      %dma_start3A_884 = arith.constant 1 : i32
      %dma_start3A_885 = arith.constant 20 : i32
      %dma_start3A_886 = arith.constant 0 : i32
      %dma_start3A_887 = tpu.memref_slice %arg8[%dma_start3A_885, %dma_start3A_886] : memref<80x128xi32, #tpu.memory_space<vmem>> -> memref<60x128xi32, #tpu.memory_space<vmem>>
      %dma_start3A_888 = arith.constant 0 : i32
      %dma_start3A_889 = arith.constant 0 : i32
      %dma_start3A_890 = tpu.memref_slice %arg4[%dma_start3A_884, %dma_start3A_888, %dma_start3A_889] : memref<2x60x128xi32, #tpu.memory_space<hbm>> -> memref<1x60x128xi32, #tpu.memory_space<hbm>>
      %dma_start3A_891 = tpu.memref_squeeze %dma_start3A_890 : memref<1x60x128xi32, #tpu.memory_space<hbm>> -> memref<60x128xi32, #tpu.memory_space<hbm>>
      %dma_start3A_892 = arith.constant 20 : i32
      %dma_start3A_893 = arith.constant 0 : i32
      %dma_start3A_894 = tpu.memref_slice %arg8[%dma_start3A_892, %dma_start3A_893] : memref<80x128xi32, #tpu.memory_space<vmem>> -> memref<60x128xi32, #tpu.memory_space<vmem>>
      %dma_start3A_895 = arith.constant 0 : i32
      %dma_start3A_896 = arith.constant 0 : i32
      %dma_start3A_897 = tpu.memref_slice %arg4[%dma_start3A_884, %dma_start3A_895, %dma_start3A_896] : memref<2x60x128xi32, #tpu.memory_space<hbm>> -> memref<1x60x128xi32, #tpu.memory_space<hbm>>
      %dma_start3A_898 = tpu.memref_squeeze %dma_start3A_897 : memref<1x60x128xi32, #tpu.memory_space<hbm>> -> memref<60x128xi32, #tpu.memory_space<hbm>>
      tpu.enqueue_dma source(%dma_start3A_898 : memref<60x128xi32, #tpu.memory_space<hbm>>) target(%dma_start3A_894 : memref<60x128xi32, #tpu.memory_space<vmem>>) target_semaphore(%arg19 : memref<!tpu.dma_semaphore, #tpu.memory_space<semaphore_mem>>)
    } else {
    }
    %mul3A_24 = arith.constant 640 : i32
    %mul3A_25 = arith.muli %arg1, %mul3A_24 : i32
    %mul3A_26 = arith.constant 640 : i32
    %mul3A_27 = arith.muli %arg1, %mul3A_26 : i32
    %dma_wait3A = arith.constant 0 : i32
    %dma_wait3A_28 = tpu.memref_slice %arg10[%mul3A_27, %dma_wait3A] : memref<10240x32xf32, #tpu.memory_space<vmem_shared>> -> memref<640x32xf32, #tpu.memory_space<vmem_shared>>
    %dma_wait3A_29 = arith.constant 0 : i32
    %dma_wait3A_30 = tpu.memref_slice %arg5[%mul3A_25, %dma_wait3A_29] : memref<10240x32xf32, #tpu.memory_space<hbm>> -> memref<640x32xf32, #tpu.memory_space<hbm>>
    tpu.wait_dma2 semaphore(%arg19 : memref<!tpu.dma_semaphore, #tpu.memory_space<semaphore_mem>>) src(%dma_wait3A_30 : memref<640x32xf32, #tpu.memory_space<hbm>>) dst(%dma_wait3A_28 : memref<640x32xf32, #tpu.memory_space<vmem_shared>>)
    %dma_wait3A_31 = arith.constant 0 : i32
    %dma_wait3A_32 = arith.constant 0 : i32
    %dma_wait3A_33 = arith.constant 0 : i32
    %dma_wait3A_34 = tpu.memref_slice %arg7[%dma_wait3A_32, %dma_wait3A_33] : memref<80x128xi32, #tpu.memory_space<vmem>> -> memref<20x128xi32, #tpu.memory_space<vmem>>
    %dma_wait3A_35 = arith.constant 0 : i32
    %dma_wait3A_36 = arith.constant 0 : i32
    %dma_wait3A_37 = tpu.memref_slice %arg3[%dma_wait3A_31, %dma_wait3A_35, %dma_wait3A_36] : memref<2x2500x128xi32, #tpu.memory_space<hbm>> -> memref<1x20x128xi32, #tpu.memory_space<hbm>>
    %dma_wait3A_38 = tpu.memref_squeeze %dma_wait3A_37 : memref<1x20x128xi32, #tpu.memory_space<hbm>> -> memref<20x128xi32, #tpu.memory_space<hbm>>
    %dma_wait3A_39 = arith.constant 0 : i32
    %dma_wait3A_40 = arith.constant 0 : i32
    %dma_wait3A_41 = tpu.memref_slice %arg7[%dma_wait3A_39, %dma_wait3A_40] : memref<80x128xi32, #tpu.memory_space<vmem>> -> memref<20x128xi32, #tpu.memory_space<vmem>>
    %dma_wait3A_42 = arith.constant 0 : i32
    %dma_wait3A_43 = arith.constant 0 : i32
    %dma_wait3A_44 = tpu.memref_slice %arg3[%dma_wait3A_31, %dma_wait3A_42, %dma_wait3A_43] : memref<2x2500x128xi32, #tpu.memory_space<hbm>> -> memref<1x20x128xi32, #tpu.memory_space<hbm>>
    %dma_wait3A_45 = tpu.memref_squeeze %dma_wait3A_44 : memref<1x20x128xi32, #tpu.memory_space<hbm>> -> memref<20x128xi32, #tpu.memory_space<hbm>>
    tpu.wait_dma2 semaphore(%arg19 : memref<!tpu.dma_semaphore, #tpu.memory_space<semaphore_mem>>) src(%dma_wait3A_45 : memref<20x128xi32, #tpu.memory_space<hbm>>) dst(%dma_wait3A_41 : memref<20x128xi32, #tpu.memory_space<vmem>>)
    %dma_wait3A_46 = arith.constant 0 : i32
    %dma_wait3A_47 = arith.constant 20 : i32
    %dma_wait3A_48 = arith.constant 0 : i32
    %dma_wait3A_49 = tpu.memref_slice %arg7[%dma_wait3A_47, %dma_wait3A_48] : memref<80x128xi32, #tpu.memory_space<vmem>> -> memref<60x128xi32, #tpu.memory_space<vmem>>
    %dma_wait3A_50 = arith.constant 0 : i32
    %dma_wait3A_51 = arith.constant 0 : i32
    %dma_wait3A_52 = tpu.memref_slice %arg4[%dma_wait3A_46, %dma_wait3A_50, %dma_wait3A_51] : memref<2x60x128xi32, #tpu.memory_space<hbm>> -> memref<1x60x128xi32, #tpu.memory_space<hbm>>
    %dma_wait3A_53 = tpu.memref_squeeze %dma_wait3A_52 : memref<1x60x128xi32, #tpu.memory_space<hbm>> -> memref<60x128xi32, #tpu.memory_space<hbm>>
    %dma_wait3A_54 = arith.constant 20 : i32
    %dma_wait3A_55 = arith.constant 0 : i32
    %dma_wait3A_56 = tpu.memref_slice %arg7[%dma_wait3A_54, %dma_wait3A_55] : memref<80x128xi32, #tpu.memory_space<vmem>> -> memref<60x128xi32, #tpu.memory_space<vmem>>
    %dma_wait3A_57 = arith.constant 0 : i32
    %dma_wait3A_58 = arith.constant 0 : i32
    %dma_wait3A_59 = tpu.memref_slice %arg4[%dma_wait3A_46, %dma_wait3A_57, %dma_wait3A_58] : memref<2x60x128xi32, #tpu.memory_space<hbm>> -> memref<1x60x128xi32, #tpu.memory_space<hbm>>
    %dma_wait3A_60 = tpu.memref_squeeze %dma_wait3A_59 : memref<1x60x128xi32, #tpu.memory_space<hbm>> -> memref<60x128xi32, #tpu.memory_space<hbm>>
    tpu.wait_dma2 semaphore(%arg19 : memref<!tpu.dma_semaphore, #tpu.memory_space<semaphore_mem>>) src(%dma_wait3A_60 : memref<60x128xi32, #tpu.memory_space<hbm>>) dst(%dma_wait3A_56 : memref<60x128xi32, #tpu.memory_space<vmem>>)
    %dma_wait3A_61 = arith.constant 1 : i32
    %dma_wait3A_62 = arith.constant 0 : i32
    %dma_wait3A_63 = arith.constant 0 : i32
    %dma_wait3A_64 = tpu.memref_slice %arg8[%dma_wait3A_62, %dma_wait3A_63] : memref<80x128xi32, #tpu.memory_space<vmem>> -> memref<20x128xi32, #tpu.memory_space<vmem>>
    %dma_wait3A_65 = arith.constant 0 : i32
    %dma_wait3A_66 = arith.constant 0 : i32
    %dma_wait3A_67 = tpu.memref_slice %arg3[%dma_wait3A_61, %dma_wait3A_65, %dma_wait3A_66] : memref<2x2500x128xi32, #tpu.memory_space<hbm>> -> memref<1x20x128xi32, #tpu.memory_space<hbm>>
    %dma_wait3A_68 = tpu.memref_squeeze %dma_wait3A_67 : memref<1x20x128xi32, #tpu.memory_space<hbm>> -> memref<20x128xi32, #tpu.memory_space<hbm>>
    %dma_wait3A_69 = arith.constant 0 : i32
    %dma_wait3A_70 = arith.constant 0 : i32
    %dma_wait3A_71 = tpu.memref_slice %arg8[%dma_wait3A_69, %dma_wait3A_70] : memref<80x128xi32, #tpu.memory_space<vmem>> -> memref<20x128xi32, #tpu.memory_space<vmem>>
    %dma_wait3A_72 = arith.constant 0 : i32
    %dma_wait3A_73 = arith.constant 0 : i32
    %dma_wait3A_74 = tpu.memref_slice %arg3[%dma_wait3A_61, %dma_wait3A_72, %dma_wait3A_73] : memref<2x2500x128xi32, #tpu.memory_space<hbm>> -> memref<1x20x128xi32, #tpu.memory_space<hbm>>
    %dma_wait3A_75 = tpu.memref_squeeze %dma_wait3A_74 : memref<1x20x128xi32, #tpu.memory_space<hbm>> -> memref<20x128xi32, #tpu.memory_space<hbm>>
    tpu.wait_dma2 semaphore(%arg19 : memref<!tpu.dma_semaphore, #tpu.memory_space<semaphore_mem>>) src(%dma_wait3A_75 : memref<20x128xi32, #tpu.memory_space<hbm>>) dst(%dma_wait3A_71 : memref<20x128xi32, #tpu.memory_space<vmem>>)
    %dma_wait3A_76 = arith.constant 1 : i32
    %dma_wait3A_77 = arith.constant 20 : i32
    %dma_wait3A_78 = arith.constant 0 : i32
    %dma_wait3A_79 = tpu.memref_slice %arg8[%dma_wait3A_77, %dma_wait3A_78] : memref<80x128xi32, #tpu.memory_space<vmem>> -> memref<60x128xi32, #tpu.memory_space<vmem>>
    %dma_wait3A_80 = arith.constant 0 : i32
    %dma_wait3A_81 = arith.constant 0 : i32
    %dma_wait3A_82 = tpu.memref_slice %arg4[%dma_wait3A_76, %dma_wait3A_80, %dma_wait3A_81] : memref<2x60x128xi32, #tpu.memory_space<hbm>> -> memref<1x60x128xi32, #tpu.memory_space<hbm>>
    %dma_wait3A_83 = tpu.memref_squeeze %dma_wait3A_82 : memref<1x60x128xi32, #tpu.memory_space<hbm>> -> memref<60x128xi32, #tpu.memory_space<hbm>>
    %dma_wait3A_84 = arith.constant 20 : i32
    %dma_wait3A_85 = arith.constant 0 : i32
    %dma_wait3A_86 = tpu.memref_slice %arg8[%dma_wait3A_84, %dma_wait3A_85] : memref<80x128xi32, #tpu.memory_space<vmem>> -> memref<60x128xi32, #tpu.memory_space<vmem>>
    %dma_wait3A_87 = arith.constant 0 : i32
    %dma_wait3A_88 = arith.constant 0 : i32
    %dma_wait3A_89 = tpu.memref_slice %arg4[%dma_wait3A_76, %dma_wait3A_87, %dma_wait3A_88] : memref<2x60x128xi32, #tpu.memory_space<hbm>> -> memref<1x60x128xi32, #tpu.memory_space<hbm>>
    %dma_wait3A_90 = tpu.memref_squeeze %dma_wait3A_89 : memref<1x60x128xi32, #tpu.memory_space<hbm>> -> memref<60x128xi32, #tpu.memory_space<hbm>>
    tpu.wait_dma2 semaphore(%arg19 : memref<!tpu.dma_semaphore, #tpu.memory_space<semaphore_mem>>) src(%dma_wait3A_90 : memref<60x128xi32, #tpu.memory_space<hbm>>) dst(%dma_wait3A_86 : memref<60x128xi32, #tpu.memory_space<vmem>>)
    %barrier3A = arith.constant 0 : index
    tpu.barrier barrier_id(%barrier3A)
    %dma_start3A_91 = arith.constant 0 : i32
    %dma_start3A_92 = arith.constant 0 : i32
    %dma_start3A_93 = arith.constant 0 : i32
    %dma_start3A_94 = arith.constant 0 : i32
    %dma_start3A_95 = tpu.memref_slice %arg9[%dma_start3A_92, %dma_start3A_93, %dma_start3A_94] : memref<8x128x32xf32, #tpu.memory_space<vmem>> -> memref<1x128x32xf32, #tpu.memory_space<vmem>>
    %dma_start3A_96 = tpu.memref_squeeze %dma_start3A_95 : memref<1x128x32xf32, #tpu.memory_space<vmem>> -> memref<128x32xf32, #tpu.memory_space<vmem>>
    %dma_start3A_97 = arith.constant 0 : i32
    %dma_start3A_98 = tpu.memref_slice %arg7[%dma_start3A_91, %dma_start3A_97] : memref<80x128xi32, #tpu.memory_space<vmem>> -> memref<1x128xi32, #tpu.memory_space<vmem>>
    %dma_start3A_99 = tpu.memref_squeeze %dma_start3A_98 : memref<1x128xi32, #tpu.memory_space<vmem>> -> memref<128xi32, #tpu.memory_space<vmem>>
    %dma_start3A_100 = arith.constant 0 : i32
    %dma_start3A_101 = arith.constant 0 : i32
    %dma_start3A_102 = tpu.memref_slice %arg2[%dma_start3A_100, %dma_start3A_101] : memref<10240x32xf32, #tpu.memory_space<hbm>> -> memref<10240x32xf32, #tpu.memory_space<hbm>>
    tpu.enqueue_indirect_dma source(%dma_start3A_102 : memref<10240x32xf32, #tpu.memory_space<hbm>>) target(%dma_start3A_96 : memref<128x32xf32, #tpu.memory_space<vmem>>) offsets(%dma_start3A_99 : memref<128xi32, #tpu.memory_space<vmem>>) semaphore(%arg11 : memref<!tpu.dma_semaphore, #tpu.memory_space<semaphore_mem>>)
    %dma_start3A_103 = arith.constant 1 : i32
    %dma_start3A_104 = arith.constant 1 : i32
    %dma_start3A_105 = arith.constant 0 : i32
    %dma_start3A_106 = arith.constant 0 : i32
    %dma_start3A_107 = tpu.memref_slice %arg9[%dma_start3A_104, %dma_start3A_105, %dma_start3A_106] : memref<8x128x32xf32, #tpu.memory_space<vmem>> -> memref<1x128x32xf32, #tpu.memory_space<vmem>>
    %dma_start3A_108 = tpu.memref_squeeze %dma_start3A_107 : memref<1x128x32xf32, #tpu.memory_space<vmem>> -> memref<128x32xf32, #tpu.memory_space<vmem>>
    %dma_start3A_109 = arith.constant 0 : i32
    %dma_start3A_110 = tpu.memref_slice %arg7[%dma_start3A_103, %dma_start3A_109] : memref<80x128xi32, #tpu.memory_space<vmem>> -> memref<1x128xi32, #tpu.memory_space<vmem>>
    %dma_start3A_111 = tpu.memref_squeeze %dma_start3A_110 : memref<1x128xi32, #tpu.memory_space<vmem>> -> memref<128xi32, #tpu.memory_space<vmem>>
    %dma_start3A_112 = arith.constant 0 : i32
    %dma_start3A_113 = arith.constant 0 : i32
    %dma_start3A_114 = tpu.memref_slice %arg2[%dma_start3A_112, %dma_start3A_113] : memref<10240x32xf32, #tpu.memory_space<hbm>> -> memref<10240x32xf32, #tpu.memory_space<hbm>>
    tpu.enqueue_indirect_dma source(%dma_start3A_114 : memref<10240x32xf32, #tpu.memory_space<hbm>>) target(%dma_start3A_108 : memref<128x32xf32, #tpu.memory_space<vmem>>) offsets(%dma_start3A_111 : memref<128xi32, #tpu.memory_space<vmem>>) semaphore(%arg12 : memref<!tpu.dma_semaphore, #tpu.memory_space<semaphore_mem>>)
    %dma_start3A_115 = arith.constant 2 : i32
    %dma_start3A_116 = arith.constant 2 : i32
    %dma_start3A_117 = arith.constant 0 : i32
    %dma_start3A_118 = arith.constant 0 : i32
    %dma_start3A_119 = tpu.memref_slice %arg9[%dma_start3A_116, %dma_start3A_117, %dma_start3A_118] : memref<8x128x32xf32, #tpu.memory_space<vmem>> -> memref<1x128x32xf32, #tpu.memory_space<vmem>>
    %dma_start3A_120 = tpu.memref_squeeze %dma_start3A_119 : memref<1x128x32xf32, #tpu.memory_space<vmem>> -> memref<128x32xf32, #tpu.memory_space<vmem>>
    %dma_start3A_121 = arith.constant 0 : i32
    %dma_start3A_122 = tpu.memref_slice %arg7[%dma_start3A_115, %dma_start3A_121] : memref<80x128xi32, #tpu.memory_space<vmem>> -> memref<1x128xi32, #tpu.memory_space<vmem>>
    %dma_start3A_123 = tpu.memref_squeeze %dma_start3A_122 : memref<1x128xi32, #tpu.memory_space<vmem>> -> memref<128xi32, #tpu.memory_space<vmem>>
    %dma_start3A_124 = arith.constant 0 : i32
    %dma_start3A_125 = arith.constant 0 : i32
    %dma_start3A_126 = tpu.memref_slice %arg2[%dma_start3A_124, %dma_start3A_125] : memref<10240x32xf32, #tpu.memory_space<hbm>> -> memref<10240x32xf32, #tpu.memory_space<hbm>>
    tpu.enqueue_indirect_dma source(%dma_start3A_126 : memref<10240x32xf32, #tpu.memory_space<hbm>>) target(%dma_start3A_120 : memref<128x32xf32, #tpu.memory_space<vmem>>) offsets(%dma_start3A_123 : memref<128xi32, #tpu.memory_space<vmem>>) semaphore(%arg13 : memref<!tpu.dma_semaphore, #tpu.memory_space<semaphore_mem>>)
    %dma_start3A_127 = arith.constant 3 : i32
    %dma_start3A_128 = arith.constant 3 : i32
    %dma_start3A_129 = arith.constant 0 : i32
    %dma_start3A_130 = arith.constant 0 : i32
    %dma_start3A_131 = tpu.memref_slice %arg9[%dma_start3A_128, %dma_start3A_129, %dma_start3A_130] : memref<8x128x32xf32, #tpu.memory_space<vmem>> -> memref<1x128x32xf32, #tpu.memory_space<vmem>>
    %dma_start3A_132 = tpu.memref_squeeze %dma_start3A_131 : memref<1x128x32xf32, #tpu.memory_space<vmem>> -> memref<128x32xf32, #tpu.memory_space<vmem>>
    %dma_start3A_133 = arith.constant 0 : i32
    %dma_start3A_134 = tpu.memref_slice %arg7[%dma_start3A_127, %dma_start3A_133] : memref<80x128xi32, #tpu.memory_space<vmem>> -> memref<1x128xi32, #tpu.memory_space<vmem>>
    %dma_start3A_135 = tpu.memref_squeeze %dma_start3A_134 : memref<1x128xi32, #tpu.memory_space<vmem>> -> memref<128xi32, #tpu.memory_space<vmem>>
    %dma_start3A_136 = arith.constant 0 : i32
    %dma_start3A_137 = arith.constant 0 : i32
    %dma_start3A_138 = tpu.memref_slice %arg2[%dma_start3A_136, %dma_start3A_137] : memref<10240x32xf32, #tpu.memory_space<hbm>> -> memref<10240x32xf32, #tpu.memory_space<hbm>>
    tpu.enqueue_indirect_dma source(%dma_start3A_138 : memref<10240x32xf32, #tpu.memory_space<hbm>>) target(%dma_start3A_132 : memref<128x32xf32, #tpu.memory_space<vmem>>) offsets(%dma_start3A_135 : memref<128xi32, #tpu.memory_space<vmem>>) semaphore(%arg14 : memref<!tpu.dma_semaphore, #tpu.memory_space<semaphore_mem>>)
    %dma_start3A_139 = arith.constant 4 : i32
    %dma_start3A_140 = arith.constant 4 : i32
    %dma_start3A_141 = arith.constant 0 : i32
    %dma_start3A_142 = arith.constant 0 : i32
    %dma_start3A_143 = tpu.memref_slice %arg9[%dma_start3A_140, %dma_start3A_141, %dma_start3A_142] : memref<8x128x32xf32, #tpu.memory_space<vmem>> -> memref<1x128x32xf32, #tpu.memory_space<vmem>>
    %dma_start3A_144 = tpu.memref_squeeze %dma_start3A_143 : memref<1x128x32xf32, #tpu.memory_space<vmem>> -> memref<128x32xf32, #tpu.memory_space<vmem>>
    %dma_start3A_145 = arith.constant 0 : i32
    %dma_start3A_146 = tpu.memref_slice %arg7[%dma_start3A_139, %dma_start3A_145] : memref<80x128xi32, #tpu.memory_space<vmem>> -> memref<1x128xi32, #tpu.memory_space<vmem>>
    %dma_start3A_147 = tpu.memref_squeeze %dma_start3A_146 : memref<1x128xi32, #tpu.memory_space<vmem>> -> memref<128xi32, #tpu.memory_space<vmem>>
    %dma_start3A_148 = arith.constant 0 : i32
    %dma_start3A_149 = arith.constant 0 : i32
    %dma_start3A_150 = tpu.memref_slice %arg2[%dma_start3A_148, %dma_start3A_149] : memref<10240x32xf32, #tpu.memory_space<hbm>> -> memref<10240x32xf32, #tpu.memory_space<hbm>>
    tpu.enqueue_indirect_dma source(%dma_start3A_150 : memref<10240x32xf32, #tpu.memory_space<hbm>>) target(%dma_start3A_144 : memref<128x32xf32, #tpu.memory_space<vmem>>) offsets(%dma_start3A_147 : memref<128xi32, #tpu.memory_space<vmem>>) semaphore(%arg15 : memref<!tpu.dma_semaphore, #tpu.memory_space<semaphore_mem>>)
    %dma_start3A_151 = arith.constant 5 : i32
    %dma_start3A_152 = arith.constant 5 : i32
    %dma_start3A_153 = arith.constant 0 : i32
    %dma_start3A_154 = arith.constant 0 : i32
    %dma_start3A_155 = tpu.memref_slice %arg9[%dma_start3A_152, %dma_start3A_153, %dma_start3A_154] : memref<8x128x32xf32, #tpu.memory_space<vmem>> -> memref<1x128x32xf32, #tpu.memory_space<vmem>>
    %dma_start3A_156 = tpu.memref_squeeze %dma_start3A_155 : memref<1x128x32xf32, #tpu.memory_space<vmem>> -> memref<128x32xf32, #tpu.memory_space<vmem>>
    %dma_start3A_157 = arith.constant 0 : i32
    %dma_start3A_158 = tpu.memref_slice %arg7[%dma_start3A_151, %dma_start3A_157] : memref<80x128xi32, #tpu.memory_space<vmem>> -> memref<1x128xi32, #tpu.memory_space<vmem>>
    %dma_start3A_159 = tpu.memref_squeeze %dma_start3A_158 : memref<1x128xi32, #tpu.memory_space<vmem>> -> memref<128xi32, #tpu.memory_space<vmem>>
    %dma_start3A_160 = arith.constant 0 : i32
    %dma_start3A_161 = arith.constant 0 : i32
    %dma_start3A_162 = tpu.memref_slice %arg2[%dma_start3A_160, %dma_start3A_161] : memref<10240x32xf32, #tpu.memory_space<hbm>> -> memref<10240x32xf32, #tpu.memory_space<hbm>>
    tpu.enqueue_indirect_dma source(%dma_start3A_162 : memref<10240x32xf32, #tpu.memory_space<hbm>>) target(%dma_start3A_156 : memref<128x32xf32, #tpu.memory_space<vmem>>) offsets(%dma_start3A_159 : memref<128xi32, #tpu.memory_space<vmem>>) semaphore(%arg16 : memref<!tpu.dma_semaphore, #tpu.memory_space<semaphore_mem>>)
    %dma_wait3A_163 = arith.constant 0 : i32
    %dma_wait3A_164 = arith.constant 0 : i32
    %dma_wait3A_165 = arith.constant 0 : i32
    %dma_wait3A_166 = arith.constant 0 : i32
    %dma_wait3A_167 = tpu.memref_slice %arg9[%dma_wait3A_164, %dma_wait3A_165, %dma_wait3A_166] : memref<8x128x32xf32, #tpu.memory_space<vmem>> -> memref<1x128x32xf32, #tpu.memory_space<vmem>>
    %dma_wait3A_168 = tpu.memref_squeeze %dma_wait3A_167 : memref<1x128x32xf32, #tpu.memory_space<vmem>> -> memref<128x32xf32, #tpu.memory_space<vmem>>
    %dma_wait3A_169 = arith.constant 0 : i32
    %dma_wait3A_170 = tpu.memref_slice %arg7[%dma_wait3A_163, %dma_wait3A_169] : memref<80x128xi32, #tpu.memory_space<vmem>> -> memref<1x128xi32, #tpu.memory_space<vmem>>
    %dma_wait3A_171 = tpu.memref_squeeze %dma_wait3A_170 : memref<1x128xi32, #tpu.memory_space<vmem>> -> memref<128xi32, #tpu.memory_space<vmem>>
    %dma_wait3A_172 = arith.constant 0 : i32
    %dma_wait3A_173 = arith.constant 0 : i32
    %dma_wait3A_174 = tpu.memref_slice %arg2[%dma_wait3A_172, %dma_wait3A_173] : memref<10240x32xf32, #tpu.memory_space<hbm>> -> memref<10240x32xf32, #tpu.memory_space<hbm>>
    tpu.wait_indirect_dma semaphore(%arg11 : memref<!tpu.dma_semaphore, #tpu.memory_space<semaphore_mem>>) src(%dma_wait3A_174 : memref<10240x32xf32, #tpu.memory_space<hbm>>) dst(%dma_wait3A_168 : memref<128x32xf32, #tpu.memory_space<vmem>>)
    %dma_start3A_175 = arith.constant 0 : i32
    %dma_start3A_176 = arith.constant 0 : i32
    %dma_start3A_177 = arith.constant 0 : i32
    %dma_start3A_178 = arith.constant 0 : i32
    %dma_start3A_179 = tpu.memref_slice %arg9[%dma_start3A_175, %dma_start3A_177, %dma_start3A_178] : memref<8x128x32xf32, #tpu.memory_space<vmem>> -> memref<1x128x32xf32, #tpu.memory_space<vmem>>
    %dma_start3A_180 = tpu.memref_squeeze %dma_start3A_179 : memref<1x128x32xf32, #tpu.memory_space<vmem>> -> memref<128x32xf32, #tpu.memory_space<vmem>>
    %dma_start3A_181 = arith.constant 0 : i32
    %dma_start3A_182 = tpu.memref_slice %arg8[%dma_start3A_176, %dma_start3A_181] : memref<80x128xi32, #tpu.memory_space<vmem>> -> memref<1x128xi32, #tpu.memory_space<vmem>>
    %dma_start3A_183 = tpu.memref_squeeze %dma_start3A_182 : memref<1x128xi32, #tpu.memory_space<vmem>> -> memref<128xi32, #tpu.memory_space<vmem>>
    %dma_start3A_184 = arith.constant 0 : i32
    %dma_start3A_185 = arith.constant 0 : i32
    %dma_start3A_186 = tpu.memref_slice %arg10[%dma_start3A_184, %dma_start3A_185] : memref<10240x32xf32, #tpu.memory_space<vmem_shared>> -> memref<10240x32xf32, #tpu.memory_space<vmem_shared>>
    tpu.enqueue_indirect_dma source(%dma_start3A_180 : memref<128x32xf32, #tpu.memory_space<vmem>>) target(%dma_start3A_186 : memref<10240x32xf32, #tpu.memory_space<vmem_shared>>) offsets(%dma_start3A_183 : memref<128xi32, #tpu.memory_space<vmem>>) semaphore(%arg19 : memref<!tpu.dma_semaphore, #tpu.memory_space<semaphore_mem>>) {add = true}
    %dma_start3A_187 = arith.constant 6 : i32
    %dma_start3A_188 = arith.constant 6 : i32
    %dma_start3A_189 = arith.constant 0 : i32
    %dma_start3A_190 = arith.constant 0 : i32
    %dma_start3A_191 = tpu.memref_slice %arg9[%dma_start3A_188, %dma_start3A_189, %dma_start3A_190] : memref<8x128x32xf32, #tpu.memory_space<vmem>> -> memref<1x128x32xf32, #tpu.memory_space<vmem>>
    %dma_start3A_192 = tpu.memref_squeeze %dma_start3A_191 : memref<1x128x32xf32, #tpu.memory_space<vmem>> -> memref<128x32xf32, #tpu.memory_space<vmem>>
    %dma_start3A_193 = arith.constant 0 : i32
    %dma_start3A_194 = tpu.memref_slice %arg7[%dma_start3A_187, %dma_start3A_193] : memref<80x128xi32, #tpu.memory_space<vmem>> -> memref<1x128xi32, #tpu.memory_space<vmem>>
    %dma_start3A_195 = tpu.memref_squeeze %dma_start3A_194 : memref<1x128xi32, #tpu.memory_space<vmem>> -> memref<128xi32, #tpu.memory_space<vmem>>
    %dma_start3A_196 = arith.constant 0 : i32
    %dma_start3A_197 = arith.constant 0 : i32
    %dma_start3A_198 = tpu.memref_slice %arg2[%dma_start3A_196, %dma_start3A_197] : memref<10240x32xf32, #tpu.memory_space<hbm>> -> memref<10240x32xf32, #tpu.memory_space<hbm>>
    tpu.enqueue_indirect_dma source(%dma_start3A_198 : memref<10240x32xf32, #tpu.memory_space<hbm>>) target(%dma_start3A_192 : memref<128x32xf32, #tpu.memory_space<vmem>>) offsets(%dma_start3A_195 : memref<128xi32, #tpu.memory_space<vmem>>) semaphore(%arg17 : memref<!tpu.dma_semaphore, #tpu.memory_space<semaphore_mem>>)
    %dma_wait3A_199 = arith.constant 1 : i32
    %dma_wait3A_200 = arith.constant 1 : i32
    %dma_wait3A_201 = arith.constant 0 : i32
    %dma_wait3A_202 = arith.constant 0 : i32
    %dma_wait3A_203 = tpu.memref_slice %arg9[%dma_wait3A_200, %dma_wait3A_201, %dma_wait3A_202] : memref<8x128x32xf32, #tpu.memory_space<vmem>> -> memref<1x128x32xf32, #tpu.memory_space<vmem>>
    %dma_wait3A_204 = tpu.memref_squeeze %dma_wait3A_203 : memref<1x128x32xf32, #tpu.memory_space<vmem>> -> memref<128x32xf32, #tpu.memory_space<vmem>>
    %dma_wait3A_205 = arith.constant 0 : i32
    %dma_wait3A_206 = tpu.memref_slice %arg7[%dma_wait3A_199, %dma_wait3A_205] : memref<80x128xi32, #tpu.memory_space<vmem>> -> memref<1x128xi32, #tpu.memory_space<vmem>>
    %dma_wait3A_207 = tpu.memref_squeeze %dma_wait3A_206 : memref<1x128xi32, #tpu.memory_space<vmem>> -> memref<128xi32, #tpu.memory_space<vmem>>
    %dma_wait3A_208 = arith.constant 0 : i32
    %dma_wait3A_209 = arith.constant 0 : i32
    %dma_wait3A_210 = tpu.memref_slice %arg2[%dma_wait3A_208, %dma_wait3A_209] : memref<10240x32xf32, #tpu.memory_space<hbm>> -> memref<10240x32xf32, #tpu.memory_space<hbm>>
    tpu.wait_indirect_dma semaphore(%arg12 : memref<!tpu.dma_semaphore, #tpu.memory_space<semaphore_mem>>) src(%dma_wait3A_210 : memref<10240x32xf32, #tpu.memory_space<hbm>>) dst(%dma_wait3A_204 : memref<128x32xf32, #tpu.memory_space<vmem>>)
    %dma_start3A_211 = arith.constant 1 : i32
    %dma_start3A_212 = arith.constant 1 : i32
    %dma_start3A_213 = arith.constant 0 : i32
    %dma_start3A_214 = arith.constant 0 : i32
    %dma_start3A_215 = tpu.memref_slice %arg9[%dma_start3A_211, %dma_start3A_213, %dma_start3A_214] : memref<8x128x32xf32, #tpu.memory_space<vmem>> -> memref<1x128x32xf32, #tpu.memory_space<vmem>>
    %dma_start3A_216 = tpu.memref_squeeze %dma_start3A_215 : memref<1x128x32xf32, #tpu.memory_space<vmem>> -> memref<128x32xf32, #tpu.memory_space<vmem>>
    %dma_start3A_217 = arith.constant 0 : i32
    %dma_start3A_218 = tpu.memref_slice %arg8[%dma_start3A_212, %dma_start3A_217] : memref<80x128xi32, #tpu.memory_space<vmem>> -> memref<1x128xi32, #tpu.memory_space<vmem>>
    %dma_start3A_219 = tpu.memref_squeeze %dma_start3A_218 : memref<1x128xi32, #tpu.memory_space<vmem>> -> memref<128xi32, #tpu.memory_space<vmem>>
    %dma_start3A_220 = arith.constant 0 : i32
    %dma_start3A_221 = arith.constant 0 : i32
    %dma_start3A_222 = tpu.memref_slice %arg10[%dma_start3A_220, %dma_start3A_221] : memref<10240x32xf32, #tpu.memory_space<vmem_shared>> -> memref<10240x32xf32, #tpu.memory_space<vmem_shared>>
    tpu.enqueue_indirect_dma source(%dma_start3A_216 : memref<128x32xf32, #tpu.memory_space<vmem>>) target(%dma_start3A_222 : memref<10240x32xf32, #tpu.memory_space<vmem_shared>>) offsets(%dma_start3A_219 : memref<128xi32, #tpu.memory_space<vmem>>) semaphore(%arg20 : memref<!tpu.dma_semaphore, #tpu.memory_space<semaphore_mem>>) {add = true}
    %dma_start3A_223 = arith.constant 7 : i32
    %dma_start3A_224 = arith.constant 7 : i32
    %dma_start3A_225 = arith.constant 0 : i32
    %dma_start3A_226 = arith.constant 0 : i32
    %dma_start3A_227 = tpu.memref_slice %arg9[%dma_start3A_224, %dma_start3A_225, %dma_start3A_226] : memref<8x128x32xf32, #tpu.memory_space<vmem>> -> memref<1x128x32xf32, #tpu.memory_space<vmem>>
    %dma_start3A_228 = tpu.memref_squeeze %dma_start3A_227 : memref<1x128x32xf32, #tpu.memory_space<vmem>> -> memref<128x32xf32, #tpu.memory_space<vmem>>
    %dma_start3A_229 = arith.constant 0 : i32
    %dma_start3A_230 = tpu.memref_slice %arg7[%dma_start3A_223, %dma_start3A_229] : memref<80x128xi32, #tpu.memory_space<vmem>> -> memref<1x128xi32, #tpu.memory_space<vmem>>
    %dma_start3A_231 = tpu.memref_squeeze %dma_start3A_230 : memref<1x128xi32, #tpu.memory_space<vmem>> -> memref<128xi32, #tpu.memory_space<vmem>>
    %dma_start3A_232 = arith.constant 0 : i32
    %dma_start3A_233 = arith.constant 0 : i32
    %dma_start3A_234 = tpu.memref_slice %arg2[%dma_start3A_232, %dma_start3A_233] : memref<10240x32xf32, #tpu.memory_space<hbm>> -> memref<10240x32xf32, #tpu.memory_space<hbm>>
    tpu.enqueue_indirect_dma source(%dma_start3A_234 : memref<10240x32xf32, #tpu.memory_space<hbm>>) target(%dma_start3A_228 : memref<128x32xf32, #tpu.memory_space<vmem>>) offsets(%dma_start3A_231 : memref<128xi32, #tpu.memory_space<vmem>>) semaphore(%arg18 : memref<!tpu.dma_semaphore, #tpu.memory_space<semaphore_mem>>)
    %dma_wait3A_235 = arith.constant 2 : i32
    %dma_wait3A_236 = arith.constant 2 : i32
    %dma_wait3A_237 = arith.constant 0 : i32
    %dma_wait3A_238 = arith.constant 0 : i32
    %dma_wait3A_239 = tpu.memref_slice %arg9[%dma_wait3A_236, %dma_wait3A_237, %dma_wait3A_238] : memref<8x128x32xf32, #tpu.memory_space<vmem>> -> memref<1x128x32xf32, #tpu.memory_space<vmem>>
    %dma_wait3A_240 = tpu.memref_squeeze %dma_wait3A_239 : memref<1x128x32xf32, #tpu.memory_space<vmem>> -> memref<128x32xf32, #tpu.memory_space<vmem>>
    %dma_wait3A_241 = arith.constant 0 : i32
    %dma_wait3A_242 = tpu.memref_slice %arg7[%dma_wait3A_235, %dma_wait3A_241] : memref<80x128xi32, #tpu.memory_space<vmem>> -> memref<1x128xi32, #tpu.memory_space<vmem>>
    %dma_wait3A_243 = tpu.memref_squeeze %dma_wait3A_242 : memref<1x128xi32, #tpu.memory_space<vmem>> -> memref<128xi32, #tpu.memory_space<vmem>>
    %dma_wait3A_244 = arith.constant 0 : i32
    %dma_wait3A_245 = arith.constant 0 : i32
    %dma_wait3A_246 = tpu.memref_slice %arg2[%dma_wait3A_244, %dma_wait3A_245] : memref<10240x32xf32, #tpu.memory_space<hbm>> -> memref<10240x32xf32, #tpu.memory_space<hbm>>
    tpu.wait_indirect_dma semaphore(%arg13 : memref<!tpu.dma_semaphore, #tpu.memory_space<semaphore_mem>>) src(%dma_wait3A_246 : memref<10240x32xf32, #tpu.memory_space<hbm>>) dst(%dma_wait3A_240 : memref<128x32xf32, #tpu.memory_space<vmem>>)
    %dma_start3A_247 = arith.constant 2 : i32
    %dma_start3A_248 = arith.constant 2 : i32
    %dma_start3A_249 = arith.constant 0 : i32
    %dma_start3A_250 = arith.constant 0 : i32
    %dma_start3A_251 = tpu.memref_slice %arg9[%dma_start3A_247, %dma_start3A_249, %dma_start3A_250] : memref<8x128x32xf32, #tpu.memory_space<vmem>> -> memref<1x128x32xf32, #tpu.memory_space<vmem>>
    %dma_start3A_252 = tpu.memref_squeeze %dma_start3A_251 : memref<1x128x32xf32, #tpu.memory_space<vmem>> -> memref<128x32xf32, #tpu.memory_space<vmem>>
    %dma_start3A_253 = arith.constant 0 : i32
    %dma_start3A_254 = tpu.memref_slice %arg8[%dma_start3A_248, %dma_start3A_253] : memref<80x128xi32, #tpu.memory_space<vmem>> -> memref<1x128xi32, #tpu.memory_space<vmem>>
    %dma_start3A_255 = tpu.memref_squeeze %dma_start3A_254 : memref<1x128xi32, #tpu.memory_space<vmem>> -> memref<128xi32, #tpu.memory_space<vmem>>
    %dma_start3A_256 = arith.constant 0 : i32
    %dma_start3A_257 = arith.constant 0 : i32
    %dma_start3A_258 = tpu.memref_slice %arg10[%dma_start3A_256, %dma_start3A_257] : memref<10240x32xf32, #tpu.memory_space<vmem_shared>> -> memref<10240x32xf32, #tpu.memory_space<vmem_shared>>
    tpu.enqueue_indirect_dma source(%dma_start3A_252 : memref<128x32xf32, #tpu.memory_space<vmem>>) target(%dma_start3A_258 : memref<10240x32xf32, #tpu.memory_space<vmem_shared>>) offsets(%dma_start3A_255 : memref<128xi32, #tpu.memory_space<vmem>>) semaphore(%arg21 : memref<!tpu.dma_semaphore, #tpu.memory_space<semaphore_mem>>) {add = true}
    %dma_wait3A_259 = arith.constant 0 : i32
    %dma_wait3A_260 = arith.constant 0 : i32
    %dma_wait3A_261 = arith.constant 0 : i32
    %dma_wait3A_262 = arith.constant 0 : i32
    %dma_wait3A_263 = tpu.memref_slice %arg9[%dma_wait3A_259, %dma_wait3A_261, %dma_wait3A_262] : memref<8x128x32xf32, #tpu.memory_space<vmem>> -> memref<1x128x32xf32, #tpu.memory_space<vmem>>
    %dma_wait3A_264 = tpu.memref_squeeze %dma_wait3A_263 : memref<1x128x32xf32, #tpu.memory_space<vmem>> -> memref<128x32xf32, #tpu.memory_space<vmem>>
    %dma_wait3A_265 = arith.constant 0 : i32
    %dma_wait3A_266 = tpu.memref_slice %arg8[%dma_wait3A_260, %dma_wait3A_265] : memref<80x128xi32, #tpu.memory_space<vmem>> -> memref<1x128xi32, #tpu.memory_space<vmem>>
    %dma_wait3A_267 = tpu.memref_squeeze %dma_wait3A_266 : memref<1x128xi32, #tpu.memory_space<vmem>> -> memref<128xi32, #tpu.memory_space<vmem>>
    %dma_wait3A_268 = arith.constant 0 : i32
    %dma_wait3A_269 = arith.constant 0 : i32
    %dma_wait3A_270 = tpu.memref_slice %arg10[%dma_wait3A_268, %dma_wait3A_269] : memref<10240x32xf32, #tpu.memory_space<vmem_shared>> -> memref<10240x32xf32, #tpu.memory_space<vmem_shared>>
    tpu.wait_indirect_dma semaphore(%arg19 : memref<!tpu.dma_semaphore, #tpu.memory_space<semaphore_mem>>) src(%dma_wait3A_264 : memref<128x32xf32, #tpu.memory_space<vmem>>) dst(%dma_wait3A_270 : memref<10240x32xf32, #tpu.memory_space<vmem_shared>>)
    %dma_start3A_271 = arith.constant 8 : i32
    %dma_start3A_272 = arith.constant 0 : i32
    %dma_start3A_273 = arith.constant 0 : i32
    %dma_start3A_274 = arith.constant 0 : i32
    %dma_start3A_275 = tpu.memref_slice %arg9[%dma_start3A_272, %dma_start3A_273, %dma_start3A_274] : memref<8x128x32xf32, #tpu.memory_space<vmem>> -> memref<1x128x32xf32, #tpu.memory_space<vmem>>
    %dma_start3A_276 = tpu.memref_squeeze %dma_start3A_275 : memref<1x128x32xf32, #tpu.memory_space<vmem>> -> memref<128x32xf32, #tpu.memory_space<vmem>>
    %dma_start3A_277 = arith.constant 0 : i32
    %dma_start3A_278 = tpu.memref_slice %arg7[%dma_start3A_271, %dma_start3A_277] : memref<80x128xi32, #tpu.memory_space<vmem>> -> memref<1x128xi32, #tpu.memory_space<vmem>>
    %dma_start3A_279 = tpu.memref_squeeze %dma_start3A_278 : memref<1x128xi32, #tpu.memory_space<vmem>> -> memref<128xi32, #tpu.memory_space<vmem>>
    %dma_start3A_280 = arith.constant 0 : i32
    %dma_start3A_281 = arith.constant 0 : i32
    %dma_start3A_282 = tpu.memref_slice %arg2[%dma_start3A_280, %dma_start3A_281] : memref<10240x32xf32, #tpu.memory_space<hbm>> -> memref<10240x32xf32, #tpu.memory_space<hbm>>
    tpu.enqueue_indirect_dma source(%dma_start3A_282 : memref<10240x32xf32, #tpu.memory_space<hbm>>) target(%dma_start3A_276 : memref<128x32xf32, #tpu.memory_space<vmem>>) offsets(%dma_start3A_279 : memref<128xi32, #tpu.memory_space<vmem>>) semaphore(%arg11 : memref<!tpu.dma_semaphore, #tpu.memory_space<semaphore_mem>>)
    %dma_wait3A_283 = arith.constant 3 : i32
    %dma_wait3A_284 = arith.constant 3 : i32
    %dma_wait3A_285 = arith.constant 0 : i32
    %dma_wait3A_286 = arith.constant 0 : i32
    %dma_wait3A_287 = tpu.memref_slice %arg9[%dma_wait3A_284, %dma_wait3A_285, %dma_wait3A_286] : memref<8x128x32xf32, #tpu.memory_space<vmem>> -> memref<1x128x32xf32, #tpu.memory_space<vmem>>
    %dma_wait3A_288 = tpu.memref_squeeze %dma_wait3A_287 : memref<1x128x32xf32, #tpu.memory_space<vmem>> -> memref<128x32xf32, #tpu.memory_space<vmem>>
    %dma_wait3A_289 = arith.constant 0 : i32
    %dma_wait3A_290 = tpu.memref_slice %arg7[%dma_wait3A_283, %dma_wait3A_289] : memref<80x128xi32, #tpu.memory_space<vmem>> -> memref<1x128xi32, #tpu.memory_space<vmem>>
    %dma_wait3A_291 = tpu.memref_squeeze %dma_wait3A_290 : memref<1x128xi32, #tpu.memory_space<vmem>> -> memref<128xi32, #tpu.memory_space<vmem>>
    %dma_wait3A_292 = arith.constant 0 : i32
    %dma_wait3A_293 = arith.constant 0 : i32
    %dma_wait3A_294 = tpu.memref_slice %arg2[%dma_wait3A_292, %dma_wait3A_293] : memref<10240x32xf32, #tpu.memory_space<hbm>> -> memref<10240x32xf32, #tpu.memory_space<hbm>>
    tpu.wait_indirect_dma semaphore(%arg14 : memref<!tpu.dma_semaphore, #tpu.memory_space<semaphore_mem>>) src(%dma_wait3A_294 : memref<10240x32xf32, #tpu.memory_space<hbm>>) dst(%dma_wait3A_288 : memref<128x32xf32, #tpu.memory_space<vmem>>)
    %dma_start3A_295 = arith.constant 3 : i32
    %dma_start3A_296 = arith.constant 3 : i32
    %dma_start3A_297 = arith.constant 0 : i32
    %dma_start3A_298 = arith.constant 0 : i32
    %dma_start3A_299 = tpu.memref_slice %arg9[%dma_start3A_295, %dma_start3A_297, %dma_start3A_298] : memref<8x128x32xf32, #tpu.memory_space<vmem>> -> memref<1x128x32xf32, #tpu.memory_space<vmem>>
    %dma_start3A_300 = tpu.memref_squeeze %dma_start3A_299 : memref<1x128x32xf32, #tpu.memory_space<vmem>> -> memref<128x32xf32, #tpu.memory_space<vmem>>
    %dma_start3A_301 = arith.constant 0 : i32
    %dma_start3A_302 = tpu.memref_slice %arg8[%dma_start3A_296, %dma_start3A_301] : memref<80x128xi32, #tpu.memory_space<vmem>> -> memref<1x128xi32, #tpu.memory_space<vmem>>
    %dma_start3A_303 = tpu.memref_squeeze %dma_start3A_302 : memref<1x128xi32, #tpu.memory_space<vmem>> -> memref<128xi32, #tpu.memory_space<vmem>>
    %dma_start3A_304 = arith.constant 0 : i32
    %dma_start3A_305 = arith.constant 0 : i32
    %dma_start3A_306 = tpu.memref_slice %arg10[%dma_start3A_304, %dma_start3A_305] : memref<10240x32xf32, #tpu.memory_space<vmem_shared>> -> memref<10240x32xf32, #tpu.memory_space<vmem_shared>>
    tpu.enqueue_indirect_dma source(%dma_start3A_300 : memref<128x32xf32, #tpu.memory_space<vmem>>) target(%dma_start3A_306 : memref<10240x32xf32, #tpu.memory_space<vmem_shared>>) offsets(%dma_start3A_303 : memref<128xi32, #tpu.memory_space<vmem>>) semaphore(%arg22 : memref<!tpu.dma_semaphore, #tpu.memory_space<semaphore_mem>>) {add = true}
    %dma_wait3A_307 = arith.constant 1 : i32
    %dma_wait3A_308 = arith.constant 0 : i32
    %dma_wait3A_309 = arith.constant 0 : i32
    %dma_wait3A_310 = arith.constant 0 : i32
    %dma_wait3A_311 = tpu.memref_slice %arg9[%dma_wait3A_307, %dma_wait3A_309, %dma_wait3A_310] : memref<8x128x32xf32, #tpu.memory_space<vmem>> -> memref<1x128x32xf32, #tpu.memory_space<vmem>>
    %dma_wait3A_312 = tpu.memref_squeeze %dma_wait3A_311 : memref<1x128x32xf32, #tpu.memory_space<vmem>> -> memref<128x32xf32, #tpu.memory_space<vmem>>
    %dma_wait3A_313 = arith.constant 0 : i32
    %dma_wait3A_314 = tpu.memref_slice %arg8[%dma_wait3A_308, %dma_wait3A_313] : memref<80x128xi32, #tpu.memory_space<vmem>> -> memref<1x128xi32, #tpu.memory_space<vmem>>
    %dma_wait3A_315 = tpu.memref_squeeze %dma_wait3A_314 : memref<1x128xi32, #tpu.memory_space<vmem>> -> memref<128xi32, #tpu.memory_space<vmem>>
    %dma_wait3A_316 = arith.constant 0 : i32
    %dma_wait3A_317 = arith.constant 0 : i32
    %dma_wait3A_318 = tpu.memref_slice %arg10[%dma_wait3A_316, %dma_wait3A_317] : memref<10240x32xf32, #tpu.memory_space<vmem_shared>> -> memref<10240x32xf32, #tpu.memory_space<vmem_shared>>
    tpu.wait_indirect_dma semaphore(%arg20 : memref<!tpu.dma_semaphore, #tpu.memory_space<semaphore_mem>>) src(%dma_wait3A_312 : memref<128x32xf32, #tpu.memory_space<vmem>>) dst(%dma_wait3A_318 : memref<10240x32xf32, #tpu.memory_space<vmem_shared>>)
    %dma_start3A_319 = arith.constant 9 : i32
    %dma_start3A_320 = arith.constant 1 : i32
    %dma_start3A_321 = arith.constant 0 : i32
    %dma_start3A_322 = arith.constant 0 : i32
    %dma_start3A_323 = tpu.memref_slice %arg9[%dma_start3A_320, %dma_start3A_321, %dma_start3A_322] : memref<8x128x32xf32, #tpu.memory_space<vmem>> -> memref<1x128x32xf32, #tpu.memory_space<vmem>>
    %dma_start3A_324 = tpu.memref_squeeze %dma_start3A_323 : memref<1x128x32xf32, #tpu.memory_space<vmem>> -> memref<128x32xf32, #tpu.memory_space<vmem>>
    %dma_start3A_325 = arith.constant 0 : i32
    %dma_start3A_326 = tpu.memref_slice %arg7[%dma_start3A_319, %dma_start3A_325] : memref<80x128xi32, #tpu.memory_space<vmem>> -> memref<1x128xi32, #tpu.memory_space<vmem>>
    %dma_start3A_327 = tpu.memref_squeeze %dma_start3A_326 : memref<1x128xi32, #tpu.memory_space<vmem>> -> memref<128xi32, #tpu.memory_space<vmem>>
    %dma_start3A_328 = arith.constant 0 : i32
    %dma_start3A_329 = arith.constant 0 : i32
    %dma_start3A_330 = tpu.memref_slice %arg2[%dma_start3A_328, %dma_start3A_329] : memref<10240x32xf32, #tpu.memory_space<hbm>> -> memref<10240x32xf32, #tpu.memory_space<hbm>>
    tpu.enqueue_indirect_dma source(%dma_start3A_330 : memref<10240x32xf32, #tpu.memory_space<hbm>>) target(%dma_start3A_324 : memref<128x32xf32, #tpu.memory_space<vmem>>) offsets(%dma_start3A_327 : memref<128xi32, #tpu.memory_space<vmem>>) semaphore(%arg12 : memref<!tpu.dma_semaphore, #tpu.memory_space<semaphore_mem>>)
    %dma_wait3A_331 = arith.constant 4 : i32
    %dma_wait3A_332 = arith.constant 4 : i32
    %dma_wait3A_333 = arith.constant 0 : i32
    %dma_wait3A_334 = arith.constant 0 : i32
    %dma_wait3A_335 = tpu.memref_slice %arg9[%dma_wait3A_332, %dma_wait3A_333, %dma_wait3A_334] : memref<8x128x32xf32, #tpu.memory_space<vmem>> -> memref<1x128x32xf32, #tpu.memory_space<vmem>>
    %dma_wait3A_336 = tpu.memref_squeeze %dma_wait3A_335 : memref<1x128x32xf32, #tpu.memory_space<vmem>> -> memref<128x32xf32, #tpu.memory_space<vmem>>
    %dma_wait3A_337 = arith.constant 0 : i32
    %dma_wait3A_338 = tpu.memref_slice %arg7[%dma_wait3A_331, %dma_wait3A_337] : memref<80x128xi32, #tpu.memory_space<vmem>> -> memref<1x128xi32, #tpu.memory_space<vmem>>
    %dma_wait3A_339 = tpu.memref_squeeze %dma_wait3A_338 : memref<1x128xi32, #tpu.memory_space<vmem>> -> memref<128xi32, #tpu.memory_space<vmem>>
    %dma_wait3A_340 = arith.constant 0 : i32
    %dma_wait3A_341 = arith.constant 0 : i32
    %dma_wait3A_342 = tpu.memref_slice %arg2[%dma_wait3A_340, %dma_wait3A_341] : memref<10240x32xf32, #tpu.memory_space<hbm>> -> memref<10240x32xf32, #tpu.memory_space<hbm>>
    tpu.wait_indirect_dma semaphore(%arg15 : memref<!tpu.dma_semaphore, #tpu.memory_space<semaphore_mem>>) src(%dma_wait3A_342 : memref<10240x32xf32, #tpu.memory_space<hbm>>) dst(%dma_wait3A_336 : memref<128x32xf32, #tpu.memory_space<vmem>>)
    %dma_start3A_343 = arith.constant 4 : i32
    %dma_start3A_344 = arith.constant 4 : i32
    %dma_start3A_345 = arith.constant 0 : i32
    %dma_start3A_346 = arith.constant 0 : i32
    %dma_start3A_347 = tpu.memref_slice %arg9[%dma_start3A_343, %dma_start3A_345, %dma_start3A_346] : memref<8x128x32xf32, #tpu.memory_space<vmem>> -> memref<1x128x32xf32, #tpu.memory_space<vmem>>
    %dma_start3A_348 = tpu.memref_squeeze %dma_start3A_347 : memref<1x128x32xf32, #tpu.memory_space<vmem>> -> memref<128x32xf32, #tpu.memory_space<vmem>>
    %dma_start3A_349 = arith.constant 0 : i32
    %dma_start3A_350 = tpu.memref_slice %arg8[%dma_start3A_344, %dma_start3A_349] : memref<80x128xi32, #tpu.memory_space<vmem>> -> memref<1x128xi32, #tpu.memory_space<vmem>>
    %dma_start3A_351 = tpu.memref_squeeze %dma_start3A_350 : memref<1x128xi32, #tpu.memory_space<vmem>> -> memref<128xi32, #tpu.memory_space<vmem>>
    %dma_start3A_352 = arith.constant 0 : i32
    %dma_start3A_353 = arith.constant 0 : i32
    %dma_start3A_354 = tpu.memref_slice %arg10[%dma_start3A_352, %dma_start3A_353] : memref<10240x32xf32, #tpu.memory_space<vmem_shared>> -> memref<10240x32xf32, #tpu.memory_space<vmem_shared>>
    tpu.enqueue_indirect_dma source(%dma_start3A_348 : memref<128x32xf32, #tpu.memory_space<vmem>>) target(%dma_start3A_354 : memref<10240x32xf32, #tpu.memory_space<vmem_shared>>) offsets(%dma_start3A_351 : memref<128xi32, #tpu.memory_space<vmem>>) semaphore(%arg23 : memref<!tpu.dma_semaphore, #tpu.memory_space<semaphore_mem>>) {add = true}
    %dma_wait3A_355 = arith.constant 2 : i32
    %dma_wait3A_356 = arith.constant 0 : i32
    %dma_wait3A_357 = arith.constant 0 : i32
    %dma_wait3A_358 = arith.constant 0 : i32
    %dma_wait3A_359 = tpu.memref_slice %arg9[%dma_wait3A_355, %dma_wait3A_357, %dma_wait3A_358] : memref<8x128x32xf32, #tpu.memory_space<vmem>> -> memref<1x128x32xf32, #tpu.memory_space<vmem>>
    %dma_wait3A_360 = tpu.memref_squeeze %dma_wait3A_359 : memref<1x128x32xf32, #tpu.memory_space<vmem>> -> memref<128x32xf32, #tpu.memory_space<vmem>>
    %dma_wait3A_361 = arith.constant 0 : i32
    %dma_wait3A_362 = tpu.memref_slice %arg8[%dma_wait3A_356, %dma_wait3A_361] : memref<80x128xi32, #tpu.memory_space<vmem>> -> memref<1x128xi32, #tpu.memory_space<vmem>>
    %dma_wait3A_363 = tpu.memref_squeeze %dma_wait3A_362 : memref<1x128xi32, #tpu.memory_space<vmem>> -> memref<128xi32, #tpu.memory_space<vmem>>
    %dma_wait3A_364 = arith.constant 0 : i32
    %dma_wait3A_365 = arith.constant 0 : i32
    %dma_wait3A_366 = tpu.memref_slice %arg10[%dma_wait3A_364, %dma_wait3A_365] : memref<10240x32xf32, #tpu.memory_space<vmem_shared>> -> memref<10240x32xf32, #tpu.memory_space<vmem_shared>>
    tpu.wait_indirect_dma semaphore(%arg21 : memref<!tpu.dma_semaphore, #tpu.memory_space<semaphore_mem>>) src(%dma_wait3A_360 : memref<128x32xf32, #tpu.memory_space<vmem>>) dst(%dma_wait3A_366 : memref<10240x32xf32, #tpu.memory_space<vmem_shared>>)
    %dma_start3A_367 = arith.constant 10 : i32
    %dma_start3A_368 = arith.constant 2 : i32
    %dma_start3A_369 = arith.constant 0 : i32
    %dma_start3A_370 = arith.constant 0 : i32
    %dma_start3A_371 = tpu.memref_slice %arg9[%dma_start3A_368, %dma_start3A_369, %dma_start3A_370] : memref<8x128x32xf32, #tpu.memory_space<vmem>> -> memref<1x128x32xf32, #tpu.memory_space<vmem>>
    %dma_start3A_372 = tpu.memref_squeeze %dma_start3A_371 : memref<1x128x32xf32, #tpu.memory_space<vmem>> -> memref<128x32xf32, #tpu.memory_space<vmem>>
    %dma_start3A_373 = arith.constant 0 : i32
    %dma_start3A_374 = tpu.memref_slice %arg7[%dma_start3A_367, %dma_start3A_373] : memref<80x128xi32, #tpu.memory_space<vmem>> -> memref<1x128xi32, #tpu.memory_space<vmem>>
    %dma_start3A_375 = tpu.memref_squeeze %dma_start3A_374 : memref<1x128xi32, #tpu.memory_space<vmem>> -> memref<128xi32, #tpu.memory_space<vmem>>
    %dma_start3A_376 = arith.constant 0 : i32
    %dma_start3A_377 = arith.constant 0 : i32
    %dma_start3A_378 = tpu.memref_slice %arg2[%dma_start3A_376, %dma_start3A_377] : memref<10240x32xf32, #tpu.memory_space<hbm>> -> memref<10240x32xf32, #tpu.memory_space<hbm>>
    tpu.enqueue_indirect_dma source(%dma_start3A_378 : memref<10240x32xf32, #tpu.memory_space<hbm>>) target(%dma_start3A_372 : memref<128x32xf32, #tpu.memory_space<vmem>>) offsets(%dma_start3A_375 : memref<128xi32, #tpu.memory_space<vmem>>) semaphore(%arg13 : memref<!tpu.dma_semaphore, #tpu.memory_space<semaphore_mem>>)
    %dma_wait3A_379 = arith.constant 5 : i32
    %dma_wait3A_380 = arith.constant 5 : i32
    %dma_wait3A_381 = arith.constant 0 : i32
    %dma_wait3A_382 = arith.constant 0 : i32
    %dma_wait3A_383 = tpu.memref_slice %arg9[%dma_wait3A_380, %dma_wait3A_381, %dma_wait3A_382] : memref<8x128x32xf32, #tpu.memory_space<vmem>> -> memref<1x128x32xf32, #tpu.memory_space<vmem>>
    %dma_wait3A_384 = tpu.memref_squeeze %dma_wait3A_383 : memref<1x128x32xf32, #tpu.memory_space<vmem>> -> memref<128x32xf32, #tpu.memory_space<vmem>>
    %dma_wait3A_385 = arith.constant 0 : i32
    %dma_wait3A_386 = tpu.memref_slice %arg7[%dma_wait3A_379, %dma_wait3A_385] : memref<80x128xi32, #tpu.memory_space<vmem>> -> memref<1x128xi32, #tpu.memory_space<vmem>>
    %dma_wait3A_387 = tpu.memref_squeeze %dma_wait3A_386 : memref<1x128xi32, #tpu.memory_space<vmem>> -> memref<128xi32, #tpu.memory_space<vmem>>
    %dma_wait3A_388 = arith.constant 0 : i32
    %dma_wait3A_389 = arith.constant 0 : i32
    %dma_wait3A_390 = tpu.memref_slice %arg2[%dma_wait3A_388, %dma_wait3A_389] : memref<10240x32xf32, #tpu.memory_space<hbm>> -> memref<10240x32xf32, #tpu.memory_space<hbm>>
    tpu.wait_indirect_dma semaphore(%arg16 : memref<!tpu.dma_semaphore, #tpu.memory_space<semaphore_mem>>) src(%dma_wait3A_390 : memref<10240x32xf32, #tpu.memory_space<hbm>>) dst(%dma_wait3A_384 : memref<128x32xf32, #tpu.memory_space<vmem>>)
    %dma_start3A_391 = arith.constant 5 : i32
    %dma_start3A_392 = arith.constant 5 : i32
    %dma_start3A_393 = arith.constant 0 : i32
    %dma_start3A_394 = arith.constant 0 : i32
    %dma_start3A_395 = tpu.memref_slice %arg9[%dma_start3A_391, %dma_start3A_393, %dma_start3A_394] : memref<8x128x32xf32, #tpu.memory_space<vmem>> -> memref<1x128x32xf32, #tpu.memory_space<vmem>>
    %dma_start3A_396 = tpu.memref_squeeze %dma_start3A_395 : memref<1x128x32xf32, #tpu.memory_space<vmem>> -> memref<128x32xf32, #tpu.memory_space<vmem>>
    %dma_start3A_397 = arith.constant 0 : i32
    %dma_start3A_398 = tpu.memref_slice %arg8[%dma_start3A_392, %dma_start3A_397] : memref<80x128xi32, #tpu.memory_space<vmem>> -> memref<1x128xi32, #tpu.memory_space<vmem>>
    %dma_start3A_399 = tpu.memref_squeeze %dma_start3A_398 : memref<1x128xi32, #tpu.memory_space<vmem>> -> memref<128xi32, #tpu.memory_space<vmem>>
    %dma_start3A_400 = arith.constant 0 : i32
    %dma_start3A_401 = arith.constant 0 : i32
    %dma_start3A_402 = tpu.memref_slice %arg10[%dma_start3A_400, %dma_start3A_401] : memref<10240x32xf32, #tpu.memory_space<vmem_shared>> -> memref<10240x32xf32, #tpu.memory_space<vmem_shared>>
    tpu.enqueue_indirect_dma source(%dma_start3A_396 : memref<128x32xf32, #tpu.memory_space<vmem>>) target(%dma_start3A_402 : memref<10240x32xf32, #tpu.memory_space<vmem_shared>>) offsets(%dma_start3A_399 : memref<128xi32, #tpu.memory_space<vmem>>) semaphore(%arg24 : memref<!tpu.dma_semaphore, #tpu.memory_space<semaphore_mem>>) {add = true}
    %dma_wait3A_403 = arith.constant 3 : i32
    %dma_wait3A_404 = arith.constant 0 : i32
    %dma_wait3A_405 = arith.constant 0 : i32
    %dma_wait3A_406 = arith.constant 0 : i32
    %dma_wait3A_407 = tpu.memref_slice %arg9[%dma_wait3A_403, %dma_wait3A_405, %dma_wait3A_406] : memref<8x128x32xf32, #tpu.memory_space<vmem>> -> memref<1x128x32xf32, #tpu.memory_space<vmem>>
    %dma_wait3A_408 = tpu.memref_squeeze %dma_wait3A_407 : memref<1x128x32xf32, #tpu.memory_space<vmem>> -> memref<128x32xf32, #tpu.memory_space<vmem>>
    %dma_wait3A_409 = arith.constant 0 : i32
    %dma_wait3A_410 = tpu.memref_slice %arg8[%dma_wait3A_404, %dma_wait3A_409] : memref<80x128xi32, #tpu.memory_space<vmem>> -> memref<1x128xi32, #tpu.memory_space<vmem>>
    %dma_wait3A_411 = tpu.memref_squeeze %dma_wait3A_410 : memref<1x128xi32, #tpu.memory_space<vmem>> -> memref<128xi32, #tpu.memory_space<vmem>>
    %dma_wait3A_412 = arith.constant 0 : i32
    %dma_wait3A_413 = arith.constant 0 : i32
    %dma_wait3A_414 = tpu.memref_slice %arg10[%dma_wait3A_412, %dma_wait3A_413] : memref<10240x32xf32, #tpu.memory_space<vmem_shared>> -> memref<10240x32xf32, #tpu.memory_space<vmem_shared>>
    tpu.wait_indirect_dma semaphore(%arg22 : memref<!tpu.dma_semaphore, #tpu.memory_space<semaphore_mem>>) src(%dma_wait3A_408 : memref<128x32xf32, #tpu.memory_space<vmem>>) dst(%dma_wait3A_414 : memref<10240x32xf32, #tpu.memory_space<vmem_shared>>)
    %dma_start3A_415 = arith.constant 11 : i32
    %dma_start3A_416 = arith.constant 3 : i32
    %dma_start3A_417 = arith.constant 0 : i32
    %dma_start3A_418 = arith.constant 0 : i32
    %dma_start3A_419 = tpu.memref_slice %arg9[%dma_start3A_416, %dma_start3A_417, %dma_start3A_418] : memref<8x128x32xf32, #tpu.memory_space<vmem>> -> memref<1x128x32xf32, #tpu.memory_space<vmem>>
    %dma_start3A_420 = tpu.memref_squeeze %dma_start3A_419 : memref<1x128x32xf32, #tpu.memory_space<vmem>> -> memref<128x32xf32, #tpu.memory_space<vmem>>
    %dma_start3A_421 = arith.constant 0 : i32
    %dma_start3A_422 = tpu.memref_slice %arg7[%dma_start3A_415, %dma_start3A_421] : memref<80x128xi32, #tpu.memory_space<vmem>> -> memref<1x128xi32, #tpu.memory_space<vmem>>
    %dma_start3A_423 = tpu.memref_squeeze %dma_start3A_422 : memref<1x128xi32, #tpu.memory_space<vmem>> -> memref<128xi32, #tpu.memory_space<vmem>>
    %dma_start3A_424 = arith.constant 0 : i32
    %dma_start3A_425 = arith.constant 0 : i32
    %dma_start3A_426 = tpu.memref_slice %arg2[%dma_start3A_424, %dma_start3A_425] : memref<10240x32xf32, #tpu.memory_space<hbm>> -> memref<10240x32xf32, #tpu.memory_space<hbm>>
    tpu.enqueue_indirect_dma source(%dma_start3A_426 : memref<10240x32xf32, #tpu.memory_space<hbm>>) target(%dma_start3A_420 : memref<128x32xf32, #tpu.memory_space<vmem>>) offsets(%dma_start3A_423 : memref<128xi32, #tpu.memory_space<vmem>>) semaphore(%arg14 : memref<!tpu.dma_semaphore, #tpu.memory_space<semaphore_mem>>)
    %dma_wait3A_427 = arith.constant 6 : i32
    %dma_wait3A_428 = arith.constant 6 : i32
    %dma_wait3A_429 = arith.constant 0 : i32
    %dma_wait3A_430 = arith.constant 0 : i32
    %dma_wait3A_431 = tpu.memref_slice %arg9[%dma_wait3A_428, %dma_wait3A_429, %dma_wait3A_430] : memref<8x128x32xf32, #tpu.memory_space<vmem>> -> memref<1x128x32xf32, #tpu.memory_space<vmem>>
    %dma_wait3A_432 = tpu.memref_squeeze %dma_wait3A_431 : memref<1x128x32xf32, #tpu.memory_space<vmem>> -> memref<128x32xf32, #tpu.memory_space<vmem>>
    %dma_wait3A_433 = arith.constant 0 : i32
    %dma_wait3A_434 = tpu.memref_slice %arg7[%dma_wait3A_427, %dma_wait3A_433] : memref<80x128xi32, #tpu.memory_space<vmem>> -> memref<1x128xi32, #tpu.memory_space<vmem>>
    %dma_wait3A_435 = tpu.memref_squeeze %dma_wait3A_434 : memref<1x128xi32, #tpu.memory_space<vmem>> -> memref<128xi32, #tpu.memory_space<vmem>>
    %dma_wait3A_436 = arith.constant 0 : i32
    %dma_wait3A_437 = arith.constant 0 : i32
    %dma_wait3A_438 = tpu.memref_slice %arg2[%dma_wait3A_436, %dma_wait3A_437] : memref<10240x32xf32, #tpu.memory_space<hbm>> -> memref<10240x32xf32, #tpu.memory_space<hbm>>
    tpu.wait_indirect_dma semaphore(%arg17 : memref<!tpu.dma_semaphore, #tpu.memory_space<semaphore_mem>>) src(%dma_wait3A_438 : memref<10240x32xf32, #tpu.memory_space<hbm>>) dst(%dma_wait3A_432 : memref<128x32xf32, #tpu.memory_space<vmem>>)
    %dma_start3A_439 = arith.constant 6 : i32
    %dma_start3A_440 = arith.constant 6 : i32
    %dma_start3A_441 = arith.constant 0 : i32
    %dma_start3A_442 = arith.constant 0 : i32
    %dma_start3A_443 = tpu.memref_slice %arg9[%dma_start3A_439, %dma_start3A_441, %dma_start3A_442] : memref<8x128x32xf32, #tpu.memory_space<vmem>> -> memref<1x128x32xf32, #tpu.memory_space<vmem>>
    %dma_start3A_444 = tpu.memref_squeeze %dma_start3A_443 : memref<1x128x32xf32, #tpu.memory_space<vmem>> -> memref<128x32xf32, #tpu.memory_space<vmem>>
    %dma_start3A_445 = arith.constant 0 : i32
    %dma_start3A_446 = tpu.memref_slice %arg8[%dma_start3A_440, %dma_start3A_445] : memref<80x128xi32, #tpu.memory_space<vmem>> -> memref<1x128xi32, #tpu.memory_space<vmem>>
    %dma_start3A_447 = tpu.memref_squeeze %dma_start3A_446 : memref<1x128xi32, #tpu.memory_space<vmem>> -> memref<128xi32, #tpu.memory_space<vmem>>
    %dma_start3A_448 = arith.constant 0 : i32
    %dma_start3A_449 = arith.constant 0 : i32
    %dma_start3A_450 = tpu.memref_slice %arg10[%dma_start3A_448, %dma_start3A_449] : memref<10240x32xf32, #tpu.memory_space<vmem_shared>> -> memref<10240x32xf32, #tpu.memory_space<vmem_shared>>
    tpu.enqueue_indirect_dma source(%dma_start3A_444 : memref<128x32xf32, #tpu.memory_space<vmem>>) target(%dma_start3A_450 : memref<10240x32xf32, #tpu.memory_space<vmem_shared>>) offsets(%dma_start3A_447 : memref<128xi32, #tpu.memory_space<vmem>>) semaphore(%arg25 : memref<!tpu.dma_semaphore, #tpu.memory_space<semaphore_mem>>) {add = true}
    %dma_wait3A_451 = arith.constant 4 : i32
    %dma_wait3A_452 = arith.constant 0 : i32
    %dma_wait3A_453 = arith.constant 0 : i32
    %dma_wait3A_454 = arith.constant 0 : i32
    %dma_wait3A_455 = tpu.memref_slice %arg9[%dma_wait3A_451, %dma_wait3A_453, %dma_wait3A_454] : memref<8x128x32xf32, #tpu.memory_space<vmem>> -> memref<1x128x32xf32, #tpu.memory_space<vmem>>
    %dma_wait3A_456 = tpu.memref_squeeze %dma_wait3A_455 : memref<1x128x32xf32, #tpu.memory_space<vmem>> -> memref<128x32xf32, #tpu.memory_space<vmem>>
    %dma_wait3A_457 = arith.constant 0 : i32
    %dma_wait3A_458 = tpu.memref_slice %arg8[%dma_wait3A_452, %dma_wait3A_457] : memref<80x128xi32, #tpu.memory_space<vmem>> -> memref<1x128xi32, #tpu.memory_space<vmem>>
    %dma_wait3A_459 = tpu.memref_squeeze %dma_wait3A_458 : memref<1x128xi32, #tpu.memory_space<vmem>> -> memref<128xi32, #tpu.memory_space<vmem>>
    %dma_wait3A_460 = arith.constant 0 : i32
    %dma_wait3A_461 = arith.constant 0 : i32
    %dma_wait3A_462 = tpu.memref_slice %arg10[%dma_wait3A_460, %dma_wait3A_461] : memref<10240x32xf32, #tpu.memory_space<vmem_shared>> -> memref<10240x32xf32, #tpu.memory_space<vmem_shared>>
    tpu.wait_indirect_dma semaphore(%arg23 : memref<!tpu.dma_semaphore, #tpu.memory_space<semaphore_mem>>) src(%dma_wait3A_456 : memref<128x32xf32, #tpu.memory_space<vmem>>) dst(%dma_wait3A_462 : memref<10240x32xf32, #tpu.memory_space<vmem_shared>>)
    %dma_start3A_463 = arith.constant 12 : i32
    %dma_start3A_464 = arith.constant 4 : i32
    %dma_start3A_465 = arith.constant 0 : i32
    %dma_start3A_466 = arith.constant 0 : i32
    %dma_start3A_467 = tpu.memref_slice %arg9[%dma_start3A_464, %dma_start3A_465, %dma_start3A_466] : memref<8x128x32xf32, #tpu.memory_space<vmem>> -> memref<1x128x32xf32, #tpu.memory_space<vmem>>
    %dma_start3A_468 = tpu.memref_squeeze %dma_start3A_467 : memref<1x128x32xf32, #tpu.memory_space<vmem>> -> memref<128x32xf32, #tpu.memory_space<vmem>>
    %dma_start3A_469 = arith.constant 0 : i32
    %dma_start3A_470 = tpu.memref_slice %arg7[%dma_start3A_463, %dma_start3A_469] : memref<80x128xi32, #tpu.memory_space<vmem>> -> memref<1x128xi32, #tpu.memory_space<vmem>>
    %dma_start3A_471 = tpu.memref_squeeze %dma_start3A_470 : memref<1x128xi32, #tpu.memory_space<vmem>> -> memref<128xi32, #tpu.memory_space<vmem>>
    %dma_start3A_472 = arith.constant 0 : i32
    %dma_start3A_473 = arith.constant 0 : i32
    %dma_start3A_474 = tpu.memref_slice %arg2[%dma_start3A_472, %dma_start3A_473] : memref<10240x32xf32, #tpu.memory_space<hbm>> -> memref<10240x32xf32, #tpu.memory_space<hbm>>
    tpu.enqueue_indirect_dma source(%dma_start3A_474 : memref<10240x32xf32, #tpu.memory_space<hbm>>) target(%dma_start3A_468 : memref<128x32xf32, #tpu.memory_space<vmem>>) offsets(%dma_start3A_471 : memref<128xi32, #tpu.memory_space<vmem>>) semaphore(%arg15 : memref<!tpu.dma_semaphore, #tpu.memory_space<semaphore_mem>>)
    %dma_wait3A_475 = arith.constant 7 : i32
    %dma_wait3A_476 = arith.constant 7 : i32
    %dma_wait3A_477 = arith.constant 0 : i32
    %dma_wait3A_478 = arith.constant 0 : i32
    %dma_wait3A_479 = tpu.memref_slice %arg9[%dma_wait3A_476, %dma_wait3A_477, %dma_wait3A_478] : memref<8x128x32xf32, #tpu.memory_space<vmem>> -> memref<1x128x32xf32, #tpu.memory_space<vmem>>
    %dma_wait3A_480 = tpu.memref_squeeze %dma_wait3A_479 : memref<1x128x32xf32, #tpu.memory_space<vmem>> -> memref<128x32xf32, #tpu.memory_space<vmem>>
    %dma_wait3A_481 = arith.constant 0 : i32
    %dma_wait3A_482 = tpu.memref_slice %arg7[%dma_wait3A_475, %dma_wait3A_481] : memref<80x128xi32, #tpu.memory_space<vmem>> -> memref<1x128xi32, #tpu.memory_space<vmem>>
    %dma_wait3A_483 = tpu.memref_squeeze %dma_wait3A_482 : memref<1x128xi32, #tpu.memory_space<vmem>> -> memref<128xi32, #tpu.memory_space<vmem>>
    %dma_wait3A_484 = arith.constant 0 : i32
    %dma_wait3A_485 = arith.constant 0 : i32
    %dma_wait3A_486 = tpu.memref_slice %arg2[%dma_wait3A_484, %dma_wait3A_485] : memref<10240x32xf32, #tpu.memory_space<hbm>> -> memref<10240x32xf32, #tpu.memory_space<hbm>>
    tpu.wait_indirect_dma semaphore(%arg18 : memref<!tpu.dma_semaphore, #tpu.memory_space<semaphore_mem>>) src(%dma_wait3A_486 : memref<10240x32xf32, #tpu.memory_space<hbm>>) dst(%dma_wait3A_480 : memref<128x32xf32, #tpu.memory_space<vmem>>)
    %dma_start3A_487 = arith.constant 7 : i32
    %dma_start3A_488 = arith.constant 7 : i32
    %dma_start3A_489 = arith.constant 0 : i32
    %dma_start3A_490 = arith.constant 0 : i32
    %dma_start3A_491 = tpu.memref_slice %arg9[%dma_start3A_487, %dma_start3A_489, %dma_start3A_490] : memref<8x128x32xf32, #tpu.memory_space<vmem>> -> memref<1x128x32xf32, #tpu.memory_space<vmem>>
    %dma_start3A_492 = tpu.memref_squeeze %dma_start3A_491 : memref<1x128x32xf32, #tpu.memory_space<vmem>> -> memref<128x32xf32, #tpu.memory_space<vmem>>
    %dma_start3A_493 = arith.constant 0 : i32
    %dma_start3A_494 = tpu.memref_slice %arg8[%dma_start3A_488, %dma_start3A_493] : memref<80x128xi32, #tpu.memory_space<vmem>> -> memref<1x128xi32, #tpu.memory_space<vmem>>
    %dma_start3A_495 = tpu.memref_squeeze %dma_start3A_494 : memref<1x128xi32, #tpu.memory_space<vmem>> -> memref<128xi32, #tpu.memory_space<vmem>>
    %dma_start3A_496 = arith.constant 0 : i32
    %dma_start3A_497 = arith.constant 0 : i32
    %dma_start3A_498 = tpu.memref_slice %arg10[%dma_start3A_496, %dma_start3A_497] : memref<10240x32xf32, #tpu.memory_space<vmem_shared>> -> memref<10240x32xf32, #tpu.memory_space<vmem_shared>>
    tpu.enqueue_indirect_dma source(%dma_start3A_492 : memref<128x32xf32, #tpu.memory_space<vmem>>) target(%dma_start3A_498 : memref<10240x32xf32, #tpu.memory_space<vmem_shared>>) offsets(%dma_start3A_495 : memref<128xi32, #tpu.memory_space<vmem>>) semaphore(%arg26 : memref<!tpu.dma_semaphore, #tpu.memory_space<semaphore_mem>>) {add = true}
    %dma_wait3A_499 = arith.constant 5 : i32
    %dma_wait3A_500 = arith.constant 0 : i32
    %dma_wait3A_501 = arith.constant 0 : i32
    %dma_wait3A_502 = arith.constant 0 : i32
    %dma_wait3A_503 = tpu.memref_slice %arg9[%dma_wait3A_499, %dma_wait3A_501, %dma_wait3A_502] : memref<8x128x32xf32, #tpu.memory_space<vmem>> -> memref<1x128x32xf32, #tpu.memory_space<vmem>>
    %dma_wait3A_504 = tpu.memref_squeeze %dma_wait3A_503 : memref<1x128x32xf32, #tpu.memory_space<vmem>> -> memref<128x32xf32, #tpu.memory_space<vmem>>
    %dma_wait3A_505 = arith.constant 0 : i32
    %dma_wait3A_506 = tpu.memref_slice %arg8[%dma_wait3A_500, %dma_wait3A_505] : memref<80x128xi32, #tpu.memory_space<vmem>> -> memref<1x128xi32, #tpu.memory_space<vmem>>
    %dma_wait3A_507 = tpu.memref_squeeze %dma_wait3A_506 : memref<1x128xi32, #tpu.memory_space<vmem>> -> memref<128xi32, #tpu.memory_space<vmem>>
    %dma_wait3A_508 = arith.constant 0 : i32
    %dma_wait3A_509 = arith.constant 0 : i32
    %dma_wait3A_510 = tpu.memref_slice %arg10[%dma_wait3A_508, %dma_wait3A_509] : memref<10240x32xf32, #tpu.memory_space<vmem_shared>> -> memref<10240x32xf32, #tpu.memory_space<vmem_shared>>
    tpu.wait_indirect_dma semaphore(%arg24 : memref<!tpu.dma_semaphore, #tpu.memory_space<semaphore_mem>>) src(%dma_wait3A_504 : memref<128x32xf32, #tpu.memory_space<vmem>>) dst(%dma_wait3A_510 : memref<10240x32xf32, #tpu.memory_space<vmem_shared>>)
    %dma_start3A_511 = arith.constant 13 : i32
    %dma_start3A_512 = arith.constant 5 : i32
    %dma_start3A_513 = arith.constant 0 : i32
    %dma_start3A_514 = arith.constant 0 : i32
    %dma_start3A_515 = tpu.memref_slice %arg9[%dma_start3A_512, %dma_start3A_513, %dma_start3A_514] : memref<8x128x32xf32, #tpu.memory_space<vmem>> -> memref<1x128x32xf32, #tpu.memory_space<vmem>>
    %dma_start3A_516 = tpu.memref_squeeze %dma_start3A_515 : memref<1x128x32xf32, #tpu.memory_space<vmem>> -> memref<128x32xf32, #tpu.memory_space<vmem>>
    %dma_start3A_517 = arith.constant 0 : i32
    %dma_start3A_518 = tpu.memref_slice %arg7[%dma_start3A_511, %dma_start3A_517] : memref<80x128xi32, #tpu.memory_space<vmem>> -> memref<1x128xi32, #tpu.memory_space<vmem>>
    %dma_start3A_519 = tpu.memref_squeeze %dma_start3A_518 : memref<1x128xi32, #tpu.memory_space<vmem>> -> memref<128xi32, #tpu.memory_space<vmem>>
    %dma_start3A_520 = arith.constant 0 : i32
    %dma_start3A_521 = arith.constant 0 : i32
    %dma_start3A_522 = tpu.memref_slice %arg2[%dma_start3A_520, %dma_start3A_521] : memref<10240x32xf32, #tpu.memory_space<hbm>> -> memref<10240x32xf32, #tpu.memory_space<hbm>>
    tpu.enqueue_indirect_dma source(%dma_start3A_522 : memref<10240x32xf32, #tpu.memory_space<hbm>>) target(%dma_start3A_516 : memref<128x32xf32, #tpu.memory_space<vmem>>) offsets(%dma_start3A_519 : memref<128xi32, #tpu.memory_space<vmem>>) semaphore(%arg16 : memref<!tpu.dma_semaphore, #tpu.memory_space<semaphore_mem>>)
    %scan3A = arith.constant 0 : i32
    %scan3A_523 = arith.constant 1 : i32
    %scan3A_524 = arith.constant 8 : i32
    %scan3A_525 = arith.addi %scan3A_523, %scan3A_524 : i32
    %scan3A_526 = arith.constant 1 : i32
    scf.for %scan3A_869 = %scan3A_523 to %scan3A_525 step %scan3A_526  : i32 {
      %mul3A_870 = arith.constant 8 : i32
      %mul3A_871 = arith.muli %scan3A_869, %mul3A_870 : i32
      %add3A_872 = arith.constant 0 : i32
      %add3A_873 = arith.addi %mul3A_871, %add3A_872 : i32
      %dma_wait3A_874 = arith.constant 0 : i32
      %dma_wait3A_875 = arith.constant 0 : i32
      %dma_wait3A_876 = arith.constant 0 : i32
      %dma_wait3A_877 = tpu.memref_slice %arg9[%dma_wait3A_874, %dma_wait3A_875, %dma_wait3A_876] : memref<8x128x32xf32, #tpu.memory_space<vmem>> -> memref<1x128x32xf32, #tpu.memory_space<vmem>>
      %dma_wait3A_878 = tpu.memref_squeeze %dma_wait3A_877 : memref<1x128x32xf32, #tpu.memory_space<vmem>> -> memref<128x32xf32, #tpu.memory_space<vmem>>
      %dma_wait3A_879 = arith.constant 0 : i32
      %dma_wait3A_880 = tpu.memref_slice %arg7[%add3A_873, %dma_wait3A_879] : memref<80x128xi32, #tpu.memory_space<vmem>> -> memref<1x128xi32, #tpu.memory_space<vmem>>
      %dma_wait3A_881 = tpu.memref_squeeze %dma_wait3A_880 : memref<1x128xi32, #tpu.memory_space<vmem>> -> memref<128xi32, #tpu.memory_space<vmem>>
      %dma_wait3A_882 = arith.constant 0 : i32
      %dma_wait3A_883 = arith.constant 0 : i32
      %dma_wait3A_884 = tpu.memref_slice %arg2[%dma_wait3A_882, %dma_wait3A_883] : memref<10240x32xf32, #tpu.memory_space<hbm>> -> memref<10240x32xf32, #tpu.memory_space<hbm>>
      tpu.wait_indirect_dma semaphore(%arg11 : memref<!tpu.dma_semaphore, #tpu.memory_space<semaphore_mem>>) src(%dma_wait3A_884 : memref<10240x32xf32, #tpu.memory_space<hbm>>) dst(%dma_wait3A_878 : memref<128x32xf32, #tpu.memory_space<vmem>>)
      %dma_start3A_885 = arith.constant 0 : i32
      %dma_start3A_886 = arith.constant 0 : i32
      %dma_start3A_887 = arith.constant 0 : i32
      %dma_start3A_888 = tpu.memref_slice %arg9[%dma_start3A_885, %dma_start3A_886, %dma_start3A_887] : memref<8x128x32xf32, #tpu.memory_space<vmem>> -> memref<1x128x32xf32, #tpu.memory_space<vmem>>
      %dma_start3A_889 = tpu.memref_squeeze %dma_start3A_888 : memref<1x128x32xf32, #tpu.memory_space<vmem>> -> memref<128x32xf32, #tpu.memory_space<vmem>>
      %dma_start3A_890 = arith.constant 0 : i32
      %dma_start3A_891 = tpu.memref_slice %arg8[%add3A_873, %dma_start3A_890] : memref<80x128xi32, #tpu.memory_space<vmem>> -> memref<1x128xi32, #tpu.memory_space<vmem>>
      %dma_start3A_892 = tpu.memref_squeeze %dma_start3A_891 : memref<1x128xi32, #tpu.memory_space<vmem>> -> memref<128xi32, #tpu.memory_space<vmem>>
      %dma_start3A_893 = arith.constant 0 : i32
      %dma_start3A_894 = arith.constant 0 : i32
      %dma_start3A_895 = tpu.memref_slice %arg10[%dma_start3A_893, %dma_start3A_894] : memref<10240x32xf32, #tpu.memory_space<vmem_shared>> -> memref<10240x32xf32, #tpu.memory_space<vmem_shared>>
      tpu.enqueue_indirect_dma source(%dma_start3A_889 : memref<128x32xf32, #tpu.memory_space<vmem>>) target(%dma_start3A_895 : memref<10240x32xf32, #tpu.memory_space<vmem_shared>>) offsets(%dma_start3A_892 : memref<128xi32, #tpu.memory_space<vmem>>) semaphore(%arg19 : memref<!tpu.dma_semaphore, #tpu.memory_space<semaphore_mem>>) {add = true}
      %dma_wait3A_896 = arith.constant 6 : i32
      %dma_wait3A_897 = arith.constant 0 : i32
      %dma_wait3A_898 = arith.constant 0 : i32
      %dma_wait3A_899 = arith.constant 0 : i32
      %dma_wait3A_900 = tpu.memref_slice %arg9[%dma_wait3A_896, %dma_wait3A_898, %dma_wait3A_899] : memref<8x128x32xf32, #tpu.memory_space<vmem>> -> memref<1x128x32xf32, #tpu.memory_space<vmem>>
      %dma_wait3A_901 = tpu.memref_squeeze %dma_wait3A_900 : memref<1x128x32xf32, #tpu.memory_space<vmem>> -> memref<128x32xf32, #tpu.memory_space<vmem>>
      %dma_wait3A_902 = arith.constant 0 : i32
      %dma_wait3A_903 = tpu.memref_slice %arg8[%dma_wait3A_897, %dma_wait3A_902] : memref<80x128xi32, #tpu.memory_space<vmem>> -> memref<1x128xi32, #tpu.memory_space<vmem>>
      %dma_wait3A_904 = tpu.memref_squeeze %dma_wait3A_903 : memref<1x128xi32, #tpu.memory_space<vmem>> -> memref<128xi32, #tpu.memory_space<vmem>>
      %dma_wait3A_905 = arith.constant 0 : i32
      %dma_wait3A_906 = arith.constant 0 : i32
      %dma_wait3A_907 = tpu.memref_slice %arg10[%dma_wait3A_905, %dma_wait3A_906] : memref<10240x32xf32, #tpu.memory_space<vmem_shared>> -> memref<10240x32xf32, #tpu.memory_space<vmem_shared>>
      tpu.wait_indirect_dma semaphore(%arg25 : memref<!tpu.dma_semaphore, #tpu.memory_space<semaphore_mem>>) src(%dma_wait3A_901 : memref<128x32xf32, #tpu.memory_space<vmem>>) dst(%dma_wait3A_907 : memref<10240x32xf32, #tpu.memory_space<vmem_shared>>)
      %add3A_908 = arith.constant 6 : i32
      %add3A_909 = arith.addi %add3A_873, %add3A_908 : i32
      %dma_start3A_910 = arith.constant 6 : i32
      %dma_start3A_911 = arith.constant 0 : i32
      %dma_start3A_912 = arith.constant 0 : i32
      %dma_start3A_913 = tpu.memref_slice %arg9[%dma_start3A_910, %dma_start3A_911, %dma_start3A_912] : memref<8x128x32xf32, #tpu.memory_space<vmem>> -> memref<1x128x32xf32, #tpu.memory_space<vmem>>
      %dma_start3A_914 = tpu.memref_squeeze %dma_start3A_913 : memref<1x128x32xf32, #tpu.memory_space<vmem>> -> memref<128x32xf32, #tpu.memory_space<vmem>>
      %dma_start3A_915 = arith.constant 0 : i32
      %dma_start3A_916 = tpu.memref_slice %arg7[%add3A_909, %dma_start3A_915] : memref<80x128xi32, #tpu.memory_space<vmem>> -> memref<1x128xi32, #tpu.memory_space<vmem>>
      %dma_start3A_917 = tpu.memref_squeeze %dma_start3A_916 : memref<1x128xi32, #tpu.memory_space<vmem>> -> memref<128xi32, #tpu.memory_space<vmem>>
      %dma_start3A_918 = arith.constant 0 : i32
      %dma_start3A_919 = arith.constant 0 : i32
      %dma_start3A_920 = tpu.memref_slice %arg2[%dma_start3A_918, %dma_start3A_919] : memref<10240x32xf32, #tpu.memory_space<hbm>> -> memref<10240x32xf32, #tpu.memory_space<hbm>>
      tpu.enqueue_indirect_dma source(%dma_start3A_920 : memref<10240x32xf32, #tpu.memory_space<hbm>>) target(%dma_start3A_914 : memref<128x32xf32, #tpu.memory_space<vmem>>) offsets(%dma_start3A_917 : memref<128xi32, #tpu.memory_space<vmem>>) semaphore(%arg17 : memref<!tpu.dma_semaphore, #tpu.memory_space<semaphore_mem>>)
      %mul3A_921 = arith.constant 8 : i32
      %mul3A_922 = arith.muli %scan3A_869, %mul3A_921 : i32
      %add3A_923 = arith.constant 1 : i32
      %add3A_924 = arith.addi %mul3A_922, %add3A_923 : i32
      %dma_wait3A_925 = arith.constant 1 : i32
      %dma_wait3A_926 = arith.constant 0 : i32
      %dma_wait3A_927 = arith.constant 0 : i32
      %dma_wait3A_928 = tpu.memref_slice %arg9[%dma_wait3A_925, %dma_wait3A_926, %dma_wait3A_927] : memref<8x128x32xf32, #tpu.memory_space<vmem>> -> memref<1x128x32xf32, #tpu.memory_space<vmem>>
      %dma_wait3A_929 = tpu.memref_squeeze %dma_wait3A_928 : memref<1x128x32xf32, #tpu.memory_space<vmem>> -> memref<128x32xf32, #tpu.memory_space<vmem>>
      %dma_wait3A_930 = arith.constant 0 : i32
      %dma_wait3A_931 = tpu.memref_slice %arg7[%add3A_924, %dma_wait3A_930] : memref<80x128xi32, #tpu.memory_space<vmem>> -> memref<1x128xi32, #tpu.memory_space<vmem>>
      %dma_wait3A_932 = tpu.memref_squeeze %dma_wait3A_931 : memref<1x128xi32, #tpu.memory_space<vmem>> -> memref<128xi32, #tpu.memory_space<vmem>>
      %dma_wait3A_933 = arith.constant 0 : i32
      %dma_wait3A_934 = arith.constant 0 : i32
      %dma_wait3A_935 = tpu.memref_slice %arg2[%dma_wait3A_933, %dma_wait3A_934] : memref<10240x32xf32, #tpu.memory_space<hbm>> -> memref<10240x32xf32, #tpu.memory_space<hbm>>
      tpu.wait_indirect_dma semaphore(%arg12 : memref<!tpu.dma_semaphore, #tpu.memory_space<semaphore_mem>>) src(%dma_wait3A_935 : memref<10240x32xf32, #tpu.memory_space<hbm>>) dst(%dma_wait3A_929 : memref<128x32xf32, #tpu.memory_space<vmem>>)
      %dma_start3A_936 = arith.constant 1 : i32
      %dma_start3A_937 = arith.constant 0 : i32
      %dma_start3A_938 = arith.constant 0 : i32
      %dma_start3A_939 = tpu.memref_slice %arg9[%dma_start3A_936, %dma_start3A_937, %dma_start3A_938] : memref<8x128x32xf32, #tpu.memory_space<vmem>> -> memref<1x128x32xf32, #tpu.memory_space<vmem>>
      %dma_start3A_940 = tpu.memref_squeeze %dma_start3A_939 : memref<1x128x32xf32, #tpu.memory_space<vmem>> -> memref<128x32xf32, #tpu.memory_space<vmem>>
      %dma_start3A_941 = arith.constant 0 : i32
      %dma_start3A_942 = tpu.memref_slice %arg8[%add3A_924, %dma_start3A_941] : memref<80x128xi32, #tpu.memory_space<vmem>> -> memref<1x128xi32, #tpu.memory_space<vmem>>
      %dma_start3A_943 = tpu.memref_squeeze %dma_start3A_942 : memref<1x128xi32, #tpu.memory_space<vmem>> -> memref<128xi32, #tpu.memory_space<vmem>>
      %dma_start3A_944 = arith.constant 0 : i32
      %dma_start3A_945 = arith.constant 0 : i32
      %dma_start3A_946 = tpu.memref_slice %arg10[%dma_start3A_944, %dma_start3A_945] : memref<10240x32xf32, #tpu.memory_space<vmem_shared>> -> memref<10240x32xf32, #tpu.memory_space<vmem_shared>>
      tpu.enqueue_indirect_dma source(%dma_start3A_940 : memref<128x32xf32, #tpu.memory_space<vmem>>) target(%dma_start3A_946 : memref<10240x32xf32, #tpu.memory_space<vmem_shared>>) offsets(%dma_start3A_943 : memref<128xi32, #tpu.memory_space<vmem>>) semaphore(%arg20 : memref<!tpu.dma_semaphore, #tpu.memory_space<semaphore_mem>>) {add = true}
      %dma_wait3A_947 = arith.constant 7 : i32
      %dma_wait3A_948 = arith.constant 0 : i32
      %dma_wait3A_949 = arith.constant 0 : i32
      %dma_wait3A_950 = arith.constant 0 : i32
      %dma_wait3A_951 = tpu.memref_slice %arg9[%dma_wait3A_947, %dma_wait3A_949, %dma_wait3A_950] : memref<8x128x32xf32, #tpu.memory_space<vmem>> -> memref<1x128x32xf32, #tpu.memory_space<vmem>>
      %dma_wait3A_952 = tpu.memref_squeeze %dma_wait3A_951 : memref<1x128x32xf32, #tpu.memory_space<vmem>> -> memref<128x32xf32, #tpu.memory_space<vmem>>
      %dma_wait3A_953 = arith.constant 0 : i32
      %dma_wait3A_954 = tpu.memref_slice %arg8[%dma_wait3A_948, %dma_wait3A_953] : memref<80x128xi32, #tpu.memory_space<vmem>> -> memref<1x128xi32, #tpu.memory_space<vmem>>
      %dma_wait3A_955 = tpu.memref_squeeze %dma_wait3A_954 : memref<1x128xi32, #tpu.memory_space<vmem>> -> memref<128xi32, #tpu.memory_space<vmem>>
      %dma_wait3A_956 = arith.constant 0 : i32
      %dma_wait3A_957 = arith.constant 0 : i32
      %dma_wait3A_958 = tpu.memref_slice %arg10[%dma_wait3A_956, %dma_wait3A_957] : memref<10240x32xf32, #tpu.memory_space<vmem_shared>> -> memref<10240x32xf32, #tpu.memory_space<vmem_shared>>
      tpu.wait_indirect_dma semaphore(%arg26 : memref<!tpu.dma_semaphore, #tpu.memory_space<semaphore_mem>>) src(%dma_wait3A_952 : memref<128x32xf32, #tpu.memory_space<vmem>>) dst(%dma_wait3A_958 : memref<10240x32xf32, #tpu.memory_space<vmem_shared>>)
      %add3A_959 = arith.constant 6 : i32
      %add3A_960 = arith.addi %add3A_924, %add3A_959 : i32
      %dma_start3A_961 = arith.constant 7 : i32
      %dma_start3A_962 = arith.constant 0 : i32
      %dma_start3A_963 = arith.constant 0 : i32
      %dma_start3A_964 = tpu.memref_slice %arg9[%dma_start3A_961, %dma_start3A_962, %dma_start3A_963] : memref<8x128x32xf32, #tpu.memory_space<vmem>> -> memref<1x128x32xf32, #tpu.memory_space<vmem>>
      %dma_start3A_965 = tpu.memref_squeeze %dma_start3A_964 : memref<1x128x32xf32, #tpu.memory_space<vmem>> -> memref<128x32xf32, #tpu.memory_space<vmem>>
      %dma_start3A_966 = arith.constant 0 : i32
      %dma_start3A_967 = tpu.memref_slice %arg7[%add3A_960, %dma_start3A_966] : memref<80x128xi32, #tpu.memory_space<vmem>> -> memref<1x128xi32, #tpu.memory_space<vmem>>
      %dma_start3A_968 = tpu.memref_squeeze %dma_start3A_967 : memref<1x128xi32, #tpu.memory_space<vmem>> -> memref<128xi32, #tpu.memory_space<vmem>>
      %dma_start3A_969 = arith.constant 0 : i32
      %dma_start3A_970 = arith.constant 0 : i32
      %dma_start3A_971 = tpu.memref_slice %arg2[%dma_start3A_969, %dma_start3A_970] : memref<10240x32xf32, #tpu.memory_space<hbm>> -> memref<10240x32xf32, #tpu.memory_space<hbm>>
      tpu.enqueue_indirect_dma source(%dma_start3A_971 : memref<10240x32xf32, #tpu.memory_space<hbm>>) target(%dma_start3A_965 : memref<128x32xf32, #tpu.memory_space<vmem>>) offsets(%dma_start3A_968 : memref<128xi32, #tpu.memory_space<vmem>>) semaphore(%arg18 : memref<!tpu.dma_semaphore, #tpu.memory_space<semaphore_mem>>)
      %mul3A_972 = arith.constant 8 : i32
      %mul3A_973 = arith.muli %scan3A_869, %mul3A_972 : i32
      %add3A_974 = arith.constant 2 : i32
      %add3A_975 = arith.addi %mul3A_973, %add3A_974 : i32
      %dma_wait3A_976 = arith.constant 2 : i32
      %dma_wait3A_977 = arith.constant 0 : i32
      %dma_wait3A_978 = arith.constant 0 : i32
      %dma_wait3A_979 = tpu.memref_slice %arg9[%dma_wait3A_976, %dma_wait3A_977, %dma_wait3A_978] : memref<8x128x32xf32, #tpu.memory_space<vmem>> -> memref<1x128x32xf32, #tpu.memory_space<vmem>>
      %dma_wait3A_980 = tpu.memref_squeeze %dma_wait3A_979 : memref<1x128x32xf32, #tpu.memory_space<vmem>> -> memref<128x32xf32, #tpu.memory_space<vmem>>
      %dma_wait3A_981 = arith.constant 0 : i32
      %dma_wait3A_982 = tpu.memref_slice %arg7[%add3A_975, %dma_wait3A_981] : memref<80x128xi32, #tpu.memory_space<vmem>> -> memref<1x128xi32, #tpu.memory_space<vmem>>
      %dma_wait3A_983 = tpu.memref_squeeze %dma_wait3A_982 : memref<1x128xi32, #tpu.memory_space<vmem>> -> memref<128xi32, #tpu.memory_space<vmem>>
      %dma_wait3A_984 = arith.constant 0 : i32
      %dma_wait3A_985 = arith.constant 0 : i32
      %dma_wait3A_986 = tpu.memref_slice %arg2[%dma_wait3A_984, %dma_wait3A_985] : memref<10240x32xf32, #tpu.memory_space<hbm>> -> memref<10240x32xf32, #tpu.memory_space<hbm>>
      tpu.wait_indirect_dma semaphore(%arg13 : memref<!tpu.dma_semaphore, #tpu.memory_space<semaphore_mem>>) src(%dma_wait3A_986 : memref<10240x32xf32, #tpu.memory_space<hbm>>) dst(%dma_wait3A_980 : memref<128x32xf32, #tpu.memory_space<vmem>>)
      %dma_start3A_987 = arith.constant 2 : i32
      %dma_start3A_988 = arith.constant 0 : i32
      %dma_start3A_989 = arith.constant 0 : i32
      %dma_start3A_990 = tpu.memref_slice %arg9[%dma_start3A_987, %dma_start3A_988, %dma_start3A_989] : memref<8x128x32xf32, #tpu.memory_space<vmem>> -> memref<1x128x32xf32, #tpu.memory_space<vmem>>
      %dma_start3A_991 = tpu.memref_squeeze %dma_start3A_990 : memref<1x128x32xf32, #tpu.memory_space<vmem>> -> memref<128x32xf32, #tpu.memory_space<vmem>>
      %dma_start3A_992 = arith.constant 0 : i32
      %dma_start3A_993 = tpu.memref_slice %arg8[%add3A_975, %dma_start3A_992] : memref<80x128xi32, #tpu.memory_space<vmem>> -> memref<1x128xi32, #tpu.memory_space<vmem>>
      %dma_start3A_994 = tpu.memref_squeeze %dma_start3A_993 : memref<1x128xi32, #tpu.memory_space<vmem>> -> memref<128xi32, #tpu.memory_space<vmem>>
      %dma_start3A_995 = arith.constant 0 : i32
      %dma_start3A_996 = arith.constant 0 : i32
      %dma_start3A_997 = tpu.memref_slice %arg10[%dma_start3A_995, %dma_start3A_996] : memref<10240x32xf32, #tpu.memory_space<vmem_shared>> -> memref<10240x32xf32, #tpu.memory_space<vmem_shared>>
      tpu.enqueue_indirect_dma source(%dma_start3A_991 : memref<128x32xf32, #tpu.memory_space<vmem>>) target(%dma_start3A_997 : memref<10240x32xf32, #tpu.memory_space<vmem_shared>>) offsets(%dma_start3A_994 : memref<128xi32, #tpu.memory_space<vmem>>) semaphore(%arg21 : memref<!tpu.dma_semaphore, #tpu.memory_space<semaphore_mem>>) {add = true}
      %dma_wait3A_998 = arith.constant 0 : i32
      %dma_wait3A_999 = arith.constant 0 : i32
      %dma_wait3A_1000 = arith.constant 0 : i32
      %dma_wait3A_1001 = arith.constant 0 : i32
      %dma_wait3A_1002 = tpu.memref_slice %arg9[%dma_wait3A_998, %dma_wait3A_1000, %dma_wait3A_1001] : memref<8x128x32xf32, #tpu.memory_space<vmem>> -> memref<1x128x32xf32, #tpu.memory_space<vmem>>
      %dma_wait3A_1003 = tpu.memref_squeeze %dma_wait3A_1002 : memref<1x128x32xf32, #tpu.memory_space<vmem>> -> memref<128x32xf32, #tpu.memory_space<vmem>>
      %dma_wait3A_1004 = arith.constant 0 : i32
      %dma_wait3A_1005 = tpu.memref_slice %arg8[%dma_wait3A_999, %dma_wait3A_1004] : memref<80x128xi32, #tpu.memory_space<vmem>> -> memref<1x128xi32, #tpu.memory_space<vmem>>
      %dma_wait3A_1006 = tpu.memref_squeeze %dma_wait3A_1005 : memref<1x128xi32, #tpu.memory_space<vmem>> -> memref<128xi32, #tpu.memory_space<vmem>>
      %dma_wait3A_1007 = arith.constant 0 : i32
      %dma_wait3A_1008 = arith.constant 0 : i32
      %dma_wait3A_1009 = tpu.memref_slice %arg10[%dma_wait3A_1007, %dma_wait3A_1008] : memref<10240x32xf32, #tpu.memory_space<vmem_shared>> -> memref<10240x32xf32, #tpu.memory_space<vmem_shared>>
      tpu.wait_indirect_dma semaphore(%arg19 : memref<!tpu.dma_semaphore, #tpu.memory_space<semaphore_mem>>) src(%dma_wait3A_1003 : memref<128x32xf32, #tpu.memory_space<vmem>>) dst(%dma_wait3A_1009 : memref<10240x32xf32, #tpu.memory_space<vmem_shared>>)
      %add3A_1010 = arith.constant 6 : i32
      %add3A_1011 = arith.addi %add3A_975, %add3A_1010 : i32
      %dma_start3A_1012 = arith.constant 0 : i32
      %dma_start3A_1013 = arith.constant 0 : i32
      %dma_start3A_1014 = arith.constant 0 : i32
      %dma_start3A_1015 = tpu.memref_slice %arg9[%dma_start3A_1012, %dma_start3A_1013, %dma_start3A_1014] : memref<8x128x32xf32, #tpu.memory_space<vmem>> -> memref<1x128x32xf32, #tpu.memory_space<vmem>>
      %dma_start3A_1016 = tpu.memref_squeeze %dma_start3A_1015 : memref<1x128x32xf32, #tpu.memory_space<vmem>> -> memref<128x32xf32, #tpu.memory_space<vmem>>
      %dma_start3A_1017 = arith.constant 0 : i32
      %dma_start3A_1018 = tpu.memref_slice %arg7[%add3A_1011, %dma_start3A_1017] : memref<80x128xi32, #tpu.memory_space<vmem>> -> memref<1x128xi32, #tpu.memory_space<vmem>>
      %dma_start3A_1019 = tpu.memref_squeeze %dma_start3A_1018 : memref<1x128xi32, #tpu.memory_space<vmem>> -> memref<128xi32, #tpu.memory_space<vmem>>
      %dma_start3A_1020 = arith.constant 0 : i32
      %dma_start3A_1021 = arith.constant 0 : i32
      %dma_start3A_1022 = tpu.memref_slice %arg2[%dma_start3A_1020, %dma_start3A_1021] : memref<10240x32xf32, #tpu.memory_space<hbm>> -> memref<10240x32xf32, #tpu.memory_space<hbm>>
      tpu.enqueue_indirect_dma source(%dma_start3A_1022 : memref<10240x32xf32, #tpu.memory_space<hbm>>) target(%dma_start3A_1016 : memref<128x32xf32, #tpu.memory_space<vmem>>) offsets(%dma_start3A_1019 : memref<128xi32, #tpu.memory_space<vmem>>) semaphore(%arg11 : memref<!tpu.dma_semaphore, #tpu.memory_space<semaphore_mem>>)
      %mul3A_1023 = arith.constant 8 : i32
      %mul3A_1024 = arith.muli %scan3A_869, %mul3A_1023 : i32
      %add3A_1025 = arith.constant 3 : i32
      %add3A_1026 = arith.addi %mul3A_1024, %add3A_1025 : i32
      %dma_wait3A_1027 = arith.constant 3 : i32
      %dma_wait3A_1028 = arith.constant 0 : i32
      %dma_wait3A_1029 = arith.constant 0 : i32
      %dma_wait3A_1030 = tpu.memref_slice %arg9[%dma_wait3A_1027, %dma_wait3A_1028, %dma_wait3A_1029] : memref<8x128x32xf32, #tpu.memory_space<vmem>> -> memref<1x128x32xf32, #tpu.memory_space<vmem>>
      %dma_wait3A_1031 = tpu.memref_squeeze %dma_wait3A_1030 : memref<1x128x32xf32, #tpu.memory_space<vmem>> -> memref<128x32xf32, #tpu.memory_space<vmem>>
      %dma_wait3A_1032 = arith.constant 0 : i32
      %dma_wait3A_1033 = tpu.memref_slice %arg7[%add3A_1026, %dma_wait3A_1032] : memref<80x128xi32, #tpu.memory_space<vmem>> -> memref<1x128xi32, #tpu.memory_space<vmem>>
      %dma_wait3A_1034 = tpu.memref_squeeze %dma_wait3A_1033 : memref<1x128xi32, #tpu.memory_space<vmem>> -> memref<128xi32, #tpu.memory_space<vmem>>
      %dma_wait3A_1035 = arith.constant 0 : i32
      %dma_wait3A_1036 = arith.constant 0 : i32
      %dma_wait3A_1037 = tpu.memref_slice %arg2[%dma_wait3A_1035, %dma_wait3A_1036] : memref<10240x32xf32, #tpu.memory_space<hbm>> -> memref<10240x32xf32, #tpu.memory_space<hbm>>
      tpu.wait_indirect_dma semaphore(%arg14 : memref<!tpu.dma_semaphore, #tpu.memory_space<semaphore_mem>>) src(%dma_wait3A_1037 : memref<10240x32xf32, #tpu.memory_space<hbm>>) dst(%dma_wait3A_1031 : memref<128x32xf32, #tpu.memory_space<vmem>>)
      %dma_start3A_1038 = arith.constant 3 : i32
      %dma_start3A_1039 = arith.constant 0 : i32
      %dma_start3A_1040 = arith.constant 0 : i32
      %dma_start3A_1041 = tpu.memref_slice %arg9[%dma_start3A_1038, %dma_start3A_1039, %dma_start3A_1040] : memref<8x128x32xf32, #tpu.memory_space<vmem>> -> memref<1x128x32xf32, #tpu.memory_space<vmem>>
      %dma_start3A_1042 = tpu.memref_squeeze %dma_start3A_1041 : memref<1x128x32xf32, #tpu.memory_space<vmem>> -> memref<128x32xf32, #tpu.memory_space<vmem>>
      %dma_start3A_1043 = arith.constant 0 : i32
      %dma_start3A_1044 = tpu.memref_slice %arg8[%add3A_1026, %dma_start3A_1043] : memref<80x128xi32, #tpu.memory_space<vmem>> -> memref<1x128xi32, #tpu.memory_space<vmem>>
      %dma_start3A_1045 = tpu.memref_squeeze %dma_start3A_1044 : memref<1x128xi32, #tpu.memory_space<vmem>> -> memref<128xi32, #tpu.memory_space<vmem>>
      %dma_start3A_1046 = arith.constant 0 : i32
      %dma_start3A_1047 = arith.constant 0 : i32
      %dma_start3A_1048 = tpu.memref_slice %arg10[%dma_start3A_1046, %dma_start3A_1047] : memref<10240x32xf32, #tpu.memory_space<vmem_shared>> -> memref<10240x32xf32, #tpu.memory_space<vmem_shared>>
      tpu.enqueue_indirect_dma source(%dma_start3A_1042 : memref<128x32xf32, #tpu.memory_space<vmem>>) target(%dma_start3A_1048 : memref<10240x32xf32, #tpu.memory_space<vmem_shared>>) offsets(%dma_start3A_1045 : memref<128xi32, #tpu.memory_space<vmem>>) semaphore(%arg22 : memref<!tpu.dma_semaphore, #tpu.memory_space<semaphore_mem>>) {add = true}
      %dma_wait3A_1049 = arith.constant 1 : i32
      %dma_wait3A_1050 = arith.constant 0 : i32
      %dma_wait3A_1051 = arith.constant 0 : i32
      %dma_wait3A_1052 = arith.constant 0 : i32
      %dma_wait3A_1053 = tpu.memref_slice %arg9[%dma_wait3A_1049, %dma_wait3A_1051, %dma_wait3A_1052] : memref<8x128x32xf32, #tpu.memory_space<vmem>> -> memref<1x128x32xf32, #tpu.memory_space<vmem>>
      %dma_wait3A_1054 = tpu.memref_squeeze %dma_wait3A_1053 : memref<1x128x32xf32, #tpu.memory_space<vmem>> -> memref<128x32xf32, #tpu.memory_space<vmem>>
      %dma_wait3A_1055 = arith.constant 0 : i32
      %dma_wait3A_1056 = tpu.memref_slice %arg8[%dma_wait3A_1050, %dma_wait3A_1055] : memref<80x128xi32, #tpu.memory_space<vmem>> -> memref<1x128xi32, #tpu.memory_space<vmem>>
      %dma_wait3A_1057 = tpu.memref_squeeze %dma_wait3A_1056 : memref<1x128xi32, #tpu.memory_space<vmem>> -> memref<128xi32, #tpu.memory_space<vmem>>
      %dma_wait3A_1058 = arith.constant 0 : i32
      %dma_wait3A_1059 = arith.constant 0 : i32
      %dma_wait3A_1060 = tpu.memref_slice %arg10[%dma_wait3A_1058, %dma_wait3A_1059] : memref<10240x32xf32, #tpu.memory_space<vmem_shared>> -> memref<10240x32xf32, #tpu.memory_space<vmem_shared>>
      tpu.wait_indirect_dma semaphore(%arg20 : memref<!tpu.dma_semaphore, #tpu.memory_space<semaphore_mem>>) src(%dma_wait3A_1054 : memref<128x32xf32, #tpu.memory_space<vmem>>) dst(%dma_wait3A_1060 : memref<10240x32xf32, #tpu.memory_space<vmem_shared>>)
      %add3A_1061 = arith.constant 6 : i32
      %add3A_1062 = arith.addi %add3A_1026, %add3A_1061 : i32
      %dma_start3A_1063 = arith.constant 1 : i32
      %dma_start3A_1064 = arith.constant 0 : i32
      %dma_start3A_1065 = arith.constant 0 : i32
      %dma_start3A_1066 = tpu.memref_slice %arg9[%dma_start3A_1063, %dma_start3A_1064, %dma_start3A_1065] : memref<8x128x32xf32, #tpu.memory_space<vmem>> -> memref<1x128x32xf32, #tpu.memory_space<vmem>>
      %dma_start3A_1067 = tpu.memref_squeeze %dma_start3A_1066 : memref<1x128x32xf32, #tpu.memory_space<vmem>> -> memref<128x32xf32, #tpu.memory_space<vmem>>
      %dma_start3A_1068 = arith.constant 0 : i32
      %dma_start3A_1069 = tpu.memref_slice %arg7[%add3A_1062, %dma_start3A_1068] : memref<80x128xi32, #tpu.memory_space<vmem>> -> memref<1x128xi32, #tpu.memory_space<vmem>>
      %dma_start3A_1070 = tpu.memref_squeeze %dma_start3A_1069 : memref<1x128xi32, #tpu.memory_space<vmem>> -> memref<128xi32, #tpu.memory_space<vmem>>
      %dma_start3A_1071 = arith.constant 0 : i32
      %dma_start3A_1072 = arith.constant 0 : i32
      %dma_start3A_1073 = tpu.memref_slice %arg2[%dma_start3A_1071, %dma_start3A_1072] : memref<10240x32xf32, #tpu.memory_space<hbm>> -> memref<10240x32xf32, #tpu.memory_space<hbm>>
      tpu.enqueue_indirect_dma source(%dma_start3A_1073 : memref<10240x32xf32, #tpu.memory_space<hbm>>) target(%dma_start3A_1067 : memref<128x32xf32, #tpu.memory_space<vmem>>) offsets(%dma_start3A_1070 : memref<128xi32, #tpu.memory_space<vmem>>) semaphore(%arg12 : memref<!tpu.dma_semaphore, #tpu.memory_space<semaphore_mem>>)
      %mul3A_1074 = arith.constant 8 : i32
      %mul3A_1075 = arith.muli %scan3A_869, %mul3A_1074 : i32
      %add3A_1076 = arith.constant 4 : i32
      %add3A_1077 = arith.addi %mul3A_1075, %add3A_1076 : i32
      %dma_wait3A_1078 = arith.constant 4 : i32
      %dma_wait3A_1079 = arith.constant 0 : i32
      %dma_wait3A_1080 = arith.constant 0 : i32
      %dma_wait3A_1081 = tpu.memref_slice %arg9[%dma_wait3A_1078, %dma_wait3A_1079, %dma_wait3A_1080] : memref<8x128x32xf32, #tpu.memory_space<vmem>> -> memref<1x128x32xf32, #tpu.memory_space<vmem>>
      %dma_wait3A_1082 = tpu.memref_squeeze %dma_wait3A_1081 : memref<1x128x32xf32, #tpu.memory_space<vmem>> -> memref<128x32xf32, #tpu.memory_space<vmem>>
      %dma_wait3A_1083 = arith.constant 0 : i32
      %dma_wait3A_1084 = tpu.memref_slice %arg7[%add3A_1077, %dma_wait3A_1083] : memref<80x128xi32, #tpu.memory_space<vmem>> -> memref<1x128xi32, #tpu.memory_space<vmem>>
      %dma_wait3A_1085 = tpu.memref_squeeze %dma_wait3A_1084 : memref<1x128xi32, #tpu.memory_space<vmem>> -> memref<128xi32, #tpu.memory_space<vmem>>
      %dma_wait3A_1086 = arith.constant 0 : i32
      %dma_wait3A_1087 = arith.constant 0 : i32
      %dma_wait3A_1088 = tpu.memref_slice %arg2[%dma_wait3A_1086, %dma_wait3A_1087] : memref<10240x32xf32, #tpu.memory_space<hbm>> -> memref<10240x32xf32, #tpu.memory_space<hbm>>
      tpu.wait_indirect_dma semaphore(%arg15 : memref<!tpu.dma_semaphore, #tpu.memory_space<semaphore_mem>>) src(%dma_wait3A_1088 : memref<10240x32xf32, #tpu.memory_space<hbm>>) dst(%dma_wait3A_1082 : memref<128x32xf32, #tpu.memory_space<vmem>>)
      %dma_start3A_1089 = arith.constant 4 : i32
      %dma_start3A_1090 = arith.constant 0 : i32
      %dma_start3A_1091 = arith.constant 0 : i32
      %dma_start3A_1092 = tpu.memref_slice %arg9[%dma_start3A_1089, %dma_start3A_1090, %dma_start3A_1091] : memref<8x128x32xf32, #tpu.memory_space<vmem>> -> memref<1x128x32xf32, #tpu.memory_space<vmem>>
      %dma_start3A_1093 = tpu.memref_squeeze %dma_start3A_1092 : memref<1x128x32xf32, #tpu.memory_space<vmem>> -> memref<128x32xf32, #tpu.memory_space<vmem>>
      %dma_start3A_1094 = arith.constant 0 : i32
      %dma_start3A_1095 = tpu.memref_slice %arg8[%add3A_1077, %dma_start3A_1094] : memref<80x128xi32, #tpu.memory_space<vmem>> -> memref<1x128xi32, #tpu.memory_space<vmem>>
      %dma_start3A_1096 = tpu.memref_squeeze %dma_start3A_1095 : memref<1x128xi32, #tpu.memory_space<vmem>> -> memref<128xi32, #tpu.memory_space<vmem>>
      %dma_start3A_1097 = arith.constant 0 : i32
      %dma_start3A_1098 = arith.constant 0 : i32
      %dma_start3A_1099 = tpu.memref_slice %arg10[%dma_start3A_1097, %dma_start3A_1098] : memref<10240x32xf32, #tpu.memory_space<vmem_shared>> -> memref<10240x32xf32, #tpu.memory_space<vmem_shared>>
      tpu.enqueue_indirect_dma source(%dma_start3A_1093 : memref<128x32xf32, #tpu.memory_space<vmem>>) target(%dma_start3A_1099 : memref<10240x32xf32, #tpu.memory_space<vmem_shared>>) offsets(%dma_start3A_1096 : memref<128xi32, #tpu.memory_space<vmem>>) semaphore(%arg23 : memref<!tpu.dma_semaphore, #tpu.memory_space<semaphore_mem>>) {add = true}
      %dma_wait3A_1100 = arith.constant 2 : i32
      %dma_wait3A_1101 = arith.constant 0 : i32
      %dma_wait3A_1102 = arith.constant 0 : i32
      %dma_wait3A_1103 = arith.constant 0 : i32
      %dma_wait3A_1104 = tpu.memref_slice %arg9[%dma_wait3A_1100, %dma_wait3A_1102, %dma_wait3A_1103] : memref<8x128x32xf32, #tpu.memory_space<vmem>> -> memref<1x128x32xf32, #tpu.memory_space<vmem>>
      %dma_wait3A_1105 = tpu.memref_squeeze %dma_wait3A_1104 : memref<1x128x32xf32, #tpu.memory_space<vmem>> -> memref<128x32xf32, #tpu.memory_space<vmem>>
      %dma_wait3A_1106 = arith.constant 0 : i32
      %dma_wait3A_1107 = tpu.memref_slice %arg8[%dma_wait3A_1101, %dma_wait3A_1106] : memref<80x128xi32, #tpu.memory_space<vmem>> -> memref<1x128xi32, #tpu.memory_space<vmem>>
      %dma_wait3A_1108 = tpu.memref_squeeze %dma_wait3A_1107 : memref<1x128xi32, #tpu.memory_space<vmem>> -> memref<128xi32, #tpu.memory_space<vmem>>
      %dma_wait3A_1109 = arith.constant 0 : i32
      %dma_wait3A_1110 = arith.constant 0 : i32
      %dma_wait3A_1111 = tpu.memref_slice %arg10[%dma_wait3A_1109, %dma_wait3A_1110] : memref<10240x32xf32, #tpu.memory_space<vmem_shared>> -> memref<10240x32xf32, #tpu.memory_space<vmem_shared>>
      tpu.wait_indirect_dma semaphore(%arg21 : memref<!tpu.dma_semaphore, #tpu.memory_space<semaphore_mem>>) src(%dma_wait3A_1105 : memref<128x32xf32, #tpu.memory_space<vmem>>) dst(%dma_wait3A_1111 : memref<10240x32xf32, #tpu.memory_space<vmem_shared>>)
      %add3A_1112 = arith.constant 6 : i32
      %add3A_1113 = arith.addi %add3A_1077, %add3A_1112 : i32
      %dma_start3A_1114 = arith.constant 2 : i32
      %dma_start3A_1115 = arith.constant 0 : i32
      %dma_start3A_1116 = arith.constant 0 : i32
      %dma_start3A_1117 = tpu.memref_slice %arg9[%dma_start3A_1114, %dma_start3A_1115, %dma_start3A_1116] : memref<8x128x32xf32, #tpu.memory_space<vmem>> -> memref<1x128x32xf32, #tpu.memory_space<vmem>>
      %dma_start3A_1118 = tpu.memref_squeeze %dma_start3A_1117 : memref<1x128x32xf32, #tpu.memory_space<vmem>> -> memref<128x32xf32, #tpu.memory_space<vmem>>
      %dma_start3A_1119 = arith.constant 0 : i32
      %dma_start3A_1120 = tpu.memref_slice %arg7[%add3A_1113, %dma_start3A_1119] : memref<80x128xi32, #tpu.memory_space<vmem>> -> memref<1x128xi32, #tpu.memory_space<vmem>>
      %dma_start3A_1121 = tpu.memref_squeeze %dma_start3A_1120 : memref<1x128xi32, #tpu.memory_space<vmem>> -> memref<128xi32, #tpu.memory_space<vmem>>
      %dma_start3A_1122 = arith.constant 0 : i32
      %dma_start3A_1123 = arith.constant 0 : i32
      %dma_start3A_1124 = tpu.memref_slice %arg2[%dma_start3A_1122, %dma_start3A_1123] : memref<10240x32xf32, #tpu.memory_space<hbm>> -> memref<10240x32xf32, #tpu.memory_space<hbm>>
      tpu.enqueue_indirect_dma source(%dma_start3A_1124 : memref<10240x32xf32, #tpu.memory_space<hbm>>) target(%dma_start3A_1118 : memref<128x32xf32, #tpu.memory_space<vmem>>) offsets(%dma_start3A_1121 : memref<128xi32, #tpu.memory_space<vmem>>) semaphore(%arg13 : memref<!tpu.dma_semaphore, #tpu.memory_space<semaphore_mem>>)
      %mul3A_1125 = arith.constant 8 : i32
      %mul3A_1126 = arith.muli %scan3A_869, %mul3A_1125 : i32
      %add3A_1127 = arith.constant 5 : i32
      %add3A_1128 = arith.addi %mul3A_1126, %add3A_1127 : i32
      %dma_wait3A_1129 = arith.constant 5 : i32
      %dma_wait3A_1130 = arith.constant 0 : i32
      %dma_wait3A_1131 = arith.constant 0 : i32
      %dma_wait3A_1132 = tpu.memref_slice %arg9[%dma_wait3A_1129, %dma_wait3A_1130, %dma_wait3A_1131] : memref<8x128x32xf32, #tpu.memory_space<vmem>> -> memref<1x128x32xf32, #tpu.memory_space<vmem>>
      %dma_wait3A_1133 = tpu.memref_squeeze %dma_wait3A_1132 : memref<1x128x32xf32, #tpu.memory_space<vmem>> -> memref<128x32xf32, #tpu.memory_space<vmem>>
      %dma_wait3A_1134 = arith.constant 0 : i32
      %dma_wait3A_1135 = tpu.memref_slice %arg7[%add3A_1128, %dma_wait3A_1134] : memref<80x128xi32, #tpu.memory_space<vmem>> -> memref<1x128xi32, #tpu.memory_space<vmem>>
      %dma_wait3A_1136 = tpu.memref_squeeze %dma_wait3A_1135 : memref<1x128xi32, #tpu.memory_space<vmem>> -> memref<128xi32, #tpu.memory_space<vmem>>
      %dma_wait3A_1137 = arith.constant 0 : i32
      %dma_wait3A_1138 = arith.constant 0 : i32
      %dma_wait3A_1139 = tpu.memref_slice %arg2[%dma_wait3A_1137, %dma_wait3A_1138] : memref<10240x32xf32, #tpu.memory_space<hbm>> -> memref<10240x32xf32, #tpu.memory_space<hbm>>
      tpu.wait_indirect_dma semaphore(%arg16 : memref<!tpu.dma_semaphore, #tpu.memory_space<semaphore_mem>>) src(%dma_wait3A_1139 : memref<10240x32xf32, #tpu.memory_space<hbm>>) dst(%dma_wait3A_1133 : memref<128x32xf32, #tpu.memory_space<vmem>>)
      %dma_start3A_1140 = arith.constant 5 : i32
      %dma_start3A_1141 = arith.constant 0 : i32
      %dma_start3A_1142 = arith.constant 0 : i32
      %dma_start3A_1143 = tpu.memref_slice %arg9[%dma_start3A_1140, %dma_start3A_1141, %dma_start3A_1142] : memref<8x128x32xf32, #tpu.memory_space<vmem>> -> memref<1x128x32xf32, #tpu.memory_space<vmem>>
      %dma_start3A_1144 = tpu.memref_squeeze %dma_start3A_1143 : memref<1x128x32xf32, #tpu.memory_space<vmem>> -> memref<128x32xf32, #tpu.memory_space<vmem>>
      %dma_start3A_1145 = arith.constant 0 : i32
      %dma_start3A_1146 = tpu.memref_slice %arg8[%add3A_1128, %dma_start3A_1145] : memref<80x128xi32, #tpu.memory_space<vmem>> -> memref<1x128xi32, #tpu.memory_space<vmem>>
      %dma_start3A_1147 = tpu.memref_squeeze %dma_start3A_1146 : memref<1x128xi32, #tpu.memory_space<vmem>> -> memref<128xi32, #tpu.memory_space<vmem>>
      %dma_start3A_1148 = arith.constant 0 : i32
      %dma_start3A_1149 = arith.constant 0 : i32
      %dma_start3A_1150 = tpu.memref_slice %arg10[%dma_start3A_1148, %dma_start3A_1149] : memref<10240x32xf32, #tpu.memory_space<vmem_shared>> -> memref<10240x32xf32, #tpu.memory_space<vmem_shared>>
      tpu.enqueue_indirect_dma source(%dma_start3A_1144 : memref<128x32xf32, #tpu.memory_space<vmem>>) target(%dma_start3A_1150 : memref<10240x32xf32, #tpu.memory_space<vmem_shared>>) offsets(%dma_start3A_1147 : memref<128xi32, #tpu.memory_space<vmem>>) semaphore(%arg24 : memref<!tpu.dma_semaphore, #tpu.memory_space<semaphore_mem>>) {add = true}
      %dma_wait3A_1151 = arith.constant 3 : i32
      %dma_wait3A_1152 = arith.constant 0 : i32
      %dma_wait3A_1153 = arith.constant 0 : i32
      %dma_wait3A_1154 = arith.constant 0 : i32
      %dma_wait3A_1155 = tpu.memref_slice %arg9[%dma_wait3A_1151, %dma_wait3A_1153, %dma_wait3A_1154] : memref<8x128x32xf32, #tpu.memory_space<vmem>> -> memref<1x128x32xf32, #tpu.memory_space<vmem>>
      %dma_wait3A_1156 = tpu.memref_squeeze %dma_wait3A_1155 : memref<1x128x32xf32, #tpu.memory_space<vmem>> -> memref<128x32xf32, #tpu.memory_space<vmem>>
      %dma_wait3A_1157 = arith.constant 0 : i32
      %dma_wait3A_1158 = tpu.memref_slice %arg8[%dma_wait3A_1152, %dma_wait3A_1157] : memref<80x128xi32, #tpu.memory_space<vmem>> -> memref<1x128xi32, #tpu.memory_space<vmem>>
      %dma_wait3A_1159 = tpu.memref_squeeze %dma_wait3A_1158 : memref<1x128xi32, #tpu.memory_space<vmem>> -> memref<128xi32, #tpu.memory_space<vmem>>
      %dma_wait3A_1160 = arith.constant 0 : i32
      %dma_wait3A_1161 = arith.constant 0 : i32
      %dma_wait3A_1162 = tpu.memref_slice %arg10[%dma_wait3A_1160, %dma_wait3A_1161] : memref<10240x32xf32, #tpu.memory_space<vmem_shared>> -> memref<10240x32xf32, #tpu.memory_space<vmem_shared>>
      tpu.wait_indirect_dma semaphore(%arg22 : memref<!tpu.dma_semaphore, #tpu.memory_space<semaphore_mem>>) src(%dma_wait3A_1156 : memref<128x32xf32, #tpu.memory_space<vmem>>) dst(%dma_wait3A_1162 : memref<10240x32xf32, #tpu.memory_space<vmem_shared>>)
      %add3A_1163 = arith.constant 6 : i32
      %add3A_1164 = arith.addi %add3A_1128, %add3A_1163 : i32
      %dma_start3A_1165 = arith.constant 3 : i32
      %dma_start3A_1166 = arith.constant 0 : i32
      %dma_start3A_1167 = arith.constant 0 : i32
      %dma_start3A_1168 = tpu.memref_slice %arg9[%dma_start3A_1165, %dma_start3A_1166, %dma_start3A_1167] : memref<8x128x32xf32, #tpu.memory_space<vmem>> -> memref<1x128x32xf32, #tpu.memory_space<vmem>>
      %dma_start3A_1169 = tpu.memref_squeeze %dma_start3A_1168 : memref<1x128x32xf32, #tpu.memory_space<vmem>> -> memref<128x32xf32, #tpu.memory_space<vmem>>
      %dma_start3A_1170 = arith.constant 0 : i32
      %dma_start3A_1171 = tpu.memref_slice %arg7[%add3A_1164, %dma_start3A_1170] : memref<80x128xi32, #tpu.memory_space<vmem>> -> memref<1x128xi32, #tpu.memory_space<vmem>>
      %dma_start3A_1172 = tpu.memref_squeeze %dma_start3A_1171 : memref<1x128xi32, #tpu.memory_space<vmem>> -> memref<128xi32, #tpu.memory_space<vmem>>
      %dma_start3A_1173 = arith.constant 0 : i32
      %dma_start3A_1174 = arith.constant 0 : i32
      %dma_start3A_1175 = tpu.memref_slice %arg2[%dma_start3A_1173, %dma_start3A_1174] : memref<10240x32xf32, #tpu.memory_space<hbm>> -> memref<10240x32xf32, #tpu.memory_space<hbm>>
      tpu.enqueue_indirect_dma source(%dma_start3A_1175 : memref<10240x32xf32, #tpu.memory_space<hbm>>) target(%dma_start3A_1169 : memref<128x32xf32, #tpu.memory_space<vmem>>) offsets(%dma_start3A_1172 : memref<128xi32, #tpu.memory_space<vmem>>) semaphore(%arg14 : memref<!tpu.dma_semaphore, #tpu.memory_space<semaphore_mem>>)
      %mul3A_1176 = arith.constant 8 : i32
      %mul3A_1177 = arith.muli %scan3A_869, %mul3A_1176 : i32
      %add3A_1178 = arith.constant 6 : i32
      %add3A_1179 = arith.addi %mul3A_1177, %add3A_1178 : i32
      %dma_wait3A_1180 = arith.constant 6 : i32
      %dma_wait3A_1181 = arith.constant 0 : i32
      %dma_wait3A_1182 = arith.constant 0 : i32
      %dma_wait3A_1183 = tpu.memref_slice %arg9[%dma_wait3A_1180, %dma_wait3A_1181, %dma_wait3A_1182] : memref<8x128x32xf32, #tpu.memory_space<vmem>> -> memref<1x128x32xf32, #tpu.memory_space<vmem>>
      %dma_wait3A_1184 = tpu.memref_squeeze %dma_wait3A_1183 : memref<1x128x32xf32, #tpu.memory_space<vmem>> -> memref<128x32xf32, #tpu.memory_space<vmem>>
      %dma_wait3A_1185 = arith.constant 0 : i32
      %dma_wait3A_1186 = tpu.memref_slice %arg7[%add3A_1179, %dma_wait3A_1185] : memref<80x128xi32, #tpu.memory_space<vmem>> -> memref<1x128xi32, #tpu.memory_space<vmem>>
      %dma_wait3A_1187 = tpu.memref_squeeze %dma_wait3A_1186 : memref<1x128xi32, #tpu.memory_space<vmem>> -> memref<128xi32, #tpu.memory_space<vmem>>
      %dma_wait3A_1188 = arith.constant 0 : i32
      %dma_wait3A_1189 = arith.constant 0 : i32
      %dma_wait3A_1190 = tpu.memref_slice %arg2[%dma_wait3A_1188, %dma_wait3A_1189] : memref<10240x32xf32, #tpu.memory_space<hbm>> -> memref<10240x32xf32, #tpu.memory_space<hbm>>
      tpu.wait_indirect_dma semaphore(%arg17 : memref<!tpu.dma_semaphore, #tpu.memory_space<semaphore_mem>>) src(%dma_wait3A_1190 : memref<10240x32xf32, #tpu.memory_space<hbm>>) dst(%dma_wait3A_1184 : memref<128x32xf32, #tpu.memory_space<vmem>>)
      %dma_start3A_1191 = arith.constant 6 : i32
      %dma_start3A_1192 = arith.constant 0 : i32
      %dma_start3A_1193 = arith.constant 0 : i32
      %dma_start3A_1194 = tpu.memref_slice %arg9[%dma_start3A_1191, %dma_start3A_1192, %dma_start3A_1193] : memref<8x128x32xf32, #tpu.memory_space<vmem>> -> memref<1x128x32xf32, #tpu.memory_space<vmem>>
      %dma_start3A_1195 = tpu.memref_squeeze %dma_start3A_1194 : memref<1x128x32xf32, #tpu.memory_space<vmem>> -> memref<128x32xf32, #tpu.memory_space<vmem>>
      %dma_start3A_1196 = arith.constant 0 : i32
      %dma_start3A_1197 = tpu.memref_slice %arg8[%add3A_1179, %dma_start3A_1196] : memref<80x128xi32, #tpu.memory_space<vmem>> -> memref<1x128xi32, #tpu.memory_space<vmem>>
      %dma_start3A_1198 = tpu.memref_squeeze %dma_start3A_1197 : memref<1x128xi32, #tpu.memory_space<vmem>> -> memref<128xi32, #tpu.memory_space<vmem>>
      %dma_start3A_1199 = arith.constant 0 : i32
      %dma_start3A_1200 = arith.constant 0 : i32
      %dma_start3A_1201 = tpu.memref_slice %arg10[%dma_start3A_1199, %dma_start3A_1200] : memref<10240x32xf32, #tpu.memory_space<vmem_shared>> -> memref<10240x32xf32, #tpu.memory_space<vmem_shared>>
      tpu.enqueue_indirect_dma source(%dma_start3A_1195 : memref<128x32xf32, #tpu.memory_space<vmem>>) target(%dma_start3A_1201 : memref<10240x32xf32, #tpu.memory_space<vmem_shared>>) offsets(%dma_start3A_1198 : memref<128xi32, #tpu.memory_space<vmem>>) semaphore(%arg25 : memref<!tpu.dma_semaphore, #tpu.memory_space<semaphore_mem>>) {add = true}
      %dma_wait3A_1202 = arith.constant 4 : i32
      %dma_wait3A_1203 = arith.constant 0 : i32
      %dma_wait3A_1204 = arith.constant 0 : i32
      %dma_wait3A_1205 = arith.constant 0 : i32
      %dma_wait3A_1206 = tpu.memref_slice %arg9[%dma_wait3A_1202, %dma_wait3A_1204, %dma_wait3A_1205] : memref<8x128x32xf32, #tpu.memory_space<vmem>> -> memref<1x128x32xf32, #tpu.memory_space<vmem>>
      %dma_wait3A_1207 = tpu.memref_squeeze %dma_wait3A_1206 : memref<1x128x32xf32, #tpu.memory_space<vmem>> -> memref<128x32xf32, #tpu.memory_space<vmem>>
      %dma_wait3A_1208 = arith.constant 0 : i32
      %dma_wait3A_1209 = tpu.memref_slice %arg8[%dma_wait3A_1203, %dma_wait3A_1208] : memref<80x128xi32, #tpu.memory_space<vmem>> -> memref<1x128xi32, #tpu.memory_space<vmem>>
      %dma_wait3A_1210 = tpu.memref_squeeze %dma_wait3A_1209 : memref<1x128xi32, #tpu.memory_space<vmem>> -> memref<128xi32, #tpu.memory_space<vmem>>
      %dma_wait3A_1211 = arith.constant 0 : i32
      %dma_wait3A_1212 = arith.constant 0 : i32
      %dma_wait3A_1213 = tpu.memref_slice %arg10[%dma_wait3A_1211, %dma_wait3A_1212] : memref<10240x32xf32, #tpu.memory_space<vmem_shared>> -> memref<10240x32xf32, #tpu.memory_space<vmem_shared>>
      tpu.wait_indirect_dma semaphore(%arg23 : memref<!tpu.dma_semaphore, #tpu.memory_space<semaphore_mem>>) src(%dma_wait3A_1207 : memref<128x32xf32, #tpu.memory_space<vmem>>) dst(%dma_wait3A_1213 : memref<10240x32xf32, #tpu.memory_space<vmem_shared>>)
      %add3A_1214 = arith.constant 6 : i32
      %add3A_1215 = arith.addi %add3A_1179, %add3A_1214 : i32
      %dma_start3A_1216 = arith.constant 4 : i32
      %dma_start3A_1217 = arith.constant 0 : i32
      %dma_start3A_1218 = arith.constant 0 : i32
      %dma_start3A_1219 = tpu.memref_slice %arg9[%dma_start3A_1216, %dma_start3A_1217, %dma_start3A_1218] : memref<8x128x32xf32, #tpu.memory_space<vmem>> -> memref<1x128x32xf32, #tpu.memory_space<vmem>>
      %dma_start3A_1220 = tpu.memref_squeeze %dma_start3A_1219 : memref<1x128x32xf32, #tpu.memory_space<vmem>> -> memref<128x32xf32, #tpu.memory_space<vmem>>
      %dma_start3A_1221 = arith.constant 0 : i32
      %dma_start3A_1222 = tpu.memref_slice %arg7[%add3A_1215, %dma_start3A_1221] : memref<80x128xi32, #tpu.memory_space<vmem>> -> memref<1x128xi32, #tpu.memory_space<vmem>>
      %dma_start3A_1223 = tpu.memref_squeeze %dma_start3A_1222 : memref<1x128xi32, #tpu.memory_space<vmem>> -> memref<128xi32, #tpu.memory_space<vmem>>
      %dma_start3A_1224 = arith.constant 0 : i32
      %dma_start3A_1225 = arith.constant 0 : i32
      %dma_start3A_1226 = tpu.memref_slice %arg2[%dma_start3A_1224, %dma_start3A_1225] : memref<10240x32xf32, #tpu.memory_space<hbm>> -> memref<10240x32xf32, #tpu.memory_space<hbm>>
      tpu.enqueue_indirect_dma source(%dma_start3A_1226 : memref<10240x32xf32, #tpu.memory_space<hbm>>) target(%dma_start3A_1220 : memref<128x32xf32, #tpu.memory_space<vmem>>) offsets(%dma_start3A_1223 : memref<128xi32, #tpu.memory_space<vmem>>) semaphore(%arg15 : memref<!tpu.dma_semaphore, #tpu.memory_space<semaphore_mem>>)
      %mul3A_1227 = arith.constant 8 : i32
      %mul3A_1228 = arith.muli %scan3A_869, %mul3A_1227 : i32
      %add3A_1229 = arith.constant 7 : i32
      %add3A_1230 = arith.addi %mul3A_1228, %add3A_1229 : i32
      %dma_wait3A_1231 = arith.constant 7 : i32
      %dma_wait3A_1232 = arith.constant 0 : i32
      %dma_wait3A_1233 = arith.constant 0 : i32
      %dma_wait3A_1234 = tpu.memref_slice %arg9[%dma_wait3A_1231, %dma_wait3A_1232, %dma_wait3A_1233] : memref<8x128x32xf32, #tpu.memory_space<vmem>> -> memref<1x128x32xf32, #tpu.memory_space<vmem>>
      %dma_wait3A_1235 = tpu.memref_squeeze %dma_wait3A_1234 : memref<1x128x32xf32, #tpu.memory_space<vmem>> -> memref<128x32xf32, #tpu.memory_space<vmem>>
      %dma_wait3A_1236 = arith.constant 0 : i32
      %dma_wait3A_1237 = tpu.memref_slice %arg7[%add3A_1230, %dma_wait3A_1236] : memref<80x128xi32, #tpu.memory_space<vmem>> -> memref<1x128xi32, #tpu.memory_space<vmem>>
      %dma_wait3A_1238 = tpu.memref_squeeze %dma_wait3A_1237 : memref<1x128xi32, #tpu.memory_space<vmem>> -> memref<128xi32, #tpu.memory_space<vmem>>
      %dma_wait3A_1239 = arith.constant 0 : i32
      %dma_wait3A_1240 = arith.constant 0 : i32
      %dma_wait3A_1241 = tpu.memref_slice %arg2[%dma_wait3A_1239, %dma_wait3A_1240] : memref<10240x32xf32, #tpu.memory_space<hbm>> -> memref<10240x32xf32, #tpu.memory_space<hbm>>
      tpu.wait_indirect_dma semaphore(%arg18 : memref<!tpu.dma_semaphore, #tpu.memory_space<semaphore_mem>>) src(%dma_wait3A_1241 : memref<10240x32xf32, #tpu.memory_space<hbm>>) dst(%dma_wait3A_1235 : memref<128x32xf32, #tpu.memory_space<vmem>>)
      %dma_start3A_1242 = arith.constant 7 : i32
      %dma_start3A_1243 = arith.constant 0 : i32
      %dma_start3A_1244 = arith.constant 0 : i32
      %dma_start3A_1245 = tpu.memref_slice %arg9[%dma_start3A_1242, %dma_start3A_1243, %dma_start3A_1244] : memref<8x128x32xf32, #tpu.memory_space<vmem>> -> memref<1x128x32xf32, #tpu.memory_space<vmem>>
      %dma_start3A_1246 = tpu.memref_squeeze %dma_start3A_1245 : memref<1x128x32xf32, #tpu.memory_space<vmem>> -> memref<128x32xf32, #tpu.memory_space<vmem>>
      %dma_start3A_1247 = arith.constant 0 : i32
      %dma_start3A_1248 = tpu.memref_slice %arg8[%add3A_1230, %dma_start3A_1247] : memref<80x128xi32, #tpu.memory_space<vmem>> -> memref<1x128xi32, #tpu.memory_space<vmem>>
      %dma_start3A_1249 = tpu.memref_squeeze %dma_start3A_1248 : memref<1x128xi32, #tpu.memory_space<vmem>> -> memref<128xi32, #tpu.memory_space<vmem>>
      %dma_start3A_1250 = arith.constant 0 : i32
      %dma_start3A_1251 = arith.constant 0 : i32
      %dma_start3A_1252 = tpu.memref_slice %arg10[%dma_start3A_1250, %dma_start3A_1251] : memref<10240x32xf32, #tpu.memory_space<vmem_shared>> -> memref<10240x32xf32, #tpu.memory_space<vmem_shared>>
      tpu.enqueue_indirect_dma source(%dma_start3A_1246 : memref<128x32xf32, #tpu.memory_space<vmem>>) target(%dma_start3A_1252 : memref<10240x32xf32, #tpu.memory_space<vmem_shared>>) offsets(%dma_start3A_1249 : memref<128xi32, #tpu.memory_space<vmem>>) semaphore(%arg26 : memref<!tpu.dma_semaphore, #tpu.memory_space<semaphore_mem>>) {add = true}
      %dma_wait3A_1253 = arith.constant 5 : i32
      %dma_wait3A_1254 = arith.constant 0 : i32
      %dma_wait3A_1255 = arith.constant 0 : i32
      %dma_wait3A_1256 = arith.constant 0 : i32
      %dma_wait3A_1257 = tpu.memref_slice %arg9[%dma_wait3A_1253, %dma_wait3A_1255, %dma_wait3A_1256] : memref<8x128x32xf32, #tpu.memory_space<vmem>> -> memref<1x128x32xf32, #tpu.memory_space<vmem>>
      %dma_wait3A_1258 = tpu.memref_squeeze %dma_wait3A_1257 : memref<1x128x32xf32, #tpu.memory_space<vmem>> -> memref<128x32xf32, #tpu.memory_space<vmem>>
      %dma_wait3A_1259 = arith.constant 0 : i32
      %dma_wait3A_1260 = tpu.memref_slice %arg8[%dma_wait3A_1254, %dma_wait3A_1259] : memref<80x128xi32, #tpu.memory_space<vmem>> -> memref<1x128xi32, #tpu.memory_space<vmem>>
      %dma_wait3A_1261 = tpu.memref_squeeze %dma_wait3A_1260 : memref<1x128xi32, #tpu.memory_space<vmem>> -> memref<128xi32, #tpu.memory_space<vmem>>
      %dma_wait3A_1262 = arith.constant 0 : i32
      %dma_wait3A_1263 = arith.constant 0 : i32
      %dma_wait3A_1264 = tpu.memref_slice %arg10[%dma_wait3A_1262, %dma_wait3A_1263] : memref<10240x32xf32, #tpu.memory_space<vmem_shared>> -> memref<10240x32xf32, #tpu.memory_space<vmem_shared>>
      tpu.wait_indirect_dma semaphore(%arg24 : memref<!tpu.dma_semaphore, #tpu.memory_space<semaphore_mem>>) src(%dma_wait3A_1258 : memref<128x32xf32, #tpu.memory_space<vmem>>) dst(%dma_wait3A_1264 : memref<10240x32xf32, #tpu.memory_space<vmem_shared>>)
      %add3A_1265 = arith.constant 6 : i32
      %add3A_1266 = arith.addi %add3A_1230, %add3A_1265 : i32
      %dma_start3A_1267 = arith.constant 5 : i32
      %dma_start3A_1268 = arith.constant 0 : i32
      %dma_start3A_1269 = arith.constant 0 : i32
      %dma_start3A_1270 = tpu.memref_slice %arg9[%dma_start3A_1267, %dma_start3A_1268, %dma_start3A_1269] : memref<8x128x32xf32, #tpu.memory_space<vmem>> -> memref<1x128x32xf32, #tpu.memory_space<vmem>>
      %dma_start3A_1271 = tpu.memref_squeeze %dma_start3A_1270 : memref<1x128x32xf32, #tpu.memory_space<vmem>> -> memref<128x32xf32, #tpu.memory_space<vmem>>
      %dma_start3A_1272 = arith.constant 0 : i32
      %dma_start3A_1273 = tpu.memref_slice %arg7[%add3A_1266, %dma_start3A_1272] : memref<80x128xi32, #tpu.memory_space<vmem>> -> memref<1x128xi32, #tpu.memory_space<vmem>>
      %dma_start3A_1274 = tpu.memref_squeeze %dma_start3A_1273 : memref<1x128xi32, #tpu.memory_space<vmem>> -> memref<128xi32, #tpu.memory_space<vmem>>
      %dma_start3A_1275 = arith.constant 0 : i32
      %dma_start3A_1276 = arith.constant 0 : i32
      %dma_start3A_1277 = tpu.memref_slice %arg2[%dma_start3A_1275, %dma_start3A_1276] : memref<10240x32xf32, #tpu.memory_space<hbm>> -> memref<10240x32xf32, #tpu.memory_space<hbm>>
      tpu.enqueue_indirect_dma source(%dma_start3A_1277 : memref<10240x32xf32, #tpu.memory_space<hbm>>) target(%dma_start3A_1271 : memref<128x32xf32, #tpu.memory_space<vmem>>) offsets(%dma_start3A_1274 : memref<128xi32, #tpu.memory_space<vmem>>) semaphore(%arg16 : memref<!tpu.dma_semaphore, #tpu.memory_space<semaphore_mem>>)
    }
    %scan3A_527 = arith.constant 8 : i32
    %dma_wait3A_528 = arith.constant 72 : i32
    %dma_wait3A_529 = arith.constant 0 : i32
    %dma_wait3A_530 = arith.constant 0 : i32
    %dma_wait3A_531 = arith.constant 0 : i32
    %dma_wait3A_532 = tpu.memref_slice %arg9[%dma_wait3A_529, %dma_wait3A_530, %dma_wait3A_531] : memref<8x128x32xf32, #tpu.memory_space<vmem>> -> memref<1x128x32xf32, #tpu.memory_space<vmem>>
    %dma_wait3A_533 = tpu.memref_squeeze %dma_wait3A_532 : memref<1x128x32xf32, #tpu.memory_space<vmem>> -> memref<128x32xf32, #tpu.memory_space<vmem>>
    %dma_wait3A_534 = arith.constant 0 : i32
    %dma_wait3A_535 = tpu.memref_slice %arg7[%dma_wait3A_528, %dma_wait3A_534] : memref<80x128xi32, #tpu.memory_space<vmem>> -> memref<1x128xi32, #tpu.memory_space<vmem>>
    %dma_wait3A_536 = tpu.memref_squeeze %dma_wait3A_535 : memref<1x128xi32, #tpu.memory_space<vmem>> -> memref<128xi32, #tpu.memory_space<vmem>>
    %dma_wait3A_537 = arith.constant 0 : i32
    %dma_wait3A_538 = arith.constant 0 : i32
    %dma_wait3A_539 = tpu.memref_slice %arg2[%dma_wait3A_537, %dma_wait3A_538] : memref<10240x32xf32, #tpu.memory_space<hbm>> -> memref<10240x32xf32, #tpu.memory_space<hbm>>
    tpu.wait_indirect_dma semaphore(%arg11 : memref<!tpu.dma_semaphore, #tpu.memory_space<semaphore_mem>>) src(%dma_wait3A_539 : memref<10240x32xf32, #tpu.memory_space<hbm>>) dst(%dma_wait3A_533 : memref<128x32xf32, #tpu.memory_space<vmem>>)
    %dma_start3A_540 = arith.constant 0 : i32
    %dma_start3A_541 = arith.constant 72 : i32
    %dma_start3A_542 = arith.constant 0 : i32
    %dma_start3A_543 = arith.constant 0 : i32
    %dma_start3A_544 = tpu.memref_slice %arg9[%dma_start3A_540, %dma_start3A_542, %dma_start3A_543] : memref<8x128x32xf32, #tpu.memory_space<vmem>> -> memref<1x128x32xf32, #tpu.memory_space<vmem>>
    %dma_start3A_545 = tpu.memref_squeeze %dma_start3A_544 : memref<1x128x32xf32, #tpu.memory_space<vmem>> -> memref<128x32xf32, #tpu.memory_space<vmem>>
    %dma_start3A_546 = arith.constant 0 : i32
    %dma_start3A_547 = tpu.memref_slice %arg8[%dma_start3A_541, %dma_start3A_546] : memref<80x128xi32, #tpu.memory_space<vmem>> -> memref<1x128xi32, #tpu.memory_space<vmem>>
    %dma_start3A_548 = tpu.memref_squeeze %dma_start3A_547 : memref<1x128xi32, #tpu.memory_space<vmem>> -> memref<128xi32, #tpu.memory_space<vmem>>
    %dma_start3A_549 = arith.constant 0 : i32
    %dma_start3A_550 = arith.constant 0 : i32
    %dma_start3A_551 = tpu.memref_slice %arg10[%dma_start3A_549, %dma_start3A_550] : memref<10240x32xf32, #tpu.memory_space<vmem_shared>> -> memref<10240x32xf32, #tpu.memory_space<vmem_shared>>
    tpu.enqueue_indirect_dma source(%dma_start3A_545 : memref<128x32xf32, #tpu.memory_space<vmem>>) target(%dma_start3A_551 : memref<10240x32xf32, #tpu.memory_space<vmem_shared>>) offsets(%dma_start3A_548 : memref<128xi32, #tpu.memory_space<vmem>>) semaphore(%arg19 : memref<!tpu.dma_semaphore, #tpu.memory_space<semaphore_mem>>) {add = true}
    %dma_wait3A_552 = arith.constant 6 : i32
    %dma_wait3A_553 = arith.constant 0 : i32
    %dma_wait3A_554 = arith.constant 0 : i32
    %dma_wait3A_555 = arith.constant 0 : i32
    %dma_wait3A_556 = tpu.memref_slice %arg9[%dma_wait3A_552, %dma_wait3A_554, %dma_wait3A_555] : memref<8x128x32xf32, #tpu.memory_space<vmem>> -> memref<1x128x32xf32, #tpu.memory_space<vmem>>
    %dma_wait3A_557 = tpu.memref_squeeze %dma_wait3A_556 : memref<1x128x32xf32, #tpu.memory_space<vmem>> -> memref<128x32xf32, #tpu.memory_space<vmem>>
    %dma_wait3A_558 = arith.constant 0 : i32
    %dma_wait3A_559 = tpu.memref_slice %arg8[%dma_wait3A_553, %dma_wait3A_558] : memref<80x128xi32, #tpu.memory_space<vmem>> -> memref<1x128xi32, #tpu.memory_space<vmem>>
    %dma_wait3A_560 = tpu.memref_squeeze %dma_wait3A_559 : memref<1x128xi32, #tpu.memory_space<vmem>> -> memref<128xi32, #tpu.memory_space<vmem>>
    %dma_wait3A_561 = arith.constant 0 : i32
    %dma_wait3A_562 = arith.constant 0 : i32
    %dma_wait3A_563 = tpu.memref_slice %arg10[%dma_wait3A_561, %dma_wait3A_562] : memref<10240x32xf32, #tpu.memory_space<vmem_shared>> -> memref<10240x32xf32, #tpu.memory_space<vmem_shared>>
    tpu.wait_indirect_dma semaphore(%arg25 : memref<!tpu.dma_semaphore, #tpu.memory_space<semaphore_mem>>) src(%dma_wait3A_557 : memref<128x32xf32, #tpu.memory_space<vmem>>) dst(%dma_wait3A_563 : memref<10240x32xf32, #tpu.memory_space<vmem_shared>>)
    %dma_start3A_564 = arith.constant 78 : i32
    %dma_start3A_565 = arith.constant 6 : i32
    %dma_start3A_566 = arith.constant 0 : i32
    %dma_start3A_567 = arith.constant 0 : i32
    %dma_start3A_568 = tpu.memref_slice %arg9[%dma_start3A_565, %dma_start3A_566, %dma_start3A_567] : memref<8x128x32xf32, #tpu.memory_space<vmem>> -> memref<1x128x32xf32, #tpu.memory_space<vmem>>
    %dma_start3A_569 = tpu.memref_squeeze %dma_start3A_568 : memref<1x128x32xf32, #tpu.memory_space<vmem>> -> memref<128x32xf32, #tpu.memory_space<vmem>>
    %dma_start3A_570 = arith.constant 0 : i32
    %dma_start3A_571 = tpu.memref_slice %arg7[%dma_start3A_564, %dma_start3A_570] : memref<80x128xi32, #tpu.memory_space<vmem>> -> memref<1x128xi32, #tpu.memory_space<vmem>>
    %dma_start3A_572 = tpu.memref_squeeze %dma_start3A_571 : memref<1x128xi32, #tpu.memory_space<vmem>> -> memref<128xi32, #tpu.memory_space<vmem>>
    %dma_start3A_573 = arith.constant 0 : i32
    %dma_start3A_574 = arith.constant 0 : i32
    %dma_start3A_575 = tpu.memref_slice %arg2[%dma_start3A_573, %dma_start3A_574] : memref<10240x32xf32, #tpu.memory_space<hbm>> -> memref<10240x32xf32, #tpu.memory_space<hbm>>
    tpu.enqueue_indirect_dma source(%dma_start3A_575 : memref<10240x32xf32, #tpu.memory_space<hbm>>) target(%dma_start3A_569 : memref<128x32xf32, #tpu.memory_space<vmem>>) offsets(%dma_start3A_572 : memref<128xi32, #tpu.memory_space<vmem>>) semaphore(%arg17 : memref<!tpu.dma_semaphore, #tpu.memory_space<semaphore_mem>>)
    %dma_wait3A_576 = arith.constant 73 : i32
    %dma_wait3A_577 = arith.constant 1 : i32
    %dma_wait3A_578 = arith.constant 0 : i32
    %dma_wait3A_579 = arith.constant 0 : i32
    %dma_wait3A_580 = tpu.memref_slice %arg9[%dma_wait3A_577, %dma_wait3A_578, %dma_wait3A_579] : memref<8x128x32xf32, #tpu.memory_space<vmem>> -> memref<1x128x32xf32, #tpu.memory_space<vmem>>
    %dma_wait3A_581 = tpu.memref_squeeze %dma_wait3A_580 : memref<1x128x32xf32, #tpu.memory_space<vmem>> -> memref<128x32xf32, #tpu.memory_space<vmem>>
    %dma_wait3A_582 = arith.constant 0 : i32
    %dma_wait3A_583 = tpu.memref_slice %arg7[%dma_wait3A_576, %dma_wait3A_582] : memref<80x128xi32, #tpu.memory_space<vmem>> -> memref<1x128xi32, #tpu.memory_space<vmem>>
    %dma_wait3A_584 = tpu.memref_squeeze %dma_wait3A_583 : memref<1x128xi32, #tpu.memory_space<vmem>> -> memref<128xi32, #tpu.memory_space<vmem>>
    %dma_wait3A_585 = arith.constant 0 : i32
    %dma_wait3A_586 = arith.constant 0 : i32
    %dma_wait3A_587 = tpu.memref_slice %arg2[%dma_wait3A_585, %dma_wait3A_586] : memref<10240x32xf32, #tpu.memory_space<hbm>> -> memref<10240x32xf32, #tpu.memory_space<hbm>>
    tpu.wait_indirect_dma semaphore(%arg12 : memref<!tpu.dma_semaphore, #tpu.memory_space<semaphore_mem>>) src(%dma_wait3A_587 : memref<10240x32xf32, #tpu.memory_space<hbm>>) dst(%dma_wait3A_581 : memref<128x32xf32, #tpu.memory_space<vmem>>)
    %dma_start3A_588 = arith.constant 1 : i32
    %dma_start3A_589 = arith.constant 73 : i32
    %dma_start3A_590 = arith.constant 0 : i32
    %dma_start3A_591 = arith.constant 0 : i32
    %dma_start3A_592 = tpu.memref_slice %arg9[%dma_start3A_588, %dma_start3A_590, %dma_start3A_591] : memref<8x128x32xf32, #tpu.memory_space<vmem>> -> memref<1x128x32xf32, #tpu.memory_space<vmem>>
    %dma_start3A_593 = tpu.memref_squeeze %dma_start3A_592 : memref<1x128x32xf32, #tpu.memory_space<vmem>> -> memref<128x32xf32, #tpu.memory_space<vmem>>
    %dma_start3A_594 = arith.constant 0 : i32
    %dma_start3A_595 = tpu.memref_slice %arg8[%dma_start3A_589, %dma_start3A_594] : memref<80x128xi32, #tpu.memory_space<vmem>> -> memref<1x128xi32, #tpu.memory_space<vmem>>
    %dma_start3A_596 = tpu.memref_squeeze %dma_start3A_595 : memref<1x128xi32, #tpu.memory_space<vmem>> -> memref<128xi32, #tpu.memory_space<vmem>>
    %dma_start3A_597 = arith.constant 0 : i32
    %dma_start3A_598 = arith.constant 0 : i32
    %dma_start3A_599 = tpu.memref_slice %arg10[%dma_start3A_597, %dma_start3A_598] : memref<10240x32xf32, #tpu.memory_space<vmem_shared>> -> memref<10240x32xf32, #tpu.memory_space<vmem_shared>>
    tpu.enqueue_indirect_dma source(%dma_start3A_593 : memref<128x32xf32, #tpu.memory_space<vmem>>) target(%dma_start3A_599 : memref<10240x32xf32, #tpu.memory_space<vmem_shared>>) offsets(%dma_start3A_596 : memref<128xi32, #tpu.memory_space<vmem>>) semaphore(%arg20 : memref<!tpu.dma_semaphore, #tpu.memory_space<semaphore_mem>>) {add = true}
    %dma_wait3A_600 = arith.constant 7 : i32
    %dma_wait3A_601 = arith.constant 0 : i32
    %dma_wait3A_602 = arith.constant 0 : i32
    %dma_wait3A_603 = arith.constant 0 : i32
    %dma_wait3A_604 = tpu.memref_slice %arg9[%dma_wait3A_600, %dma_wait3A_602, %dma_wait3A_603] : memref<8x128x32xf32, #tpu.memory_space<vmem>> -> memref<1x128x32xf32, #tpu.memory_space<vmem>>
    %dma_wait3A_605 = tpu.memref_squeeze %dma_wait3A_604 : memref<1x128x32xf32, #tpu.memory_space<vmem>> -> memref<128x32xf32, #tpu.memory_space<vmem>>
    %dma_wait3A_606 = arith.constant 0 : i32
    %dma_wait3A_607 = tpu.memref_slice %arg8[%dma_wait3A_601, %dma_wait3A_606] : memref<80x128xi32, #tpu.memory_space<vmem>> -> memref<1x128xi32, #tpu.memory_space<vmem>>
    %dma_wait3A_608 = tpu.memref_squeeze %dma_wait3A_607 : memref<1x128xi32, #tpu.memory_space<vmem>> -> memref<128xi32, #tpu.memory_space<vmem>>
    %dma_wait3A_609 = arith.constant 0 : i32
    %dma_wait3A_610 = arith.constant 0 : i32
    %dma_wait3A_611 = tpu.memref_slice %arg10[%dma_wait3A_609, %dma_wait3A_610] : memref<10240x32xf32, #tpu.memory_space<vmem_shared>> -> memref<10240x32xf32, #tpu.memory_space<vmem_shared>>
    tpu.wait_indirect_dma semaphore(%arg26 : memref<!tpu.dma_semaphore, #tpu.memory_space<semaphore_mem>>) src(%dma_wait3A_605 : memref<128x32xf32, #tpu.memory_space<vmem>>) dst(%dma_wait3A_611 : memref<10240x32xf32, #tpu.memory_space<vmem_shared>>)
    %dma_start3A_612 = arith.constant 79 : i32
    %dma_start3A_613 = arith.constant 7 : i32
    %dma_start3A_614 = arith.constant 0 : i32
    %dma_start3A_615 = arith.constant 0 : i32
    %dma_start3A_616 = tpu.memref_slice %arg9[%dma_start3A_613, %dma_start3A_614, %dma_start3A_615] : memref<8x128x32xf32, #tpu.memory_space<vmem>> -> memref<1x128x32xf32, #tpu.memory_space<vmem>>
    %dma_start3A_617 = tpu.memref_squeeze %dma_start3A_616 : memref<1x128x32xf32, #tpu.memory_space<vmem>> -> memref<128x32xf32, #tpu.memory_space<vmem>>
    %dma_start3A_618 = arith.constant 0 : i32
    %dma_start3A_619 = tpu.memref_slice %arg7[%dma_start3A_612, %dma_start3A_618] : memref<80x128xi32, #tpu.memory_space<vmem>> -> memref<1x128xi32, #tpu.memory_space<vmem>>
    %dma_start3A_620 = tpu.memref_squeeze %dma_start3A_619 : memref<1x128xi32, #tpu.memory_space<vmem>> -> memref<128xi32, #tpu.memory_space<vmem>>
    %dma_start3A_621 = arith.constant 0 : i32
    %dma_start3A_622 = arith.constant 0 : i32
    %dma_start3A_623 = tpu.memref_slice %arg2[%dma_start3A_621, %dma_start3A_622] : memref<10240x32xf32, #tpu.memory_space<hbm>> -> memref<10240x32xf32, #tpu.memory_space<hbm>>
    tpu.enqueue_indirect_dma source(%dma_start3A_623 : memref<10240x32xf32, #tpu.memory_space<hbm>>) target(%dma_start3A_617 : memref<128x32xf32, #tpu.memory_space<vmem>>) offsets(%dma_start3A_620 : memref<128xi32, #tpu.memory_space<vmem>>) semaphore(%arg18 : memref<!tpu.dma_semaphore, #tpu.memory_space<semaphore_mem>>)
    %dma_wait3A_624 = arith.constant 74 : i32
    %dma_wait3A_625 = arith.constant 2 : i32
    %dma_wait3A_626 = arith.constant 0 : i32
    %dma_wait3A_627 = arith.constant 0 : i32
    %dma_wait3A_628 = tpu.memref_slice %arg9[%dma_wait3A_625, %dma_wait3A_626, %dma_wait3A_627] : memref<8x128x32xf32, #tpu.memory_space<vmem>> -> memref<1x128x32xf32, #tpu.memory_space<vmem>>
    %dma_wait3A_629 = tpu.memref_squeeze %dma_wait3A_628 : memref<1x128x32xf32, #tpu.memory_space<vmem>> -> memref<128x32xf32, #tpu.memory_space<vmem>>
    %dma_wait3A_630 = arith.constant 0 : i32
    %dma_wait3A_631 = tpu.memref_slice %arg7[%dma_wait3A_624, %dma_wait3A_630] : memref<80x128xi32, #tpu.memory_space<vmem>> -> memref<1x128xi32, #tpu.memory_space<vmem>>
    %dma_wait3A_632 = tpu.memref_squeeze %dma_wait3A_631 : memref<1x128xi32, #tpu.memory_space<vmem>> -> memref<128xi32, #tpu.memory_space<vmem>>
    %dma_wait3A_633 = arith.constant 0 : i32
    %dma_wait3A_634 = arith.constant 0 : i32
    %dma_wait3A_635 = tpu.memref_slice %arg2[%dma_wait3A_633, %dma_wait3A_634] : memref<10240x32xf32, #tpu.memory_space<hbm>> -> memref<10240x32xf32, #tpu.memory_space<hbm>>
    tpu.wait_indirect_dma semaphore(%arg13 : memref<!tpu.dma_semaphore, #tpu.memory_space<semaphore_mem>>) src(%dma_wait3A_635 : memref<10240x32xf32, #tpu.memory_space<hbm>>) dst(%dma_wait3A_629 : memref<128x32xf32, #tpu.memory_space<vmem>>)
    %dma_start3A_636 = arith.constant 2 : i32
    %dma_start3A_637 = arith.constant 74 : i32
    %dma_start3A_638 = arith.constant 0 : i32
    %dma_start3A_639 = arith.constant 0 : i32
    %dma_start3A_640 = tpu.memref_slice %arg9[%dma_start3A_636, %dma_start3A_638, %dma_start3A_639] : memref<8x128x32xf32, #tpu.memory_space<vmem>> -> memref<1x128x32xf32, #tpu.memory_space<vmem>>
    %dma_start3A_641 = tpu.memref_squeeze %dma_start3A_640 : memref<1x128x32xf32, #tpu.memory_space<vmem>> -> memref<128x32xf32, #tpu.memory_space<vmem>>
    %dma_start3A_642 = arith.constant 0 : i32
    %dma_start3A_643 = tpu.memref_slice %arg8[%dma_start3A_637, %dma_start3A_642] : memref<80x128xi32, #tpu.memory_space<vmem>> -> memref<1x128xi32, #tpu.memory_space<vmem>>
    %dma_start3A_644 = tpu.memref_squeeze %dma_start3A_643 : memref<1x128xi32, #tpu.memory_space<vmem>> -> memref<128xi32, #tpu.memory_space<vmem>>
    %dma_start3A_645 = arith.constant 0 : i32
    %dma_start3A_646 = arith.constant 0 : i32
    %dma_start3A_647 = tpu.memref_slice %arg10[%dma_start3A_645, %dma_start3A_646] : memref<10240x32xf32, #tpu.memory_space<vmem_shared>> -> memref<10240x32xf32, #tpu.memory_space<vmem_shared>>
    tpu.enqueue_indirect_dma source(%dma_start3A_641 : memref<128x32xf32, #tpu.memory_space<vmem>>) target(%dma_start3A_647 : memref<10240x32xf32, #tpu.memory_space<vmem_shared>>) offsets(%dma_start3A_644 : memref<128xi32, #tpu.memory_space<vmem>>) semaphore(%arg21 : memref<!tpu.dma_semaphore, #tpu.memory_space<semaphore_mem>>) {add = true}
    %dma_wait3A_648 = arith.constant 75 : i32
    %dma_wait3A_649 = arith.constant 3 : i32
    %dma_wait3A_650 = arith.constant 0 : i32
    %dma_wait3A_651 = arith.constant 0 : i32
    %dma_wait3A_652 = tpu.memref_slice %arg9[%dma_wait3A_649, %dma_wait3A_650, %dma_wait3A_651] : memref<8x128x32xf32, #tpu.memory_space<vmem>> -> memref<1x128x32xf32, #tpu.memory_space<vmem>>
    %dma_wait3A_653 = tpu.memref_squeeze %dma_wait3A_652 : memref<1x128x32xf32, #tpu.memory_space<vmem>> -> memref<128x32xf32, #tpu.memory_space<vmem>>
    %dma_wait3A_654 = arith.constant 0 : i32
    %dma_wait3A_655 = tpu.memref_slice %arg7[%dma_wait3A_648, %dma_wait3A_654] : memref<80x128xi32, #tpu.memory_space<vmem>> -> memref<1x128xi32, #tpu.memory_space<vmem>>
    %dma_wait3A_656 = tpu.memref_squeeze %dma_wait3A_655 : memref<1x128xi32, #tpu.memory_space<vmem>> -> memref<128xi32, #tpu.memory_space<vmem>>
    %dma_wait3A_657 = arith.constant 0 : i32
    %dma_wait3A_658 = arith.constant 0 : i32
    %dma_wait3A_659 = tpu.memref_slice %arg2[%dma_wait3A_657, %dma_wait3A_658] : memref<10240x32xf32, #tpu.memory_space<hbm>> -> memref<10240x32xf32, #tpu.memory_space<hbm>>
    tpu.wait_indirect_dma semaphore(%arg14 : memref<!tpu.dma_semaphore, #tpu.memory_space<semaphore_mem>>) src(%dma_wait3A_659 : memref<10240x32xf32, #tpu.memory_space<hbm>>) dst(%dma_wait3A_653 : memref<128x32xf32, #tpu.memory_space<vmem>>)
    %dma_start3A_660 = arith.constant 3 : i32
    %dma_start3A_661 = arith.constant 75 : i32
    %dma_start3A_662 = arith.constant 0 : i32
    %dma_start3A_663 = arith.constant 0 : i32
    %dma_start3A_664 = tpu.memref_slice %arg9[%dma_start3A_660, %dma_start3A_662, %dma_start3A_663] : memref<8x128x32xf32, #tpu.memory_space<vmem>> -> memref<1x128x32xf32, #tpu.memory_space<vmem>>
    %dma_start3A_665 = tpu.memref_squeeze %dma_start3A_664 : memref<1x128x32xf32, #tpu.memory_space<vmem>> -> memref<128x32xf32, #tpu.memory_space<vmem>>
    %dma_start3A_666 = arith.constant 0 : i32
    %dma_start3A_667 = tpu.memref_slice %arg8[%dma_start3A_661, %dma_start3A_666] : memref<80x128xi32, #tpu.memory_space<vmem>> -> memref<1x128xi32, #tpu.memory_space<vmem>>
    %dma_start3A_668 = tpu.memref_squeeze %dma_start3A_667 : memref<1x128xi32, #tpu.memory_space<vmem>> -> memref<128xi32, #tpu.memory_space<vmem>>
    %dma_start3A_669 = arith.constant 0 : i32
    %dma_start3A_670 = arith.constant 0 : i32
    %dma_start3A_671 = tpu.memref_slice %arg10[%dma_start3A_669, %dma_start3A_670] : memref<10240x32xf32, #tpu.memory_space<vmem_shared>> -> memref<10240x32xf32, #tpu.memory_space<vmem_shared>>
    tpu.enqueue_indirect_dma source(%dma_start3A_665 : memref<128x32xf32, #tpu.memory_space<vmem>>) target(%dma_start3A_671 : memref<10240x32xf32, #tpu.memory_space<vmem_shared>>) offsets(%dma_start3A_668 : memref<128xi32, #tpu.memory_space<vmem>>) semaphore(%arg22 : memref<!tpu.dma_semaphore, #tpu.memory_space<semaphore_mem>>) {add = true}
    %dma_wait3A_672 = arith.constant 76 : i32
    %dma_wait3A_673 = arith.constant 4 : i32
    %dma_wait3A_674 = arith.constant 0 : i32
    %dma_wait3A_675 = arith.constant 0 : i32
    %dma_wait3A_676 = tpu.memref_slice %arg9[%dma_wait3A_673, %dma_wait3A_674, %dma_wait3A_675] : memref<8x128x32xf32, #tpu.memory_space<vmem>> -> memref<1x128x32xf32, #tpu.memory_space<vmem>>
    %dma_wait3A_677 = tpu.memref_squeeze %dma_wait3A_676 : memref<1x128x32xf32, #tpu.memory_space<vmem>> -> memref<128x32xf32, #tpu.memory_space<vmem>>
    %dma_wait3A_678 = arith.constant 0 : i32
    %dma_wait3A_679 = tpu.memref_slice %arg7[%dma_wait3A_672, %dma_wait3A_678] : memref<80x128xi32, #tpu.memory_space<vmem>> -> memref<1x128xi32, #tpu.memory_space<vmem>>
    %dma_wait3A_680 = tpu.memref_squeeze %dma_wait3A_679 : memref<1x128xi32, #tpu.memory_space<vmem>> -> memref<128xi32, #tpu.memory_space<vmem>>
    %dma_wait3A_681 = arith.constant 0 : i32
    %dma_wait3A_682 = arith.constant 0 : i32
    %dma_wait3A_683 = tpu.memref_slice %arg2[%dma_wait3A_681, %dma_wait3A_682] : memref<10240x32xf32, #tpu.memory_space<hbm>> -> memref<10240x32xf32, #tpu.memory_space<hbm>>
    tpu.wait_indirect_dma semaphore(%arg15 : memref<!tpu.dma_semaphore, #tpu.memory_space<semaphore_mem>>) src(%dma_wait3A_683 : memref<10240x32xf32, #tpu.memory_space<hbm>>) dst(%dma_wait3A_677 : memref<128x32xf32, #tpu.memory_space<vmem>>)
    %dma_start3A_684 = arith.constant 4 : i32
    %dma_start3A_685 = arith.constant 76 : i32
    %dma_start3A_686 = arith.constant 0 : i32
    %dma_start3A_687 = arith.constant 0 : i32
    %dma_start3A_688 = tpu.memref_slice %arg9[%dma_start3A_684, %dma_start3A_686, %dma_start3A_687] : memref<8x128x32xf32, #tpu.memory_space<vmem>> -> memref<1x128x32xf32, #tpu.memory_space<vmem>>
    %dma_start3A_689 = tpu.memref_squeeze %dma_start3A_688 : memref<1x128x32xf32, #tpu.memory_space<vmem>> -> memref<128x32xf32, #tpu.memory_space<vmem>>
    %dma_start3A_690 = arith.constant 0 : i32
    %dma_start3A_691 = tpu.memref_slice %arg8[%dma_start3A_685, %dma_start3A_690] : memref<80x128xi32, #tpu.memory_space<vmem>> -> memref<1x128xi32, #tpu.memory_space<vmem>>
    %dma_start3A_692 = tpu.memref_squeeze %dma_start3A_691 : memref<1x128xi32, #tpu.memory_space<vmem>> -> memref<128xi32, #tpu.memory_space<vmem>>
    %dma_start3A_693 = arith.constant 0 : i32
    %dma_start3A_694 = arith.constant 0 : i32
    %dma_start3A_695 = tpu.memref_slice %arg10[%dma_start3A_693, %dma_start3A_694] : memref<10240x32xf32, #tpu.memory_space<vmem_shared>> -> memref<10240x32xf32, #tpu.memory_space<vmem_shared>>
    tpu.enqueue_indirect_dma source(%dma_start3A_689 : memref<128x32xf32, #tpu.memory_space<vmem>>) target(%dma_start3A_695 : memref<10240x32xf32, #tpu.memory_space<vmem_shared>>) offsets(%dma_start3A_692 : memref<128xi32, #tpu.memory_space<vmem>>) semaphore(%arg23 : memref<!tpu.dma_semaphore, #tpu.memory_space<semaphore_mem>>) {add = true}
    %dma_wait3A_696 = arith.constant 77 : i32
    %dma_wait3A_697 = arith.constant 5 : i32
    %dma_wait3A_698 = arith.constant 0 : i32
    %dma_wait3A_699 = arith.constant 0 : i32
    %dma_wait3A_700 = tpu.memref_slice %arg9[%dma_wait3A_697, %dma_wait3A_698, %dma_wait3A_699] : memref<8x128x32xf32, #tpu.memory_space<vmem>> -> memref<1x128x32xf32, #tpu.memory_space<vmem>>
    %dma_wait3A_701 = tpu.memref_squeeze %dma_wait3A_700 : memref<1x128x32xf32, #tpu.memory_space<vmem>> -> memref<128x32xf32, #tpu.memory_space<vmem>>
    %dma_wait3A_702 = arith.constant 0 : i32
    %dma_wait3A_703 = tpu.memref_slice %arg7[%dma_wait3A_696, %dma_wait3A_702] : memref<80x128xi32, #tpu.memory_space<vmem>> -> memref<1x128xi32, #tpu.memory_space<vmem>>
    %dma_wait3A_704 = tpu.memref_squeeze %dma_wait3A_703 : memref<1x128xi32, #tpu.memory_space<vmem>> -> memref<128xi32, #tpu.memory_space<vmem>>
    %dma_wait3A_705 = arith.constant 0 : i32
    %dma_wait3A_706 = arith.constant 0 : i32
    %dma_wait3A_707 = tpu.memref_slice %arg2[%dma_wait3A_705, %dma_wait3A_706] : memref<10240x32xf32, #tpu.memory_space<hbm>> -> memref<10240x32xf32, #tpu.memory_space<hbm>>
    tpu.wait_indirect_dma semaphore(%arg16 : memref<!tpu.dma_semaphore, #tpu.memory_space<semaphore_mem>>) src(%dma_wait3A_707 : memref<10240x32xf32, #tpu.memory_space<hbm>>) dst(%dma_wait3A_701 : memref<128x32xf32, #tpu.memory_space<vmem>>)
    %dma_start3A_708 = arith.constant 5 : i32
    %dma_start3A_709 = arith.constant 77 : i32
    %dma_start3A_710 = arith.constant 0 : i32
    %dma_start3A_711 = arith.constant 0 : i32
    %dma_start3A_712 = tpu.memref_slice %arg9[%dma_start3A_708, %dma_start3A_710, %dma_start3A_711] : memref<8x128x32xf32, #tpu.memory_space<vmem>> -> memref<1x128x32xf32, #tpu.memory_space<vmem>>
    %dma_start3A_713 = tpu.memref_squeeze %dma_start3A_712 : memref<1x128x32xf32, #tpu.memory_space<vmem>> -> memref<128x32xf32, #tpu.memory_space<vmem>>
    %dma_start3A_714 = arith.constant 0 : i32
    %dma_start3A_715 = tpu.memref_slice %arg8[%dma_start3A_709, %dma_start3A_714] : memref<80x128xi32, #tpu.memory_space<vmem>> -> memref<1x128xi32, #tpu.memory_space<vmem>>
    %dma_start3A_716 = tpu.memref_squeeze %dma_start3A_715 : memref<1x128xi32, #tpu.memory_space<vmem>> -> memref<128xi32, #tpu.memory_space<vmem>>
    %dma_start3A_717 = arith.constant 0 : i32
    %dma_start3A_718 = arith.constant 0 : i32
    %dma_start3A_719 = tpu.memref_slice %arg10[%dma_start3A_717, %dma_start3A_718] : memref<10240x32xf32, #tpu.memory_space<vmem_shared>> -> memref<10240x32xf32, #tpu.memory_space<vmem_shared>>
    tpu.enqueue_indirect_dma source(%dma_start3A_713 : memref<128x32xf32, #tpu.memory_space<vmem>>) target(%dma_start3A_719 : memref<10240x32xf32, #tpu.memory_space<vmem_shared>>) offsets(%dma_start3A_716 : memref<128xi32, #tpu.memory_space<vmem>>) semaphore(%arg24 : memref<!tpu.dma_semaphore, #tpu.memory_space<semaphore_mem>>) {add = true}
    %dma_wait3A_720 = arith.constant 78 : i32
    %dma_wait3A_721 = arith.constant 6 : i32
    %dma_wait3A_722 = arith.constant 0 : i32
    %dma_wait3A_723 = arith.constant 0 : i32
    %dma_wait3A_724 = tpu.memref_slice %arg9[%dma_wait3A_721, %dma_wait3A_722, %dma_wait3A_723] : memref<8x128x32xf32, #tpu.memory_space<vmem>> -> memref<1x128x32xf32, #tpu.memory_space<vmem>>
    %dma_wait3A_725 = tpu.memref_squeeze %dma_wait3A_724 : memref<1x128x32xf32, #tpu.memory_space<vmem>> -> memref<128x32xf32, #tpu.memory_space<vmem>>
    %dma_wait3A_726 = arith.constant 0 : i32
    %dma_wait3A_727 = tpu.memref_slice %arg7[%dma_wait3A_720, %dma_wait3A_726] : memref<80x128xi32, #tpu.memory_space<vmem>> -> memref<1x128xi32, #tpu.memory_space<vmem>>
    %dma_wait3A_728 = tpu.memref_squeeze %dma_wait3A_727 : memref<1x128xi32, #tpu.memory_space<vmem>> -> memref<128xi32, #tpu.memory_space<vmem>>
    %dma_wait3A_729 = arith.constant 0 : i32
    %dma_wait3A_730 = arith.constant 0 : i32
    %dma_wait3A_731 = tpu.memref_slice %arg2[%dma_wait3A_729, %dma_wait3A_730] : memref<10240x32xf32, #tpu.memory_space<hbm>> -> memref<10240x32xf32, #tpu.memory_space<hbm>>
    tpu.wait_indirect_dma semaphore(%arg17 : memref<!tpu.dma_semaphore, #tpu.memory_space<semaphore_mem>>) src(%dma_wait3A_731 : memref<10240x32xf32, #tpu.memory_space<hbm>>) dst(%dma_wait3A_725 : memref<128x32xf32, #tpu.memory_space<vmem>>)
    %dma_start3A_732 = arith.constant 6 : i32
    %dma_start3A_733 = arith.constant 78 : i32
    %dma_start3A_734 = arith.constant 0 : i32
    %dma_start3A_735 = arith.constant 0 : i32
    %dma_start3A_736 = tpu.memref_slice %arg9[%dma_start3A_732, %dma_start3A_734, %dma_start3A_735] : memref<8x128x32xf32, #tpu.memory_space<vmem>> -> memref<1x128x32xf32, #tpu.memory_space<vmem>>
    %dma_start3A_737 = tpu.memref_squeeze %dma_start3A_736 : memref<1x128x32xf32, #tpu.memory_space<vmem>> -> memref<128x32xf32, #tpu.memory_space<vmem>>
    %dma_start3A_738 = arith.constant 0 : i32
    %dma_start3A_739 = tpu.memref_slice %arg8[%dma_start3A_733, %dma_start3A_738] : memref<80x128xi32, #tpu.memory_space<vmem>> -> memref<1x128xi32, #tpu.memory_space<vmem>>
    %dma_start3A_740 = tpu.memref_squeeze %dma_start3A_739 : memref<1x128xi32, #tpu.memory_space<vmem>> -> memref<128xi32, #tpu.memory_space<vmem>>
    %dma_start3A_741 = arith.constant 0 : i32
    %dma_start3A_742 = arith.constant 0 : i32
    %dma_start3A_743 = tpu.memref_slice %arg10[%dma_start3A_741, %dma_start3A_742] : memref<10240x32xf32, #tpu.memory_space<vmem_shared>> -> memref<10240x32xf32, #tpu.memory_space<vmem_shared>>
    tpu.enqueue_indirect_dma source(%dma_start3A_737 : memref<128x32xf32, #tpu.memory_space<vmem>>) target(%dma_start3A_743 : memref<10240x32xf32, #tpu.memory_space<vmem_shared>>) offsets(%dma_start3A_740 : memref<128xi32, #tpu.memory_space<vmem>>) semaphore(%arg25 : memref<!tpu.dma_semaphore, #tpu.memory_space<semaphore_mem>>) {add = true}
    %dma_wait3A_744 = arith.constant 79 : i32
    %dma_wait3A_745 = arith.constant 7 : i32
    %dma_wait3A_746 = arith.constant 0 : i32
    %dma_wait3A_747 = arith.constant 0 : i32
    %dma_wait3A_748 = tpu.memref_slice %arg9[%dma_wait3A_745, %dma_wait3A_746, %dma_wait3A_747] : memref<8x128x32xf32, #tpu.memory_space<vmem>> -> memref<1x128x32xf32, #tpu.memory_space<vmem>>
    %dma_wait3A_749 = tpu.memref_squeeze %dma_wait3A_748 : memref<1x128x32xf32, #tpu.memory_space<vmem>> -> memref<128x32xf32, #tpu.memory_space<vmem>>
    %dma_wait3A_750 = arith.constant 0 : i32
    %dma_wait3A_751 = tpu.memref_slice %arg7[%dma_wait3A_744, %dma_wait3A_750] : memref<80x128xi32, #tpu.memory_space<vmem>> -> memref<1x128xi32, #tpu.memory_space<vmem>>
    %dma_wait3A_752 = tpu.memref_squeeze %dma_wait3A_751 : memref<1x128xi32, #tpu.memory_space<vmem>> -> memref<128xi32, #tpu.memory_space<vmem>>
    %dma_wait3A_753 = arith.constant 0 : i32
    %dma_wait3A_754 = arith.constant 0 : i32
    %dma_wait3A_755 = tpu.memref_slice %arg2[%dma_wait3A_753, %dma_wait3A_754] : memref<10240x32xf32, #tpu.memory_space<hbm>> -> memref<10240x32xf32, #tpu.memory_space<hbm>>
    tpu.wait_indirect_dma semaphore(%arg18 : memref<!tpu.dma_semaphore, #tpu.memory_space<semaphore_mem>>) src(%dma_wait3A_755 : memref<10240x32xf32, #tpu.memory_space<hbm>>) dst(%dma_wait3A_749 : memref<128x32xf32, #tpu.memory_space<vmem>>)
    %dma_start3A_756 = arith.constant 7 : i32
    %dma_start3A_757 = arith.constant 79 : i32
    %dma_start3A_758 = arith.constant 0 : i32
    %dma_start3A_759 = arith.constant 0 : i32
    %dma_start3A_760 = tpu.memref_slice %arg9[%dma_start3A_756, %dma_start3A_758, %dma_start3A_759] : memref<8x128x32xf32, #tpu.memory_space<vmem>> -> memref<1x128x32xf32, #tpu.memory_space<vmem>>
    %dma_start3A_761 = tpu.memref_squeeze %dma_start3A_760 : memref<1x128x32xf32, #tpu.memory_space<vmem>> -> memref<128x32xf32, #tpu.memory_space<vmem>>
    %dma_start3A_762 = arith.constant 0 : i32
    %dma_start3A_763 = tpu.memref_slice %arg8[%dma_start3A_757, %dma_start3A_762] : memref<80x128xi32, #tpu.memory_space<vmem>> -> memref<1x128xi32, #tpu.memory_space<vmem>>
    %dma_start3A_764 = tpu.memref_squeeze %dma_start3A_763 : memref<1x128xi32, #tpu.memory_space<vmem>> -> memref<128xi32, #tpu.memory_space<vmem>>
    %dma_start3A_765 = arith.constant 0 : i32
    %dma_start3A_766 = arith.constant 0 : i32
    %dma_start3A_767 = tpu.memref_slice %arg10[%dma_start3A_765, %dma_start3A_766] : memref<10240x32xf32, #tpu.memory_space<vmem_shared>> -> memref<10240x32xf32, #tpu.memory_space<vmem_shared>>
    tpu.enqueue_indirect_dma source(%dma_start3A_761 : memref<128x32xf32, #tpu.memory_space<vmem>>) target(%dma_start3A_767 : memref<10240x32xf32, #tpu.memory_space<vmem_shared>>) offsets(%dma_start3A_764 : memref<128xi32, #tpu.memory_space<vmem>>) semaphore(%arg26 : memref<!tpu.dma_semaphore, #tpu.memory_space<semaphore_mem>>) {add = true}
    %dma_wait3A_768 = arith.constant 0 : i32
    %dma_wait3A_769 = arith.constant 0 : i32
    %dma_wait3A_770 = arith.constant 0 : i32
    %dma_wait3A_771 = arith.constant 0 : i32
    %dma_wait3A_772 = tpu.memref_slice %arg9[%dma_wait3A_768, %dma_wait3A_770, %dma_wait3A_771] : memref<8x128x32xf32, #tpu.memory_space<vmem>> -> memref<1x128x32xf32, #tpu.memory_space<vmem>>
    %dma_wait3A_773 = tpu.memref_squeeze %dma_wait3A_772 : memref<1x128x32xf32, #tpu.memory_space<vmem>> -> memref<128x32xf32, #tpu.memory_space<vmem>>
    %dma_wait3A_774 = arith.constant 0 : i32
    %dma_wait3A_775 = tpu.memref_slice %arg8[%dma_wait3A_769, %dma_wait3A_774] : memref<80x128xi32, #tpu.memory_space<vmem>> -> memref<1x128xi32, #tpu.memory_space<vmem>>
    %dma_wait3A_776 = tpu.memref_squeeze %dma_wait3A_775 : memref<1x128xi32, #tpu.memory_space<vmem>> -> memref<128xi32, #tpu.memory_space<vmem>>
    %dma_wait3A_777 = arith.constant 0 : i32
    %dma_wait3A_778 = arith.constant 0 : i32
    %dma_wait3A_779 = tpu.memref_slice %arg10[%dma_wait3A_777, %dma_wait3A_778] : memref<10240x32xf32, #tpu.memory_space<vmem_shared>> -> memref<10240x32xf32, #tpu.memory_space<vmem_shared>>
    tpu.wait_indirect_dma semaphore(%arg19 : memref<!tpu.dma_semaphore, #tpu.memory_space<semaphore_mem>>) src(%dma_wait3A_773 : memref<128x32xf32, #tpu.memory_space<vmem>>) dst(%dma_wait3A_779 : memref<10240x32xf32, #tpu.memory_space<vmem_shared>>)
    %dma_wait3A_780 = arith.constant 1 : i32
    %dma_wait3A_781 = arith.constant 0 : i32
    %dma_wait3A_782 = arith.constant 0 : i32
    %dma_wait3A_783 = arith.constant 0 : i32
    %dma_wait3A_784 = tpu.memref_slice %arg9[%dma_wait3A_780, %dma_wait3A_782, %dma_wait3A_783] : memref<8x128x32xf32, #tpu.memory_space<vmem>> -> memref<1x128x32xf32, #tpu.memory_space<vmem>>
    %dma_wait3A_785 = tpu.memref_squeeze %dma_wait3A_784 : memref<1x128x32xf32, #tpu.memory_space<vmem>> -> memref<128x32xf32, #tpu.memory_space<vmem>>
    %dma_wait3A_786 = arith.constant 0 : i32
    %dma_wait3A_787 = tpu.memref_slice %arg8[%dma_wait3A_781, %dma_wait3A_786] : memref<80x128xi32, #tpu.memory_space<vmem>> -> memref<1x128xi32, #tpu.memory_space<vmem>>
    %dma_wait3A_788 = tpu.memref_squeeze %dma_wait3A_787 : memref<1x128xi32, #tpu.memory_space<vmem>> -> memref<128xi32, #tpu.memory_space<vmem>>
    %dma_wait3A_789 = arith.constant 0 : i32
    %dma_wait3A_790 = arith.constant 0 : i32
    %dma_wait3A_791 = tpu.memref_slice %arg10[%dma_wait3A_789, %dma_wait3A_790] : memref<10240x32xf32, #tpu.memory_space<vmem_shared>> -> memref<10240x32xf32, #tpu.memory_space<vmem_shared>>
    tpu.wait_indirect_dma semaphore(%arg20 : memref<!tpu.dma_semaphore, #tpu.memory_space<semaphore_mem>>) src(%dma_wait3A_785 : memref<128x32xf32, #tpu.memory_space<vmem>>) dst(%dma_wait3A_791 : memref<10240x32xf32, #tpu.memory_space<vmem_shared>>)
    %dma_wait3A_792 = arith.constant 2 : i32
    %dma_wait3A_793 = arith.constant 0 : i32
    %dma_wait3A_794 = arith.constant 0 : i32
    %dma_wait3A_795 = arith.constant 0 : i32
    %dma_wait3A_796 = tpu.memref_slice %arg9[%dma_wait3A_792, %dma_wait3A_794, %dma_wait3A_795] : memref<8x128x32xf32, #tpu.memory_space<vmem>> -> memref<1x128x32xf32, #tpu.memory_space<vmem>>
    %dma_wait3A_797 = tpu.memref_squeeze %dma_wait3A_796 : memref<1x128x32xf32, #tpu.memory_space<vmem>> -> memref<128x32xf32, #tpu.memory_space<vmem>>
    %dma_wait3A_798 = arith.constant 0 : i32
    %dma_wait3A_799 = tpu.memref_slice %arg8[%dma_wait3A_793, %dma_wait3A_798] : memref<80x128xi32, #tpu.memory_space<vmem>> -> memref<1x128xi32, #tpu.memory_space<vmem>>
    %dma_wait3A_800 = tpu.memref_squeeze %dma_wait3A_799 : memref<1x128xi32, #tpu.memory_space<vmem>> -> memref<128xi32, #tpu.memory_space<vmem>>
    %dma_wait3A_801 = arith.constant 0 : i32
    %dma_wait3A_802 = arith.constant 0 : i32
    %dma_wait3A_803 = tpu.memref_slice %arg10[%dma_wait3A_801, %dma_wait3A_802] : memref<10240x32xf32, #tpu.memory_space<vmem_shared>> -> memref<10240x32xf32, #tpu.memory_space<vmem_shared>>
    tpu.wait_indirect_dma semaphore(%arg21 : memref<!tpu.dma_semaphore, #tpu.memory_space<semaphore_mem>>) src(%dma_wait3A_797 : memref<128x32xf32, #tpu.memory_space<vmem>>) dst(%dma_wait3A_803 : memref<10240x32xf32, #tpu.memory_space<vmem_shared>>)
    %dma_wait3A_804 = arith.constant 3 : i32
    %dma_wait3A_805 = arith.constant 0 : i32
    %dma_wait3A_806 = arith.constant 0 : i32
    %dma_wait3A_807 = arith.constant 0 : i32
    %dma_wait3A_808 = tpu.memref_slice %arg9[%dma_wait3A_804, %dma_wait3A_806, %dma_wait3A_807] : memref<8x128x32xf32, #tpu.memory_space<vmem>> -> memref<1x128x32xf32, #tpu.memory_space<vmem>>
    %dma_wait3A_809 = tpu.memref_squeeze %dma_wait3A_808 : memref<1x128x32xf32, #tpu.memory_space<vmem>> -> memref<128x32xf32, #tpu.memory_space<vmem>>
    %dma_wait3A_810 = arith.constant 0 : i32
    %dma_wait3A_811 = tpu.memref_slice %arg8[%dma_wait3A_805, %dma_wait3A_810] : memref<80x128xi32, #tpu.memory_space<vmem>> -> memref<1x128xi32, #tpu.memory_space<vmem>>
    %dma_wait3A_812 = tpu.memref_squeeze %dma_wait3A_811 : memref<1x128xi32, #tpu.memory_space<vmem>> -> memref<128xi32, #tpu.memory_space<vmem>>
    %dma_wait3A_813 = arith.constant 0 : i32
    %dma_wait3A_814 = arith.constant 0 : i32
    %dma_wait3A_815 = tpu.memref_slice %arg10[%dma_wait3A_813, %dma_wait3A_814] : memref<10240x32xf32, #tpu.memory_space<vmem_shared>> -> memref<10240x32xf32, #tpu.memory_space<vmem_shared>>
    tpu.wait_indirect_dma semaphore(%arg22 : memref<!tpu.dma_semaphore, #tpu.memory_space<semaphore_mem>>) src(%dma_wait3A_809 : memref<128x32xf32, #tpu.memory_space<vmem>>) dst(%dma_wait3A_815 : memref<10240x32xf32, #tpu.memory_space<vmem_shared>>)
    %dma_wait3A_816 = arith.constant 4 : i32
    %dma_wait3A_817 = arith.constant 0 : i32
    %dma_wait3A_818 = arith.constant 0 : i32
    %dma_wait3A_819 = arith.constant 0 : i32
    %dma_wait3A_820 = tpu.memref_slice %arg9[%dma_wait3A_816, %dma_wait3A_818, %dma_wait3A_819] : memref<8x128x32xf32, #tpu.memory_space<vmem>> -> memref<1x128x32xf32, #tpu.memory_space<vmem>>
    %dma_wait3A_821 = tpu.memref_squeeze %dma_wait3A_820 : memref<1x128x32xf32, #tpu.memory_space<vmem>> -> memref<128x32xf32, #tpu.memory_space<vmem>>
    %dma_wait3A_822 = arith.constant 0 : i32
    %dma_wait3A_823 = tpu.memref_slice %arg8[%dma_wait3A_817, %dma_wait3A_822] : memref<80x128xi32, #tpu.memory_space<vmem>> -> memref<1x128xi32, #tpu.memory_space<vmem>>
    %dma_wait3A_824 = tpu.memref_squeeze %dma_wait3A_823 : memref<1x128xi32, #tpu.memory_space<vmem>> -> memref<128xi32, #tpu.memory_space<vmem>>
    %dma_wait3A_825 = arith.constant 0 : i32
    %dma_wait3A_826 = arith.constant 0 : i32
    %dma_wait3A_827 = tpu.memref_slice %arg10[%dma_wait3A_825, %dma_wait3A_826] : memref<10240x32xf32, #tpu.memory_space<vmem_shared>> -> memref<10240x32xf32, #tpu.memory_space<vmem_shared>>
    tpu.wait_indirect_dma semaphore(%arg23 : memref<!tpu.dma_semaphore, #tpu.memory_space<semaphore_mem>>) src(%dma_wait3A_821 : memref<128x32xf32, #tpu.memory_space<vmem>>) dst(%dma_wait3A_827 : memref<10240x32xf32, #tpu.memory_space<vmem_shared>>)
    %dma_wait3A_828 = arith.constant 5 : i32
    %dma_wait3A_829 = arith.constant 0 : i32
    %dma_wait3A_830 = arith.constant 0 : i32
    %dma_wait3A_831 = arith.constant 0 : i32
    %dma_wait3A_832 = tpu.memref_slice %arg9[%dma_wait3A_828, %dma_wait3A_830, %dma_wait3A_831] : memref<8x128x32xf32, #tpu.memory_space<vmem>> -> memref<1x128x32xf32, #tpu.memory_space<vmem>>
    %dma_wait3A_833 = tpu.memref_squeeze %dma_wait3A_832 : memref<1x128x32xf32, #tpu.memory_space<vmem>> -> memref<128x32xf32, #tpu.memory_space<vmem>>
    %dma_wait3A_834 = arith.constant 0 : i32
    %dma_wait3A_835 = tpu.memref_slice %arg8[%dma_wait3A_829, %dma_wait3A_834] : memref<80x128xi32, #tpu.memory_space<vmem>> -> memref<1x128xi32, #tpu.memory_space<vmem>>
    %dma_wait3A_836 = tpu.memref_squeeze %dma_wait3A_835 : memref<1x128xi32, #tpu.memory_space<vmem>> -> memref<128xi32, #tpu.memory_space<vmem>>
    %dma_wait3A_837 = arith.constant 0 : i32
    %dma_wait3A_838 = arith.constant 0 : i32
    %dma_wait3A_839 = tpu.memref_slice %arg10[%dma_wait3A_837, %dma_wait3A_838] : memref<10240x32xf32, #tpu.memory_space<vmem_shared>> -> memref<10240x32xf32, #tpu.memory_space<vmem_shared>>
    tpu.wait_indirect_dma semaphore(%arg24 : memref<!tpu.dma_semaphore, #tpu.memory_space<semaphore_mem>>) src(%dma_wait3A_833 : memref<128x32xf32, #tpu.memory_space<vmem>>) dst(%dma_wait3A_839 : memref<10240x32xf32, #tpu.memory_space<vmem_shared>>)
    %dma_wait3A_840 = arith.constant 6 : i32
    %dma_wait3A_841 = arith.constant 0 : i32
    %dma_wait3A_842 = arith.constant 0 : i32
    %dma_wait3A_843 = arith.constant 0 : i32
    %dma_wait3A_844 = tpu.memref_slice %arg9[%dma_wait3A_840, %dma_wait3A_842, %dma_wait3A_843] : memref<8x128x32xf32, #tpu.memory_space<vmem>> -> memref<1x128x32xf32, #tpu.memory_space<vmem>>
    %dma_wait3A_845 = tpu.memref_squeeze %dma_wait3A_844 : memref<1x128x32xf32, #tpu.memory_space<vmem>> -> memref<128x32xf32, #tpu.memory_space<vmem>>
    %dma_wait3A_846 = arith.constant 0 : i32
    %dma_wait3A_847 = tpu.memref_slice %arg8[%dma_wait3A_841, %dma_wait3A_846] : memref<80x128xi32, #tpu.memory_space<vmem>> -> memref<1x128xi32, #tpu.memory_space<vmem>>
    %dma_wait3A_848 = tpu.memref_squeeze %dma_wait3A_847 : memref<1x128xi32, #tpu.memory_space<vmem>> -> memref<128xi32, #tpu.memory_space<vmem>>
    %dma_wait3A_849 = arith.constant 0 : i32
    %dma_wait3A_850 = arith.constant 0 : i32
    %dma_wait3A_851 = tpu.memref_slice %arg10[%dma_wait3A_849, %dma_wait3A_850] : memref<10240x32xf32, #tpu.memory_space<vmem_shared>> -> memref<10240x32xf32, #tpu.memory_space<vmem_shared>>
    tpu.wait_indirect_dma semaphore(%arg25 : memref<!tpu.dma_semaphore, #tpu.memory_space<semaphore_mem>>) src(%dma_wait3A_845 : memref<128x32xf32, #tpu.memory_space<vmem>>) dst(%dma_wait3A_851 : memref<10240x32xf32, #tpu.memory_space<vmem_shared>>)
    %dma_wait3A_852 = arith.constant 7 : i32
    %dma_wait3A_853 = arith.constant 0 : i32
    %dma_wait3A_854 = arith.constant 0 : i32
    %dma_wait3A_855 = arith.constant 0 : i32
    %dma_wait3A_856 = tpu.memref_slice %arg9[%dma_wait3A_852, %dma_wait3A_854, %dma_wait3A_855] : memref<8x128x32xf32, #tpu.memory_space<vmem>> -> memref<1x128x32xf32, #tpu.memory_space<vmem>>
    %dma_wait3A_857 = tpu.memref_squeeze %dma_wait3A_856 : memref<1x128x32xf32, #tpu.memory_space<vmem>> -> memref<128x32xf32, #tpu.memory_space<vmem>>
    %dma_wait3A_858 = arith.constant 0 : i32
    %dma_wait3A_859 = tpu.memref_slice %arg8[%dma_wait3A_853, %dma_wait3A_858] : memref<80x128xi32, #tpu.memory_space<vmem>> -> memref<1x128xi32, #tpu.memory_space<vmem>>
    %dma_wait3A_860 = tpu.memref_squeeze %dma_wait3A_859 : memref<1x128xi32, #tpu.memory_space<vmem>> -> memref<128xi32, #tpu.memory_space<vmem>>
    %dma_wait3A_861 = arith.constant 0 : i32
    %dma_wait3A_862 = arith.constant 0 : i32
    %dma_wait3A_863 = tpu.memref_slice %arg10[%dma_wait3A_861, %dma_wait3A_862] : memref<10240x32xf32, #tpu.memory_space<vmem_shared>> -> memref<10240x32xf32, #tpu.memory_space<vmem_shared>>
    tpu.wait_indirect_dma semaphore(%arg26 : memref<!tpu.dma_semaphore, #tpu.memory_space<semaphore_mem>>) src(%dma_wait3A_857 : memref<128x32xf32, #tpu.memory_space<vmem>>) dst(%dma_wait3A_863 : memref<10240x32xf32, #tpu.memory_space<vmem_shared>>)
    %barrier3A_864 = arith.constant 0 : index
    tpu.barrier barrier_id(%barrier3A_864)
    %mul3A_865 = arith.constant 640 : i32
    %mul3A_866 = arith.muli %arg1, %mul3A_865 : i32
    %mul3A_867 = arith.constant 640 : i32
    %mul3A_868 = arith.muli %arg1, %mul3A_867 : i32
    "tpu.region"() ({
      %run_scoped3A = tpu.sem_alloc : memref<!tpu.dma_semaphore, #tpu.memory_space<semaphore_mem>>
      %dma_start3A_869 = arith.constant 0 : i32
      %dma_start3A_870 = tpu.memref_slice %arg6[%arg0, %mul3A_868, %dma_start3A_869] : memref<2x10240x32xf32, #tpu.memory_space<hbm>> -> memref<1x640x32xf32, #tpu.memory_space<hbm>>
      %dma_start3A_871 = tpu.memref_squeeze %dma_start3A_870 : memref<1x640x32xf32, #tpu.memory_space<hbm>> -> memref<640x32xf32, #tpu.memory_space<hbm>>
      %dma_start3A_872 = arith.constant 0 : i32
      %dma_start3A_873 = tpu.memref_slice %arg10[%mul3A_866, %dma_start3A_872] : memref<10240x32xf32, #tpu.memory_space<vmem_shared>> -> memref<640x32xf32, #tpu.memory_space<vmem_shared>>
      tpu.enqueue_dma source(%dma_start3A_873 : memref<640x32xf32, #tpu.memory_space<vmem_shared>>) target(%dma_start3A_871 : memref<640x32xf32, #tpu.memory_space<hbm>>) target_semaphore(%run_scoped3A : memref<!tpu.dma_semaphore, #tpu.memory_space<semaphore_mem>>)
      %dma_wait3A_874 = arith.constant 0 : i32
      %dma_wait3A_875 = tpu.memref_slice %arg6[%arg0, %mul3A_868, %dma_wait3A_874] : memref<2x10240x32xf32, #tpu.memory_space<hbm>> -> memref<1x640x32xf32, #tpu.memory_space<hbm>>
      %dma_wait3A_876 = tpu.memref_squeeze %dma_wait3A_875 : memref<1x640x32xf32, #tpu.memory_space<hbm>> -> memref<640x32xf32, #tpu.memory_space<hbm>>
      %dma_wait3A_877 = arith.constant 0 : i32
      %dma_wait3A_878 = tpu.memref_slice %arg10[%mul3A_866, %dma_wait3A_877] : memref<10240x32xf32, #tpu.memory_space<vmem_shared>> -> memref<640x32xf32, #tpu.memory_space<vmem_shared>>
      tpu.wait_dma2 semaphore(%run_scoped3A : memref<!tpu.dma_semaphore, #tpu.memory_space<semaphore_mem>>) src(%dma_wait3A_878 : memref<640x32xf32, #tpu.memory_space<vmem_shared>>) dst(%dma_wait3A_876 : memref<640x32xf32, #tpu.memory_space<hbm>>)
      tpu.yield
    }) : () -> ()
    return
  }
}

#map = affine_map<(d0, d1) -> (0, 0)>
#map1 = affine_map<(d0, d1) -> (0, 0, 0)>
module attributes {stable_mosaic.version = 14 : i64} {
  func.func @_agg_body(%arg0: i32, %arg1: i32, %arg2: memref<10240x32xf32, #tpu.memory_space<hbm>>, %arg3: memref<2x2500x128xi32, #tpu.memory_space<hbm>>, %arg4: memref<2x60x128xi32, #tpu.memory_space<hbm>>, %arg5: memref<10240x32xf32, #tpu.memory_space<hbm>>, %arg6: memref<2x10240x32xf32, #tpu.memory_space<hbm>>, %arg7: memref<80x128xi32, #tpu.memory_space<vmem>>, %arg8: memref<80x128xi32, #tpu.memory_space<vmem>>, %arg9: memref<8x128x32xf32, #tpu.memory_space<vmem>>, %arg10: memref<10240x32xf32, #tpu.memory_space<vmem_shared>>, %arg11: memref<!tpu.dma_semaphore, #tpu.memory_space<semaphore_mem>>, %arg12: memref<!tpu.dma_semaphore, #tpu.memory_space<semaphore_mem>>, %arg13: memref<!tpu.dma_semaphore, #tpu.memory_space<semaphore_mem>>, %arg14: memref<!tpu.dma_semaphore, #tpu.memory_space<semaphore_mem>>, %arg15: memref<!tpu.dma_semaphore, #tpu.memory_space<semaphore_mem>>, %arg16: memref<!tpu.dma_semaphore, #tpu.memory_space<semaphore_mem>>, %arg17: memref<!tpu.dma_semaphore, #tpu.memory_space<semaphore_mem>>, %arg18: memref<!tpu.dma_semaphore, #tpu.memory_space<semaphore_mem>>, %arg19: memref<!tpu.dma_semaphore, #tpu.memory_space<semaphore_mem>>, %arg20: memref<!tpu.dma_semaphore, #tpu.memory_space<semaphore_mem>>, %arg21: memref<!tpu.dma_semaphore, #tpu.memory_space<semaphore_mem>>, %arg22: memref<!tpu.dma_semaphore, #tpu.memory_space<semaphore_mem>>, %arg23: memref<!tpu.dma_semaphore, #tpu.memory_space<semaphore_mem>>, %arg24: memref<!tpu.dma_semaphore, #tpu.memory_space<semaphore_mem>>, %arg25: memref<!tpu.dma_semaphore, #tpu.memory_space<semaphore_mem>>, %arg26: memref<!tpu.dma_semaphore, #tpu.memory_space<semaphore_mem>>) attributes {dimension_semantics = [#tpu.dimension_semantics<core_parallel>, #tpu.dimension_semantics<subcore_parallel>], iteration_bounds = array<i64: 2, 16>, scalar_prefetch = 0 : i64, scratch_operands = 20 : i64, tpu.core_type = #tpu.core_type<sc_vector_subcore>, window_params = [{transform_indices = #map}, {transform_indices = #map1}, {transform_indices = #map1}, {transform_indices = #map}, {transform_indices = #map1}]} {
    %mul3A = arith.constant 16 : i32
    %mul3A_0 = arith.muli %arg0, %mul3A : i32
    %add3A = arith.addi %mul3A_0, %arg1 : i32
    %mul3A_1 = arith.constant 640 : i32
    %mul3A_2 = arith.muli %arg1, %mul3A_1 : i32
    %mul3A_3 = arith.constant 640 : i32
    %mul3A_4 = arith.muli %arg1, %mul3A_3 : i32
    %dma_start3A = arith.constant 0 : i32
    %dma_start3A_5 = tpu.memref_slice %arg10[%mul3A_4, %dma_start3A] : memref<10240x32xf32, #tpu.memory_space<vmem_shared>> -> memref<640x32xf32, #tpu.memory_space<vmem_shared>>
    %dma_start3A_6 = arith.constant 0 : i32
    %dma_start3A_7 = tpu.memref_slice %arg5[%mul3A_2, %dma_start3A_6] : memref<10240x32xf32, #tpu.memory_space<hbm>> -> memref<640x32xf32, #tpu.memory_space<hbm>>
    tpu.enqueue_dma source(%dma_start3A_7 : memref<640x32xf32, #tpu.memory_space<hbm>>) target(%dma_start3A_5 : memref<640x32xf32, #tpu.memory_space<vmem_shared>>) target_semaphore(%arg19 : memref<!tpu.dma_semaphore, #tpu.memory_space<semaphore_mem>>)
    %lt3A = arith.constant 31 : i32
    %lt3A_8 = arith.cmpi slt, %add3A, %lt3A : i32
    %convert_element_type3A = arith.extui %lt3A_8 : i1 to i32
    %cond3A = arith.constant 0 : i32
    %cond3A_9 = arith.cmpi ne, %convert_element_type3A, %cond3A : i32
    scf.if %cond3A_9 {
      %mul3A_869 = arith.constant 80 : i32
      %mul3A_870 = arith.muli %add3A, %mul3A_869 : i32
      %dma_start3A_871 = arith.constant 0 : i32
      %dma_start3A_872 = arith.constant 0 : i32
      %dma_start3A_873 = arith.constant 0 : i32
      %dma_start3A_874 = tpu.memref_slice %arg7[%dma_start3A_872, %dma_start3A_873] : memref<80x128xi32, #tpu.memory_space<vmem>> -> memref<20x128xi32, #tpu.memory_space<vmem>>
      %dma_start3A_875 = arith.constant 0 : i32
      %dma_start3A_876 = tpu.memref_slice %arg3[%dma_start3A_871, %mul3A_870, %dma_start3A_875] : memref<2x2500x128xi32, #tpu.memory_space<hbm>> -> memref<1x20x128xi32, #tpu.memory_space<hbm>>
      %dma_start3A_877 = tpu.memref_squeeze %dma_start3A_876 : memref<1x20x128xi32, #tpu.memory_space<hbm>> -> memref<20x128xi32, #tpu.memory_space<hbm>>
      %dma_start3A_878 = arith.constant 0 : i32
      %dma_start3A_879 = arith.constant 0 : i32
      %dma_start3A_880 = tpu.memref_slice %arg7[%dma_start3A_878, %dma_start3A_879] : memref<80x128xi32, #tpu.memory_space<vmem>> -> memref<20x128xi32, #tpu.memory_space<vmem>>
      %dma_start3A_881 = arith.constant 0 : i32
      %dma_start3A_882 = tpu.memref_slice %arg3[%dma_start3A_871, %mul3A_870, %dma_start3A_881] : memref<2x2500x128xi32, #tpu.memory_space<hbm>> -> memref<1x20x128xi32, #tpu.memory_space<hbm>>
      %dma_start3A_883 = tpu.memref_squeeze %dma_start3A_882 : memref<1x20x128xi32, #tpu.memory_space<hbm>> -> memref<20x128xi32, #tpu.memory_space<hbm>>
      tpu.enqueue_dma source(%dma_start3A_883 : memref<20x128xi32, #tpu.memory_space<hbm>>) target(%dma_start3A_880 : memref<20x128xi32, #tpu.memory_space<vmem>>) target_semaphore(%arg19 : memref<!tpu.dma_semaphore, #tpu.memory_space<semaphore_mem>>)
      %mul3A_884 = arith.constant 80 : i32
      %mul3A_885 = arith.muli %add3A, %mul3A_884 : i32
      %add3A_886 = arith.constant 20 : i32
      %add3A_887 = arith.addi %mul3A_885, %add3A_886 : i32
      %dma_start3A_888 = arith.constant 0 : i32
      %dma_start3A_889 = arith.constant 20 : i32
      %dma_start3A_890 = arith.constant 0 : i32
      %dma_start3A_891 = tpu.memref_slice %arg7[%dma_start3A_889, %dma_start3A_890] : memref<80x128xi32, #tpu.memory_space<vmem>> -> memref<60x128xi32, #tpu.memory_space<vmem>>
      %dma_start3A_892 = arith.constant 0 : i32
      %dma_start3A_893 = tpu.memref_slice %arg3[%dma_start3A_888, %add3A_887, %dma_start3A_892] : memref<2x2500x128xi32, #tpu.memory_space<hbm>> -> memref<1x60x128xi32, #tpu.memory_space<hbm>>
      %dma_start3A_894 = tpu.memref_squeeze %dma_start3A_893 : memref<1x60x128xi32, #tpu.memory_space<hbm>> -> memref<60x128xi32, #tpu.memory_space<hbm>>
      %dma_start3A_895 = arith.constant 20 : i32
      %dma_start3A_896 = arith.constant 0 : i32
      %dma_start3A_897 = tpu.memref_slice %arg7[%dma_start3A_895, %dma_start3A_896] : memref<80x128xi32, #tpu.memory_space<vmem>> -> memref<60x128xi32, #tpu.memory_space<vmem>>
      %dma_start3A_898 = arith.constant 0 : i32
      %dma_start3A_899 = tpu.memref_slice %arg3[%dma_start3A_888, %add3A_887, %dma_start3A_898] : memref<2x2500x128xi32, #tpu.memory_space<hbm>> -> memref<1x60x128xi32, #tpu.memory_space<hbm>>
      %dma_start3A_900 = tpu.memref_squeeze %dma_start3A_899 : memref<1x60x128xi32, #tpu.memory_space<hbm>> -> memref<60x128xi32, #tpu.memory_space<hbm>>
      tpu.enqueue_dma source(%dma_start3A_900 : memref<60x128xi32, #tpu.memory_space<hbm>>) target(%dma_start3A_897 : memref<60x128xi32, #tpu.memory_space<vmem>>) target_semaphore(%arg19 : memref<!tpu.dma_semaphore, #tpu.memory_space<semaphore_mem>>)
    } else {
    }
    %eq3A = arith.constant 31 : i32
    %eq3A_10 = arith.cmpi eq, %add3A, %eq3A : i32
    %convert_element_type3A_11 = arith.extui %eq3A_10 : i1 to i32
    %cond3A_12 = arith.constant 0 : i32
    %cond3A_13 = arith.cmpi ne, %convert_element_type3A_11, %cond3A_12 : i32
    scf.if %cond3A_13 {
      %mul3A_869 = arith.constant 80 : i32
      %mul3A_870 = arith.muli %add3A, %mul3A_869 : i32
      %dma_start3A_871 = arith.constant 0 : i32
      %dma_start3A_872 = arith.constant 0 : i32
      %dma_start3A_873 = arith.constant 0 : i32
      %dma_start3A_874 = tpu.memref_slice %arg7[%dma_start3A_872, %dma_start3A_873] : memref<80x128xi32, #tpu.memory_space<vmem>> -> memref<20x128xi32, #tpu.memory_space<vmem>>
      %dma_start3A_875 = arith.constant 0 : i32
      %dma_start3A_876 = tpu.memref_slice %arg3[%dma_start3A_871, %mul3A_870, %dma_start3A_875] : memref<2x2500x128xi32, #tpu.memory_space<hbm>> -> memref<1x20x128xi32, #tpu.memory_space<hbm>>
      %dma_start3A_877 = tpu.memref_squeeze %dma_start3A_876 : memref<1x20x128xi32, #tpu.memory_space<hbm>> -> memref<20x128xi32, #tpu.memory_space<hbm>>
      %dma_start3A_878 = arith.constant 0 : i32
      %dma_start3A_879 = arith.constant 0 : i32
      %dma_start3A_880 = tpu.memref_slice %arg7[%dma_start3A_878, %dma_start3A_879] : memref<80x128xi32, #tpu.memory_space<vmem>> -> memref<20x128xi32, #tpu.memory_space<vmem>>
      %dma_start3A_881 = arith.constant 0 : i32
      %dma_start3A_882 = tpu.memref_slice %arg3[%dma_start3A_871, %mul3A_870, %dma_start3A_881] : memref<2x2500x128xi32, #tpu.memory_space<hbm>> -> memref<1x20x128xi32, #tpu.memory_space<hbm>>
      %dma_start3A_883 = tpu.memref_squeeze %dma_start3A_882 : memref<1x20x128xi32, #tpu.memory_space<hbm>> -> memref<20x128xi32, #tpu.memory_space<hbm>>
      tpu.enqueue_dma source(%dma_start3A_883 : memref<20x128xi32, #tpu.memory_space<hbm>>) target(%dma_start3A_880 : memref<20x128xi32, #tpu.memory_space<vmem>>) target_semaphore(%arg19 : memref<!tpu.dma_semaphore, #tpu.memory_space<semaphore_mem>>)
      %dma_start3A_884 = arith.constant 0 : i32
      %dma_start3A_885 = arith.constant 20 : i32
      %dma_start3A_886 = arith.constant 0 : i32
      %dma_start3A_887 = tpu.memref_slice %arg7[%dma_start3A_885, %dma_start3A_886] : memref<80x128xi32, #tpu.memory_space<vmem>> -> memref<60x128xi32, #tpu.memory_space<vmem>>
      %dma_start3A_888 = arith.constant 0 : i32
      %dma_start3A_889 = arith.constant 0 : i32
      %dma_start3A_890 = tpu.memref_slice %arg4[%dma_start3A_884, %dma_start3A_888, %dma_start3A_889] : memref<2x60x128xi32, #tpu.memory_space<hbm>> -> memref<1x60x128xi32, #tpu.memory_space<hbm>>
      %dma_start3A_891 = tpu.memref_squeeze %dma_start3A_890 : memref<1x60x128xi32, #tpu.memory_space<hbm>> -> memref<60x128xi32, #tpu.memory_space<hbm>>
      %dma_start3A_892 = arith.constant 20 : i32
      %dma_start3A_893 = arith.constant 0 : i32
      %dma_start3A_894 = tpu.memref_slice %arg7[%dma_start3A_892, %dma_start3A_893] : memref<80x128xi32, #tpu.memory_space<vmem>> -> memref<60x128xi32, #tpu.memory_space<vmem>>
      %dma_start3A_895 = arith.constant 0 : i32
      %dma_start3A_896 = arith.constant 0 : i32
      %dma_start3A_897 = tpu.memref_slice %arg4[%dma_start3A_884, %dma_start3A_895, %dma_start3A_896] : memref<2x60x128xi32, #tpu.memory_space<hbm>> -> memref<1x60x128xi32, #tpu.memory_space<hbm>>
      %dma_start3A_898 = tpu.memref_squeeze %dma_start3A_897 : memref<1x60x128xi32, #tpu.memory_space<hbm>> -> memref<60x128xi32, #tpu.memory_space<hbm>>
      tpu.enqueue_dma source(%dma_start3A_898 : memref<60x128xi32, #tpu.memory_space<hbm>>) target(%dma_start3A_894 : memref<60x128xi32, #tpu.memory_space<vmem>>) target_semaphore(%arg19 : memref<!tpu.dma_semaphore, #tpu.memory_space<semaphore_mem>>)
    } else {
    }
    %lt3A_14 = arith.constant 31 : i32
    %lt3A_15 = arith.cmpi slt, %add3A, %lt3A_14 : i32
    %convert_element_type3A_16 = arith.extui %lt3A_15 : i1 to i32
    %cond3A_17 = arith.constant 0 : i32
    %cond3A_18 = arith.cmpi ne, %convert_element_type3A_16, %cond3A_17 : i32
    scf.if %cond3A_18 {
      %mul3A_869 = arith.constant 80 : i32
      %mul3A_870 = arith.muli %add3A, %mul3A_869 : i32
      %dma_start3A_871 = arith.constant 1 : i32
      %dma_start3A_872 = arith.constant 0 : i32
      %dma_start3A_873 = arith.constant 0 : i32
      %dma_start3A_874 = tpu.memref_slice %arg8[%dma_start3A_872, %dma_start3A_873] : memref<80x128xi32, #tpu.memory_space<vmem>> -> memref<20x128xi32, #tpu.memory_space<vmem>>
      %dma_start3A_875 = arith.constant 0 : i32
      %dma_start3A_876 = tpu.memref_slice %arg3[%dma_start3A_871, %mul3A_870, %dma_start3A_875] : memref<2x2500x128xi32, #tpu.memory_space<hbm>> -> memref<1x20x128xi32, #tpu.memory_space<hbm>>
      %dma_start3A_877 = tpu.memref_squeeze %dma_start3A_876 : memref<1x20x128xi32, #tpu.memory_space<hbm>> -> memref<20x128xi32, #tpu.memory_space<hbm>>
      %dma_start3A_878 = arith.constant 0 : i32
      %dma_start3A_879 = arith.constant 0 : i32
      %dma_start3A_880 = tpu.memref_slice %arg8[%dma_start3A_878, %dma_start3A_879] : memref<80x128xi32, #tpu.memory_space<vmem>> -> memref<20x128xi32, #tpu.memory_space<vmem>>
      %dma_start3A_881 = arith.constant 0 : i32
      %dma_start3A_882 = tpu.memref_slice %arg3[%dma_start3A_871, %mul3A_870, %dma_start3A_881] : memref<2x2500x128xi32, #tpu.memory_space<hbm>> -> memref<1x20x128xi32, #tpu.memory_space<hbm>>
      %dma_start3A_883 = tpu.memref_squeeze %dma_start3A_882 : memref<1x20x128xi32, #tpu.memory_space<hbm>> -> memref<20x128xi32, #tpu.memory_space<hbm>>
      tpu.enqueue_dma source(%dma_start3A_883 : memref<20x128xi32, #tpu.memory_space<hbm>>) target(%dma_start3A_880 : memref<20x128xi32, #tpu.memory_space<vmem>>) target_semaphore(%arg19 : memref<!tpu.dma_semaphore, #tpu.memory_space<semaphore_mem>>)
      %mul3A_884 = arith.constant 80 : i32
      %mul3A_885 = arith.muli %add3A, %mul3A_884 : i32
      %add3A_886 = arith.constant 20 : i32
      %add3A_887 = arith.addi %mul3A_885, %add3A_886 : i32
      %dma_start3A_888 = arith.constant 1 : i32
      %dma_start3A_889 = arith.constant 20 : i32
      %dma_start3A_890 = arith.constant 0 : i32
      %dma_start3A_891 = tpu.memref_slice %arg8[%dma_start3A_889, %dma_start3A_890] : memref<80x128xi32, #tpu.memory_space<vmem>> -> memref<60x128xi32, #tpu.memory_space<vmem>>
      %dma_start3A_892 = arith.constant 0 : i32
      %dma_start3A_893 = tpu.memref_slice %arg3[%dma_start3A_888, %add3A_887, %dma_start3A_892] : memref<2x2500x128xi32, #tpu.memory_space<hbm>> -> memref<1x60x128xi32, #tpu.memory_space<hbm>>
      %dma_start3A_894 = tpu.memref_squeeze %dma_start3A_893 : memref<1x60x128xi32, #tpu.memory_space<hbm>> -> memref<60x128xi32, #tpu.memory_space<hbm>>
      %dma_start3A_895 = arith.constant 20 : i32
      %dma_start3A_896 = arith.constant 0 : i32
      %dma_start3A_897 = tpu.memref_slice %arg8[%dma_start3A_895, %dma_start3A_896] : memref<80x128xi32, #tpu.memory_space<vmem>> -> memref<60x128xi32, #tpu.memory_space<vmem>>
      %dma_start3A_898 = arith.constant 0 : i32
      %dma_start3A_899 = tpu.memref_slice %arg3[%dma_start3A_888, %add3A_887, %dma_start3A_898] : memref<2x2500x128xi32, #tpu.memory_space<hbm>> -> memref<1x60x128xi32, #tpu.memory_space<hbm>>
      %dma_start3A_900 = tpu.memref_squeeze %dma_start3A_899 : memref<1x60x128xi32, #tpu.memory_space<hbm>> -> memref<60x128xi32, #tpu.memory_space<hbm>>
      tpu.enqueue_dma source(%dma_start3A_900 : memref<60x128xi32, #tpu.memory_space<hbm>>) target(%dma_start3A_897 : memref<60x128xi32, #tpu.memory_space<vmem>>) target_semaphore(%arg19 : memref<!tpu.dma_semaphore, #tpu.memory_space<semaphore_mem>>)
    } else {
    }
    %eq3A_19 = arith.constant 31 : i32
    %eq3A_20 = arith.cmpi eq, %add3A, %eq3A_19 : i32
    %convert_element_type3A_21 = arith.extui %eq3A_20 : i1 to i32
    %cond3A_22 = arith.constant 0 : i32
    %cond3A_23 = arith.cmpi ne, %convert_element_type3A_21, %cond3A_22 : i32
    scf.if %cond3A_23 {
      %mul3A_869 = arith.constant 80 : i32
      %mul3A_870 = arith.muli %add3A, %mul3A_869 : i32
      %dma_start3A_871 = arith.constant 1 : i32
      %dma_start3A_872 = arith.constant 0 : i32
      %dma_start3A_873 = arith.constant 0 : i32
      %dma_start3A_874 = tpu.memref_slice %arg8[%dma_start3A_872, %dma_start3A_873] : memref<80x128xi32, #tpu.memory_space<vmem>> -> memref<20x128xi32, #tpu.memory_space<vmem>>
      %dma_start3A_875 = arith.constant 0 : i32
      %dma_start3A_876 = tpu.memref_slice %arg3[%dma_start3A_871, %mul3A_870, %dma_start3A_875] : memref<2x2500x128xi32, #tpu.memory_space<hbm>> -> memref<1x20x128xi32, #tpu.memory_space<hbm>>
      %dma_start3A_877 = tpu.memref_squeeze %dma_start3A_876 : memref<1x20x128xi32, #tpu.memory_space<hbm>> -> memref<20x128xi32, #tpu.memory_space<hbm>>
      %dma_start3A_878 = arith.constant 0 : i32
      %dma_start3A_879 = arith.constant 0 : i32
      %dma_start3A_880 = tpu.memref_slice %arg8[%dma_start3A_878, %dma_start3A_879] : memref<80x128xi32, #tpu.memory_space<vmem>> -> memref<20x128xi32, #tpu.memory_space<vmem>>
      %dma_start3A_881 = arith.constant 0 : i32
      %dma_start3A_882 = tpu.memref_slice %arg3[%dma_start3A_871, %mul3A_870, %dma_start3A_881] : memref<2x2500x128xi32, #tpu.memory_space<hbm>> -> memref<1x20x128xi32, #tpu.memory_space<hbm>>
      %dma_start3A_883 = tpu.memref_squeeze %dma_start3A_882 : memref<1x20x128xi32, #tpu.memory_space<hbm>> -> memref<20x128xi32, #tpu.memory_space<hbm>>
      tpu.enqueue_dma source(%dma_start3A_883 : memref<20x128xi32, #tpu.memory_space<hbm>>) target(%dma_start3A_880 : memref<20x128xi32, #tpu.memory_space<vmem>>) target_semaphore(%arg19 : memref<!tpu.dma_semaphore, #tpu.memory_space<semaphore_mem>>)
      %dma_start3A_884 = arith.constant 1 : i32
      %dma_start3A_885 = arith.constant 20 : i32
      %dma_start3A_886 = arith.constant 0 : i32
      %dma_start3A_887 = tpu.memref_slice %arg8[%dma_start3A_885, %dma_start3A_886] : memref<80x128xi32, #tpu.memory_space<vmem>> -> memref<60x128xi32, #tpu.memory_space<vmem>>
      %dma_start3A_888 = arith.constant 0 : i32
      %dma_start3A_889 = arith.constant 0 : i32
      %dma_start3A_890 = tpu.memref_slice %arg4[%dma_start3A_884, %dma_start3A_888, %dma_start3A_889] : memref<2x60x128xi32, #tpu.memory_space<hbm>> -> memref<1x60x128xi32, #tpu.memory_space<hbm>>
      %dma_start3A_891 = tpu.memref_squeeze %dma_start3A_890 : memref<1x60x128xi32, #tpu.memory_space<hbm>> -> memref<60x128xi32, #tpu.memory_space<hbm>>
      %dma_start3A_892 = arith.constant 20 : i32
      %dma_start3A_893 = arith.constant 0 : i32
      %dma_start3A_894 = tpu.memref_slice %arg8[%dma_start3A_892, %dma_start3A_893] : memref<80x128xi32, #tpu.memory_space<vmem>> -> memref<60x128xi32, #tpu.memory_space<vmem>>
      %dma_start3A_895 = arith.constant 0 : i32
      %dma_start3A_896 = arith.constant 0 : i32
      %dma_start3A_897 = tpu.memref_slice %arg4[%dma_start3A_884, %dma_start3A_895, %dma_start3A_896] : memref<2x60x128xi32, #tpu.memory_space<hbm>> -> memref<1x60x128xi32, #tpu.memory_space<hbm>>
      %dma_start3A_898 = tpu.memref_squeeze %dma_start3A_897 : memref<1x60x128xi32, #tpu.memory_space<hbm>> -> memref<60x128xi32, #tpu.memory_space<hbm>>
      tpu.enqueue_dma source(%dma_start3A_898 : memref<60x128xi32, #tpu.memory_space<hbm>>) target(%dma_start3A_894 : memref<60x128xi32, #tpu.memory_space<vmem>>) target_semaphore(%arg19 : memref<!tpu.dma_semaphore, #tpu.memory_space<semaphore_mem>>)
    } else {
    }
    %mul3A_24 = arith.constant 640 : i32
    %mul3A_25 = arith.muli %arg1, %mul3A_24 : i32
    %mul3A_26 = arith.constant 640 : i32
    %mul3A_27 = arith.muli %arg1, %mul3A_26 : i32
    %dma_wait3A = arith.constant 0 : i32
    %dma_wait3A_28 = tpu.memref_slice %arg10[%mul3A_27, %dma_wait3A] : memref<10240x32xf32, #tpu.memory_space<vmem_shared>> -> memref<640x32xf32, #tpu.memory_space<vmem_shared>>
    %dma_wait3A_29 = arith.constant 0 : i32
    %dma_wait3A_30 = tpu.memref_slice %arg5[%mul3A_25, %dma_wait3A_29] : memref<10240x32xf32, #tpu.memory_space<hbm>> -> memref<640x32xf32, #tpu.memory_space<hbm>>
    tpu.wait_dma2 semaphore(%arg19 : memref<!tpu.dma_semaphore, #tpu.memory_space<semaphore_mem>>) src(%dma_wait3A_30 : memref<640x32xf32, #tpu.memory_space<hbm>>) dst(%dma_wait3A_28 : memref<640x32xf32, #tpu.memory_space<vmem_shared>>)
    %dma_wait3A_31 = arith.constant 0 : i32
    %dma_wait3A_32 = arith.constant 0 : i32
    %dma_wait3A_33 = arith.constant 0 : i32
    %dma_wait3A_34 = tpu.memref_slice %arg7[%dma_wait3A_32, %dma_wait3A_33] : memref<80x128xi32, #tpu.memory_space<vmem>> -> memref<20x128xi32, #tpu.memory_space<vmem>>
    %dma_wait3A_35 = arith.constant 0 : i32
    %dma_wait3A_36 = arith.constant 0 : i32
    %dma_wait3A_37 = tpu.memref_slice %arg3[%dma_wait3A_31, %dma_wait3A_35, %dma_wait3A_36] : memref<2x2500x128xi32, #tpu.memory_space<hbm>> -> memref<1x20x128xi32, #tpu.memory_space<hbm>>
    %dma_wait3A_38 = tpu.memref_squeeze %dma_wait3A_37 : memref<1x20x128xi32, #tpu.memory_space<hbm>> -> memref<20x128xi32, #tpu.memory_space<hbm>>
    %dma_wait3A_39 = arith.constant 0 : i32
    %dma_wait3A_40 = arith.constant 0 : i32
    %dma_wait3A_41 = tpu.memref_slice %arg7[%dma_wait3A_39, %dma_wait3A_40] : memref<80x128xi32, #tpu.memory_space<vmem>> -> memref<20x128xi32, #tpu.memory_space<vmem>>
    %dma_wait3A_42 = arith.constant 0 : i32
    %dma_wait3A_43 = arith.constant 0 : i32
    %dma_wait3A_44 = tpu.memref_slice %arg3[%dma_wait3A_31, %dma_wait3A_42, %dma_wait3A_43] : memref<2x2500x128xi32, #tpu.memory_space<hbm>> -> memref<1x20x128xi32, #tpu.memory_space<hbm>>
    %dma_wait3A_45 = tpu.memref_squeeze %dma_wait3A_44 : memref<1x20x128xi32, #tpu.memory_space<hbm>> -> memref<20x128xi32, #tpu.memory_space<hbm>>
    tpu.wait_dma2 semaphore(%arg19 : memref<!tpu.dma_semaphore, #tpu.memory_space<semaphore_mem>>) src(%dma_wait3A_45 : memref<20x128xi32, #tpu.memory_space<hbm>>) dst(%dma_wait3A_41 : memref<20x128xi32, #tpu.memory_space<vmem>>)
    %dma_wait3A_46 = arith.constant 0 : i32
    %dma_wait3A_47 = arith.constant 20 : i32
    %dma_wait3A_48 = arith.constant 0 : i32
    %dma_wait3A_49 = tpu.memref_slice %arg7[%dma_wait3A_47, %dma_wait3A_48] : memref<80x128xi32, #tpu.memory_space<vmem>> -> memref<60x128xi32, #tpu.memory_space<vmem>>
    %dma_wait3A_50 = arith.constant 0 : i32
    %dma_wait3A_51 = arith.constant 0 : i32
    %dma_wait3A_52 = tpu.memref_slice %arg4[%dma_wait3A_46, %dma_wait3A_50, %dma_wait3A_51] : memref<2x60x128xi32, #tpu.memory_space<hbm>> -> memref<1x60x128xi32, #tpu.memory_space<hbm>>
    %dma_wait3A_53 = tpu.memref_squeeze %dma_wait3A_52 : memref<1x60x128xi32, #tpu.memory_space<hbm>> -> memref<60x128xi32, #tpu.memory_space<hbm>>
    %dma_wait3A_54 = arith.constant 20 : i32
    %dma_wait3A_55 = arith.constant 0 : i32
    %dma_wait3A_56 = tpu.memref_slice %arg7[%dma_wait3A_54, %dma_wait3A_55] : memref<80x128xi32, #tpu.memory_space<vmem>> -> memref<60x128xi32, #tpu.memory_space<vmem>>
    %dma_wait3A_57 = arith.constant 0 : i32
    %dma_wait3A_58 = arith.constant 0 : i32
    %dma_wait3A_59 = tpu.memref_slice %arg4[%dma_wait3A_46, %dma_wait3A_57, %dma_wait3A_58] : memref<2x60x128xi32, #tpu.memory_space<hbm>> -> memref<1x60x128xi32, #tpu.memory_space<hbm>>
    %dma_wait3A_60 = tpu.memref_squeeze %dma_wait3A_59 : memref<1x60x128xi32, #tpu.memory_space<hbm>> -> memref<60x128xi32, #tpu.memory_space<hbm>>
    tpu.wait_dma2 semaphore(%arg19 : memref<!tpu.dma_semaphore, #tpu.memory_space<semaphore_mem>>) src(%dma_wait3A_60 : memref<60x128xi32, #tpu.memory_space<hbm>>) dst(%dma_wait3A_56 : memref<60x128xi32, #tpu.memory_space<vmem>>)
    %dma_wait3A_61 = arith.constant 1 : i32
    %dma_wait3A_62 = arith.constant 0 : i32
    %dma_wait3A_63 = arith.constant 0 : i32
    %dma_wait3A_64 = tpu.memref_slice %arg8[%dma_wait3A_62, %dma_wait3A_63] : memref<80x128xi32, #tpu.memory_space<vmem>> -> memref<20x128xi32, #tpu.memory_space<vmem>>
    %dma_wait3A_65 = arith.constant 0 : i32
    %dma_wait3A_66 = arith.constant 0 : i32
    %dma_wait3A_67 = tpu.memref_slice %arg3[%dma_wait3A_61, %dma_wait3A_65, %dma_wait3A_66] : memref<2x2500x128xi32, #tpu.memory_space<hbm>> -> memref<1x20x128xi32, #tpu.memory_space<hbm>>
    %dma_wait3A_68 = tpu.memref_squeeze %dma_wait3A_67 : memref<1x20x128xi32, #tpu.memory_space<hbm>> -> memref<20x128xi32, #tpu.memory_space<hbm>>
    %dma_wait3A_69 = arith.constant 0 : i32
    %dma_wait3A_70 = arith.constant 0 : i32
    %dma_wait3A_71 = tpu.memref_slice %arg8[%dma_wait3A_69, %dma_wait3A_70] : memref<80x128xi32, #tpu.memory_space<vmem>> -> memref<20x128xi32, #tpu.memory_space<vmem>>
    %dma_wait3A_72 = arith.constant 0 : i32
    %dma_wait3A_73 = arith.constant 0 : i32
    %dma_wait3A_74 = tpu.memref_slice %arg3[%dma_wait3A_61, %dma_wait3A_72, %dma_wait3A_73] : memref<2x2500x128xi32, #tpu.memory_space<hbm>> -> memref<1x20x128xi32, #tpu.memory_space<hbm>>
    %dma_wait3A_75 = tpu.memref_squeeze %dma_wait3A_74 : memref<1x20x128xi32, #tpu.memory_space<hbm>> -> memref<20x128xi32, #tpu.memory_space<hbm>>
    tpu.wait_dma2 semaphore(%arg19 : memref<!tpu.dma_semaphore, #tpu.memory_space<semaphore_mem>>) src(%dma_wait3A_75 : memref<20x128xi32, #tpu.memory_space<hbm>>) dst(%dma_wait3A_71 : memref<20x128xi32, #tpu.memory_space<vmem>>)
    %dma_wait3A_76 = arith.constant 1 : i32
    %dma_wait3A_77 = arith.constant 20 : i32
    %dma_wait3A_78 = arith.constant 0 : i32
    %dma_wait3A_79 = tpu.memref_slice %arg8[%dma_wait3A_77, %dma_wait3A_78] : memref<80x128xi32, #tpu.memory_space<vmem>> -> memref<60x128xi32, #tpu.memory_space<vmem>>
    %dma_wait3A_80 = arith.constant 0 : i32
    %dma_wait3A_81 = arith.constant 0 : i32
    %dma_wait3A_82 = tpu.memref_slice %arg4[%dma_wait3A_76, %dma_wait3A_80, %dma_wait3A_81] : memref<2x60x128xi32, #tpu.memory_space<hbm>> -> memref<1x60x128xi32, #tpu.memory_space<hbm>>
    %dma_wait3A_83 = tpu.memref_squeeze %dma_wait3A_82 : memref<1x60x128xi32, #tpu.memory_space<hbm>> -> memref<60x128xi32, #tpu.memory_space<hbm>>
    %dma_wait3A_84 = arith.constant 20 : i32
    %dma_wait3A_85 = arith.constant 0 : i32
    %dma_wait3A_86 = tpu.memref_slice %arg8[%dma_wait3A_84, %dma_wait3A_85] : memref<80x128xi32, #tpu.memory_space<vmem>> -> memref<60x128xi32, #tpu.memory_space<vmem>>
    %dma_wait3A_87 = arith.constant 0 : i32
    %dma_wait3A_88 = arith.constant 0 : i32
    %dma_wait3A_89 = tpu.memref_slice %arg4[%dma_wait3A_76, %dma_wait3A_87, %dma_wait3A_88] : memref<2x60x128xi32, #tpu.memory_space<hbm>> -> memref<1x60x128xi32, #tpu.memory_space<hbm>>
    %dma_wait3A_90 = tpu.memref_squeeze %dma_wait3A_89 : memref<1x60x128xi32, #tpu.memory_space<hbm>> -> memref<60x128xi32, #tpu.memory_space<hbm>>
    tpu.wait_dma2 semaphore(%arg19 : memref<!tpu.dma_semaphore, #tpu.memory_space<semaphore_mem>>) src(%dma_wait3A_90 : memref<60x128xi32, #tpu.memory_space<hbm>>) dst(%dma_wait3A_86 : memref<60x128xi32, #tpu.memory_space<vmem>>)
    %barrier3A = arith.constant 0 : index
    tpu.barrier barrier_id(%barrier3A)
    %dma_start3A_91 = arith.constant 0 : i32
    %dma_start3A_92 = arith.constant 0 : i32
    %dma_start3A_93 = arith.constant 0 : i32
    %dma_start3A_94 = arith.constant 0 : i32
    %dma_start3A_95 = tpu.memref_slice %arg9[%dma_start3A_92, %dma_start3A_93, %dma_start3A_94] : memref<8x128x32xf32, #tpu.memory_space<vmem>> -> memref<1x128x32xf32, #tpu.memory_space<vmem>>
    %dma_start3A_96 = tpu.memref_squeeze %dma_start3A_95 : memref<1x128x32xf32, #tpu.memory_space<vmem>> -> memref<128x32xf32, #tpu.memory_space<vmem>>
    %dma_start3A_97 = arith.constant 0 : i32
    %dma_start3A_98 = tpu.memref_slice %arg7[%dma_start3A_91, %dma_start3A_97] : memref<80x128xi32, #tpu.memory_space<vmem>> -> memref<1x128xi32, #tpu.memory_space<vmem>>
    %dma_start3A_99 = tpu.memref_squeeze %dma_start3A_98 : memref<1x128xi32, #tpu.memory_space<vmem>> -> memref<128xi32, #tpu.memory_space<vmem>>
    %dma_start3A_100 = arith.constant 0 : i32
    %dma_start3A_101 = arith.constant 0 : i32
    %dma_start3A_102 = tpu.memref_slice %arg2[%dma_start3A_100, %dma_start3A_101] : memref<10240x32xf32, #tpu.memory_space<hbm>> -> memref<10240x32xf32, #tpu.memory_space<hbm>>
    tpu.enqueue_indirect_dma source(%dma_start3A_102 : memref<10240x32xf32, #tpu.memory_space<hbm>>) target(%dma_start3A_96 : memref<128x32xf32, #tpu.memory_space<vmem>>) offsets(%dma_start3A_99 : memref<128xi32, #tpu.memory_space<vmem>>) semaphore(%arg11 : memref<!tpu.dma_semaphore, #tpu.memory_space<semaphore_mem>>)
    %dma_start3A_103 = arith.constant 1 : i32
    %dma_start3A_104 = arith.constant 1 : i32
    %dma_start3A_105 = arith.constant 0 : i32
    %dma_start3A_106 = arith.constant 0 : i32
    %dma_start3A_107 = tpu.memref_slice %arg9[%dma_start3A_104, %dma_start3A_105, %dma_start3A_106] : memref<8x128x32xf32, #tpu.memory_space<vmem>> -> memref<1x128x32xf32, #tpu.memory_space<vmem>>
    %dma_start3A_108 = tpu.memref_squeeze %dma_start3A_107 : memref<1x128x32xf32, #tpu.memory_space<vmem>> -> memref<128x32xf32, #tpu.memory_space<vmem>>
    %dma_start3A_109 = arith.constant 0 : i32
    %dma_start3A_110 = tpu.memref_slice %arg7[%dma_start3A_103, %dma_start3A_109] : memref<80x128xi32, #tpu.memory_space<vmem>> -> memref<1x128xi32, #tpu.memory_space<vmem>>
    %dma_start3A_111 = tpu.memref_squeeze %dma_start3A_110 : memref<1x128xi32, #tpu.memory_space<vmem>> -> memref<128xi32, #tpu.memory_space<vmem>>
    %dma_start3A_112 = arith.constant 0 : i32
    %dma_start3A_113 = arith.constant 0 : i32
    %dma_start3A_114 = tpu.memref_slice %arg2[%dma_start3A_112, %dma_start3A_113] : memref<10240x32xf32, #tpu.memory_space<hbm>> -> memref<10240x32xf32, #tpu.memory_space<hbm>>
    tpu.enqueue_indirect_dma source(%dma_start3A_114 : memref<10240x32xf32, #tpu.memory_space<hbm>>) target(%dma_start3A_108 : memref<128x32xf32, #tpu.memory_space<vmem>>) offsets(%dma_start3A_111 : memref<128xi32, #tpu.memory_space<vmem>>) semaphore(%arg12 : memref<!tpu.dma_semaphore, #tpu.memory_space<semaphore_mem>>)
    %dma_start3A_115 = arith.constant 2 : i32
    %dma_start3A_116 = arith.constant 2 : i32
    %dma_start3A_117 = arith.constant 0 : i32
    %dma_start3A_118 = arith.constant 0 : i32
    %dma_start3A_119 = tpu.memref_slice %arg9[%dma_start3A_116, %dma_start3A_117, %dma_start3A_118] : memref<8x128x32xf32, #tpu.memory_space<vmem>> -> memref<1x128x32xf32, #tpu.memory_space<vmem>>
    %dma_start3A_120 = tpu.memref_squeeze %dma_start3A_119 : memref<1x128x32xf32, #tpu.memory_space<vmem>> -> memref<128x32xf32, #tpu.memory_space<vmem>>
    %dma_start3A_121 = arith.constant 0 : i32
    %dma_start3A_122 = tpu.memref_slice %arg7[%dma_start3A_115, %dma_start3A_121] : memref<80x128xi32, #tpu.memory_space<vmem>> -> memref<1x128xi32, #tpu.memory_space<vmem>>
    %dma_start3A_123 = tpu.memref_squeeze %dma_start3A_122 : memref<1x128xi32, #tpu.memory_space<vmem>> -> memref<128xi32, #tpu.memory_space<vmem>>
    %dma_start3A_124 = arith.constant 0 : i32
    %dma_start3A_125 = arith.constant 0 : i32
    %dma_start3A_126 = tpu.memref_slice %arg2[%dma_start3A_124, %dma_start3A_125] : memref<10240x32xf32, #tpu.memory_space<hbm>> -> memref<10240x32xf32, #tpu.memory_space<hbm>>
    tpu.enqueue_indirect_dma source(%dma_start3A_126 : memref<10240x32xf32, #tpu.memory_space<hbm>>) target(%dma_start3A_120 : memref<128x32xf32, #tpu.memory_space<vmem>>) offsets(%dma_start3A_123 : memref<128xi32, #tpu.memory_space<vmem>>) semaphore(%arg13 : memref<!tpu.dma_semaphore, #tpu.memory_space<semaphore_mem>>)
    %dma_start3A_127 = arith.constant 3 : i32
    %dma_start3A_128 = arith.constant 3 : i32
    %dma_start3A_129 = arith.constant 0 : i32
    %dma_start3A_130 = arith.constant 0 : i32
    %dma_start3A_131 = tpu.memref_slice %arg9[%dma_start3A_128, %dma_start3A_129, %dma_start3A_130] : memref<8x128x32xf32, #tpu.memory_space<vmem>> -> memref<1x128x32xf32, #tpu.memory_space<vmem>>
    %dma_start3A_132 = tpu.memref_squeeze %dma_start3A_131 : memref<1x128x32xf32, #tpu.memory_space<vmem>> -> memref<128x32xf32, #tpu.memory_space<vmem>>
    %dma_start3A_133 = arith.constant 0 : i32
    %dma_start3A_134 = tpu.memref_slice %arg7[%dma_start3A_127, %dma_start3A_133] : memref<80x128xi32, #tpu.memory_space<vmem>> -> memref<1x128xi32, #tpu.memory_space<vmem>>
    %dma_start3A_135 = tpu.memref_squeeze %dma_start3A_134 : memref<1x128xi32, #tpu.memory_space<vmem>> -> memref<128xi32, #tpu.memory_space<vmem>>
    %dma_start3A_136 = arith.constant 0 : i32
    %dma_start3A_137 = arith.constant 0 : i32
    %dma_start3A_138 = tpu.memref_slice %arg2[%dma_start3A_136, %dma_start3A_137] : memref<10240x32xf32, #tpu.memory_space<hbm>> -> memref<10240x32xf32, #tpu.memory_space<hbm>>
    tpu.enqueue_indirect_dma source(%dma_start3A_138 : memref<10240x32xf32, #tpu.memory_space<hbm>>) target(%dma_start3A_132 : memref<128x32xf32, #tpu.memory_space<vmem>>) offsets(%dma_start3A_135 : memref<128xi32, #tpu.memory_space<vmem>>) semaphore(%arg14 : memref<!tpu.dma_semaphore, #tpu.memory_space<semaphore_mem>>)
    %dma_start3A_139 = arith.constant 4 : i32
    %dma_start3A_140 = arith.constant 4 : i32
    %dma_start3A_141 = arith.constant 0 : i32
    %dma_start3A_142 = arith.constant 0 : i32
    %dma_start3A_143 = tpu.memref_slice %arg9[%dma_start3A_140, %dma_start3A_141, %dma_start3A_142] : memref<8x128x32xf32, #tpu.memory_space<vmem>> -> memref<1x128x32xf32, #tpu.memory_space<vmem>>
    %dma_start3A_144 = tpu.memref_squeeze %dma_start3A_143 : memref<1x128x32xf32, #tpu.memory_space<vmem>> -> memref<128x32xf32, #tpu.memory_space<vmem>>
    %dma_start3A_145 = arith.constant 0 : i32
    %dma_start3A_146 = tpu.memref_slice %arg7[%dma_start3A_139, %dma_start3A_145] : memref<80x128xi32, #tpu.memory_space<vmem>> -> memref<1x128xi32, #tpu.memory_space<vmem>>
    %dma_start3A_147 = tpu.memref_squeeze %dma_start3A_146 : memref<1x128xi32, #tpu.memory_space<vmem>> -> memref<128xi32, #tpu.memory_space<vmem>>
    %dma_start3A_148 = arith.constant 0 : i32
    %dma_start3A_149 = arith.constant 0 : i32
    %dma_start3A_150 = tpu.memref_slice %arg2[%dma_start3A_148, %dma_start3A_149] : memref<10240x32xf32, #tpu.memory_space<hbm>> -> memref<10240x32xf32, #tpu.memory_space<hbm>>
    tpu.enqueue_indirect_dma source(%dma_start3A_150 : memref<10240x32xf32, #tpu.memory_space<hbm>>) target(%dma_start3A_144 : memref<128x32xf32, #tpu.memory_space<vmem>>) offsets(%dma_start3A_147 : memref<128xi32, #tpu.memory_space<vmem>>) semaphore(%arg15 : memref<!tpu.dma_semaphore, #tpu.memory_space<semaphore_mem>>)
    %dma_start3A_151 = arith.constant 5 : i32
    %dma_start3A_152 = arith.constant 5 : i32
    %dma_start3A_153 = arith.constant 0 : i32
    %dma_start3A_154 = arith.constant 0 : i32
    %dma_start3A_155 = tpu.memref_slice %arg9[%dma_start3A_152, %dma_start3A_153, %dma_start3A_154] : memref<8x128x32xf32, #tpu.memory_space<vmem>> -> memref<1x128x32xf32, #tpu.memory_space<vmem>>
    %dma_start3A_156 = tpu.memref_squeeze %dma_start3A_155 : memref<1x128x32xf32, #tpu.memory_space<vmem>> -> memref<128x32xf32, #tpu.memory_space<vmem>>
    %dma_start3A_157 = arith.constant 0 : i32
    %dma_start3A_158 = tpu.memref_slice %arg7[%dma_start3A_151, %dma_start3A_157] : memref<80x128xi32, #tpu.memory_space<vmem>> -> memref<1x128xi32, #tpu.memory_space<vmem>>
    %dma_start3A_159 = tpu.memref_squeeze %dma_start3A_158 : memref<1x128xi32, #tpu.memory_space<vmem>> -> memref<128xi32, #tpu.memory_space<vmem>>
    %dma_start3A_160 = arith.constant 0 : i32
    %dma_start3A_161 = arith.constant 0 : i32
    %dma_start3A_162 = tpu.memref_slice %arg2[%dma_start3A_160, %dma_start3A_161] : memref<10240x32xf32, #tpu.memory_space<hbm>> -> memref<10240x32xf32, #tpu.memory_space<hbm>>
    tpu.enqueue_indirect_dma source(%dma_start3A_162 : memref<10240x32xf32, #tpu.memory_space<hbm>>) target(%dma_start3A_156 : memref<128x32xf32, #tpu.memory_space<vmem>>) offsets(%dma_start3A_159 : memref<128xi32, #tpu.memory_space<vmem>>) semaphore(%arg16 : memref<!tpu.dma_semaphore, #tpu.memory_space<semaphore_mem>>)
    %dma_wait3A_163 = arith.constant 0 : i32
    %dma_wait3A_164 = arith.constant 0 : i32
    %dma_wait3A_165 = arith.constant 0 : i32
    %dma_wait3A_166 = arith.constant 0 : i32
    %dma_wait3A_167 = tpu.memref_slice %arg9[%dma_wait3A_164, %dma_wait3A_165, %dma_wait3A_166] : memref<8x128x32xf32, #tpu.memory_space<vmem>> -> memref<1x128x32xf32, #tpu.memory_space<vmem>>
    %dma_wait3A_168 = tpu.memref_squeeze %dma_wait3A_167 : memref<1x128x32xf32, #tpu.memory_space<vmem>> -> memref<128x32xf32, #tpu.memory_space<vmem>>
    %dma_wait3A_169 = arith.constant 0 : i32
    %dma_wait3A_170 = tpu.memref_slice %arg7[%dma_wait3A_163, %dma_wait3A_169] : memref<80x128xi32, #tpu.memory_space<vmem>> -> memref<1x128xi32, #tpu.memory_space<vmem>>
    %dma_wait3A_171 = tpu.memref_squeeze %dma_wait3A_170 : memref<1x128xi32, #tpu.memory_space<vmem>> -> memref<128xi32, #tpu.memory_space<vmem>>
    %dma_wait3A_172 = arith.constant 0 : i32
    %dma_wait3A_173 = arith.constant 0 : i32
    %dma_wait3A_174 = tpu.memref_slice %arg2[%dma_wait3A_172, %dma_wait3A_173] : memref<10240x32xf32, #tpu.memory_space<hbm>> -> memref<10240x32xf32, #tpu.memory_space<hbm>>
    tpu.wait_indirect_dma semaphore(%arg11 : memref<!tpu.dma_semaphore, #tpu.memory_space<semaphore_mem>>) src(%dma_wait3A_174 : memref<10240x32xf32, #tpu.memory_space<hbm>>) dst(%dma_wait3A_168 : memref<128x32xf32, #tpu.memory_space<vmem>>)
    %dma_start3A_175 = arith.constant 0 : i32
    %dma_start3A_176 = arith.constant 0 : i32
    %dma_start3A_177 = arith.constant 0 : i32
    %dma_start3A_178 = arith.constant 0 : i32
    %dma_start3A_179 = tpu.memref_slice %arg9[%dma_start3A_175, %dma_start3A_177, %dma_start3A_178] : memref<8x128x32xf32, #tpu.memory_space<vmem>> -> memref<1x128x32xf32, #tpu.memory_space<vmem>>
    %dma_start3A_180 = tpu.memref_squeeze %dma_start3A_179 : memref<1x128x32xf32, #tpu.memory_space<vmem>> -> memref<128x32xf32, #tpu.memory_space<vmem>>
    %dma_start3A_181 = arith.constant 0 : i32
    %dma_start3A_182 = tpu.memref_slice %arg8[%dma_start3A_176, %dma_start3A_181] : memref<80x128xi32, #tpu.memory_space<vmem>> -> memref<1x128xi32, #tpu.memory_space<vmem>>
    %dma_start3A_183 = tpu.memref_squeeze %dma_start3A_182 : memref<1x128xi32, #tpu.memory_space<vmem>> -> memref<128xi32, #tpu.memory_space<vmem>>
    %dma_start3A_184 = arith.constant 0 : i32
    %dma_start3A_185 = arith.constant 0 : i32
    %dma_start3A_186 = tpu.memref_slice %arg10[%dma_start3A_184, %dma_start3A_185] : memref<10240x32xf32, #tpu.memory_space<vmem_shared>> -> memref<10240x32xf32, #tpu.memory_space<vmem_shared>>
    tpu.enqueue_indirect_dma source(%dma_start3A_180 : memref<128x32xf32, #tpu.memory_space<vmem>>) target(%dma_start3A_186 : memref<10240x32xf32, #tpu.memory_space<vmem_shared>>) offsets(%dma_start3A_183 : memref<128xi32, #tpu.memory_space<vmem>>) semaphore(%arg19 : memref<!tpu.dma_semaphore, #tpu.memory_space<semaphore_mem>>) {add = true}
    %dma_start3A_187 = arith.constant 6 : i32
    %dma_start3A_188 = arith.constant 6 : i32
    %dma_start3A_189 = arith.constant 0 : i32
    %dma_start3A_190 = arith.constant 0 : i32
    %dma_start3A_191 = tpu.memref_slice %arg9[%dma_start3A_188, %dma_start3A_189, %dma_start3A_190] : memref<8x128x32xf32, #tpu.memory_space<vmem>> -> memref<1x128x32xf32, #tpu.memory_space<vmem>>
    %dma_start3A_192 = tpu.memref_squeeze %dma_start3A_191 : memref<1x128x32xf32, #tpu.memory_space<vmem>> -> memref<128x32xf32, #tpu.memory_space<vmem>>
    %dma_start3A_193 = arith.constant 0 : i32
    %dma_start3A_194 = tpu.memref_slice %arg7[%dma_start3A_187, %dma_start3A_193] : memref<80x128xi32, #tpu.memory_space<vmem>> -> memref<1x128xi32, #tpu.memory_space<vmem>>
    %dma_start3A_195 = tpu.memref_squeeze %dma_start3A_194 : memref<1x128xi32, #tpu.memory_space<vmem>> -> memref<128xi32, #tpu.memory_space<vmem>>
    %dma_start3A_196 = arith.constant 0 : i32
    %dma_start3A_197 = arith.constant 0 : i32
    %dma_start3A_198 = tpu.memref_slice %arg2[%dma_start3A_196, %dma_start3A_197] : memref<10240x32xf32, #tpu.memory_space<hbm>> -> memref<10240x32xf32, #tpu.memory_space<hbm>>
    tpu.enqueue_indirect_dma source(%dma_start3A_198 : memref<10240x32xf32, #tpu.memory_space<hbm>>) target(%dma_start3A_192 : memref<128x32xf32, #tpu.memory_space<vmem>>) offsets(%dma_start3A_195 : memref<128xi32, #tpu.memory_space<vmem>>) semaphore(%arg17 : memref<!tpu.dma_semaphore, #tpu.memory_space<semaphore_mem>>)
    %dma_wait3A_199 = arith.constant 1 : i32
    %dma_wait3A_200 = arith.constant 1 : i32
    %dma_wait3A_201 = arith.constant 0 : i32
    %dma_wait3A_202 = arith.constant 0 : i32
    %dma_wait3A_203 = tpu.memref_slice %arg9[%dma_wait3A_200, %dma_wait3A_201, %dma_wait3A_202] : memref<8x128x32xf32, #tpu.memory_space<vmem>> -> memref<1x128x32xf32, #tpu.memory_space<vmem>>
    %dma_wait3A_204 = tpu.memref_squeeze %dma_wait3A_203 : memref<1x128x32xf32, #tpu.memory_space<vmem>> -> memref<128x32xf32, #tpu.memory_space<vmem>>
    %dma_wait3A_205 = arith.constant 0 : i32
    %dma_wait3A_206 = tpu.memref_slice %arg7[%dma_wait3A_199, %dma_wait3A_205] : memref<80x128xi32, #tpu.memory_space<vmem>> -> memref<1x128xi32, #tpu.memory_space<vmem>>
    %dma_wait3A_207 = tpu.memref_squeeze %dma_wait3A_206 : memref<1x128xi32, #tpu.memory_space<vmem>> -> memref<128xi32, #tpu.memory_space<vmem>>
    %dma_wait3A_208 = arith.constant 0 : i32
    %dma_wait3A_209 = arith.constant 0 : i32
    %dma_wait3A_210 = tpu.memref_slice %arg2[%dma_wait3A_208, %dma_wait3A_209] : memref<10240x32xf32, #tpu.memory_space<hbm>> -> memref<10240x32xf32, #tpu.memory_space<hbm>>
    tpu.wait_indirect_dma semaphore(%arg12 : memref<!tpu.dma_semaphore, #tpu.memory_space<semaphore_mem>>) src(%dma_wait3A_210 : memref<10240x32xf32, #tpu.memory_space<hbm>>) dst(%dma_wait3A_204 : memref<128x32xf32, #tpu.memory_space<vmem>>)
    %dma_start3A_211 = arith.constant 1 : i32
    %dma_start3A_212 = arith.constant 1 : i32
    %dma_start3A_213 = arith.constant 0 : i32
    %dma_start3A_214 = arith.constant 0 : i32
    %dma_start3A_215 = tpu.memref_slice %arg9[%dma_start3A_211, %dma_start3A_213, %dma_start3A_214] : memref<8x128x32xf32, #tpu.memory_space<vmem>> -> memref<1x128x32xf32, #tpu.memory_space<vmem>>
    %dma_start3A_216 = tpu.memref_squeeze %dma_start3A_215 : memref<1x128x32xf32, #tpu.memory_space<vmem>> -> memref<128x32xf32, #tpu.memory_space<vmem>>
    %dma_start3A_217 = arith.constant 0 : i32
    %dma_start3A_218 = tpu.memref_slice %arg8[%dma_start3A_212, %dma_start3A_217] : memref<80x128xi32, #tpu.memory_space<vmem>> -> memref<1x128xi32, #tpu.memory_space<vmem>>
    %dma_start3A_219 = tpu.memref_squeeze %dma_start3A_218 : memref<1x128xi32, #tpu.memory_space<vmem>> -> memref<128xi32, #tpu.memory_space<vmem>>
    %dma_start3A_220 = arith.constant 0 : i32
    %dma_start3A_221 = arith.constant 0 : i32
    %dma_start3A_222 = tpu.memref_slice %arg10[%dma_start3A_220, %dma_start3A_221] : memref<10240x32xf32, #tpu.memory_space<vmem_shared>> -> memref<10240x32xf32, #tpu.memory_space<vmem_shared>>
    tpu.enqueue_indirect_dma source(%dma_start3A_216 : memref<128x32xf32, #tpu.memory_space<vmem>>) target(%dma_start3A_222 : memref<10240x32xf32, #tpu.memory_space<vmem_shared>>) offsets(%dma_start3A_219 : memref<128xi32, #tpu.memory_space<vmem>>) semaphore(%arg20 : memref<!tpu.dma_semaphore, #tpu.memory_space<semaphore_mem>>) {add = true}
    %dma_start3A_223 = arith.constant 7 : i32
    %dma_start3A_224 = arith.constant 7 : i32
    %dma_start3A_225 = arith.constant 0 : i32
    %dma_start3A_226 = arith.constant 0 : i32
    %dma_start3A_227 = tpu.memref_slice %arg9[%dma_start3A_224, %dma_start3A_225, %dma_start3A_226] : memref<8x128x32xf32, #tpu.memory_space<vmem>> -> memref<1x128x32xf32, #tpu.memory_space<vmem>>
    %dma_start3A_228 = tpu.memref_squeeze %dma_start3A_227 : memref<1x128x32xf32, #tpu.memory_space<vmem>> -> memref<128x32xf32, #tpu.memory_space<vmem>>
    %dma_start3A_229 = arith.constant 0 : i32
    %dma_start3A_230 = tpu.memref_slice %arg7[%dma_start3A_223, %dma_start3A_229] : memref<80x128xi32, #tpu.memory_space<vmem>> -> memref<1x128xi32, #tpu.memory_space<vmem>>
    %dma_start3A_231 = tpu.memref_squeeze %dma_start3A_230 : memref<1x128xi32, #tpu.memory_space<vmem>> -> memref<128xi32, #tpu.memory_space<vmem>>
    %dma_start3A_232 = arith.constant 0 : i32
    %dma_start3A_233 = arith.constant 0 : i32
    %dma_start3A_234 = tpu.memref_slice %arg2[%dma_start3A_232, %dma_start3A_233] : memref<10240x32xf32, #tpu.memory_space<hbm>> -> memref<10240x32xf32, #tpu.memory_space<hbm>>
    tpu.enqueue_indirect_dma source(%dma_start3A_234 : memref<10240x32xf32, #tpu.memory_space<hbm>>) target(%dma_start3A_228 : memref<128x32xf32, #tpu.memory_space<vmem>>) offsets(%dma_start3A_231 : memref<128xi32, #tpu.memory_space<vmem>>) semaphore(%arg18 : memref<!tpu.dma_semaphore, #tpu.memory_space<semaphore_mem>>)
    %dma_wait3A_235 = arith.constant 2 : i32
    %dma_wait3A_236 = arith.constant 2 : i32
    %dma_wait3A_237 = arith.constant 0 : i32
    %dma_wait3A_238 = arith.constant 0 : i32
    %dma_wait3A_239 = tpu.memref_slice %arg9[%dma_wait3A_236, %dma_wait3A_237, %dma_wait3A_238] : memref<8x128x32xf32, #tpu.memory_space<vmem>> -> memref<1x128x32xf32, #tpu.memory_space<vmem>>
    %dma_wait3A_240 = tpu.memref_squeeze %dma_wait3A_239 : memref<1x128x32xf32, #tpu.memory_space<vmem>> -> memref<128x32xf32, #tpu.memory_space<vmem>>
    %dma_wait3A_241 = arith.constant 0 : i32
    %dma_wait3A_242 = tpu.memref_slice %arg7[%dma_wait3A_235, %dma_wait3A_241] : memref<80x128xi32, #tpu.memory_space<vmem>> -> memref<1x128xi32, #tpu.memory_space<vmem>>
    %dma_wait3A_243 = tpu.memref_squeeze %dma_wait3A_242 : memref<1x128xi32, #tpu.memory_space<vmem>> -> memref<128xi32, #tpu.memory_space<vmem>>
    %dma_wait3A_244 = arith.constant 0 : i32
    %dma_wait3A_245 = arith.constant 0 : i32
    %dma_wait3A_246 = tpu.memref_slice %arg2[%dma_wait3A_244, %dma_wait3A_245] : memref<10240x32xf32, #tpu.memory_space<hbm>> -> memref<10240x32xf32, #tpu.memory_space<hbm>>
    tpu.wait_indirect_dma semaphore(%arg13 : memref<!tpu.dma_semaphore, #tpu.memory_space<semaphore_mem>>) src(%dma_wait3A_246 : memref<10240x32xf32, #tpu.memory_space<hbm>>) dst(%dma_wait3A_240 : memref<128x32xf32, #tpu.memory_space<vmem>>)
    %dma_start3A_247 = arith.constant 2 : i32
    %dma_start3A_248 = arith.constant 2 : i32
    %dma_start3A_249 = arith.constant 0 : i32
    %dma_start3A_250 = arith.constant 0 : i32
    %dma_start3A_251 = tpu.memref_slice %arg9[%dma_start3A_247, %dma_start3A_249, %dma_start3A_250] : memref<8x128x32xf32, #tpu.memory_space<vmem>> -> memref<1x128x32xf32, #tpu.memory_space<vmem>>
    %dma_start3A_252 = tpu.memref_squeeze %dma_start3A_251 : memref<1x128x32xf32, #tpu.memory_space<vmem>> -> memref<128x32xf32, #tpu.memory_space<vmem>>
    %dma_start3A_253 = arith.constant 0 : i32
    %dma_start3A_254 = tpu.memref_slice %arg8[%dma_start3A_248, %dma_start3A_253] : memref<80x128xi32, #tpu.memory_space<vmem>> -> memref<1x128xi32, #tpu.memory_space<vmem>>
    %dma_start3A_255 = tpu.memref_squeeze %dma_start3A_254 : memref<1x128xi32, #tpu.memory_space<vmem>> -> memref<128xi32, #tpu.memory_space<vmem>>
    %dma_start3A_256 = arith.constant 0 : i32
    %dma_start3A_257 = arith.constant 0 : i32
    %dma_start3A_258 = tpu.memref_slice %arg10[%dma_start3A_256, %dma_start3A_257] : memref<10240x32xf32, #tpu.memory_space<vmem_shared>> -> memref<10240x32xf32, #tpu.memory_space<vmem_shared>>
    tpu.enqueue_indirect_dma source(%dma_start3A_252 : memref<128x32xf32, #tpu.memory_space<vmem>>) target(%dma_start3A_258 : memref<10240x32xf32, #tpu.memory_space<vmem_shared>>) offsets(%dma_start3A_255 : memref<128xi32, #tpu.memory_space<vmem>>) semaphore(%arg21 : memref<!tpu.dma_semaphore, #tpu.memory_space<semaphore_mem>>) {add = true}
    %dma_wait3A_259 = arith.constant 0 : i32
    %dma_wait3A_260 = arith.constant 0 : i32
    %dma_wait3A_261 = arith.constant 0 : i32
    %dma_wait3A_262 = arith.constant 0 : i32
    %dma_wait3A_263 = tpu.memref_slice %arg9[%dma_wait3A_259, %dma_wait3A_261, %dma_wait3A_262] : memref<8x128x32xf32, #tpu.memory_space<vmem>> -> memref<1x128x32xf32, #tpu.memory_space<vmem>>
    %dma_wait3A_264 = tpu.memref_squeeze %dma_wait3A_263 : memref<1x128x32xf32, #tpu.memory_space<vmem>> -> memref<128x32xf32, #tpu.memory_space<vmem>>
    %dma_wait3A_265 = arith.constant 0 : i32
    %dma_wait3A_266 = tpu.memref_slice %arg8[%dma_wait3A_260, %dma_wait3A_265] : memref<80x128xi32, #tpu.memory_space<vmem>> -> memref<1x128xi32, #tpu.memory_space<vmem>>
    %dma_wait3A_267 = tpu.memref_squeeze %dma_wait3A_266 : memref<1x128xi32, #tpu.memory_space<vmem>> -> memref<128xi32, #tpu.memory_space<vmem>>
    %dma_wait3A_268 = arith.constant 0 : i32
    %dma_wait3A_269 = arith.constant 0 : i32
    %dma_wait3A_270 = tpu.memref_slice %arg10[%dma_wait3A_268, %dma_wait3A_269] : memref<10240x32xf32, #tpu.memory_space<vmem_shared>> -> memref<10240x32xf32, #tpu.memory_space<vmem_shared>>
    tpu.wait_indirect_dma semaphore(%arg19 : memref<!tpu.dma_semaphore, #tpu.memory_space<semaphore_mem>>) src(%dma_wait3A_264 : memref<128x32xf32, #tpu.memory_space<vmem>>) dst(%dma_wait3A_270 : memref<10240x32xf32, #tpu.memory_space<vmem_shared>>)
    %dma_start3A_271 = arith.constant 8 : i32
    %dma_start3A_272 = arith.constant 0 : i32
    %dma_start3A_273 = arith.constant 0 : i32
    %dma_start3A_274 = arith.constant 0 : i32
    %dma_start3A_275 = tpu.memref_slice %arg9[%dma_start3A_272, %dma_start3A_273, %dma_start3A_274] : memref<8x128x32xf32, #tpu.memory_space<vmem>> -> memref<1x128x32xf32, #tpu.memory_space<vmem>>
    %dma_start3A_276 = tpu.memref_squeeze %dma_start3A_275 : memref<1x128x32xf32, #tpu.memory_space<vmem>> -> memref<128x32xf32, #tpu.memory_space<vmem>>
    %dma_start3A_277 = arith.constant 0 : i32
    %dma_start3A_278 = tpu.memref_slice %arg7[%dma_start3A_271, %dma_start3A_277] : memref<80x128xi32, #tpu.memory_space<vmem>> -> memref<1x128xi32, #tpu.memory_space<vmem>>
    %dma_start3A_279 = tpu.memref_squeeze %dma_start3A_278 : memref<1x128xi32, #tpu.memory_space<vmem>> -> memref<128xi32, #tpu.memory_space<vmem>>
    %dma_start3A_280 = arith.constant 0 : i32
    %dma_start3A_281 = arith.constant 0 : i32
    %dma_start3A_282 = tpu.memref_slice %arg2[%dma_start3A_280, %dma_start3A_281] : memref<10240x32xf32, #tpu.memory_space<hbm>> -> memref<10240x32xf32, #tpu.memory_space<hbm>>
    tpu.enqueue_indirect_dma source(%dma_start3A_282 : memref<10240x32xf32, #tpu.memory_space<hbm>>) target(%dma_start3A_276 : memref<128x32xf32, #tpu.memory_space<vmem>>) offsets(%dma_start3A_279 : memref<128xi32, #tpu.memory_space<vmem>>) semaphore(%arg11 : memref<!tpu.dma_semaphore, #tpu.memory_space<semaphore_mem>>)
    %dma_wait3A_283 = arith.constant 3 : i32
    %dma_wait3A_284 = arith.constant 3 : i32
    %dma_wait3A_285 = arith.constant 0 : i32
    %dma_wait3A_286 = arith.constant 0 : i32
    %dma_wait3A_287 = tpu.memref_slice %arg9[%dma_wait3A_284, %dma_wait3A_285, %dma_wait3A_286] : memref<8x128x32xf32, #tpu.memory_space<vmem>> -> memref<1x128x32xf32, #tpu.memory_space<vmem>>
    %dma_wait3A_288 = tpu.memref_squeeze %dma_wait3A_287 : memref<1x128x32xf32, #tpu.memory_space<vmem>> -> memref<128x32xf32, #tpu.memory_space<vmem>>
    %dma_wait3A_289 = arith.constant 0 : i32
    %dma_wait3A_290 = tpu.memref_slice %arg7[%dma_wait3A_283, %dma_wait3A_289] : memref<80x128xi32, #tpu.memory_space<vmem>> -> memref<1x128xi32, #tpu.memory_space<vmem>>
    %dma_wait3A_291 = tpu.memref_squeeze %dma_wait3A_290 : memref<1x128xi32, #tpu.memory_space<vmem>> -> memref<128xi32, #tpu.memory_space<vmem>>
    %dma_wait3A_292 = arith.constant 0 : i32
    %dma_wait3A_293 = arith.constant 0 : i32
    %dma_wait3A_294 = tpu.memref_slice %arg2[%dma_wait3A_292, %dma_wait3A_293] : memref<10240x32xf32, #tpu.memory_space<hbm>> -> memref<10240x32xf32, #tpu.memory_space<hbm>>
    tpu.wait_indirect_dma semaphore(%arg14 : memref<!tpu.dma_semaphore, #tpu.memory_space<semaphore_mem>>) src(%dma_wait3A_294 : memref<10240x32xf32, #tpu.memory_space<hbm>>) dst(%dma_wait3A_288 : memref<128x32xf32, #tpu.memory_space<vmem>>)
    %dma_start3A_295 = arith.constant 3 : i32
    %dma_start3A_296 = arith.constant 3 : i32
    %dma_start3A_297 = arith.constant 0 : i32
    %dma_start3A_298 = arith.constant 0 : i32
    %dma_start3A_299 = tpu.memref_slice %arg9[%dma_start3A_295, %dma_start3A_297, %dma_start3A_298] : memref<8x128x32xf32, #tpu.memory_space<vmem>> -> memref<1x128x32xf32, #tpu.memory_space<vmem>>
    %dma_start3A_300 = tpu.memref_squeeze %dma_start3A_299 : memref<1x128x32xf32, #tpu.memory_space<vmem>> -> memref<128x32xf32, #tpu.memory_space<vmem>>
    %dma_start3A_301 = arith.constant 0 : i32
    %dma_start3A_302 = tpu.memref_slice %arg8[%dma_start3A_296, %dma_start3A_301] : memref<80x128xi32, #tpu.memory_space<vmem>> -> memref<1x128xi32, #tpu.memory_space<vmem>>
    %dma_start3A_303 = tpu.memref_squeeze %dma_start3A_302 : memref<1x128xi32, #tpu.memory_space<vmem>> -> memref<128xi32, #tpu.memory_space<vmem>>
    %dma_start3A_304 = arith.constant 0 : i32
    %dma_start3A_305 = arith.constant 0 : i32
    %dma_start3A_306 = tpu.memref_slice %arg10[%dma_start3A_304, %dma_start3A_305] : memref<10240x32xf32, #tpu.memory_space<vmem_shared>> -> memref<10240x32xf32, #tpu.memory_space<vmem_shared>>
    tpu.enqueue_indirect_dma source(%dma_start3A_300 : memref<128x32xf32, #tpu.memory_space<vmem>>) target(%dma_start3A_306 : memref<10240x32xf32, #tpu.memory_space<vmem_shared>>) offsets(%dma_start3A_303 : memref<128xi32, #tpu.memory_space<vmem>>) semaphore(%arg22 : memref<!tpu.dma_semaphore, #tpu.memory_space<semaphore_mem>>) {add = true}
    %dma_wait3A_307 = arith.constant 1 : i32
    %dma_wait3A_308 = arith.constant 0 : i32
    %dma_wait3A_309 = arith.constant 0 : i32
    %dma_wait3A_310 = arith.constant 0 : i32
    %dma_wait3A_311 = tpu.memref_slice %arg9[%dma_wait3A_307, %dma_wait3A_309, %dma_wait3A_310] : memref<8x128x32xf32, #tpu.memory_space<vmem>> -> memref<1x128x32xf32, #tpu.memory_space<vmem>>
    %dma_wait3A_312 = tpu.memref_squeeze %dma_wait3A_311 : memref<1x128x32xf32, #tpu.memory_space<vmem>> -> memref<128x32xf32, #tpu.memory_space<vmem>>
    %dma_wait3A_313 = arith.constant 0 : i32
    %dma_wait3A_314 = tpu.memref_slice %arg8[%dma_wait3A_308, %dma_wait3A_313] : memref<80x128xi32, #tpu.memory_space<vmem>> -> memref<1x128xi32, #tpu.memory_space<vmem>>
    %dma_wait3A_315 = tpu.memref_squeeze %dma_wait3A_314 : memref<1x128xi32, #tpu.memory_space<vmem>> -> memref<128xi32, #tpu.memory_space<vmem>>
    %dma_wait3A_316 = arith.constant 0 : i32
    %dma_wait3A_317 = arith.constant 0 : i32
    %dma_wait3A_318 = tpu.memref_slice %arg10[%dma_wait3A_316, %dma_wait3A_317] : memref<10240x32xf32, #tpu.memory_space<vmem_shared>> -> memref<10240x32xf32, #tpu.memory_space<vmem_shared>>
    tpu.wait_indirect_dma semaphore(%arg20 : memref<!tpu.dma_semaphore, #tpu.memory_space<semaphore_mem>>) src(%dma_wait3A_312 : memref<128x32xf32, #tpu.memory_space<vmem>>) dst(%dma_wait3A_318 : memref<10240x32xf32, #tpu.memory_space<vmem_shared>>)
    %dma_start3A_319 = arith.constant 9 : i32
    %dma_start3A_320 = arith.constant 1 : i32
    %dma_start3A_321 = arith.constant 0 : i32
    %dma_start3A_322 = arith.constant 0 : i32
    %dma_start3A_323 = tpu.memref_slice %arg9[%dma_start3A_320, %dma_start3A_321, %dma_start3A_322] : memref<8x128x32xf32, #tpu.memory_space<vmem>> -> memref<1x128x32xf32, #tpu.memory_space<vmem>>
    %dma_start3A_324 = tpu.memref_squeeze %dma_start3A_323 : memref<1x128x32xf32, #tpu.memory_space<vmem>> -> memref<128x32xf32, #tpu.memory_space<vmem>>
    %dma_start3A_325 = arith.constant 0 : i32
    %dma_start3A_326 = tpu.memref_slice %arg7[%dma_start3A_319, %dma_start3A_325] : memref<80x128xi32, #tpu.memory_space<vmem>> -> memref<1x128xi32, #tpu.memory_space<vmem>>
    %dma_start3A_327 = tpu.memref_squeeze %dma_start3A_326 : memref<1x128xi32, #tpu.memory_space<vmem>> -> memref<128xi32, #tpu.memory_space<vmem>>
    %dma_start3A_328 = arith.constant 0 : i32
    %dma_start3A_329 = arith.constant 0 : i32
    %dma_start3A_330 = tpu.memref_slice %arg2[%dma_start3A_328, %dma_start3A_329] : memref<10240x32xf32, #tpu.memory_space<hbm>> -> memref<10240x32xf32, #tpu.memory_space<hbm>>
    tpu.enqueue_indirect_dma source(%dma_start3A_330 : memref<10240x32xf32, #tpu.memory_space<hbm>>) target(%dma_start3A_324 : memref<128x32xf32, #tpu.memory_space<vmem>>) offsets(%dma_start3A_327 : memref<128xi32, #tpu.memory_space<vmem>>) semaphore(%arg12 : memref<!tpu.dma_semaphore, #tpu.memory_space<semaphore_mem>>)
    %dma_wait3A_331 = arith.constant 4 : i32
    %dma_wait3A_332 = arith.constant 4 : i32
    %dma_wait3A_333 = arith.constant 0 : i32
    %dma_wait3A_334 = arith.constant 0 : i32
    %dma_wait3A_335 = tpu.memref_slice %arg9[%dma_wait3A_332, %dma_wait3A_333, %dma_wait3A_334] : memref<8x128x32xf32, #tpu.memory_space<vmem>> -> memref<1x128x32xf32, #tpu.memory_space<vmem>>
    %dma_wait3A_336 = tpu.memref_squeeze %dma_wait3A_335 : memref<1x128x32xf32, #tpu.memory_space<vmem>> -> memref<128x32xf32, #tpu.memory_space<vmem>>
    %dma_wait3A_337 = arith.constant 0 : i32
    %dma_wait3A_338 = tpu.memref_slice %arg7[%dma_wait3A_331, %dma_wait3A_337] : memref<80x128xi32, #tpu.memory_space<vmem>> -> memref<1x128xi32, #tpu.memory_space<vmem>>
    %dma_wait3A_339 = tpu.memref_squeeze %dma_wait3A_338 : memref<1x128xi32, #tpu.memory_space<vmem>> -> memref<128xi32, #tpu.memory_space<vmem>>
    %dma_wait3A_340 = arith.constant 0 : i32
    %dma_wait3A_341 = arith.constant 0 : i32
    %dma_wait3A_342 = tpu.memref_slice %arg2[%dma_wait3A_340, %dma_wait3A_341] : memref<10240x32xf32, #tpu.memory_space<hbm>> -> memref<10240x32xf32, #tpu.memory_space<hbm>>
    tpu.wait_indirect_dma semaphore(%arg15 : memref<!tpu.dma_semaphore, #tpu.memory_space<semaphore_mem>>) src(%dma_wait3A_342 : memref<10240x32xf32, #tpu.memory_space<hbm>>) dst(%dma_wait3A_336 : memref<128x32xf32, #tpu.memory_space<vmem>>)
    %dma_start3A_343 = arith.constant 4 : i32
    %dma_start3A_344 = arith.constant 4 : i32
    %dma_start3A_345 = arith.constant 0 : i32
    %dma_start3A_346 = arith.constant 0 : i32
    %dma_start3A_347 = tpu.memref_slice %arg9[%dma_start3A_343, %dma_start3A_345, %dma_start3A_346] : memref<8x128x32xf32, #tpu.memory_space<vmem>> -> memref<1x128x32xf32, #tpu.memory_space<vmem>>
    %dma_start3A_348 = tpu.memref_squeeze %dma_start3A_347 : memref<1x128x32xf32, #tpu.memory_space<vmem>> -> memref<128x32xf32, #tpu.memory_space<vmem>>
    %dma_start3A_349 = arith.constant 0 : i32
    %dma_start3A_350 = tpu.memref_slice %arg8[%dma_start3A_344, %dma_start3A_349] : memref<80x128xi32, #tpu.memory_space<vmem>> -> memref<1x128xi32, #tpu.memory_space<vmem>>
    %dma_start3A_351 = tpu.memref_squeeze %dma_start3A_350 : memref<1x128xi32, #tpu.memory_space<vmem>> -> memref<128xi32, #tpu.memory_space<vmem>>
    %dma_start3A_352 = arith.constant 0 : i32
    %dma_start3A_353 = arith.constant 0 : i32
    %dma_start3A_354 = tpu.memref_slice %arg10[%dma_start3A_352, %dma_start3A_353] : memref<10240x32xf32, #tpu.memory_space<vmem_shared>> -> memref<10240x32xf32, #tpu.memory_space<vmem_shared>>
    tpu.enqueue_indirect_dma source(%dma_start3A_348 : memref<128x32xf32, #tpu.memory_space<vmem>>) target(%dma_start3A_354 : memref<10240x32xf32, #tpu.memory_space<vmem_shared>>) offsets(%dma_start3A_351 : memref<128xi32, #tpu.memory_space<vmem>>) semaphore(%arg23 : memref<!tpu.dma_semaphore, #tpu.memory_space<semaphore_mem>>) {add = true}
    %dma_wait3A_355 = arith.constant 2 : i32
    %dma_wait3A_356 = arith.constant 0 : i32
    %dma_wait3A_357 = arith.constant 0 : i32
    %dma_wait3A_358 = arith.constant 0 : i32
    %dma_wait3A_359 = tpu.memref_slice %arg9[%dma_wait3A_355, %dma_wait3A_357, %dma_wait3A_358] : memref<8x128x32xf32, #tpu.memory_space<vmem>> -> memref<1x128x32xf32, #tpu.memory_space<vmem>>
    %dma_wait3A_360 = tpu.memref_squeeze %dma_wait3A_359 : memref<1x128x32xf32, #tpu.memory_space<vmem>> -> memref<128x32xf32, #tpu.memory_space<vmem>>
    %dma_wait3A_361 = arith.constant 0 : i32
    %dma_wait3A_362 = tpu.memref_slice %arg8[%dma_wait3A_356, %dma_wait3A_361] : memref<80x128xi32, #tpu.memory_space<vmem>> -> memref<1x128xi32, #tpu.memory_space<vmem>>
    %dma_wait3A_363 = tpu.memref_squeeze %dma_wait3A_362 : memref<1x128xi32, #tpu.memory_space<vmem>> -> memref<128xi32, #tpu.memory_space<vmem>>
    %dma_wait3A_364 = arith.constant 0 : i32
    %dma_wait3A_365 = arith.constant 0 : i32
    %dma_wait3A_366 = tpu.memref_slice %arg10[%dma_wait3A_364, %dma_wait3A_365] : memref<10240x32xf32, #tpu.memory_space<vmem_shared>> -> memref<10240x32xf32, #tpu.memory_space<vmem_shared>>
    tpu.wait_indirect_dma semaphore(%arg21 : memref<!tpu.dma_semaphore, #tpu.memory_space<semaphore_mem>>) src(%dma_wait3A_360 : memref<128x32xf32, #tpu.memory_space<vmem>>) dst(%dma_wait3A_366 : memref<10240x32xf32, #tpu.memory_space<vmem_shared>>)
    %dma_start3A_367 = arith.constant 10 : i32
    %dma_start3A_368 = arith.constant 2 : i32
    %dma_start3A_369 = arith.constant 0 : i32
    %dma_start3A_370 = arith.constant 0 : i32
    %dma_start3A_371 = tpu.memref_slice %arg9[%dma_start3A_368, %dma_start3A_369, %dma_start3A_370] : memref<8x128x32xf32, #tpu.memory_space<vmem>> -> memref<1x128x32xf32, #tpu.memory_space<vmem>>
    %dma_start3A_372 = tpu.memref_squeeze %dma_start3A_371 : memref<1x128x32xf32, #tpu.memory_space<vmem>> -> memref<128x32xf32, #tpu.memory_space<vmem>>
    %dma_start3A_373 = arith.constant 0 : i32
    %dma_start3A_374 = tpu.memref_slice %arg7[%dma_start3A_367, %dma_start3A_373] : memref<80x128xi32, #tpu.memory_space<vmem>> -> memref<1x128xi32, #tpu.memory_space<vmem>>
    %dma_start3A_375 = tpu.memref_squeeze %dma_start3A_374 : memref<1x128xi32, #tpu.memory_space<vmem>> -> memref<128xi32, #tpu.memory_space<vmem>>
    %dma_start3A_376 = arith.constant 0 : i32
    %dma_start3A_377 = arith.constant 0 : i32
    %dma_start3A_378 = tpu.memref_slice %arg2[%dma_start3A_376, %dma_start3A_377] : memref<10240x32xf32, #tpu.memory_space<hbm>> -> memref<10240x32xf32, #tpu.memory_space<hbm>>
    tpu.enqueue_indirect_dma source(%dma_start3A_378 : memref<10240x32xf32, #tpu.memory_space<hbm>>) target(%dma_start3A_372 : memref<128x32xf32, #tpu.memory_space<vmem>>) offsets(%dma_start3A_375 : memref<128xi32, #tpu.memory_space<vmem>>) semaphore(%arg13 : memref<!tpu.dma_semaphore, #tpu.memory_space<semaphore_mem>>)
    %dma_wait3A_379 = arith.constant 5 : i32
    %dma_wait3A_380 = arith.constant 5 : i32
    %dma_wait3A_381 = arith.constant 0 : i32
    %dma_wait3A_382 = arith.constant 0 : i32
    %dma_wait3A_383 = tpu.memref_slice %arg9[%dma_wait3A_380, %dma_wait3A_381, %dma_wait3A_382] : memref<8x128x32xf32, #tpu.memory_space<vmem>> -> memref<1x128x32xf32, #tpu.memory_space<vmem>>
    %dma_wait3A_384 = tpu.memref_squeeze %dma_wait3A_383 : memref<1x128x32xf32, #tpu.memory_space<vmem>> -> memref<128x32xf32, #tpu.memory_space<vmem>>
    %dma_wait3A_385 = arith.constant 0 : i32
    %dma_wait3A_386 = tpu.memref_slice %arg7[%dma_wait3A_379, %dma_wait3A_385] : memref<80x128xi32, #tpu.memory_space<vmem>> -> memref<1x128xi32, #tpu.memory_space<vmem>>
    %dma_wait3A_387 = tpu.memref_squeeze %dma_wait3A_386 : memref<1x128xi32, #tpu.memory_space<vmem>> -> memref<128xi32, #tpu.memory_space<vmem>>
    %dma_wait3A_388 = arith.constant 0 : i32
    %dma_wait3A_389 = arith.constant 0 : i32
    %dma_wait3A_390 = tpu.memref_slice %arg2[%dma_wait3A_388, %dma_wait3A_389] : memref<10240x32xf32, #tpu.memory_space<hbm>> -> memref<10240x32xf32, #tpu.memory_space<hbm>>
    tpu.wait_indirect_dma semaphore(%arg16 : memref<!tpu.dma_semaphore, #tpu.memory_space<semaphore_mem>>) src(%dma_wait3A_390 : memref<10240x32xf32, #tpu.memory_space<hbm>>) dst(%dma_wait3A_384 : memref<128x32xf32, #tpu.memory_space<vmem>>)
    %dma_start3A_391 = arith.constant 5 : i32
    %dma_start3A_392 = arith.constant 5 : i32
    %dma_start3A_393 = arith.constant 0 : i32
    %dma_start3A_394 = arith.constant 0 : i32
    %dma_start3A_395 = tpu.memref_slice %arg9[%dma_start3A_391, %dma_start3A_393, %dma_start3A_394] : memref<8x128x32xf32, #tpu.memory_space<vmem>> -> memref<1x128x32xf32, #tpu.memory_space<vmem>>
    %dma_start3A_396 = tpu.memref_squeeze %dma_start3A_395 : memref<1x128x32xf32, #tpu.memory_space<vmem>> -> memref<128x32xf32, #tpu.memory_space<vmem>>
    %dma_start3A_397 = arith.constant 0 : i32
    %dma_start3A_398 = tpu.memref_slice %arg8[%dma_start3A_392, %dma_start3A_397] : memref<80x128xi32, #tpu.memory_space<vmem>> -> memref<1x128xi32, #tpu.memory_space<vmem>>
    %dma_start3A_399 = tpu.memref_squeeze %dma_start3A_398 : memref<1x128xi32, #tpu.memory_space<vmem>> -> memref<128xi32, #tpu.memory_space<vmem>>
    %dma_start3A_400 = arith.constant 0 : i32
    %dma_start3A_401 = arith.constant 0 : i32
    %dma_start3A_402 = tpu.memref_slice %arg10[%dma_start3A_400, %dma_start3A_401] : memref<10240x32xf32, #tpu.memory_space<vmem_shared>> -> memref<10240x32xf32, #tpu.memory_space<vmem_shared>>
    tpu.enqueue_indirect_dma source(%dma_start3A_396 : memref<128x32xf32, #tpu.memory_space<vmem>>) target(%dma_start3A_402 : memref<10240x32xf32, #tpu.memory_space<vmem_shared>>) offsets(%dma_start3A_399 : memref<128xi32, #tpu.memory_space<vmem>>) semaphore(%arg24 : memref<!tpu.dma_semaphore, #tpu.memory_space<semaphore_mem>>) {add = true}
    %dma_wait3A_403 = arith.constant 3 : i32
    %dma_wait3A_404 = arith.constant 0 : i32
    %dma_wait3A_405 = arith.constant 0 : i32
    %dma_wait3A_406 = arith.constant 0 : i32
    %dma_wait3A_407 = tpu.memref_slice %arg9[%dma_wait3A_403, %dma_wait3A_405, %dma_wait3A_406] : memref<8x128x32xf32, #tpu.memory_space<vmem>> -> memref<1x128x32xf32, #tpu.memory_space<vmem>>
    %dma_wait3A_408 = tpu.memref_squeeze %dma_wait3A_407 : memref<1x128x32xf32, #tpu.memory_space<vmem>> -> memref<128x32xf32, #tpu.memory_space<vmem>>
    %dma_wait3A_409 = arith.constant 0 : i32
    %dma_wait3A_410 = tpu.memref_slice %arg8[%dma_wait3A_404, %dma_wait3A_409] : memref<80x128xi32, #tpu.memory_space<vmem>> -> memref<1x128xi32, #tpu.memory_space<vmem>>
    %dma_wait3A_411 = tpu.memref_squeeze %dma_wait3A_410 : memref<1x128xi32, #tpu.memory_space<vmem>> -> memref<128xi32, #tpu.memory_space<vmem>>
    %dma_wait3A_412 = arith.constant 0 : i32
    %dma_wait3A_413 = arith.constant 0 : i32
    %dma_wait3A_414 = tpu.memref_slice %arg10[%dma_wait3A_412, %dma_wait3A_413] : memref<10240x32xf32, #tpu.memory_space<vmem_shared>> -> memref<10240x32xf32, #tpu.memory_space<vmem_shared>>
    tpu.wait_indirect_dma semaphore(%arg22 : memref<!tpu.dma_semaphore, #tpu.memory_space<semaphore_mem>>) src(%dma_wait3A_408 : memref<128x32xf32, #tpu.memory_space<vmem>>) dst(%dma_wait3A_414 : memref<10240x32xf32, #tpu.memory_space<vmem_shared>>)
    %dma_start3A_415 = arith.constant 11 : i32
    %dma_start3A_416 = arith.constant 3 : i32
    %dma_start3A_417 = arith.constant 0 : i32
    %dma_start3A_418 = arith.constant 0 : i32
    %dma_start3A_419 = tpu.memref_slice %arg9[%dma_start3A_416, %dma_start3A_417, %dma_start3A_418] : memref<8x128x32xf32, #tpu.memory_space<vmem>> -> memref<1x128x32xf32, #tpu.memory_space<vmem>>
    %dma_start3A_420 = tpu.memref_squeeze %dma_start3A_419 : memref<1x128x32xf32, #tpu.memory_space<vmem>> -> memref<128x32xf32, #tpu.memory_space<vmem>>
    %dma_start3A_421 = arith.constant 0 : i32
    %dma_start3A_422 = tpu.memref_slice %arg7[%dma_start3A_415, %dma_start3A_421] : memref<80x128xi32, #tpu.memory_space<vmem>> -> memref<1x128xi32, #tpu.memory_space<vmem>>
    %dma_start3A_423 = tpu.memref_squeeze %dma_start3A_422 : memref<1x128xi32, #tpu.memory_space<vmem>> -> memref<128xi32, #tpu.memory_space<vmem>>
    %dma_start3A_424 = arith.constant 0 : i32
    %dma_start3A_425 = arith.constant 0 : i32
    %dma_start3A_426 = tpu.memref_slice %arg2[%dma_start3A_424, %dma_start3A_425] : memref<10240x32xf32, #tpu.memory_space<hbm>> -> memref<10240x32xf32, #tpu.memory_space<hbm>>
    tpu.enqueue_indirect_dma source(%dma_start3A_426 : memref<10240x32xf32, #tpu.memory_space<hbm>>) target(%dma_start3A_420 : memref<128x32xf32, #tpu.memory_space<vmem>>) offsets(%dma_start3A_423 : memref<128xi32, #tpu.memory_space<vmem>>) semaphore(%arg14 : memref<!tpu.dma_semaphore, #tpu.memory_space<semaphore_mem>>)
    %dma_wait3A_427 = arith.constant 6 : i32
    %dma_wait3A_428 = arith.constant 6 : i32
    %dma_wait3A_429 = arith.constant 0 : i32
    %dma_wait3A_430 = arith.constant 0 : i32
    %dma_wait3A_431 = tpu.memref_slice %arg9[%dma_wait3A_428, %dma_wait3A_429, %dma_wait3A_430] : memref<8x128x32xf32, #tpu.memory_space<vmem>> -> memref<1x128x32xf32, #tpu.memory_space<vmem>>
    %dma_wait3A_432 = tpu.memref_squeeze %dma_wait3A_431 : memref<1x128x32xf32, #tpu.memory_space<vmem>> -> memref<128x32xf32, #tpu.memory_space<vmem>>
    %dma_wait3A_433 = arith.constant 0 : i32
    %dma_wait3A_434 = tpu.memref_slice %arg7[%dma_wait3A_427, %dma_wait3A_433] : memref<80x128xi32, #tpu.memory_space<vmem>> -> memref<1x128xi32, #tpu.memory_space<vmem>>
    %dma_wait3A_435 = tpu.memref_squeeze %dma_wait3A_434 : memref<1x128xi32, #tpu.memory_space<vmem>> -> memref<128xi32, #tpu.memory_space<vmem>>
    %dma_wait3A_436 = arith.constant 0 : i32
    %dma_wait3A_437 = arith.constant 0 : i32
    %dma_wait3A_438 = tpu.memref_slice %arg2[%dma_wait3A_436, %dma_wait3A_437] : memref<10240x32xf32, #tpu.memory_space<hbm>> -> memref<10240x32xf32, #tpu.memory_space<hbm>>
    tpu.wait_indirect_dma semaphore(%arg17 : memref<!tpu.dma_semaphore, #tpu.memory_space<semaphore_mem>>) src(%dma_wait3A_438 : memref<10240x32xf32, #tpu.memory_space<hbm>>) dst(%dma_wait3A_432 : memref<128x32xf32, #tpu.memory_space<vmem>>)
    %dma_start3A_439 = arith.constant 6 : i32
    %dma_start3A_440 = arith.constant 6 : i32
    %dma_start3A_441 = arith.constant 0 : i32
    %dma_start3A_442 = arith.constant 0 : i32
    %dma_start3A_443 = tpu.memref_slice %arg9[%dma_start3A_439, %dma_start3A_441, %dma_start3A_442] : memref<8x128x32xf32, #tpu.memory_space<vmem>> -> memref<1x128x32xf32, #tpu.memory_space<vmem>>
    %dma_start3A_444 = tpu.memref_squeeze %dma_start3A_443 : memref<1x128x32xf32, #tpu.memory_space<vmem>> -> memref<128x32xf32, #tpu.memory_space<vmem>>
    %dma_start3A_445 = arith.constant 0 : i32
    %dma_start3A_446 = tpu.memref_slice %arg8[%dma_start3A_440, %dma_start3A_445] : memref<80x128xi32, #tpu.memory_space<vmem>> -> memref<1x128xi32, #tpu.memory_space<vmem>>
    %dma_start3A_447 = tpu.memref_squeeze %dma_start3A_446 : memref<1x128xi32, #tpu.memory_space<vmem>> -> memref<128xi32, #tpu.memory_space<vmem>>
    %dma_start3A_448 = arith.constant 0 : i32
    %dma_start3A_449 = arith.constant 0 : i32
    %dma_start3A_450 = tpu.memref_slice %arg10[%dma_start3A_448, %dma_start3A_449] : memref<10240x32xf32, #tpu.memory_space<vmem_shared>> -> memref<10240x32xf32, #tpu.memory_space<vmem_shared>>
    tpu.enqueue_indirect_dma source(%dma_start3A_444 : memref<128x32xf32, #tpu.memory_space<vmem>>) target(%dma_start3A_450 : memref<10240x32xf32, #tpu.memory_space<vmem_shared>>) offsets(%dma_start3A_447 : memref<128xi32, #tpu.memory_space<vmem>>) semaphore(%arg25 : memref<!tpu.dma_semaphore, #tpu.memory_space<semaphore_mem>>) {add = true}
    %dma_wait3A_451 = arith.constant 4 : i32
    %dma_wait3A_452 = arith.constant 0 : i32
    %dma_wait3A_453 = arith.constant 0 : i32
    %dma_wait3A_454 = arith.constant 0 : i32
    %dma_wait3A_455 = tpu.memref_slice %arg9[%dma_wait3A_451, %dma_wait3A_453, %dma_wait3A_454] : memref<8x128x32xf32, #tpu.memory_space<vmem>> -> memref<1x128x32xf32, #tpu.memory_space<vmem>>
    %dma_wait3A_456 = tpu.memref_squeeze %dma_wait3A_455 : memref<1x128x32xf32, #tpu.memory_space<vmem>> -> memref<128x32xf32, #tpu.memory_space<vmem>>
    %dma_wait3A_457 = arith.constant 0 : i32
    %dma_wait3A_458 = tpu.memref_slice %arg8[%dma_wait3A_452, %dma_wait3A_457] : memref<80x128xi32, #tpu.memory_space<vmem>> -> memref<1x128xi32, #tpu.memory_space<vmem>>
    %dma_wait3A_459 = tpu.memref_squeeze %dma_wait3A_458 : memref<1x128xi32, #tpu.memory_space<vmem>> -> memref<128xi32, #tpu.memory_space<vmem>>
    %dma_wait3A_460 = arith.constant 0 : i32
    %dma_wait3A_461 = arith.constant 0 : i32
    %dma_wait3A_462 = tpu.memref_slice %arg10[%dma_wait3A_460, %dma_wait3A_461] : memref<10240x32xf32, #tpu.memory_space<vmem_shared>> -> memref<10240x32xf32, #tpu.memory_space<vmem_shared>>
    tpu.wait_indirect_dma semaphore(%arg23 : memref<!tpu.dma_semaphore, #tpu.memory_space<semaphore_mem>>) src(%dma_wait3A_456 : memref<128x32xf32, #tpu.memory_space<vmem>>) dst(%dma_wait3A_462 : memref<10240x32xf32, #tpu.memory_space<vmem_shared>>)
    %dma_start3A_463 = arith.constant 12 : i32
    %dma_start3A_464 = arith.constant 4 : i32
    %dma_start3A_465 = arith.constant 0 : i32
    %dma_start3A_466 = arith.constant 0 : i32
    %dma_start3A_467 = tpu.memref_slice %arg9[%dma_start3A_464, %dma_start3A_465, %dma_start3A_466] : memref<8x128x32xf32, #tpu.memory_space<vmem>> -> memref<1x128x32xf32, #tpu.memory_space<vmem>>
    %dma_start3A_468 = tpu.memref_squeeze %dma_start3A_467 : memref<1x128x32xf32, #tpu.memory_space<vmem>> -> memref<128x32xf32, #tpu.memory_space<vmem>>
    %dma_start3A_469 = arith.constant 0 : i32
    %dma_start3A_470 = tpu.memref_slice %arg7[%dma_start3A_463, %dma_start3A_469] : memref<80x128xi32, #tpu.memory_space<vmem>> -> memref<1x128xi32, #tpu.memory_space<vmem>>
    %dma_start3A_471 = tpu.memref_squeeze %dma_start3A_470 : memref<1x128xi32, #tpu.memory_space<vmem>> -> memref<128xi32, #tpu.memory_space<vmem>>
    %dma_start3A_472 = arith.constant 0 : i32
    %dma_start3A_473 = arith.constant 0 : i32
    %dma_start3A_474 = tpu.memref_slice %arg2[%dma_start3A_472, %dma_start3A_473] : memref<10240x32xf32, #tpu.memory_space<hbm>> -> memref<10240x32xf32, #tpu.memory_space<hbm>>
    tpu.enqueue_indirect_dma source(%dma_start3A_474 : memref<10240x32xf32, #tpu.memory_space<hbm>>) target(%dma_start3A_468 : memref<128x32xf32, #tpu.memory_space<vmem>>) offsets(%dma_start3A_471 : memref<128xi32, #tpu.memory_space<vmem>>) semaphore(%arg15 : memref<!tpu.dma_semaphore, #tpu.memory_space<semaphore_mem>>)
    %dma_wait3A_475 = arith.constant 7 : i32
    %dma_wait3A_476 = arith.constant 7 : i32
    %dma_wait3A_477 = arith.constant 0 : i32
    %dma_wait3A_478 = arith.constant 0 : i32
    %dma_wait3A_479 = tpu.memref_slice %arg9[%dma_wait3A_476, %dma_wait3A_477, %dma_wait3A_478] : memref<8x128x32xf32, #tpu.memory_space<vmem>> -> memref<1x128x32xf32, #tpu.memory_space<vmem>>
    %dma_wait3A_480 = tpu.memref_squeeze %dma_wait3A_479 : memref<1x128x32xf32, #tpu.memory_space<vmem>> -> memref<128x32xf32, #tpu.memory_space<vmem>>
    %dma_wait3A_481 = arith.constant 0 : i32
    %dma_wait3A_482 = tpu.memref_slice %arg7[%dma_wait3A_475, %dma_wait3A_481] : memref<80x128xi32, #tpu.memory_space<vmem>> -> memref<1x128xi32, #tpu.memory_space<vmem>>
    %dma_wait3A_483 = tpu.memref_squeeze %dma_wait3A_482 : memref<1x128xi32, #tpu.memory_space<vmem>> -> memref<128xi32, #tpu.memory_space<vmem>>
    %dma_wait3A_484 = arith.constant 0 : i32
    %dma_wait3A_485 = arith.constant 0 : i32
    %dma_wait3A_486 = tpu.memref_slice %arg2[%dma_wait3A_484, %dma_wait3A_485] : memref<10240x32xf32, #tpu.memory_space<hbm>> -> memref<10240x32xf32, #tpu.memory_space<hbm>>
    tpu.wait_indirect_dma semaphore(%arg18 : memref<!tpu.dma_semaphore, #tpu.memory_space<semaphore_mem>>) src(%dma_wait3A_486 : memref<10240x32xf32, #tpu.memory_space<hbm>>) dst(%dma_wait3A_480 : memref<128x32xf32, #tpu.memory_space<vmem>>)
    %dma_start3A_487 = arith.constant 7 : i32
    %dma_start3A_488 = arith.constant 7 : i32
    %dma_start3A_489 = arith.constant 0 : i32
    %dma_start3A_490 = arith.constant 0 : i32
    %dma_start3A_491 = tpu.memref_slice %arg9[%dma_start3A_487, %dma_start3A_489, %dma_start3A_490] : memref<8x128x32xf32, #tpu.memory_space<vmem>> -> memref<1x128x32xf32, #tpu.memory_space<vmem>>
    %dma_start3A_492 = tpu.memref_squeeze %dma_start3A_491 : memref<1x128x32xf32, #tpu.memory_space<vmem>> -> memref<128x32xf32, #tpu.memory_space<vmem>>
    %dma_start3A_493 = arith.constant 0 : i32
    %dma_start3A_494 = tpu.memref_slice %arg8[%dma_start3A_488, %dma_start3A_493] : memref<80x128xi32, #tpu.memory_space<vmem>> -> memref<1x128xi32, #tpu.memory_space<vmem>>
    %dma_start3A_495 = tpu.memref_squeeze %dma_start3A_494 : memref<1x128xi32, #tpu.memory_space<vmem>> -> memref<128xi32, #tpu.memory_space<vmem>>
    %dma_start3A_496 = arith.constant 0 : i32
    %dma_start3A_497 = arith.constant 0 : i32
    %dma_start3A_498 = tpu.memref_slice %arg10[%dma_start3A_496, %dma_start3A_497] : memref<10240x32xf32, #tpu.memory_space<vmem_shared>> -> memref<10240x32xf32, #tpu.memory_space<vmem_shared>>
    tpu.enqueue_indirect_dma source(%dma_start3A_492 : memref<128x32xf32, #tpu.memory_space<vmem>>) target(%dma_start3A_498 : memref<10240x32xf32, #tpu.memory_space<vmem_shared>>) offsets(%dma_start3A_495 : memref<128xi32, #tpu.memory_space<vmem>>) semaphore(%arg26 : memref<!tpu.dma_semaphore, #tpu.memory_space<semaphore_mem>>) {add = true}
    %dma_wait3A_499 = arith.constant 5 : i32
    %dma_wait3A_500 = arith.constant 0 : i32
    %dma_wait3A_501 = arith.constant 0 : i32
    %dma_wait3A_502 = arith.constant 0 : i32
    %dma_wait3A_503 = tpu.memref_slice %arg9[%dma_wait3A_499, %dma_wait3A_501, %dma_wait3A_502] : memref<8x128x32xf32, #tpu.memory_space<vmem>> -> memref<1x128x32xf32, #tpu.memory_space<vmem>>
    %dma_wait3A_504 = tpu.memref_squeeze %dma_wait3A_503 : memref<1x128x32xf32, #tpu.memory_space<vmem>> -> memref<128x32xf32, #tpu.memory_space<vmem>>
    %dma_wait3A_505 = arith.constant 0 : i32
    %dma_wait3A_506 = tpu.memref_slice %arg8[%dma_wait3A_500, %dma_wait3A_505] : memref<80x128xi32, #tpu.memory_space<vmem>> -> memref<1x128xi32, #tpu.memory_space<vmem>>
    %dma_wait3A_507 = tpu.memref_squeeze %dma_wait3A_506 : memref<1x128xi32, #tpu.memory_space<vmem>> -> memref<128xi32, #tpu.memory_space<vmem>>
    %dma_wait3A_508 = arith.constant 0 : i32
    %dma_wait3A_509 = arith.constant 0 : i32
    %dma_wait3A_510 = tpu.memref_slice %arg10[%dma_wait3A_508, %dma_wait3A_509] : memref<10240x32xf32, #tpu.memory_space<vmem_shared>> -> memref<10240x32xf32, #tpu.memory_space<vmem_shared>>
    tpu.wait_indirect_dma semaphore(%arg24 : memref<!tpu.dma_semaphore, #tpu.memory_space<semaphore_mem>>) src(%dma_wait3A_504 : memref<128x32xf32, #tpu.memory_space<vmem>>) dst(%dma_wait3A_510 : memref<10240x32xf32, #tpu.memory_space<vmem_shared>>)
    %dma_start3A_511 = arith.constant 13 : i32
    %dma_start3A_512 = arith.constant 5 : i32
    %dma_start3A_513 = arith.constant 0 : i32
    %dma_start3A_514 = arith.constant 0 : i32
    %dma_start3A_515 = tpu.memref_slice %arg9[%dma_start3A_512, %dma_start3A_513, %dma_start3A_514] : memref<8x128x32xf32, #tpu.memory_space<vmem>> -> memref<1x128x32xf32, #tpu.memory_space<vmem>>
    %dma_start3A_516 = tpu.memref_squeeze %dma_start3A_515 : memref<1x128x32xf32, #tpu.memory_space<vmem>> -> memref<128x32xf32, #tpu.memory_space<vmem>>
    %dma_start3A_517 = arith.constant 0 : i32
    %dma_start3A_518 = tpu.memref_slice %arg7[%dma_start3A_511, %dma_start3A_517] : memref<80x128xi32, #tpu.memory_space<vmem>> -> memref<1x128xi32, #tpu.memory_space<vmem>>
    %dma_start3A_519 = tpu.memref_squeeze %dma_start3A_518 : memref<1x128xi32, #tpu.memory_space<vmem>> -> memref<128xi32, #tpu.memory_space<vmem>>
    %dma_start3A_520 = arith.constant 0 : i32
    %dma_start3A_521 = arith.constant 0 : i32
    %dma_start3A_522 = tpu.memref_slice %arg2[%dma_start3A_520, %dma_start3A_521] : memref<10240x32xf32, #tpu.memory_space<hbm>> -> memref<10240x32xf32, #tpu.memory_space<hbm>>
    tpu.enqueue_indirect_dma source(%dma_start3A_522 : memref<10240x32xf32, #tpu.memory_space<hbm>>) target(%dma_start3A_516 : memref<128x32xf32, #tpu.memory_space<vmem>>) offsets(%dma_start3A_519 : memref<128xi32, #tpu.memory_space<vmem>>) semaphore(%arg16 : memref<!tpu.dma_semaphore, #tpu.memory_space<semaphore_mem>>)
    %scan3A = arith.constant 0 : i32
    %scan3A_523 = arith.constant 1 : i32
    %scan3A_524 = arith.constant 8 : i32
    %scan3A_525 = arith.addi %scan3A_523, %scan3A_524 : i32
    %scan3A_526 = arith.constant 1 : i32
    scf.for %scan3A_869 = %scan3A_523 to %scan3A_525 step %scan3A_526  : i32 {
      %mul3A_870 = arith.constant 8 : i32
      %mul3A_871 = arith.muli %scan3A_869, %mul3A_870 : i32
      %add3A_872 = arith.constant 0 : i32
      %add3A_873 = arith.addi %mul3A_871, %add3A_872 : i32
      %dma_wait3A_874 = arith.constant 0 : i32
      %dma_wait3A_875 = arith.constant 0 : i32
      %dma_wait3A_876 = arith.constant 0 : i32
      %dma_wait3A_877 = tpu.memref_slice %arg9[%dma_wait3A_874, %dma_wait3A_875, %dma_wait3A_876] : memref<8x128x32xf32, #tpu.memory_space<vmem>> -> memref<1x128x32xf32, #tpu.memory_space<vmem>>
      %dma_wait3A_878 = tpu.memref_squeeze %dma_wait3A_877 : memref<1x128x32xf32, #tpu.memory_space<vmem>> -> memref<128x32xf32, #tpu.memory_space<vmem>>
      %dma_wait3A_879 = arith.constant 0 : i32
      %dma_wait3A_880 = tpu.memref_slice %arg7[%add3A_873, %dma_wait3A_879] : memref<80x128xi32, #tpu.memory_space<vmem>> -> memref<1x128xi32, #tpu.memory_space<vmem>>
      %dma_wait3A_881 = tpu.memref_squeeze %dma_wait3A_880 : memref<1x128xi32, #tpu.memory_space<vmem>> -> memref<128xi32, #tpu.memory_space<vmem>>
      %dma_wait3A_882 = arith.constant 0 : i32
      %dma_wait3A_883 = arith.constant 0 : i32
      %dma_wait3A_884 = tpu.memref_slice %arg2[%dma_wait3A_882, %dma_wait3A_883] : memref<10240x32xf32, #tpu.memory_space<hbm>> -> memref<10240x32xf32, #tpu.memory_space<hbm>>
      tpu.wait_indirect_dma semaphore(%arg11 : memref<!tpu.dma_semaphore, #tpu.memory_space<semaphore_mem>>) src(%dma_wait3A_884 : memref<10240x32xf32, #tpu.memory_space<hbm>>) dst(%dma_wait3A_878 : memref<128x32xf32, #tpu.memory_space<vmem>>)
      %dma_start3A_885 = arith.constant 0 : i32
      %dma_start3A_886 = arith.constant 0 : i32
      %dma_start3A_887 = arith.constant 0 : i32
      %dma_start3A_888 = tpu.memref_slice %arg9[%dma_start3A_885, %dma_start3A_886, %dma_start3A_887] : memref<8x128x32xf32, #tpu.memory_space<vmem>> -> memref<1x128x32xf32, #tpu.memory_space<vmem>>
      %dma_start3A_889 = tpu.memref_squeeze %dma_start3A_888 : memref<1x128x32xf32, #tpu.memory_space<vmem>> -> memref<128x32xf32, #tpu.memory_space<vmem>>
      %dma_start3A_890 = arith.constant 0 : i32
      %dma_start3A_891 = tpu.memref_slice %arg8[%add3A_873, %dma_start3A_890] : memref<80x128xi32, #tpu.memory_space<vmem>> -> memref<1x128xi32, #tpu.memory_space<vmem>>
      %dma_start3A_892 = tpu.memref_squeeze %dma_start3A_891 : memref<1x128xi32, #tpu.memory_space<vmem>> -> memref<128xi32, #tpu.memory_space<vmem>>
      %dma_start3A_893 = arith.constant 0 : i32
      %dma_start3A_894 = arith.constant 0 : i32
      %dma_start3A_895 = tpu.memref_slice %arg10[%dma_start3A_893, %dma_start3A_894] : memref<10240x32xf32, #tpu.memory_space<vmem_shared>> -> memref<10240x32xf32, #tpu.memory_space<vmem_shared>>
      tpu.enqueue_indirect_dma source(%dma_start3A_889 : memref<128x32xf32, #tpu.memory_space<vmem>>) target(%dma_start3A_895 : memref<10240x32xf32, #tpu.memory_space<vmem_shared>>) offsets(%dma_start3A_892 : memref<128xi32, #tpu.memory_space<vmem>>) semaphore(%arg19 : memref<!tpu.dma_semaphore, #tpu.memory_space<semaphore_mem>>) {add = true}
      %dma_wait3A_896 = arith.constant 6 : i32
      %dma_wait3A_897 = arith.constant 0 : i32
      %dma_wait3A_898 = arith.constant 0 : i32
      %dma_wait3A_899 = arith.constant 0 : i32
      %dma_wait3A_900 = tpu.memref_slice %arg9[%dma_wait3A_896, %dma_wait3A_898, %dma_wait3A_899] : memref<8x128x32xf32, #tpu.memory_space<vmem>> -> memref<1x128x32xf32, #tpu.memory_space<vmem>>
      %dma_wait3A_901 = tpu.memref_squeeze %dma_wait3A_900 : memref<1x128x32xf32, #tpu.memory_space<vmem>> -> memref<128x32xf32, #tpu.memory_space<vmem>>
      %dma_wait3A_902 = arith.constant 0 : i32
      %dma_wait3A_903 = tpu.memref_slice %arg8[%dma_wait3A_897, %dma_wait3A_902] : memref<80x128xi32, #tpu.memory_space<vmem>> -> memref<1x128xi32, #tpu.memory_space<vmem>>
      %dma_wait3A_904 = tpu.memref_squeeze %dma_wait3A_903 : memref<1x128xi32, #tpu.memory_space<vmem>> -> memref<128xi32, #tpu.memory_space<vmem>>
      %dma_wait3A_905 = arith.constant 0 : i32
      %dma_wait3A_906 = arith.constant 0 : i32
      %dma_wait3A_907 = tpu.memref_slice %arg10[%dma_wait3A_905, %dma_wait3A_906] : memref<10240x32xf32, #tpu.memory_space<vmem_shared>> -> memref<10240x32xf32, #tpu.memory_space<vmem_shared>>
      tpu.wait_indirect_dma semaphore(%arg25 : memref<!tpu.dma_semaphore, #tpu.memory_space<semaphore_mem>>) src(%dma_wait3A_901 : memref<128x32xf32, #tpu.memory_space<vmem>>) dst(%dma_wait3A_907 : memref<10240x32xf32, #tpu.memory_space<vmem_shared>>)
      %add3A_908 = arith.constant 6 : i32
      %add3A_909 = arith.addi %add3A_873, %add3A_908 : i32
      %dma_start3A_910 = arith.constant 6 : i32
      %dma_start3A_911 = arith.constant 0 : i32
      %dma_start3A_912 = arith.constant 0 : i32
      %dma_start3A_913 = tpu.memref_slice %arg9[%dma_start3A_910, %dma_start3A_911, %dma_start3A_912] : memref<8x128x32xf32, #tpu.memory_space<vmem>> -> memref<1x128x32xf32, #tpu.memory_space<vmem>>
      %dma_start3A_914 = tpu.memref_squeeze %dma_start3A_913 : memref<1x128x32xf32, #tpu.memory_space<vmem>> -> memref<128x32xf32, #tpu.memory_space<vmem>>
      %dma_start3A_915 = arith.constant 0 : i32
      %dma_start3A_916 = tpu.memref_slice %arg7[%add3A_909, %dma_start3A_915] : memref<80x128xi32, #tpu.memory_space<vmem>> -> memref<1x128xi32, #tpu.memory_space<vmem>>
      %dma_start3A_917 = tpu.memref_squeeze %dma_start3A_916 : memref<1x128xi32, #tpu.memory_space<vmem>> -> memref<128xi32, #tpu.memory_space<vmem>>
      %dma_start3A_918 = arith.constant 0 : i32
      %dma_start3A_919 = arith.constant 0 : i32
      %dma_start3A_920 = tpu.memref_slice %arg2[%dma_start3A_918, %dma_start3A_919] : memref<10240x32xf32, #tpu.memory_space<hbm>> -> memref<10240x32xf32, #tpu.memory_space<hbm>>
      tpu.enqueue_indirect_dma source(%dma_start3A_920 : memref<10240x32xf32, #tpu.memory_space<hbm>>) target(%dma_start3A_914 : memref<128x32xf32, #tpu.memory_space<vmem>>) offsets(%dma_start3A_917 : memref<128xi32, #tpu.memory_space<vmem>>) semaphore(%arg17 : memref<!tpu.dma_semaphore, #tpu.memory_space<semaphore_mem>>)
      %mul3A_921 = arith.constant 8 : i32
      %mul3A_922 = arith.muli %scan3A_869, %mul3A_921 : i32
      %add3A_923 = arith.constant 1 : i32
      %add3A_924 = arith.addi %mul3A_922, %add3A_923 : i32
      %dma_wait3A_925 = arith.constant 1 : i32
      %dma_wait3A_926 = arith.constant 0 : i32
      %dma_wait3A_927 = arith.constant 0 : i32
      %dma_wait3A_928 = tpu.memref_slice %arg9[%dma_wait3A_925, %dma_wait3A_926, %dma_wait3A_927] : memref<8x128x32xf32, #tpu.memory_space<vmem>> -> memref<1x128x32xf32, #tpu.memory_space<vmem>>
      %dma_wait3A_929 = tpu.memref_squeeze %dma_wait3A_928 : memref<1x128x32xf32, #tpu.memory_space<vmem>> -> memref<128x32xf32, #tpu.memory_space<vmem>>
      %dma_wait3A_930 = arith.constant 0 : i32
      %dma_wait3A_931 = tpu.memref_slice %arg7[%add3A_924, %dma_wait3A_930] : memref<80x128xi32, #tpu.memory_space<vmem>> -> memref<1x128xi32, #tpu.memory_space<vmem>>
      %dma_wait3A_932 = tpu.memref_squeeze %dma_wait3A_931 : memref<1x128xi32, #tpu.memory_space<vmem>> -> memref<128xi32, #tpu.memory_space<vmem>>
      %dma_wait3A_933 = arith.constant 0 : i32
      %dma_wait3A_934 = arith.constant 0 : i32
      %dma_wait3A_935 = tpu.memref_slice %arg2[%dma_wait3A_933, %dma_wait3A_934] : memref<10240x32xf32, #tpu.memory_space<hbm>> -> memref<10240x32xf32, #tpu.memory_space<hbm>>
      tpu.wait_indirect_dma semaphore(%arg12 : memref<!tpu.dma_semaphore, #tpu.memory_space<semaphore_mem>>) src(%dma_wait3A_935 : memref<10240x32xf32, #tpu.memory_space<hbm>>) dst(%dma_wait3A_929 : memref<128x32xf32, #tpu.memory_space<vmem>>)
      %dma_start3A_936 = arith.constant 1 : i32
      %dma_start3A_937 = arith.constant 0 : i32
      %dma_start3A_938 = arith.constant 0 : i32
      %dma_start3A_939 = tpu.memref_slice %arg9[%dma_start3A_936, %dma_start3A_937, %dma_start3A_938] : memref<8x128x32xf32, #tpu.memory_space<vmem>> -> memref<1x128x32xf32, #tpu.memory_space<vmem>>
      %dma_start3A_940 = tpu.memref_squeeze %dma_start3A_939 : memref<1x128x32xf32, #tpu.memory_space<vmem>> -> memref<128x32xf32, #tpu.memory_space<vmem>>
      %dma_start3A_941 = arith.constant 0 : i32
      %dma_start3A_942 = tpu.memref_slice %arg8[%add3A_924, %dma_start3A_941] : memref<80x128xi32, #tpu.memory_space<vmem>> -> memref<1x128xi32, #tpu.memory_space<vmem>>
      %dma_start3A_943 = tpu.memref_squeeze %dma_start3A_942 : memref<1x128xi32, #tpu.memory_space<vmem>> -> memref<128xi32, #tpu.memory_space<vmem>>
      %dma_start3A_944 = arith.constant 0 : i32
      %dma_start3A_945 = arith.constant 0 : i32
      %dma_start3A_946 = tpu.memref_slice %arg10[%dma_start3A_944, %dma_start3A_945] : memref<10240x32xf32, #tpu.memory_space<vmem_shared>> -> memref<10240x32xf32, #tpu.memory_space<vmem_shared>>
      tpu.enqueue_indirect_dma source(%dma_start3A_940 : memref<128x32xf32, #tpu.memory_space<vmem>>) target(%dma_start3A_946 : memref<10240x32xf32, #tpu.memory_space<vmem_shared>>) offsets(%dma_start3A_943 : memref<128xi32, #tpu.memory_space<vmem>>) semaphore(%arg20 : memref<!tpu.dma_semaphore, #tpu.memory_space<semaphore_mem>>) {add = true}
      %dma_wait3A_947 = arith.constant 7 : i32
      %dma_wait3A_948 = arith.constant 0 : i32
      %dma_wait3A_949 = arith.constant 0 : i32
      %dma_wait3A_950 = arith.constant 0 : i32
      %dma_wait3A_951 = tpu.memref_slice %arg9[%dma_wait3A_947, %dma_wait3A_949, %dma_wait3A_950] : memref<8x128x32xf32, #tpu.memory_space<vmem>> -> memref<1x128x32xf32, #tpu.memory_space<vmem>>
      %dma_wait3A_952 = tpu.memref_squeeze %dma_wait3A_951 : memref<1x128x32xf32, #tpu.memory_space<vmem>> -> memref<128x32xf32, #tpu.memory_space<vmem>>
      %dma_wait3A_953 = arith.constant 0 : i32
      %dma_wait3A_954 = tpu.memref_slice %arg8[%dma_wait3A_948, %dma_wait3A_953] : memref<80x128xi32, #tpu.memory_space<vmem>> -> memref<1x128xi32, #tpu.memory_space<vmem>>
      %dma_wait3A_955 = tpu.memref_squeeze %dma_wait3A_954 : memref<1x128xi32, #tpu.memory_space<vmem>> -> memref<128xi32, #tpu.memory_space<vmem>>
      %dma_wait3A_956 = arith.constant 0 : i32
      %dma_wait3A_957 = arith.constant 0 : i32
      %dma_wait3A_958 = tpu.memref_slice %arg10[%dma_wait3A_956, %dma_wait3A_957] : memref<10240x32xf32, #tpu.memory_space<vmem_shared>> -> memref<10240x32xf32, #tpu.memory_space<vmem_shared>>
      tpu.wait_indirect_dma semaphore(%arg26 : memref<!tpu.dma_semaphore, #tpu.memory_space<semaphore_mem>>) src(%dma_wait3A_952 : memref<128x32xf32, #tpu.memory_space<vmem>>) dst(%dma_wait3A_958 : memref<10240x32xf32, #tpu.memory_space<vmem_shared>>)
      %add3A_959 = arith.constant 6 : i32
      %add3A_960 = arith.addi %add3A_924, %add3A_959 : i32
      %dma_start3A_961 = arith.constant 7 : i32
      %dma_start3A_962 = arith.constant 0 : i32
      %dma_start3A_963 = arith.constant 0 : i32
      %dma_start3A_964 = tpu.memref_slice %arg9[%dma_start3A_961, %dma_start3A_962, %dma_start3A_963] : memref<8x128x32xf32, #tpu.memory_space<vmem>> -> memref<1x128x32xf32, #tpu.memory_space<vmem>>
      %dma_start3A_965 = tpu.memref_squeeze %dma_start3A_964 : memref<1x128x32xf32, #tpu.memory_space<vmem>> -> memref<128x32xf32, #tpu.memory_space<vmem>>
      %dma_start3A_966 = arith.constant 0 : i32
      %dma_start3A_967 = tpu.memref_slice %arg7[%add3A_960, %dma_start3A_966] : memref<80x128xi32, #tpu.memory_space<vmem>> -> memref<1x128xi32, #tpu.memory_space<vmem>>
      %dma_start3A_968 = tpu.memref_squeeze %dma_start3A_967 : memref<1x128xi32, #tpu.memory_space<vmem>> -> memref<128xi32, #tpu.memory_space<vmem>>
      %dma_start3A_969 = arith.constant 0 : i32
      %dma_start3A_970 = arith.constant 0 : i32
      %dma_start3A_971 = tpu.memref_slice %arg2[%dma_start3A_969, %dma_start3A_970] : memref<10240x32xf32, #tpu.memory_space<hbm>> -> memref<10240x32xf32, #tpu.memory_space<hbm>>
      tpu.enqueue_indirect_dma source(%dma_start3A_971 : memref<10240x32xf32, #tpu.memory_space<hbm>>) target(%dma_start3A_965 : memref<128x32xf32, #tpu.memory_space<vmem>>) offsets(%dma_start3A_968 : memref<128xi32, #tpu.memory_space<vmem>>) semaphore(%arg18 : memref<!tpu.dma_semaphore, #tpu.memory_space<semaphore_mem>>)
      %mul3A_972 = arith.constant 8 : i32
      %mul3A_973 = arith.muli %scan3A_869, %mul3A_972 : i32
      %add3A_974 = arith.constant 2 : i32
      %add3A_975 = arith.addi %mul3A_973, %add3A_974 : i32
      %dma_wait3A_976 = arith.constant 2 : i32
      %dma_wait3A_977 = arith.constant 0 : i32
      %dma_wait3A_978 = arith.constant 0 : i32
      %dma_wait3A_979 = tpu.memref_slice %arg9[%dma_wait3A_976, %dma_wait3A_977, %dma_wait3A_978] : memref<8x128x32xf32, #tpu.memory_space<vmem>> -> memref<1x128x32xf32, #tpu.memory_space<vmem>>
      %dma_wait3A_980 = tpu.memref_squeeze %dma_wait3A_979 : memref<1x128x32xf32, #tpu.memory_space<vmem>> -> memref<128x32xf32, #tpu.memory_space<vmem>>
      %dma_wait3A_981 = arith.constant 0 : i32
      %dma_wait3A_982 = tpu.memref_slice %arg7[%add3A_975, %dma_wait3A_981] : memref<80x128xi32, #tpu.memory_space<vmem>> -> memref<1x128xi32, #tpu.memory_space<vmem>>
      %dma_wait3A_983 = tpu.memref_squeeze %dma_wait3A_982 : memref<1x128xi32, #tpu.memory_space<vmem>> -> memref<128xi32, #tpu.memory_space<vmem>>
      %dma_wait3A_984 = arith.constant 0 : i32
      %dma_wait3A_985 = arith.constant 0 : i32
      %dma_wait3A_986 = tpu.memref_slice %arg2[%dma_wait3A_984, %dma_wait3A_985] : memref<10240x32xf32, #tpu.memory_space<hbm>> -> memref<10240x32xf32, #tpu.memory_space<hbm>>
      tpu.wait_indirect_dma semaphore(%arg13 : memref<!tpu.dma_semaphore, #tpu.memory_space<semaphore_mem>>) src(%dma_wait3A_986 : memref<10240x32xf32, #tpu.memory_space<hbm>>) dst(%dma_wait3A_980 : memref<128x32xf32, #tpu.memory_space<vmem>>)
      %dma_start3A_987 = arith.constant 2 : i32
      %dma_start3A_988 = arith.constant 0 : i32
      %dma_start3A_989 = arith.constant 0 : i32
      %dma_start3A_990 = tpu.memref_slice %arg9[%dma_start3A_987, %dma_start3A_988, %dma_start3A_989] : memref<8x128x32xf32, #tpu.memory_space<vmem>> -> memref<1x128x32xf32, #tpu.memory_space<vmem>>
      %dma_start3A_991 = tpu.memref_squeeze %dma_start3A_990 : memref<1x128x32xf32, #tpu.memory_space<vmem>> -> memref<128x32xf32, #tpu.memory_space<vmem>>
      %dma_start3A_992 = arith.constant 0 : i32
      %dma_start3A_993 = tpu.memref_slice %arg8[%add3A_975, %dma_start3A_992] : memref<80x128xi32, #tpu.memory_space<vmem>> -> memref<1x128xi32, #tpu.memory_space<vmem>>
      %dma_start3A_994 = tpu.memref_squeeze %dma_start3A_993 : memref<1x128xi32, #tpu.memory_space<vmem>> -> memref<128xi32, #tpu.memory_space<vmem>>
      %dma_start3A_995 = arith.constant 0 : i32
      %dma_start3A_996 = arith.constant 0 : i32
      %dma_start3A_997 = tpu.memref_slice %arg10[%dma_start3A_995, %dma_start3A_996] : memref<10240x32xf32, #tpu.memory_space<vmem_shared>> -> memref<10240x32xf32, #tpu.memory_space<vmem_shared>>
      tpu.enqueue_indirect_dma source(%dma_start3A_991 : memref<128x32xf32, #tpu.memory_space<vmem>>) target(%dma_start3A_997 : memref<10240x32xf32, #tpu.memory_space<vmem_shared>>) offsets(%dma_start3A_994 : memref<128xi32, #tpu.memory_space<vmem>>) semaphore(%arg21 : memref<!tpu.dma_semaphore, #tpu.memory_space<semaphore_mem>>) {add = true}
      %dma_wait3A_998 = arith.constant 0 : i32
      %dma_wait3A_999 = arith.constant 0 : i32
      %dma_wait3A_1000 = arith.constant 0 : i32
      %dma_wait3A_1001 = arith.constant 0 : i32
      %dma_wait3A_1002 = tpu.memref_slice %arg9[%dma_wait3A_998, %dma_wait3A_1000, %dma_wait3A_1001] : memref<8x128x32xf32, #tpu.memory_space<vmem>> -> memref<1x128x32xf32, #tpu.memory_space<vmem>>
      %dma_wait3A_1003 = tpu.memref_squeeze %dma_wait3A_1002 : memref<1x128x32xf32, #tpu.memory_space<vmem>> -> memref<128x32xf32, #tpu.memory_space<vmem>>
      %dma_wait3A_1004 = arith.constant 0 : i32
      %dma_wait3A_1005 = tpu.memref_slice %arg8[%dma_wait3A_999, %dma_wait3A_1004] : memref<80x128xi32, #tpu.memory_space<vmem>> -> memref<1x128xi32, #tpu.memory_space<vmem>>
      %dma_wait3A_1006 = tpu.memref_squeeze %dma_wait3A_1005 : memref<1x128xi32, #tpu.memory_space<vmem>> -> memref<128xi32, #tpu.memory_space<vmem>>
      %dma_wait3A_1007 = arith.constant 0 : i32
      %dma_wait3A_1008 = arith.constant 0 : i32
      %dma_wait3A_1009 = tpu.memref_slice %arg10[%dma_wait3A_1007, %dma_wait3A_1008] : memref<10240x32xf32, #tpu.memory_space<vmem_shared>> -> memref<10240x32xf32, #tpu.memory_space<vmem_shared>>
      tpu.wait_indirect_dma semaphore(%arg19 : memref<!tpu.dma_semaphore, #tpu.memory_space<semaphore_mem>>) src(%dma_wait3A_1003 : memref<128x32xf32, #tpu.memory_space<vmem>>) dst(%dma_wait3A_1009 : memref<10240x32xf32, #tpu.memory_space<vmem_shared>>)
      %add3A_1010 = arith.constant 6 : i32
      %add3A_1011 = arith.addi %add3A_975, %add3A_1010 : i32
      %dma_start3A_1012 = arith.constant 0 : i32
      %dma_start3A_1013 = arith.constant 0 : i32
      %dma_start3A_1014 = arith.constant 0 : i32
      %dma_start3A_1015 = tpu.memref_slice %arg9[%dma_start3A_1012, %dma_start3A_1013, %dma_start3A_1014] : memref<8x128x32xf32, #tpu.memory_space<vmem>> -> memref<1x128x32xf32, #tpu.memory_space<vmem>>
      %dma_start3A_1016 = tpu.memref_squeeze %dma_start3A_1015 : memref<1x128x32xf32, #tpu.memory_space<vmem>> -> memref<128x32xf32, #tpu.memory_space<vmem>>
      %dma_start3A_1017 = arith.constant 0 : i32
      %dma_start3A_1018 = tpu.memref_slice %arg7[%add3A_1011, %dma_start3A_1017] : memref<80x128xi32, #tpu.memory_space<vmem>> -> memref<1x128xi32, #tpu.memory_space<vmem>>
      %dma_start3A_1019 = tpu.memref_squeeze %dma_start3A_1018 : memref<1x128xi32, #tpu.memory_space<vmem>> -> memref<128xi32, #tpu.memory_space<vmem>>
      %dma_start3A_1020 = arith.constant 0 : i32
      %dma_start3A_1021 = arith.constant 0 : i32
      %dma_start3A_1022 = tpu.memref_slice %arg2[%dma_start3A_1020, %dma_start3A_1021] : memref<10240x32xf32, #tpu.memory_space<hbm>> -> memref<10240x32xf32, #tpu.memory_space<hbm>>
      tpu.enqueue_indirect_dma source(%dma_start3A_1022 : memref<10240x32xf32, #tpu.memory_space<hbm>>) target(%dma_start3A_1016 : memref<128x32xf32, #tpu.memory_space<vmem>>) offsets(%dma_start3A_1019 : memref<128xi32, #tpu.memory_space<vmem>>) semaphore(%arg11 : memref<!tpu.dma_semaphore, #tpu.memory_space<semaphore_mem>>)
      %mul3A_1023 = arith.constant 8 : i32
      %mul3A_1024 = arith.muli %scan3A_869, %mul3A_1023 : i32
      %add3A_1025 = arith.constant 3 : i32
      %add3A_1026 = arith.addi %mul3A_1024, %add3A_1025 : i32
      %dma_wait3A_1027 = arith.constant 3 : i32
      %dma_wait3A_1028 = arith.constant 0 : i32
      %dma_wait3A_1029 = arith.constant 0 : i32
      %dma_wait3A_1030 = tpu.memref_slice %arg9[%dma_wait3A_1027, %dma_wait3A_1028, %dma_wait3A_1029] : memref<8x128x32xf32, #tpu.memory_space<vmem>> -> memref<1x128x32xf32, #tpu.memory_space<vmem>>
      %dma_wait3A_1031 = tpu.memref_squeeze %dma_wait3A_1030 : memref<1x128x32xf32, #tpu.memory_space<vmem>> -> memref<128x32xf32, #tpu.memory_space<vmem>>
      %dma_wait3A_1032 = arith.constant 0 : i32
      %dma_wait3A_1033 = tpu.memref_slice %arg7[%add3A_1026, %dma_wait3A_1032] : memref<80x128xi32, #tpu.memory_space<vmem>> -> memref<1x128xi32, #tpu.memory_space<vmem>>
      %dma_wait3A_1034 = tpu.memref_squeeze %dma_wait3A_1033 : memref<1x128xi32, #tpu.memory_space<vmem>> -> memref<128xi32, #tpu.memory_space<vmem>>
      %dma_wait3A_1035 = arith.constant 0 : i32
      %dma_wait3A_1036 = arith.constant 0 : i32
      %dma_wait3A_1037 = tpu.memref_slice %arg2[%dma_wait3A_1035, %dma_wait3A_1036] : memref<10240x32xf32, #tpu.memory_space<hbm>> -> memref<10240x32xf32, #tpu.memory_space<hbm>>
      tpu.wait_indirect_dma semaphore(%arg14 : memref<!tpu.dma_semaphore, #tpu.memory_space<semaphore_mem>>) src(%dma_wait3A_1037 : memref<10240x32xf32, #tpu.memory_space<hbm>>) dst(%dma_wait3A_1031 : memref<128x32xf32, #tpu.memory_space<vmem>>)
      %dma_start3A_1038 = arith.constant 3 : i32
      %dma_start3A_1039 = arith.constant 0 : i32
      %dma_start3A_1040 = arith.constant 0 : i32
      %dma_start3A_1041 = tpu.memref_slice %arg9[%dma_start3A_1038, %dma_start3A_1039, %dma_start3A_1040] : memref<8x128x32xf32, #tpu.memory_space<vmem>> -> memref<1x128x32xf32, #tpu.memory_space<vmem>>
      %dma_start3A_1042 = tpu.memref_squeeze %dma_start3A_1041 : memref<1x128x32xf32, #tpu.memory_space<vmem>> -> memref<128x32xf32, #tpu.memory_space<vmem>>
      %dma_start3A_1043 = arith.constant 0 : i32
      %dma_start3A_1044 = tpu.memref_slice %arg8[%add3A_1026, %dma_start3A_1043] : memref<80x128xi32, #tpu.memory_space<vmem>> -> memref<1x128xi32, #tpu.memory_space<vmem>>
      %dma_start3A_1045 = tpu.memref_squeeze %dma_start3A_1044 : memref<1x128xi32, #tpu.memory_space<vmem>> -> memref<128xi32, #tpu.memory_space<vmem>>
      %dma_start3A_1046 = arith.constant 0 : i32
      %dma_start3A_1047 = arith.constant 0 : i32
      %dma_start3A_1048 = tpu.memref_slice %arg10[%dma_start3A_1046, %dma_start3A_1047] : memref<10240x32xf32, #tpu.memory_space<vmem_shared>> -> memref<10240x32xf32, #tpu.memory_space<vmem_shared>>
      tpu.enqueue_indirect_dma source(%dma_start3A_1042 : memref<128x32xf32, #tpu.memory_space<vmem>>) target(%dma_start3A_1048 : memref<10240x32xf32, #tpu.memory_space<vmem_shared>>) offsets(%dma_start3A_1045 : memref<128xi32, #tpu.memory_space<vmem>>) semaphore(%arg22 : memref<!tpu.dma_semaphore, #tpu.memory_space<semaphore_mem>>) {add = true}
      %dma_wait3A_1049 = arith.constant 1 : i32
      %dma_wait3A_1050 = arith.constant 0 : i32
      %dma_wait3A_1051 = arith.constant 0 : i32
      %dma_wait3A_1052 = arith.constant 0 : i32
      %dma_wait3A_1053 = tpu.memref_slice %arg9[%dma_wait3A_1049, %dma_wait3A_1051, %dma_wait3A_1052] : memref<8x128x32xf32, #tpu.memory_space<vmem>> -> memref<1x128x32xf32, #tpu.memory_space<vmem>>
      %dma_wait3A_1054 = tpu.memref_squeeze %dma_wait3A_1053 : memref<1x128x32xf32, #tpu.memory_space<vmem>> -> memref<128x32xf32, #tpu.memory_space<vmem>>
      %dma_wait3A_1055 = arith.constant 0 : i32
      %dma_wait3A_1056 = tpu.memref_slice %arg8[%dma_wait3A_1050, %dma_wait3A_1055] : memref<80x128xi32, #tpu.memory_space<vmem>> -> memref<1x128xi32, #tpu.memory_space<vmem>>
      %dma_wait3A_1057 = tpu.memref_squeeze %dma_wait3A_1056 : memref<1x128xi32, #tpu.memory_space<vmem>> -> memref<128xi32, #tpu.memory_space<vmem>>
      %dma_wait3A_1058 = arith.constant 0 : i32
      %dma_wait3A_1059 = arith.constant 0 : i32
      %dma_wait3A_1060 = tpu.memref_slice %arg10[%dma_wait3A_1058, %dma_wait3A_1059] : memref<10240x32xf32, #tpu.memory_space<vmem_shared>> -> memref<10240x32xf32, #tpu.memory_space<vmem_shared>>
      tpu.wait_indirect_dma semaphore(%arg20 : memref<!tpu.dma_semaphore, #tpu.memory_space<semaphore_mem>>) src(%dma_wait3A_1054 : memref<128x32xf32, #tpu.memory_space<vmem>>) dst(%dma_wait3A_1060 : memref<10240x32xf32, #tpu.memory_space<vmem_shared>>)
      %add3A_1061 = arith.constant 6 : i32
      %add3A_1062 = arith.addi %add3A_1026, %add3A_1061 : i32
      %dma_start3A_1063 = arith.constant 1 : i32
      %dma_start3A_1064 = arith.constant 0 : i32
      %dma_start3A_1065 = arith.constant 0 : i32
      %dma_start3A_1066 = tpu.memref_slice %arg9[%dma_start3A_1063, %dma_start3A_1064, %dma_start3A_1065] : memref<8x128x32xf32, #tpu.memory_space<vmem>> -> memref<1x128x32xf32, #tpu.memory_space<vmem>>
      %dma_start3A_1067 = tpu.memref_squeeze %dma_start3A_1066 : memref<1x128x32xf32, #tpu.memory_space<vmem>> -> memref<128x32xf32, #tpu.memory_space<vmem>>
      %dma_start3A_1068 = arith.constant 0 : i32
      %dma_start3A_1069 = tpu.memref_slice %arg7[%add3A_1062, %dma_start3A_1068] : memref<80x128xi32, #tpu.memory_space<vmem>> -> memref<1x128xi32, #tpu.memory_space<vmem>>
      %dma_start3A_1070 = tpu.memref_squeeze %dma_start3A_1069 : memref<1x128xi32, #tpu.memory_space<vmem>> -> memref<128xi32, #tpu.memory_space<vmem>>
      %dma_start3A_1071 = arith.constant 0 : i32
      %dma_start3A_1072 = arith.constant 0 : i32
      %dma_start3A_1073 = tpu.memref_slice %arg2[%dma_start3A_1071, %dma_start3A_1072] : memref<10240x32xf32, #tpu.memory_space<hbm>> -> memref<10240x32xf32, #tpu.memory_space<hbm>>
      tpu.enqueue_indirect_dma source(%dma_start3A_1073 : memref<10240x32xf32, #tpu.memory_space<hbm>>) target(%dma_start3A_1067 : memref<128x32xf32, #tpu.memory_space<vmem>>) offsets(%dma_start3A_1070 : memref<128xi32, #tpu.memory_space<vmem>>) semaphore(%arg12 : memref<!tpu.dma_semaphore, #tpu.memory_space<semaphore_mem>>)
      %mul3A_1074 = arith.constant 8 : i32
      %mul3A_1075 = arith.muli %scan3A_869, %mul3A_1074 : i32
      %add3A_1076 = arith.constant 4 : i32
      %add3A_1077 = arith.addi %mul3A_1075, %add3A_1076 : i32
      %dma_wait3A_1078 = arith.constant 4 : i32
      %dma_wait3A_1079 = arith.constant 0 : i32
      %dma_wait3A_1080 = arith.constant 0 : i32
      %dma_wait3A_1081 = tpu.memref_slice %arg9[%dma_wait3A_1078, %dma_wait3A_1079, %dma_wait3A_1080] : memref<8x128x32xf32, #tpu.memory_space<vmem>> -> memref<1x128x32xf32, #tpu.memory_space<vmem>>
      %dma_wait3A_1082 = tpu.memref_squeeze %dma_wait3A_1081 : memref<1x128x32xf32, #tpu.memory_space<vmem>> -> memref<128x32xf32, #tpu.memory_space<vmem>>
      %dma_wait3A_1083 = arith.constant 0 : i32
      %dma_wait3A_1084 = tpu.memref_slice %arg7[%add3A_1077, %dma_wait3A_1083] : memref<80x128xi32, #tpu.memory_space<vmem>> -> memref<1x128xi32, #tpu.memory_space<vmem>>
      %dma_wait3A_1085 = tpu.memref_squeeze %dma_wait3A_1084 : memref<1x128xi32, #tpu.memory_space<vmem>> -> memref<128xi32, #tpu.memory_space<vmem>>
      %dma_wait3A_1086 = arith.constant 0 : i32
      %dma_wait3A_1087 = arith.constant 0 : i32
      %dma_wait3A_1088 = tpu.memref_slice %arg2[%dma_wait3A_1086, %dma_wait3A_1087] : memref<10240x32xf32, #tpu.memory_space<hbm>> -> memref<10240x32xf32, #tpu.memory_space<hbm>>
      tpu.wait_indirect_dma semaphore(%arg15 : memref<!tpu.dma_semaphore, #tpu.memory_space<semaphore_mem>>) src(%dma_wait3A_1088 : memref<10240x32xf32, #tpu.memory_space<hbm>>) dst(%dma_wait3A_1082 : memref<128x32xf32, #tpu.memory_space<vmem>>)
      %dma_start3A_1089 = arith.constant 4 : i32
      %dma_start3A_1090 = arith.constant 0 : i32
      %dma_start3A_1091 = arith.constant 0 : i32
      %dma_start3A_1092 = tpu.memref_slice %arg9[%dma_start3A_1089, %dma_start3A_1090, %dma_start3A_1091] : memref<8x128x32xf32, #tpu.memory_space<vmem>> -> memref<1x128x32xf32, #tpu.memory_space<vmem>>
      %dma_start3A_1093 = tpu.memref_squeeze %dma_start3A_1092 : memref<1x128x32xf32, #tpu.memory_space<vmem>> -> memref<128x32xf32, #tpu.memory_space<vmem>>
      %dma_start3A_1094 = arith.constant 0 : i32
      %dma_start3A_1095 = tpu.memref_slice %arg8[%add3A_1077, %dma_start3A_1094] : memref<80x128xi32, #tpu.memory_space<vmem>> -> memref<1x128xi32, #tpu.memory_space<vmem>>
      %dma_start3A_1096 = tpu.memref_squeeze %dma_start3A_1095 : memref<1x128xi32, #tpu.memory_space<vmem>> -> memref<128xi32, #tpu.memory_space<vmem>>
      %dma_start3A_1097 = arith.constant 0 : i32
      %dma_start3A_1098 = arith.constant 0 : i32
      %dma_start3A_1099 = tpu.memref_slice %arg10[%dma_start3A_1097, %dma_start3A_1098] : memref<10240x32xf32, #tpu.memory_space<vmem_shared>> -> memref<10240x32xf32, #tpu.memory_space<vmem_shared>>
      tpu.enqueue_indirect_dma source(%dma_start3A_1093 : memref<128x32xf32, #tpu.memory_space<vmem>>) target(%dma_start3A_1099 : memref<10240x32xf32, #tpu.memory_space<vmem_shared>>) offsets(%dma_start3A_1096 : memref<128xi32, #tpu.memory_space<vmem>>) semaphore(%arg23 : memref<!tpu.dma_semaphore, #tpu.memory_space<semaphore_mem>>) {add = true}
      %dma_wait3A_1100 = arith.constant 2 : i32
      %dma_wait3A_1101 = arith.constant 0 : i32
      %dma_wait3A_1102 = arith.constant 0 : i32
      %dma_wait3A_1103 = arith.constant 0 : i32
      %dma_wait3A_1104 = tpu.memref_slice %arg9[%dma_wait3A_1100, %dma_wait3A_1102, %dma_wait3A_1103] : memref<8x128x32xf32, #tpu.memory_space<vmem>> -> memref<1x128x32xf32, #tpu.memory_space<vmem>>
      %dma_wait3A_1105 = tpu.memref_squeeze %dma_wait3A_1104 : memref<1x128x32xf32, #tpu.memory_space<vmem>> -> memref<128x32xf32, #tpu.memory_space<vmem>>
      %dma_wait3A_1106 = arith.constant 0 : i32
      %dma_wait3A_1107 = tpu.memref_slice %arg8[%dma_wait3A_1101, %dma_wait3A_1106] : memref<80x128xi32, #tpu.memory_space<vmem>> -> memref<1x128xi32, #tpu.memory_space<vmem>>
      %dma_wait3A_1108 = tpu.memref_squeeze %dma_wait3A_1107 : memref<1x128xi32, #tpu.memory_space<vmem>> -> memref<128xi32, #tpu.memory_space<vmem>>
      %dma_wait3A_1109 = arith.constant 0 : i32
      %dma_wait3A_1110 = arith.constant 0 : i32
      %dma_wait3A_1111 = tpu.memref_slice %arg10[%dma_wait3A_1109, %dma_wait3A_1110] : memref<10240x32xf32, #tpu.memory_space<vmem_shared>> -> memref<10240x32xf32, #tpu.memory_space<vmem_shared>>
      tpu.wait_indirect_dma semaphore(%arg21 : memref<!tpu.dma_semaphore, #tpu.memory_space<semaphore_mem>>) src(%dma_wait3A_1105 : memref<128x32xf32, #tpu.memory_space<vmem>>) dst(%dma_wait3A_1111 : memref<10240x32xf32, #tpu.memory_space<vmem_shared>>)
      %add3A_1112 = arith.constant 6 : i32
      %add3A_1113 = arith.addi %add3A_1077, %add3A_1112 : i32
      %dma_start3A_1114 = arith.constant 2 : i32
      %dma_start3A_1115 = arith.constant 0 : i32
      %dma_start3A_1116 = arith.constant 0 : i32
      %dma_start3A_1117 = tpu.memref_slice %arg9[%dma_start3A_1114, %dma_start3A_1115, %dma_start3A_1116] : memref<8x128x32xf32, #tpu.memory_space<vmem>> -> memref<1x128x32xf32, #tpu.memory_space<vmem>>
      %dma_start3A_1118 = tpu.memref_squeeze %dma_start3A_1117 : memref<1x128x32xf32, #tpu.memory_space<vmem>> -> memref<128x32xf32, #tpu.memory_space<vmem>>
      %dma_start3A_1119 = arith.constant 0 : i32
      %dma_start3A_1120 = tpu.memref_slice %arg7[%add3A_1113, %dma_start3A_1119] : memref<80x128xi32, #tpu.memory_space<vmem>> -> memref<1x128xi32, #tpu.memory_space<vmem>>
      %dma_start3A_1121 = tpu.memref_squeeze %dma_start3A_1120 : memref<1x128xi32, #tpu.memory_space<vmem>> -> memref<128xi32, #tpu.memory_space<vmem>>
      %dma_start3A_1122 = arith.constant 0 : i32
      %dma_start3A_1123 = arith.constant 0 : i32
      %dma_start3A_1124 = tpu.memref_slice %arg2[%dma_start3A_1122, %dma_start3A_1123] : memref<10240x32xf32, #tpu.memory_space<hbm>> -> memref<10240x32xf32, #tpu.memory_space<hbm>>
      tpu.enqueue_indirect_dma source(%dma_start3A_1124 : memref<10240x32xf32, #tpu.memory_space<hbm>>) target(%dma_start3A_1118 : memref<128x32xf32, #tpu.memory_space<vmem>>) offsets(%dma_start3A_1121 : memref<128xi32, #tpu.memory_space<vmem>>) semaphore(%arg13 : memref<!tpu.dma_semaphore, #tpu.memory_space<semaphore_mem>>)
      %mul3A_1125 = arith.constant 8 : i32
      %mul3A_1126 = arith.muli %scan3A_869, %mul3A_1125 : i32
      %add3A_1127 = arith.constant 5 : i32
      %add3A_1128 = arith.addi %mul3A_1126, %add3A_1127 : i32
      %dma_wait3A_1129 = arith.constant 5 : i32
      %dma_wait3A_1130 = arith.constant 0 : i32
      %dma_wait3A_1131 = arith.constant 0 : i32
      %dma_wait3A_1132 = tpu.memref_slice %arg9[%dma_wait3A_1129, %dma_wait3A_1130, %dma_wait3A_1131] : memref<8x128x32xf32, #tpu.memory_space<vmem>> -> memref<1x128x32xf32, #tpu.memory_space<vmem>>
      %dma_wait3A_1133 = tpu.memref_squeeze %dma_wait3A_1132 : memref<1x128x32xf32, #tpu.memory_space<vmem>> -> memref<128x32xf32, #tpu.memory_space<vmem>>
      %dma_wait3A_1134 = arith.constant 0 : i32
      %dma_wait3A_1135 = tpu.memref_slice %arg7[%add3A_1128, %dma_wait3A_1134] : memref<80x128xi32, #tpu.memory_space<vmem>> -> memref<1x128xi32, #tpu.memory_space<vmem>>
      %dma_wait3A_1136 = tpu.memref_squeeze %dma_wait3A_1135 : memref<1x128xi32, #tpu.memory_space<vmem>> -> memref<128xi32, #tpu.memory_space<vmem>>
      %dma_wait3A_1137 = arith.constant 0 : i32
      %dma_wait3A_1138 = arith.constant 0 : i32
      %dma_wait3A_1139 = tpu.memref_slice %arg2[%dma_wait3A_1137, %dma_wait3A_1138] : memref<10240x32xf32, #tpu.memory_space<hbm>> -> memref<10240x32xf32, #tpu.memory_space<hbm>>
      tpu.wait_indirect_dma semaphore(%arg16 : memref<!tpu.dma_semaphore, #tpu.memory_space<semaphore_mem>>) src(%dma_wait3A_1139 : memref<10240x32xf32, #tpu.memory_space<hbm>>) dst(%dma_wait3A_1133 : memref<128x32xf32, #tpu.memory_space<vmem>>)
      %dma_start3A_1140 = arith.constant 5 : i32
      %dma_start3A_1141 = arith.constant 0 : i32
      %dma_start3A_1142 = arith.constant 0 : i32
      %dma_start3A_1143 = tpu.memref_slice %arg9[%dma_start3A_1140, %dma_start3A_1141, %dma_start3A_1142] : memref<8x128x32xf32, #tpu.memory_space<vmem>> -> memref<1x128x32xf32, #tpu.memory_space<vmem>>
      %dma_start3A_1144 = tpu.memref_squeeze %dma_start3A_1143 : memref<1x128x32xf32, #tpu.memory_space<vmem>> -> memref<128x32xf32, #tpu.memory_space<vmem>>
      %dma_start3A_1145 = arith.constant 0 : i32
      %dma_start3A_1146 = tpu.memref_slice %arg8[%add3A_1128, %dma_start3A_1145] : memref<80x128xi32, #tpu.memory_space<vmem>> -> memref<1x128xi32, #tpu.memory_space<vmem>>
      %dma_start3A_1147 = tpu.memref_squeeze %dma_start3A_1146 : memref<1x128xi32, #tpu.memory_space<vmem>> -> memref<128xi32, #tpu.memory_space<vmem>>
      %dma_start3A_1148 = arith.constant 0 : i32
      %dma_start3A_1149 = arith.constant 0 : i32
      %dma_start3A_1150 = tpu.memref_slice %arg10[%dma_start3A_1148, %dma_start3A_1149] : memref<10240x32xf32, #tpu.memory_space<vmem_shared>> -> memref<10240x32xf32, #tpu.memory_space<vmem_shared>>
      tpu.enqueue_indirect_dma source(%dma_start3A_1144 : memref<128x32xf32, #tpu.memory_space<vmem>>) target(%dma_start3A_1150 : memref<10240x32xf32, #tpu.memory_space<vmem_shared>>) offsets(%dma_start3A_1147 : memref<128xi32, #tpu.memory_space<vmem>>) semaphore(%arg24 : memref<!tpu.dma_semaphore, #tpu.memory_space<semaphore_mem>>) {add = true}
      %dma_wait3A_1151 = arith.constant 3 : i32
      %dma_wait3A_1152 = arith.constant 0 : i32
      %dma_wait3A_1153 = arith.constant 0 : i32
      %dma_wait3A_1154 = arith.constant 0 : i32
      %dma_wait3A_1155 = tpu.memref_slice %arg9[%dma_wait3A_1151, %dma_wait3A_1153, %dma_wait3A_1154] : memref<8x128x32xf32, #tpu.memory_space<vmem>> -> memref<1x128x32xf32, #tpu.memory_space<vmem>>
      %dma_wait3A_1156 = tpu.memref_squeeze %dma_wait3A_1155 : memref<1x128x32xf32, #tpu.memory_space<vmem>> -> memref<128x32xf32, #tpu.memory_space<vmem>>
      %dma_wait3A_1157 = arith.constant 0 : i32
      %dma_wait3A_1158 = tpu.memref_slice %arg8[%dma_wait3A_1152, %dma_wait3A_1157] : memref<80x128xi32, #tpu.memory_space<vmem>> -> memref<1x128xi32, #tpu.memory_space<vmem>>
      %dma_wait3A_1159 = tpu.memref_squeeze %dma_wait3A_1158 : memref<1x128xi32, #tpu.memory_space<vmem>> -> memref<128xi32, #tpu.memory_space<vmem>>
      %dma_wait3A_1160 = arith.constant 0 : i32
      %dma_wait3A_1161 = arith.constant 0 : i32
      %dma_wait3A_1162 = tpu.memref_slice %arg10[%dma_wait3A_1160, %dma_wait3A_1161] : memref<10240x32xf32, #tpu.memory_space<vmem_shared>> -> memref<10240x32xf32, #tpu.memory_space<vmem_shared>>
      tpu.wait_indirect_dma semaphore(%arg22 : memref<!tpu.dma_semaphore, #tpu.memory_space<semaphore_mem>>) src(%dma_wait3A_1156 : memref<128x32xf32, #tpu.memory_space<vmem>>) dst(%dma_wait3A_1162 : memref<10240x32xf32, #tpu.memory_space<vmem_shared>>)
      %add3A_1163 = arith.constant 6 : i32
      %add3A_1164 = arith.addi %add3A_1128, %add3A_1163 : i32
      %dma_start3A_1165 = arith.constant 3 : i32
      %dma_start3A_1166 = arith.constant 0 : i32
      %dma_start3A_1167 = arith.constant 0 : i32
      %dma_start3A_1168 = tpu.memref_slice %arg9[%dma_start3A_1165, %dma_start3A_1166, %dma_start3A_1167] : memref<8x128x32xf32, #tpu.memory_space<vmem>> -> memref<1x128x32xf32, #tpu.memory_space<vmem>>
      %dma_start3A_1169 = tpu.memref_squeeze %dma_start3A_1168 : memref<1x128x32xf32, #tpu.memory_space<vmem>> -> memref<128x32xf32, #tpu.memory_space<vmem>>
      %dma_start3A_1170 = arith.constant 0 : i32
      %dma_start3A_1171 = tpu.memref_slice %arg7[%add3A_1164, %dma_start3A_1170] : memref<80x128xi32, #tpu.memory_space<vmem>> -> memref<1x128xi32, #tpu.memory_space<vmem>>
      %dma_start3A_1172 = tpu.memref_squeeze %dma_start3A_1171 : memref<1x128xi32, #tpu.memory_space<vmem>> -> memref<128xi32, #tpu.memory_space<vmem>>
      %dma_start3A_1173 = arith.constant 0 : i32
      %dma_start3A_1174 = arith.constant 0 : i32
      %dma_start3A_1175 = tpu.memref_slice %arg2[%dma_start3A_1173, %dma_start3A_1174] : memref<10240x32xf32, #tpu.memory_space<hbm>> -> memref<10240x32xf32, #tpu.memory_space<hbm>>
      tpu.enqueue_indirect_dma source(%dma_start3A_1175 : memref<10240x32xf32, #tpu.memory_space<hbm>>) target(%dma_start3A_1169 : memref<128x32xf32, #tpu.memory_space<vmem>>) offsets(%dma_start3A_1172 : memref<128xi32, #tpu.memory_space<vmem>>) semaphore(%arg14 : memref<!tpu.dma_semaphore, #tpu.memory_space<semaphore_mem>>)
      %mul3A_1176 = arith.constant 8 : i32
      %mul3A_1177 = arith.muli %scan3A_869, %mul3A_1176 : i32
      %add3A_1178 = arith.constant 6 : i32
      %add3A_1179 = arith.addi %mul3A_1177, %add3A_1178 : i32
      %dma_wait3A_1180 = arith.constant 6 : i32
      %dma_wait3A_1181 = arith.constant 0 : i32
      %dma_wait3A_1182 = arith.constant 0 : i32
      %dma_wait3A_1183 = tpu.memref_slice %arg9[%dma_wait3A_1180, %dma_wait3A_1181, %dma_wait3A_1182] : memref<8x128x32xf32, #tpu.memory_space<vmem>> -> memref<1x128x32xf32, #tpu.memory_space<vmem>>
      %dma_wait3A_1184 = tpu.memref_squeeze %dma_wait3A_1183 : memref<1x128x32xf32, #tpu.memory_space<vmem>> -> memref<128x32xf32, #tpu.memory_space<vmem>>
      %dma_wait3A_1185 = arith.constant 0 : i32
      %dma_wait3A_1186 = tpu.memref_slice %arg7[%add3A_1179, %dma_wait3A_1185] : memref<80x128xi32, #tpu.memory_space<vmem>> -> memref<1x128xi32, #tpu.memory_space<vmem>>
      %dma_wait3A_1187 = tpu.memref_squeeze %dma_wait3A_1186 : memref<1x128xi32, #tpu.memory_space<vmem>> -> memref<128xi32, #tpu.memory_space<vmem>>
      %dma_wait3A_1188 = arith.constant 0 : i32
      %dma_wait3A_1189 = arith.constant 0 : i32
      %dma_wait3A_1190 = tpu.memref_slice %arg2[%dma_wait3A_1188, %dma_wait3A_1189] : memref<10240x32xf32, #tpu.memory_space<hbm>> -> memref<10240x32xf32, #tpu.memory_space<hbm>>
      tpu.wait_indirect_dma semaphore(%arg17 : memref<!tpu.dma_semaphore, #tpu.memory_space<semaphore_mem>>) src(%dma_wait3A_1190 : memref<10240x32xf32, #tpu.memory_space<hbm>>) dst(%dma_wait3A_1184 : memref<128x32xf32, #tpu.memory_space<vmem>>)
      %dma_start3A_1191 = arith.constant 6 : i32
      %dma_start3A_1192 = arith.constant 0 : i32
      %dma_start3A_1193 = arith.constant 0 : i32
      %dma_start3A_1194 = tpu.memref_slice %arg9[%dma_start3A_1191, %dma_start3A_1192, %dma_start3A_1193] : memref<8x128x32xf32, #tpu.memory_space<vmem>> -> memref<1x128x32xf32, #tpu.memory_space<vmem>>
      %dma_start3A_1195 = tpu.memref_squeeze %dma_start3A_1194 : memref<1x128x32xf32, #tpu.memory_space<vmem>> -> memref<128x32xf32, #tpu.memory_space<vmem>>
      %dma_start3A_1196 = arith.constant 0 : i32
      %dma_start3A_1197 = tpu.memref_slice %arg8[%add3A_1179, %dma_start3A_1196] : memref<80x128xi32, #tpu.memory_space<vmem>> -> memref<1x128xi32, #tpu.memory_space<vmem>>
      %dma_start3A_1198 = tpu.memref_squeeze %dma_start3A_1197 : memref<1x128xi32, #tpu.memory_space<vmem>> -> memref<128xi32, #tpu.memory_space<vmem>>
      %dma_start3A_1199 = arith.constant 0 : i32
      %dma_start3A_1200 = arith.constant 0 : i32
      %dma_start3A_1201 = tpu.memref_slice %arg10[%dma_start3A_1199, %dma_start3A_1200] : memref<10240x32xf32, #tpu.memory_space<vmem_shared>> -> memref<10240x32xf32, #tpu.memory_space<vmem_shared>>
      tpu.enqueue_indirect_dma source(%dma_start3A_1195 : memref<128x32xf32, #tpu.memory_space<vmem>>) target(%dma_start3A_1201 : memref<10240x32xf32, #tpu.memory_space<vmem_shared>>) offsets(%dma_start3A_1198 : memref<128xi32, #tpu.memory_space<vmem>>) semaphore(%arg25 : memref<!tpu.dma_semaphore, #tpu.memory_space<semaphore_mem>>) {add = true}
      %dma_wait3A_1202 = arith.constant 4 : i32
      %dma_wait3A_1203 = arith.constant 0 : i32
      %dma_wait3A_1204 = arith.constant 0 : i32
      %dma_wait3A_1205 = arith.constant 0 : i32
      %dma_wait3A_1206 = tpu.memref_slice %arg9[%dma_wait3A_1202, %dma_wait3A_1204, %dma_wait3A_1205] : memref<8x128x32xf32, #tpu.memory_space<vmem>> -> memref<1x128x32xf32, #tpu.memory_space<vmem>>
      %dma_wait3A_1207 = tpu.memref_squeeze %dma_wait3A_1206 : memref<1x128x32xf32, #tpu.memory_space<vmem>> -> memref<128x32xf32, #tpu.memory_space<vmem>>
      %dma_wait3A_1208 = arith.constant 0 : i32
      %dma_wait3A_1209 = tpu.memref_slice %arg8[%dma_wait3A_1203, %dma_wait3A_1208] : memref<80x128xi32, #tpu.memory_space<vmem>> -> memref<1x128xi32, #tpu.memory_space<vmem>>
      %dma_wait3A_1210 = tpu.memref_squeeze %dma_wait3A_1209 : memref<1x128xi32, #tpu.memory_space<vmem>> -> memref<128xi32, #tpu.memory_space<vmem>>
      %dma_wait3A_1211 = arith.constant 0 : i32
      %dma_wait3A_1212 = arith.constant 0 : i32
      %dma_wait3A_1213 = tpu.memref_slice %arg10[%dma_wait3A_1211, %dma_wait3A_1212] : memref<10240x32xf32, #tpu.memory_space<vmem_shared>> -> memref<10240x32xf32, #tpu.memory_space<vmem_shared>>
      tpu.wait_indirect_dma semaphore(%arg23 : memref<!tpu.dma_semaphore, #tpu.memory_space<semaphore_mem>>) src(%dma_wait3A_1207 : memref<128x32xf32, #tpu.memory_space<vmem>>) dst(%dma_wait3A_1213 : memref<10240x32xf32, #tpu.memory_space<vmem_shared>>)
      %add3A_1214 = arith.constant 6 : i32
      %add3A_1215 = arith.addi %add3A_1179, %add3A_1214 : i32
      %dma_start3A_1216 = arith.constant 4 : i32
      %dma_start3A_1217 = arith.constant 0 : i32
      %dma_start3A_1218 = arith.constant 0 : i32
      %dma_start3A_1219 = tpu.memref_slice %arg9[%dma_start3A_1216, %dma_start3A_1217, %dma_start3A_1218] : memref<8x128x32xf32, #tpu.memory_space<vmem>> -> memref<1x128x32xf32, #tpu.memory_space<vmem>>
      %dma_start3A_1220 = tpu.memref_squeeze %dma_start3A_1219 : memref<1x128x32xf32, #tpu.memory_space<vmem>> -> memref<128x32xf32, #tpu.memory_space<vmem>>
      %dma_start3A_1221 = arith.constant 0 : i32
      %dma_start3A_1222 = tpu.memref_slice %arg7[%add3A_1215, %dma_start3A_1221] : memref<80x128xi32, #tpu.memory_space<vmem>> -> memref<1x128xi32, #tpu.memory_space<vmem>>
      %dma_start3A_1223 = tpu.memref_squeeze %dma_start3A_1222 : memref<1x128xi32, #tpu.memory_space<vmem>> -> memref<128xi32, #tpu.memory_space<vmem>>
      %dma_start3A_1224 = arith.constant 0 : i32
      %dma_start3A_1225 = arith.constant 0 : i32
      %dma_start3A_1226 = tpu.memref_slice %arg2[%dma_start3A_1224, %dma_start3A_1225] : memref<10240x32xf32, #tpu.memory_space<hbm>> -> memref<10240x32xf32, #tpu.memory_space<hbm>>
      tpu.enqueue_indirect_dma source(%dma_start3A_1226 : memref<10240x32xf32, #tpu.memory_space<hbm>>) target(%dma_start3A_1220 : memref<128x32xf32, #tpu.memory_space<vmem>>) offsets(%dma_start3A_1223 : memref<128xi32, #tpu.memory_space<vmem>>) semaphore(%arg15 : memref<!tpu.dma_semaphore, #tpu.memory_space<semaphore_mem>>)
      %mul3A_1227 = arith.constant 8 : i32
      %mul3A_1228 = arith.muli %scan3A_869, %mul3A_1227 : i32
      %add3A_1229 = arith.constant 7 : i32
      %add3A_1230 = arith.addi %mul3A_1228, %add3A_1229 : i32
      %dma_wait3A_1231 = arith.constant 7 : i32
      %dma_wait3A_1232 = arith.constant 0 : i32
      %dma_wait3A_1233 = arith.constant 0 : i32
      %dma_wait3A_1234 = tpu.memref_slice %arg9[%dma_wait3A_1231, %dma_wait3A_1232, %dma_wait3A_1233] : memref<8x128x32xf32, #tpu.memory_space<vmem>> -> memref<1x128x32xf32, #tpu.memory_space<vmem>>
      %dma_wait3A_1235 = tpu.memref_squeeze %dma_wait3A_1234 : memref<1x128x32xf32, #tpu.memory_space<vmem>> -> memref<128x32xf32, #tpu.memory_space<vmem>>
      %dma_wait3A_1236 = arith.constant 0 : i32
      %dma_wait3A_1237 = tpu.memref_slice %arg7[%add3A_1230, %dma_wait3A_1236] : memref<80x128xi32, #tpu.memory_space<vmem>> -> memref<1x128xi32, #tpu.memory_space<vmem>>
      %dma_wait3A_1238 = tpu.memref_squeeze %dma_wait3A_1237 : memref<1x128xi32, #tpu.memory_space<vmem>> -> memref<128xi32, #tpu.memory_space<vmem>>
      %dma_wait3A_1239 = arith.constant 0 : i32
      %dma_wait3A_1240 = arith.constant 0 : i32
      %dma_wait3A_1241 = tpu.memref_slice %arg2[%dma_wait3A_1239, %dma_wait3A_1240] : memref<10240x32xf32, #tpu.memory_space<hbm>> -> memref<10240x32xf32, #tpu.memory_space<hbm>>
      tpu.wait_indirect_dma semaphore(%arg18 : memref<!tpu.dma_semaphore, #tpu.memory_space<semaphore_mem>>) src(%dma_wait3A_1241 : memref<10240x32xf32, #tpu.memory_space<hbm>>) dst(%dma_wait3A_1235 : memref<128x32xf32, #tpu.memory_space<vmem>>)
      %dma_start3A_1242 = arith.constant 7 : i32
      %dma_start3A_1243 = arith.constant 0 : i32
      %dma_start3A_1244 = arith.constant 0 : i32
      %dma_start3A_1245 = tpu.memref_slice %arg9[%dma_start3A_1242, %dma_start3A_1243, %dma_start3A_1244] : memref<8x128x32xf32, #tpu.memory_space<vmem>> -> memref<1x128x32xf32, #tpu.memory_space<vmem>>
      %dma_start3A_1246 = tpu.memref_squeeze %dma_start3A_1245 : memref<1x128x32xf32, #tpu.memory_space<vmem>> -> memref<128x32xf32, #tpu.memory_space<vmem>>
      %dma_start3A_1247 = arith.constant 0 : i32
      %dma_start3A_1248 = tpu.memref_slice %arg8[%add3A_1230, %dma_start3A_1247] : memref<80x128xi32, #tpu.memory_space<vmem>> -> memref<1x128xi32, #tpu.memory_space<vmem>>
      %dma_start3A_1249 = tpu.memref_squeeze %dma_start3A_1248 : memref<1x128xi32, #tpu.memory_space<vmem>> -> memref<128xi32, #tpu.memory_space<vmem>>
      %dma_start3A_1250 = arith.constant 0 : i32
      %dma_start3A_1251 = arith.constant 0 : i32
      %dma_start3A_1252 = tpu.memref_slice %arg10[%dma_start3A_1250, %dma_start3A_1251] : memref<10240x32xf32, #tpu.memory_space<vmem_shared>> -> memref<10240x32xf32, #tpu.memory_space<vmem_shared>>
      tpu.enqueue_indirect_dma source(%dma_start3A_1246 : memref<128x32xf32, #tpu.memory_space<vmem>>) target(%dma_start3A_1252 : memref<10240x32xf32, #tpu.memory_space<vmem_shared>>) offsets(%dma_start3A_1249 : memref<128xi32, #tpu.memory_space<vmem>>) semaphore(%arg26 : memref<!tpu.dma_semaphore, #tpu.memory_space<semaphore_mem>>) {add = true}
      %dma_wait3A_1253 = arith.constant 5 : i32
      %dma_wait3A_1254 = arith.constant 0 : i32
      %dma_wait3A_1255 = arith.constant 0 : i32
      %dma_wait3A_1256 = arith.constant 0 : i32
      %dma_wait3A_1257 = tpu.memref_slice %arg9[%dma_wait3A_1253, %dma_wait3A_1255, %dma_wait3A_1256] : memref<8x128x32xf32, #tpu.memory_space<vmem>> -> memref<1x128x32xf32, #tpu.memory_space<vmem>>
      %dma_wait3A_1258 = tpu.memref_squeeze %dma_wait3A_1257 : memref<1x128x32xf32, #tpu.memory_space<vmem>> -> memref<128x32xf32, #tpu.memory_space<vmem>>
      %dma_wait3A_1259 = arith.constant 0 : i32
      %dma_wait3A_1260 = tpu.memref_slice %arg8[%dma_wait3A_1254, %dma_wait3A_1259] : memref<80x128xi32, #tpu.memory_space<vmem>> -> memref<1x128xi32, #tpu.memory_space<vmem>>
      %dma_wait3A_1261 = tpu.memref_squeeze %dma_wait3A_1260 : memref<1x128xi32, #tpu.memory_space<vmem>> -> memref<128xi32, #tpu.memory_space<vmem>>
      %dma_wait3A_1262 = arith.constant 0 : i32
      %dma_wait3A_1263 = arith.constant 0 : i32
      %dma_wait3A_1264 = tpu.memref_slice %arg10[%dma_wait3A_1262, %dma_wait3A_1263] : memref<10240x32xf32, #tpu.memory_space<vmem_shared>> -> memref<10240x32xf32, #tpu.memory_space<vmem_shared>>
      tpu.wait_indirect_dma semaphore(%arg24 : memref<!tpu.dma_semaphore, #tpu.memory_space<semaphore_mem>>) src(%dma_wait3A_1258 : memref<128x32xf32, #tpu.memory_space<vmem>>) dst(%dma_wait3A_1264 : memref<10240x32xf32, #tpu.memory_space<vmem_shared>>)
      %add3A_1265 = arith.constant 6 : i32
      %add3A_1266 = arith.addi %add3A_1230, %add3A_1265 : i32
      %dma_start3A_1267 = arith.constant 5 : i32
      %dma_start3A_1268 = arith.constant 0 : i32
      %dma_start3A_1269 = arith.constant 0 : i32
      %dma_start3A_1270 = tpu.memref_slice %arg9[%dma_start3A_1267, %dma_start3A_1268, %dma_start3A_1269] : memref<8x128x32xf32, #tpu.memory_space<vmem>> -> memref<1x128x32xf32, #tpu.memory_space<vmem>>
      %dma_start3A_1271 = tpu.memref_squeeze %dma_start3A_1270 : memref<1x128x32xf32, #tpu.memory_space<vmem>> -> memref<128x32xf32, #tpu.memory_space<vmem>>
      %dma_start3A_1272 = arith.constant 0 : i32
      %dma_start3A_1273 = tpu.memref_slice %arg7[%add3A_1266, %dma_start3A_1272] : memref<80x128xi32, #tpu.memory_space<vmem>> -> memref<1x128xi32, #tpu.memory_space<vmem>>
      %dma_start3A_1274 = tpu.memref_squeeze %dma_start3A_1273 : memref<1x128xi32, #tpu.memory_space<vmem>> -> memref<128xi32, #tpu.memory_space<vmem>>
      %dma_start3A_1275 = arith.constant 0 : i32
      %dma_start3A_1276 = arith.constant 0 : i32
      %dma_start3A_1277 = tpu.memref_slice %arg2[%dma_start3A_1275, %dma_start3A_1276] : memref<10240x32xf32, #tpu.memory_space<hbm>> -> memref<10240x32xf32, #tpu.memory_space<hbm>>
      tpu.enqueue_indirect_dma source(%dma_start3A_1277 : memref<10240x32xf32, #tpu.memory_space<hbm>>) target(%dma_start3A_1271 : memref<128x32xf32, #tpu.memory_space<vmem>>) offsets(%dma_start3A_1274 : memref<128xi32, #tpu.memory_space<vmem>>) semaphore(%arg16 : memref<!tpu.dma_semaphore, #tpu.memory_space<semaphore_mem>>)
    }
    %scan3A_527 = arith.constant 8 : i32
    %dma_wait3A_528 = arith.constant 72 : i32
    %dma_wait3A_529 = arith.constant 0 : i32
    %dma_wait3A_530 = arith.constant 0 : i32
    %dma_wait3A_531 = arith.constant 0 : i32
    %dma_wait3A_532 = tpu.memref_slice %arg9[%dma_wait3A_529, %dma_wait3A_530, %dma_wait3A_531] : memref<8x128x32xf32, #tpu.memory_space<vmem>> -> memref<1x128x32xf32, #tpu.memory_space<vmem>>
    %dma_wait3A_533 = tpu.memref_squeeze %dma_wait3A_532 : memref<1x128x32xf32, #tpu.memory_space<vmem>> -> memref<128x32xf32, #tpu.memory_space<vmem>>
    %dma_wait3A_534 = arith.constant 0 : i32
    %dma_wait3A_535 = tpu.memref_slice %arg7[%dma_wait3A_528, %dma_wait3A_534] : memref<80x128xi32, #tpu.memory_space<vmem>> -> memref<1x128xi32, #tpu.memory_space<vmem>>
    %dma_wait3A_536 = tpu.memref_squeeze %dma_wait3A_535 : memref<1x128xi32, #tpu.memory_space<vmem>> -> memref<128xi32, #tpu.memory_space<vmem>>
    %dma_wait3A_537 = arith.constant 0 : i32
    %dma_wait3A_538 = arith.constant 0 : i32
    %dma_wait3A_539 = tpu.memref_slice %arg2[%dma_wait3A_537, %dma_wait3A_538] : memref<10240x32xf32, #tpu.memory_space<hbm>> -> memref<10240x32xf32, #tpu.memory_space<hbm>>
    tpu.wait_indirect_dma semaphore(%arg11 : memref<!tpu.dma_semaphore, #tpu.memory_space<semaphore_mem>>) src(%dma_wait3A_539 : memref<10240x32xf32, #tpu.memory_space<hbm>>) dst(%dma_wait3A_533 : memref<128x32xf32, #tpu.memory_space<vmem>>)
    %dma_start3A_540 = arith.constant 0 : i32
    %dma_start3A_541 = arith.constant 72 : i32
    %dma_start3A_542 = arith.constant 0 : i32
    %dma_start3A_543 = arith.constant 0 : i32
    %dma_start3A_544 = tpu.memref_slice %arg9[%dma_start3A_540, %dma_start3A_542, %dma_start3A_543] : memref<8x128x32xf32, #tpu.memory_space<vmem>> -> memref<1x128x32xf32, #tpu.memory_space<vmem>>
    %dma_start3A_545 = tpu.memref_squeeze %dma_start3A_544 : memref<1x128x32xf32, #tpu.memory_space<vmem>> -> memref<128x32xf32, #tpu.memory_space<vmem>>
    %dma_start3A_546 = arith.constant 0 : i32
    %dma_start3A_547 = tpu.memref_slice %arg8[%dma_start3A_541, %dma_start3A_546] : memref<80x128xi32, #tpu.memory_space<vmem>> -> memref<1x128xi32, #tpu.memory_space<vmem>>
    %dma_start3A_548 = tpu.memref_squeeze %dma_start3A_547 : memref<1x128xi32, #tpu.memory_space<vmem>> -> memref<128xi32, #tpu.memory_space<vmem>>
    %dma_start3A_549 = arith.constant 0 : i32
    %dma_start3A_550 = arith.constant 0 : i32
    %dma_start3A_551 = tpu.memref_slice %arg10[%dma_start3A_549, %dma_start3A_550] : memref<10240x32xf32, #tpu.memory_space<vmem_shared>> -> memref<10240x32xf32, #tpu.memory_space<vmem_shared>>
    tpu.enqueue_indirect_dma source(%dma_start3A_545 : memref<128x32xf32, #tpu.memory_space<vmem>>) target(%dma_start3A_551 : memref<10240x32xf32, #tpu.memory_space<vmem_shared>>) offsets(%dma_start3A_548 : memref<128xi32, #tpu.memory_space<vmem>>) semaphore(%arg19 : memref<!tpu.dma_semaphore, #tpu.memory_space<semaphore_mem>>) {add = true}
    %dma_wait3A_552 = arith.constant 6 : i32
    %dma_wait3A_553 = arith.constant 0 : i32
    %dma_wait3A_554 = arith.constant 0 : i32
    %dma_wait3A_555 = arith.constant 0 : i32
    %dma_wait3A_556 = tpu.memref_slice %arg9[%dma_wait3A_552, %dma_wait3A_554, %dma_wait3A_555] : memref<8x128x32xf32, #tpu.memory_space<vmem>> -> memref<1x128x32xf32, #tpu.memory_space<vmem>>
    %dma_wait3A_557 = tpu.memref_squeeze %dma_wait3A_556 : memref<1x128x32xf32, #tpu.memory_space<vmem>> -> memref<128x32xf32, #tpu.memory_space<vmem>>
    %dma_wait3A_558 = arith.constant 0 : i32
    %dma_wait3A_559 = tpu.memref_slice %arg8[%dma_wait3A_553, %dma_wait3A_558] : memref<80x128xi32, #tpu.memory_space<vmem>> -> memref<1x128xi32, #tpu.memory_space<vmem>>
    %dma_wait3A_560 = tpu.memref_squeeze %dma_wait3A_559 : memref<1x128xi32, #tpu.memory_space<vmem>> -> memref<128xi32, #tpu.memory_space<vmem>>
    %dma_wait3A_561 = arith.constant 0 : i32
    %dma_wait3A_562 = arith.constant 0 : i32
    %dma_wait3A_563 = tpu.memref_slice %arg10[%dma_wait3A_561, %dma_wait3A_562] : memref<10240x32xf32, #tpu.memory_space<vmem_shared>> -> memref<10240x32xf32, #tpu.memory_space<vmem_shared>>
    tpu.wait_indirect_dma semaphore(%arg25 : memref<!tpu.dma_semaphore, #tpu.memory_space<semaphore_mem>>) src(%dma_wait3A_557 : memref<128x32xf32, #tpu.memory_space<vmem>>) dst(%dma_wait3A_563 : memref<10240x32xf32, #tpu.memory_space<vmem_shared>>)
    %dma_start3A_564 = arith.constant 78 : i32
    %dma_start3A_565 = arith.constant 6 : i32
    %dma_start3A_566 = arith.constant 0 : i32
    %dma_start3A_567 = arith.constant 0 : i32
    %dma_start3A_568 = tpu.memref_slice %arg9[%dma_start3A_565, %dma_start3A_566, %dma_start3A_567] : memref<8x128x32xf32, #tpu.memory_space<vmem>> -> memref<1x128x32xf32, #tpu.memory_space<vmem>>
    %dma_start3A_569 = tpu.memref_squeeze %dma_start3A_568 : memref<1x128x32xf32, #tpu.memory_space<vmem>> -> memref<128x32xf32, #tpu.memory_space<vmem>>
    %dma_start3A_570 = arith.constant 0 : i32
    %dma_start3A_571 = tpu.memref_slice %arg7[%dma_start3A_564, %dma_start3A_570] : memref<80x128xi32, #tpu.memory_space<vmem>> -> memref<1x128xi32, #tpu.memory_space<vmem>>
    %dma_start3A_572 = tpu.memref_squeeze %dma_start3A_571 : memref<1x128xi32, #tpu.memory_space<vmem>> -> memref<128xi32, #tpu.memory_space<vmem>>
    %dma_start3A_573 = arith.constant 0 : i32
    %dma_start3A_574 = arith.constant 0 : i32
    %dma_start3A_575 = tpu.memref_slice %arg2[%dma_start3A_573, %dma_start3A_574] : memref<10240x32xf32, #tpu.memory_space<hbm>> -> memref<10240x32xf32, #tpu.memory_space<hbm>>
    tpu.enqueue_indirect_dma source(%dma_start3A_575 : memref<10240x32xf32, #tpu.memory_space<hbm>>) target(%dma_start3A_569 : memref<128x32xf32, #tpu.memory_space<vmem>>) offsets(%dma_start3A_572 : memref<128xi32, #tpu.memory_space<vmem>>) semaphore(%arg17 : memref<!tpu.dma_semaphore, #tpu.memory_space<semaphore_mem>>)
    %dma_wait3A_576 = arith.constant 73 : i32
    %dma_wait3A_577 = arith.constant 1 : i32
    %dma_wait3A_578 = arith.constant 0 : i32
    %dma_wait3A_579 = arith.constant 0 : i32
    %dma_wait3A_580 = tpu.memref_slice %arg9[%dma_wait3A_577, %dma_wait3A_578, %dma_wait3A_579] : memref<8x128x32xf32, #tpu.memory_space<vmem>> -> memref<1x128x32xf32, #tpu.memory_space<vmem>>
    %dma_wait3A_581 = tpu.memref_squeeze %dma_wait3A_580 : memref<1x128x32xf32, #tpu.memory_space<vmem>> -> memref<128x32xf32, #tpu.memory_space<vmem>>
    %dma_wait3A_582 = arith.constant 0 : i32
    %dma_wait3A_583 = tpu.memref_slice %arg7[%dma_wait3A_576, %dma_wait3A_582] : memref<80x128xi32, #tpu.memory_space<vmem>> -> memref<1x128xi32, #tpu.memory_space<vmem>>
    %dma_wait3A_584 = tpu.memref_squeeze %dma_wait3A_583 : memref<1x128xi32, #tpu.memory_space<vmem>> -> memref<128xi32, #tpu.memory_space<vmem>>
    %dma_wait3A_585 = arith.constant 0 : i32
    %dma_wait3A_586 = arith.constant 0 : i32
    %dma_wait3A_587 = tpu.memref_slice %arg2[%dma_wait3A_585, %dma_wait3A_586] : memref<10240x32xf32, #tpu.memory_space<hbm>> -> memref<10240x32xf32, #tpu.memory_space<hbm>>
    tpu.wait_indirect_dma semaphore(%arg12 : memref<!tpu.dma_semaphore, #tpu.memory_space<semaphore_mem>>) src(%dma_wait3A_587 : memref<10240x32xf32, #tpu.memory_space<hbm>>) dst(%dma_wait3A_581 : memref<128x32xf32, #tpu.memory_space<vmem>>)
    %dma_start3A_588 = arith.constant 1 : i32
    %dma_start3A_589 = arith.constant 73 : i32
    %dma_start3A_590 = arith.constant 0 : i32
    %dma_start3A_591 = arith.constant 0 : i32
    %dma_start3A_592 = tpu.memref_slice %arg9[%dma_start3A_588, %dma_start3A_590, %dma_start3A_591] : memref<8x128x32xf32, #tpu.memory_space<vmem>> -> memref<1x128x32xf32, #tpu.memory_space<vmem>>
    %dma_start3A_593 = tpu.memref_squeeze %dma_start3A_592 : memref<1x128x32xf32, #tpu.memory_space<vmem>> -> memref<128x32xf32, #tpu.memory_space<vmem>>
    %dma_start3A_594 = arith.constant 0 : i32
    %dma_start3A_595 = tpu.memref_slice %arg8[%dma_start3A_589, %dma_start3A_594] : memref<80x128xi32, #tpu.memory_space<vmem>> -> memref<1x128xi32, #tpu.memory_space<vmem>>
    %dma_start3A_596 = tpu.memref_squeeze %dma_start3A_595 : memref<1x128xi32, #tpu.memory_space<vmem>> -> memref<128xi32, #tpu.memory_space<vmem>>
    %dma_start3A_597 = arith.constant 0 : i32
    %dma_start3A_598 = arith.constant 0 : i32
    %dma_start3A_599 = tpu.memref_slice %arg10[%dma_start3A_597, %dma_start3A_598] : memref<10240x32xf32, #tpu.memory_space<vmem_shared>> -> memref<10240x32xf32, #tpu.memory_space<vmem_shared>>
    tpu.enqueue_indirect_dma source(%dma_start3A_593 : memref<128x32xf32, #tpu.memory_space<vmem>>) target(%dma_start3A_599 : memref<10240x32xf32, #tpu.memory_space<vmem_shared>>) offsets(%dma_start3A_596 : memref<128xi32, #tpu.memory_space<vmem>>) semaphore(%arg20 : memref<!tpu.dma_semaphore, #tpu.memory_space<semaphore_mem>>) {add = true}
    %dma_wait3A_600 = arith.constant 7 : i32
    %dma_wait3A_601 = arith.constant 0 : i32
    %dma_wait3A_602 = arith.constant 0 : i32
    %dma_wait3A_603 = arith.constant 0 : i32
    %dma_wait3A_604 = tpu.memref_slice %arg9[%dma_wait3A_600, %dma_wait3A_602, %dma_wait3A_603] : memref<8x128x32xf32, #tpu.memory_space<vmem>> -> memref<1x128x32xf32, #tpu.memory_space<vmem>>
    %dma_wait3A_605 = tpu.memref_squeeze %dma_wait3A_604 : memref<1x128x32xf32, #tpu.memory_space<vmem>> -> memref<128x32xf32, #tpu.memory_space<vmem>>
    %dma_wait3A_606 = arith.constant 0 : i32
    %dma_wait3A_607 = tpu.memref_slice %arg8[%dma_wait3A_601, %dma_wait3A_606] : memref<80x128xi32, #tpu.memory_space<vmem>> -> memref<1x128xi32, #tpu.memory_space<vmem>>
    %dma_wait3A_608 = tpu.memref_squeeze %dma_wait3A_607 : memref<1x128xi32, #tpu.memory_space<vmem>> -> memref<128xi32, #tpu.memory_space<vmem>>
    %dma_wait3A_609 = arith.constant 0 : i32
    %dma_wait3A_610 = arith.constant 0 : i32
    %dma_wait3A_611 = tpu.memref_slice %arg10[%dma_wait3A_609, %dma_wait3A_610] : memref<10240x32xf32, #tpu.memory_space<vmem_shared>> -> memref<10240x32xf32, #tpu.memory_space<vmem_shared>>
    tpu.wait_indirect_dma semaphore(%arg26 : memref<!tpu.dma_semaphore, #tpu.memory_space<semaphore_mem>>) src(%dma_wait3A_605 : memref<128x32xf32, #tpu.memory_space<vmem>>) dst(%dma_wait3A_611 : memref<10240x32xf32, #tpu.memory_space<vmem_shared>>)
    %dma_start3A_612 = arith.constant 79 : i32
    %dma_start3A_613 = arith.constant 7 : i32
    %dma_start3A_614 = arith.constant 0 : i32
    %dma_start3A_615 = arith.constant 0 : i32
    %dma_start3A_616 = tpu.memref_slice %arg9[%dma_start3A_613, %dma_start3A_614, %dma_start3A_615] : memref<8x128x32xf32, #tpu.memory_space<vmem>> -> memref<1x128x32xf32, #tpu.memory_space<vmem>>
    %dma_start3A_617 = tpu.memref_squeeze %dma_start3A_616 : memref<1x128x32xf32, #tpu.memory_space<vmem>> -> memref<128x32xf32, #tpu.memory_space<vmem>>
    %dma_start3A_618 = arith.constant 0 : i32
    %dma_start3A_619 = tpu.memref_slice %arg7[%dma_start3A_612, %dma_start3A_618] : memref<80x128xi32, #tpu.memory_space<vmem>> -> memref<1x128xi32, #tpu.memory_space<vmem>>
    %dma_start3A_620 = tpu.memref_squeeze %dma_start3A_619 : memref<1x128xi32, #tpu.memory_space<vmem>> -> memref<128xi32, #tpu.memory_space<vmem>>
    %dma_start3A_621 = arith.constant 0 : i32
    %dma_start3A_622 = arith.constant 0 : i32
    %dma_start3A_623 = tpu.memref_slice %arg2[%dma_start3A_621, %dma_start3A_622] : memref<10240x32xf32, #tpu.memory_space<hbm>> -> memref<10240x32xf32, #tpu.memory_space<hbm>>
    tpu.enqueue_indirect_dma source(%dma_start3A_623 : memref<10240x32xf32, #tpu.memory_space<hbm>>) target(%dma_start3A_617 : memref<128x32xf32, #tpu.memory_space<vmem>>) offsets(%dma_start3A_620 : memref<128xi32, #tpu.memory_space<vmem>>) semaphore(%arg18 : memref<!tpu.dma_semaphore, #tpu.memory_space<semaphore_mem>>)
    %dma_wait3A_624 = arith.constant 74 : i32
    %dma_wait3A_625 = arith.constant 2 : i32
    %dma_wait3A_626 = arith.constant 0 : i32
    %dma_wait3A_627 = arith.constant 0 : i32
    %dma_wait3A_628 = tpu.memref_slice %arg9[%dma_wait3A_625, %dma_wait3A_626, %dma_wait3A_627] : memref<8x128x32xf32, #tpu.memory_space<vmem>> -> memref<1x128x32xf32, #tpu.memory_space<vmem>>
    %dma_wait3A_629 = tpu.memref_squeeze %dma_wait3A_628 : memref<1x128x32xf32, #tpu.memory_space<vmem>> -> memref<128x32xf32, #tpu.memory_space<vmem>>
    %dma_wait3A_630 = arith.constant 0 : i32
    %dma_wait3A_631 = tpu.memref_slice %arg7[%dma_wait3A_624, %dma_wait3A_630] : memref<80x128xi32, #tpu.memory_space<vmem>> -> memref<1x128xi32, #tpu.memory_space<vmem>>
    %dma_wait3A_632 = tpu.memref_squeeze %dma_wait3A_631 : memref<1x128xi32, #tpu.memory_space<vmem>> -> memref<128xi32, #tpu.memory_space<vmem>>
    %dma_wait3A_633 = arith.constant 0 : i32
    %dma_wait3A_634 = arith.constant 0 : i32
    %dma_wait3A_635 = tpu.memref_slice %arg2[%dma_wait3A_633, %dma_wait3A_634] : memref<10240x32xf32, #tpu.memory_space<hbm>> -> memref<10240x32xf32, #tpu.memory_space<hbm>>
    tpu.wait_indirect_dma semaphore(%arg13 : memref<!tpu.dma_semaphore, #tpu.memory_space<semaphore_mem>>) src(%dma_wait3A_635 : memref<10240x32xf32, #tpu.memory_space<hbm>>) dst(%dma_wait3A_629 : memref<128x32xf32, #tpu.memory_space<vmem>>)
    %dma_start3A_636 = arith.constant 2 : i32
    %dma_start3A_637 = arith.constant 74 : i32
    %dma_start3A_638 = arith.constant 0 : i32
    %dma_start3A_639 = arith.constant 0 : i32
    %dma_start3A_640 = tpu.memref_slice %arg9[%dma_start3A_636, %dma_start3A_638, %dma_start3A_639] : memref<8x128x32xf32, #tpu.memory_space<vmem>> -> memref<1x128x32xf32, #tpu.memory_space<vmem>>
    %dma_start3A_641 = tpu.memref_squeeze %dma_start3A_640 : memref<1x128x32xf32, #tpu.memory_space<vmem>> -> memref<128x32xf32, #tpu.memory_space<vmem>>
    %dma_start3A_642 = arith.constant 0 : i32
    %dma_start3A_643 = tpu.memref_slice %arg8[%dma_start3A_637, %dma_start3A_642] : memref<80x128xi32, #tpu.memory_space<vmem>> -> memref<1x128xi32, #tpu.memory_space<vmem>>
    %dma_start3A_644 = tpu.memref_squeeze %dma_start3A_643 : memref<1x128xi32, #tpu.memory_space<vmem>> -> memref<128xi32, #tpu.memory_space<vmem>>
    %dma_start3A_645 = arith.constant 0 : i32
    %dma_start3A_646 = arith.constant 0 : i32
    %dma_start3A_647 = tpu.memref_slice %arg10[%dma_start3A_645, %dma_start3A_646] : memref<10240x32xf32, #tpu.memory_space<vmem_shared>> -> memref<10240x32xf32, #tpu.memory_space<vmem_shared>>
    tpu.enqueue_indirect_dma source(%dma_start3A_641 : memref<128x32xf32, #tpu.memory_space<vmem>>) target(%dma_start3A_647 : memref<10240x32xf32, #tpu.memory_space<vmem_shared>>) offsets(%dma_start3A_644 : memref<128xi32, #tpu.memory_space<vmem>>) semaphore(%arg21 : memref<!tpu.dma_semaphore, #tpu.memory_space<semaphore_mem>>) {add = true}
    %dma_wait3A_648 = arith.constant 75 : i32
    %dma_wait3A_649 = arith.constant 3 : i32
    %dma_wait3A_650 = arith.constant 0 : i32
    %dma_wait3A_651 = arith.constant 0 : i32
    %dma_wait3A_652 = tpu.memref_slice %arg9[%dma_wait3A_649, %dma_wait3A_650, %dma_wait3A_651] : memref<8x128x32xf32, #tpu.memory_space<vmem>> -> memref<1x128x32xf32, #tpu.memory_space<vmem>>
    %dma_wait3A_653 = tpu.memref_squeeze %dma_wait3A_652 : memref<1x128x32xf32, #tpu.memory_space<vmem>> -> memref<128x32xf32, #tpu.memory_space<vmem>>
    %dma_wait3A_654 = arith.constant 0 : i32
    %dma_wait3A_655 = tpu.memref_slice %arg7[%dma_wait3A_648, %dma_wait3A_654] : memref<80x128xi32, #tpu.memory_space<vmem>> -> memref<1x128xi32, #tpu.memory_space<vmem>>
    %dma_wait3A_656 = tpu.memref_squeeze %dma_wait3A_655 : memref<1x128xi32, #tpu.memory_space<vmem>> -> memref<128xi32, #tpu.memory_space<vmem>>
    %dma_wait3A_657 = arith.constant 0 : i32
    %dma_wait3A_658 = arith.constant 0 : i32
    %dma_wait3A_659 = tpu.memref_slice %arg2[%dma_wait3A_657, %dma_wait3A_658] : memref<10240x32xf32, #tpu.memory_space<hbm>> -> memref<10240x32xf32, #tpu.memory_space<hbm>>
    tpu.wait_indirect_dma semaphore(%arg14 : memref<!tpu.dma_semaphore, #tpu.memory_space<semaphore_mem>>) src(%dma_wait3A_659 : memref<10240x32xf32, #tpu.memory_space<hbm>>) dst(%dma_wait3A_653 : memref<128x32xf32, #tpu.memory_space<vmem>>)
    %dma_start3A_660 = arith.constant 3 : i32
    %dma_start3A_661 = arith.constant 75 : i32
    %dma_start3A_662 = arith.constant 0 : i32
    %dma_start3A_663 = arith.constant 0 : i32
    %dma_start3A_664 = tpu.memref_slice %arg9[%dma_start3A_660, %dma_start3A_662, %dma_start3A_663] : memref<8x128x32xf32, #tpu.memory_space<vmem>> -> memref<1x128x32xf32, #tpu.memory_space<vmem>>
    %dma_start3A_665 = tpu.memref_squeeze %dma_start3A_664 : memref<1x128x32xf32, #tpu.memory_space<vmem>> -> memref<128x32xf32, #tpu.memory_space<vmem>>
    %dma_start3A_666 = arith.constant 0 : i32
    %dma_start3A_667 = tpu.memref_slice %arg8[%dma_start3A_661, %dma_start3A_666] : memref<80x128xi32, #tpu.memory_space<vmem>> -> memref<1x128xi32, #tpu.memory_space<vmem>>
    %dma_start3A_668 = tpu.memref_squeeze %dma_start3A_667 : memref<1x128xi32, #tpu.memory_space<vmem>> -> memref<128xi32, #tpu.memory_space<vmem>>
    %dma_start3A_669 = arith.constant 0 : i32
    %dma_start3A_670 = arith.constant 0 : i32
    %dma_start3A_671 = tpu.memref_slice %arg10[%dma_start3A_669, %dma_start3A_670] : memref<10240x32xf32, #tpu.memory_space<vmem_shared>> -> memref<10240x32xf32, #tpu.memory_space<vmem_shared>>
    tpu.enqueue_indirect_dma source(%dma_start3A_665 : memref<128x32xf32, #tpu.memory_space<vmem>>) target(%dma_start3A_671 : memref<10240x32xf32, #tpu.memory_space<vmem_shared>>) offsets(%dma_start3A_668 : memref<128xi32, #tpu.memory_space<vmem>>) semaphore(%arg22 : memref<!tpu.dma_semaphore, #tpu.memory_space<semaphore_mem>>) {add = true}
    %dma_wait3A_672 = arith.constant 76 : i32
    %dma_wait3A_673 = arith.constant 4 : i32
    %dma_wait3A_674 = arith.constant 0 : i32
    %dma_wait3A_675 = arith.constant 0 : i32
    %dma_wait3A_676 = tpu.memref_slice %arg9[%dma_wait3A_673, %dma_wait3A_674, %dma_wait3A_675] : memref<8x128x32xf32, #tpu.memory_space<vmem>> -> memref<1x128x32xf32, #tpu.memory_space<vmem>>
    %dma_wait3A_677 = tpu.memref_squeeze %dma_wait3A_676 : memref<1x128x32xf32, #tpu.memory_space<vmem>> -> memref<128x32xf32, #tpu.memory_space<vmem>>
    %dma_wait3A_678 = arith.constant 0 : i32
    %dma_wait3A_679 = tpu.memref_slice %arg7[%dma_wait3A_672, %dma_wait3A_678] : memref<80x128xi32, #tpu.memory_space<vmem>> -> memref<1x128xi32, #tpu.memory_space<vmem>>
    %dma_wait3A_680 = tpu.memref_squeeze %dma_wait3A_679 : memref<1x128xi32, #tpu.memory_space<vmem>> -> memref<128xi32, #tpu.memory_space<vmem>>
    %dma_wait3A_681 = arith.constant 0 : i32
    %dma_wait3A_682 = arith.constant 0 : i32
    %dma_wait3A_683 = tpu.memref_slice %arg2[%dma_wait3A_681, %dma_wait3A_682] : memref<10240x32xf32, #tpu.memory_space<hbm>> -> memref<10240x32xf32, #tpu.memory_space<hbm>>
    tpu.wait_indirect_dma semaphore(%arg15 : memref<!tpu.dma_semaphore, #tpu.memory_space<semaphore_mem>>) src(%dma_wait3A_683 : memref<10240x32xf32, #tpu.memory_space<hbm>>) dst(%dma_wait3A_677 : memref<128x32xf32, #tpu.memory_space<vmem>>)
    %dma_start3A_684 = arith.constant 4 : i32
    %dma_start3A_685 = arith.constant 76 : i32
    %dma_start3A_686 = arith.constant 0 : i32
    %dma_start3A_687 = arith.constant 0 : i32
    %dma_start3A_688 = tpu.memref_slice %arg9[%dma_start3A_684, %dma_start3A_686, %dma_start3A_687] : memref<8x128x32xf32, #tpu.memory_space<vmem>> -> memref<1x128x32xf32, #tpu.memory_space<vmem>>
    %dma_start3A_689 = tpu.memref_squeeze %dma_start3A_688 : memref<1x128x32xf32, #tpu.memory_space<vmem>> -> memref<128x32xf32, #tpu.memory_space<vmem>>
    %dma_start3A_690 = arith.constant 0 : i32
    %dma_start3A_691 = tpu.memref_slice %arg8[%dma_start3A_685, %dma_start3A_690] : memref<80x128xi32, #tpu.memory_space<vmem>> -> memref<1x128xi32, #tpu.memory_space<vmem>>
    %dma_start3A_692 = tpu.memref_squeeze %dma_start3A_691 : memref<1x128xi32, #tpu.memory_space<vmem>> -> memref<128xi32, #tpu.memory_space<vmem>>
    %dma_start3A_693 = arith.constant 0 : i32
    %dma_start3A_694 = arith.constant 0 : i32
    %dma_start3A_695 = tpu.memref_slice %arg10[%dma_start3A_693, %dma_start3A_694] : memref<10240x32xf32, #tpu.memory_space<vmem_shared>> -> memref<10240x32xf32, #tpu.memory_space<vmem_shared>>
    tpu.enqueue_indirect_dma source(%dma_start3A_689 : memref<128x32xf32, #tpu.memory_space<vmem>>) target(%dma_start3A_695 : memref<10240x32xf32, #tpu.memory_space<vmem_shared>>) offsets(%dma_start3A_692 : memref<128xi32, #tpu.memory_space<vmem>>) semaphore(%arg23 : memref<!tpu.dma_semaphore, #tpu.memory_space<semaphore_mem>>) {add = true}
    %dma_wait3A_696 = arith.constant 77 : i32
    %dma_wait3A_697 = arith.constant 5 : i32
    %dma_wait3A_698 = arith.constant 0 : i32
    %dma_wait3A_699 = arith.constant 0 : i32
    %dma_wait3A_700 = tpu.memref_slice %arg9[%dma_wait3A_697, %dma_wait3A_698, %dma_wait3A_699] : memref<8x128x32xf32, #tpu.memory_space<vmem>> -> memref<1x128x32xf32, #tpu.memory_space<vmem>>
    %dma_wait3A_701 = tpu.memref_squeeze %dma_wait3A_700 : memref<1x128x32xf32, #tpu.memory_space<vmem>> -> memref<128x32xf32, #tpu.memory_space<vmem>>
    %dma_wait3A_702 = arith.constant 0 : i32
    %dma_wait3A_703 = tpu.memref_slice %arg7[%dma_wait3A_696, %dma_wait3A_702] : memref<80x128xi32, #tpu.memory_space<vmem>> -> memref<1x128xi32, #tpu.memory_space<vmem>>
    %dma_wait3A_704 = tpu.memref_squeeze %dma_wait3A_703 : memref<1x128xi32, #tpu.memory_space<vmem>> -> memref<128xi32, #tpu.memory_space<vmem>>
    %dma_wait3A_705 = arith.constant 0 : i32
    %dma_wait3A_706 = arith.constant 0 : i32
    %dma_wait3A_707 = tpu.memref_slice %arg2[%dma_wait3A_705, %dma_wait3A_706] : memref<10240x32xf32, #tpu.memory_space<hbm>> -> memref<10240x32xf32, #tpu.memory_space<hbm>>
    tpu.wait_indirect_dma semaphore(%arg16 : memref<!tpu.dma_semaphore, #tpu.memory_space<semaphore_mem>>) src(%dma_wait3A_707 : memref<10240x32xf32, #tpu.memory_space<hbm>>) dst(%dma_wait3A_701 : memref<128x32xf32, #tpu.memory_space<vmem>>)
    %dma_start3A_708 = arith.constant 5 : i32
    %dma_start3A_709 = arith.constant 77 : i32
    %dma_start3A_710 = arith.constant 0 : i32
    %dma_start3A_711 = arith.constant 0 : i32
    %dma_start3A_712 = tpu.memref_slice %arg9[%dma_start3A_708, %dma_start3A_710, %dma_start3A_711] : memref<8x128x32xf32, #tpu.memory_space<vmem>> -> memref<1x128x32xf32, #tpu.memory_space<vmem>>
    %dma_start3A_713 = tpu.memref_squeeze %dma_start3A_712 : memref<1x128x32xf32, #tpu.memory_space<vmem>> -> memref<128x32xf32, #tpu.memory_space<vmem>>
    %dma_start3A_714 = arith.constant 0 : i32
    %dma_start3A_715 = tpu.memref_slice %arg8[%dma_start3A_709, %dma_start3A_714] : memref<80x128xi32, #tpu.memory_space<vmem>> -> memref<1x128xi32, #tpu.memory_space<vmem>>
    %dma_start3A_716 = tpu.memref_squeeze %dma_start3A_715 : memref<1x128xi32, #tpu.memory_space<vmem>> -> memref<128xi32, #tpu.memory_space<vmem>>
    %dma_start3A_717 = arith.constant 0 : i32
    %dma_start3A_718 = arith.constant 0 : i32
    %dma_start3A_719 = tpu.memref_slice %arg10[%dma_start3A_717, %dma_start3A_718] : memref<10240x32xf32, #tpu.memory_space<vmem_shared>> -> memref<10240x32xf32, #tpu.memory_space<vmem_shared>>
    tpu.enqueue_indirect_dma source(%dma_start3A_713 : memref<128x32xf32, #tpu.memory_space<vmem>>) target(%dma_start3A_719 : memref<10240x32xf32, #tpu.memory_space<vmem_shared>>) offsets(%dma_start3A_716 : memref<128xi32, #tpu.memory_space<vmem>>) semaphore(%arg24 : memref<!tpu.dma_semaphore, #tpu.memory_space<semaphore_mem>>) {add = true}
    %dma_wait3A_720 = arith.constant 78 : i32
    %dma_wait3A_721 = arith.constant 6 : i32
    %dma_wait3A_722 = arith.constant 0 : i32
    %dma_wait3A_723 = arith.constant 0 : i32
    %dma_wait3A_724 = tpu.memref_slice %arg9[%dma_wait3A_721, %dma_wait3A_722, %dma_wait3A_723] : memref<8x128x32xf32, #tpu.memory_space<vmem>> -> memref<1x128x32xf32, #tpu.memory_space<vmem>>
    %dma_wait3A_725 = tpu.memref_squeeze %dma_wait3A_724 : memref<1x128x32xf32, #tpu.memory_space<vmem>> -> memref<128x32xf32, #tpu.memory_space<vmem>>
    %dma_wait3A_726 = arith.constant 0 : i32
    %dma_wait3A_727 = tpu.memref_slice %arg7[%dma_wait3A_720, %dma_wait3A_726] : memref<80x128xi32, #tpu.memory_space<vmem>> -> memref<1x128xi32, #tpu.memory_space<vmem>>
    %dma_wait3A_728 = tpu.memref_squeeze %dma_wait3A_727 : memref<1x128xi32, #tpu.memory_space<vmem>> -> memref<128xi32, #tpu.memory_space<vmem>>
    %dma_wait3A_729 = arith.constant 0 : i32
    %dma_wait3A_730 = arith.constant 0 : i32
    %dma_wait3A_731 = tpu.memref_slice %arg2[%dma_wait3A_729, %dma_wait3A_730] : memref<10240x32xf32, #tpu.memory_space<hbm>> -> memref<10240x32xf32, #tpu.memory_space<hbm>>
    tpu.wait_indirect_dma semaphore(%arg17 : memref<!tpu.dma_semaphore, #tpu.memory_space<semaphore_mem>>) src(%dma_wait3A_731 : memref<10240x32xf32, #tpu.memory_space<hbm>>) dst(%dma_wait3A_725 : memref<128x32xf32, #tpu.memory_space<vmem>>)
    %dma_start3A_732 = arith.constant 6 : i32
    %dma_start3A_733 = arith.constant 78 : i32
    %dma_start3A_734 = arith.constant 0 : i32
    %dma_start3A_735 = arith.constant 0 : i32
    %dma_start3A_736 = tpu.memref_slice %arg9[%dma_start3A_732, %dma_start3A_734, %dma_start3A_735] : memref<8x128x32xf32, #tpu.memory_space<vmem>> -> memref<1x128x32xf32, #tpu.memory_space<vmem>>
    %dma_start3A_737 = tpu.memref_squeeze %dma_start3A_736 : memref<1x128x32xf32, #tpu.memory_space<vmem>> -> memref<128x32xf32, #tpu.memory_space<vmem>>
    %dma_start3A_738 = arith.constant 0 : i32
    %dma_start3A_739 = tpu.memref_slice %arg8[%dma_start3A_733, %dma_start3A_738] : memref<80x128xi32, #tpu.memory_space<vmem>> -> memref<1x128xi32, #tpu.memory_space<vmem>>
    %dma_start3A_740 = tpu.memref_squeeze %dma_start3A_739 : memref<1x128xi32, #tpu.memory_space<vmem>> -> memref<128xi32, #tpu.memory_space<vmem>>
    %dma_start3A_741 = arith.constant 0 : i32
    %dma_start3A_742 = arith.constant 0 : i32
    %dma_start3A_743 = tpu.memref_slice %arg10[%dma_start3A_741, %dma_start3A_742] : memref<10240x32xf32, #tpu.memory_space<vmem_shared>> -> memref<10240x32xf32, #tpu.memory_space<vmem_shared>>
    tpu.enqueue_indirect_dma source(%dma_start3A_737 : memref<128x32xf32, #tpu.memory_space<vmem>>) target(%dma_start3A_743 : memref<10240x32xf32, #tpu.memory_space<vmem_shared>>) offsets(%dma_start3A_740 : memref<128xi32, #tpu.memory_space<vmem>>) semaphore(%arg25 : memref<!tpu.dma_semaphore, #tpu.memory_space<semaphore_mem>>) {add = true}
    %dma_wait3A_744 = arith.constant 79 : i32
    %dma_wait3A_745 = arith.constant 7 : i32
    %dma_wait3A_746 = arith.constant 0 : i32
    %dma_wait3A_747 = arith.constant 0 : i32
    %dma_wait3A_748 = tpu.memref_slice %arg9[%dma_wait3A_745, %dma_wait3A_746, %dma_wait3A_747] : memref<8x128x32xf32, #tpu.memory_space<vmem>> -> memref<1x128x32xf32, #tpu.memory_space<vmem>>
    %dma_wait3A_749 = tpu.memref_squeeze %dma_wait3A_748 : memref<1x128x32xf32, #tpu.memory_space<vmem>> -> memref<128x32xf32, #tpu.memory_space<vmem>>
    %dma_wait3A_750 = arith.constant 0 : i32
    %dma_wait3A_751 = tpu.memref_slice %arg7[%dma_wait3A_744, %dma_wait3A_750] : memref<80x128xi32, #tpu.memory_space<vmem>> -> memref<1x128xi32, #tpu.memory_space<vmem>>
    %dma_wait3A_752 = tpu.memref_squeeze %dma_wait3A_751 : memref<1x128xi32, #tpu.memory_space<vmem>> -> memref<128xi32, #tpu.memory_space<vmem>>
    %dma_wait3A_753 = arith.constant 0 : i32
    %dma_wait3A_754 = arith.constant 0 : i32
    %dma_wait3A_755 = tpu.memref_slice %arg2[%dma_wait3A_753, %dma_wait3A_754] : memref<10240x32xf32, #tpu.memory_space<hbm>> -> memref<10240x32xf32, #tpu.memory_space<hbm>>
    tpu.wait_indirect_dma semaphore(%arg18 : memref<!tpu.dma_semaphore, #tpu.memory_space<semaphore_mem>>) src(%dma_wait3A_755 : memref<10240x32xf32, #tpu.memory_space<hbm>>) dst(%dma_wait3A_749 : memref<128x32xf32, #tpu.memory_space<vmem>>)
    %dma_start3A_756 = arith.constant 7 : i32
    %dma_start3A_757 = arith.constant 79 : i32
    %dma_start3A_758 = arith.constant 0 : i32
    %dma_start3A_759 = arith.constant 0 : i32
    %dma_start3A_760 = tpu.memref_slice %arg9[%dma_start3A_756, %dma_start3A_758, %dma_start3A_759] : memref<8x128x32xf32, #tpu.memory_space<vmem>> -> memref<1x128x32xf32, #tpu.memory_space<vmem>>
    %dma_start3A_761 = tpu.memref_squeeze %dma_start3A_760 : memref<1x128x32xf32, #tpu.memory_space<vmem>> -> memref<128x32xf32, #tpu.memory_space<vmem>>
    %dma_start3A_762 = arith.constant 0 : i32
    %dma_start3A_763 = tpu.memref_slice %arg8[%dma_start3A_757, %dma_start3A_762] : memref<80x128xi32, #tpu.memory_space<vmem>> -> memref<1x128xi32, #tpu.memory_space<vmem>>
    %dma_start3A_764 = tpu.memref_squeeze %dma_start3A_763 : memref<1x128xi32, #tpu.memory_space<vmem>> -> memref<128xi32, #tpu.memory_space<vmem>>
    %dma_start3A_765 = arith.constant 0 : i32
    %dma_start3A_766 = arith.constant 0 : i32
    %dma_start3A_767 = tpu.memref_slice %arg10[%dma_start3A_765, %dma_start3A_766] : memref<10240x32xf32, #tpu.memory_space<vmem_shared>> -> memref<10240x32xf32, #tpu.memory_space<vmem_shared>>
    tpu.enqueue_indirect_dma source(%dma_start3A_761 : memref<128x32xf32, #tpu.memory_space<vmem>>) target(%dma_start3A_767 : memref<10240x32xf32, #tpu.memory_space<vmem_shared>>) offsets(%dma_start3A_764 : memref<128xi32, #tpu.memory_space<vmem>>) semaphore(%arg26 : memref<!tpu.dma_semaphore, #tpu.memory_space<semaphore_mem>>) {add = true}
    %dma_wait3A_768 = arith.constant 0 : i32
    %dma_wait3A_769 = arith.constant 0 : i32
    %dma_wait3A_770 = arith.constant 0 : i32
    %dma_wait3A_771 = arith.constant 0 : i32
    %dma_wait3A_772 = tpu.memref_slice %arg9[%dma_wait3A_768, %dma_wait3A_770, %dma_wait3A_771] : memref<8x128x32xf32, #tpu.memory_space<vmem>> -> memref<1x128x32xf32, #tpu.memory_space<vmem>>
    %dma_wait3A_773 = tpu.memref_squeeze %dma_wait3A_772 : memref<1x128x32xf32, #tpu.memory_space<vmem>> -> memref<128x32xf32, #tpu.memory_space<vmem>>
    %dma_wait3A_774 = arith.constant 0 : i32
    %dma_wait3A_775 = tpu.memref_slice %arg8[%dma_wait3A_769, %dma_wait3A_774] : memref<80x128xi32, #tpu.memory_space<vmem>> -> memref<1x128xi32, #tpu.memory_space<vmem>>
    %dma_wait3A_776 = tpu.memref_squeeze %dma_wait3A_775 : memref<1x128xi32, #tpu.memory_space<vmem>> -> memref<128xi32, #tpu.memory_space<vmem>>
    %dma_wait3A_777 = arith.constant 0 : i32
    %dma_wait3A_778 = arith.constant 0 : i32
    %dma_wait3A_779 = tpu.memref_slice %arg10[%dma_wait3A_777, %dma_wait3A_778] : memref<10240x32xf32, #tpu.memory_space<vmem_shared>> -> memref<10240x32xf32, #tpu.memory_space<vmem_shared>>
    tpu.wait_indirect_dma semaphore(%arg19 : memref<!tpu.dma_semaphore, #tpu.memory_space<semaphore_mem>>) src(%dma_wait3A_773 : memref<128x32xf32, #tpu.memory_space<vmem>>) dst(%dma_wait3A_779 : memref<10240x32xf32, #tpu.memory_space<vmem_shared>>)
    %dma_wait3A_780 = arith.constant 1 : i32
    %dma_wait3A_781 = arith.constant 0 : i32
    %dma_wait3A_782 = arith.constant 0 : i32
    %dma_wait3A_783 = arith.constant 0 : i32
    %dma_wait3A_784 = tpu.memref_slice %arg9[%dma_wait3A_780, %dma_wait3A_782, %dma_wait3A_783] : memref<8x128x32xf32, #tpu.memory_space<vmem>> -> memref<1x128x32xf32, #tpu.memory_space<vmem>>
    %dma_wait3A_785 = tpu.memref_squeeze %dma_wait3A_784 : memref<1x128x32xf32, #tpu.memory_space<vmem>> -> memref<128x32xf32, #tpu.memory_space<vmem>>
    %dma_wait3A_786 = arith.constant 0 : i32
    %dma_wait3A_787 = tpu.memref_slice %arg8[%dma_wait3A_781, %dma_wait3A_786] : memref<80x128xi32, #tpu.memory_space<vmem>> -> memref<1x128xi32, #tpu.memory_space<vmem>>
    %dma_wait3A_788 = tpu.memref_squeeze %dma_wait3A_787 : memref<1x128xi32, #tpu.memory_space<vmem>> -> memref<128xi32, #tpu.memory_space<vmem>>
    %dma_wait3A_789 = arith.constant 0 : i32
    %dma_wait3A_790 = arith.constant 0 : i32
    %dma_wait3A_791 = tpu.memref_slice %arg10[%dma_wait3A_789, %dma_wait3A_790] : memref<10240x32xf32, #tpu.memory_space<vmem_shared>> -> memref<10240x32xf32, #tpu.memory_space<vmem_shared>>
    tpu.wait_indirect_dma semaphore(%arg20 : memref<!tpu.dma_semaphore, #tpu.memory_space<semaphore_mem>>) src(%dma_wait3A_785 : memref<128x32xf32, #tpu.memory_space<vmem>>) dst(%dma_wait3A_791 : memref<10240x32xf32, #tpu.memory_space<vmem_shared>>)
    %dma_wait3A_792 = arith.constant 2 : i32
    %dma_wait3A_793 = arith.constant 0 : i32
    %dma_wait3A_794 = arith.constant 0 : i32
    %dma_wait3A_795 = arith.constant 0 : i32
    %dma_wait3A_796 = tpu.memref_slice %arg9[%dma_wait3A_792, %dma_wait3A_794, %dma_wait3A_795] : memref<8x128x32xf32, #tpu.memory_space<vmem>> -> memref<1x128x32xf32, #tpu.memory_space<vmem>>
    %dma_wait3A_797 = tpu.memref_squeeze %dma_wait3A_796 : memref<1x128x32xf32, #tpu.memory_space<vmem>> -> memref<128x32xf32, #tpu.memory_space<vmem>>
    %dma_wait3A_798 = arith.constant 0 : i32
    %dma_wait3A_799 = tpu.memref_slice %arg8[%dma_wait3A_793, %dma_wait3A_798] : memref<80x128xi32, #tpu.memory_space<vmem>> -> memref<1x128xi32, #tpu.memory_space<vmem>>
    %dma_wait3A_800 = tpu.memref_squeeze %dma_wait3A_799 : memref<1x128xi32, #tpu.memory_space<vmem>> -> memref<128xi32, #tpu.memory_space<vmem>>
    %dma_wait3A_801 = arith.constant 0 : i32
    %dma_wait3A_802 = arith.constant 0 : i32
    %dma_wait3A_803 = tpu.memref_slice %arg10[%dma_wait3A_801, %dma_wait3A_802] : memref<10240x32xf32, #tpu.memory_space<vmem_shared>> -> memref<10240x32xf32, #tpu.memory_space<vmem_shared>>
    tpu.wait_indirect_dma semaphore(%arg21 : memref<!tpu.dma_semaphore, #tpu.memory_space<semaphore_mem>>) src(%dma_wait3A_797 : memref<128x32xf32, #tpu.memory_space<vmem>>) dst(%dma_wait3A_803 : memref<10240x32xf32, #tpu.memory_space<vmem_shared>>)
    %dma_wait3A_804 = arith.constant 3 : i32
    %dma_wait3A_805 = arith.constant 0 : i32
    %dma_wait3A_806 = arith.constant 0 : i32
    %dma_wait3A_807 = arith.constant 0 : i32
    %dma_wait3A_808 = tpu.memref_slice %arg9[%dma_wait3A_804, %dma_wait3A_806, %dma_wait3A_807] : memref<8x128x32xf32, #tpu.memory_space<vmem>> -> memref<1x128x32xf32, #tpu.memory_space<vmem>>
    %dma_wait3A_809 = tpu.memref_squeeze %dma_wait3A_808 : memref<1x128x32xf32, #tpu.memory_space<vmem>> -> memref<128x32xf32, #tpu.memory_space<vmem>>
    %dma_wait3A_810 = arith.constant 0 : i32
    %dma_wait3A_811 = tpu.memref_slice %arg8[%dma_wait3A_805, %dma_wait3A_810] : memref<80x128xi32, #tpu.memory_space<vmem>> -> memref<1x128xi32, #tpu.memory_space<vmem>>
    %dma_wait3A_812 = tpu.memref_squeeze %dma_wait3A_811 : memref<1x128xi32, #tpu.memory_space<vmem>> -> memref<128xi32, #tpu.memory_space<vmem>>
    %dma_wait3A_813 = arith.constant 0 : i32
    %dma_wait3A_814 = arith.constant 0 : i32
    %dma_wait3A_815 = tpu.memref_slice %arg10[%dma_wait3A_813, %dma_wait3A_814] : memref<10240x32xf32, #tpu.memory_space<vmem_shared>> -> memref<10240x32xf32, #tpu.memory_space<vmem_shared>>
    tpu.wait_indirect_dma semaphore(%arg22 : memref<!tpu.dma_semaphore, #tpu.memory_space<semaphore_mem>>) src(%dma_wait3A_809 : memref<128x32xf32, #tpu.memory_space<vmem>>) dst(%dma_wait3A_815 : memref<10240x32xf32, #tpu.memory_space<vmem_shared>>)
    %dma_wait3A_816 = arith.constant 4 : i32
    %dma_wait3A_817 = arith.constant 0 : i32
    %dma_wait3A_818 = arith.constant 0 : i32
    %dma_wait3A_819 = arith.constant 0 : i32
    %dma_wait3A_820 = tpu.memref_slice %arg9[%dma_wait3A_816, %dma_wait3A_818, %dma_wait3A_819] : memref<8x128x32xf32, #tpu.memory_space<vmem>> -> memref<1x128x32xf32, #tpu.memory_space<vmem>>
    %dma_wait3A_821 = tpu.memref_squeeze %dma_wait3A_820 : memref<1x128x32xf32, #tpu.memory_space<vmem>> -> memref<128x32xf32, #tpu.memory_space<vmem>>
    %dma_wait3A_822 = arith.constant 0 : i32
    %dma_wait3A_823 = tpu.memref_slice %arg8[%dma_wait3A_817, %dma_wait3A_822] : memref<80x128xi32, #tpu.memory_space<vmem>> -> memref<1x128xi32, #tpu.memory_space<vmem>>
    %dma_wait3A_824 = tpu.memref_squeeze %dma_wait3A_823 : memref<1x128xi32, #tpu.memory_space<vmem>> -> memref<128xi32, #tpu.memory_space<vmem>>
    %dma_wait3A_825 = arith.constant 0 : i32
    %dma_wait3A_826 = arith.constant 0 : i32
    %dma_wait3A_827 = tpu.memref_slice %arg10[%dma_wait3A_825, %dma_wait3A_826] : memref<10240x32xf32, #tpu.memory_space<vmem_shared>> -> memref<10240x32xf32, #tpu.memory_space<vmem_shared>>
    tpu.wait_indirect_dma semaphore(%arg23 : memref<!tpu.dma_semaphore, #tpu.memory_space<semaphore_mem>>) src(%dma_wait3A_821 : memref<128x32xf32, #tpu.memory_space<vmem>>) dst(%dma_wait3A_827 : memref<10240x32xf32, #tpu.memory_space<vmem_shared>>)
    %dma_wait3A_828 = arith.constant 5 : i32
    %dma_wait3A_829 = arith.constant 0 : i32
    %dma_wait3A_830 = arith.constant 0 : i32
    %dma_wait3A_831 = arith.constant 0 : i32
    %dma_wait3A_832 = tpu.memref_slice %arg9[%dma_wait3A_828, %dma_wait3A_830, %dma_wait3A_831] : memref<8x128x32xf32, #tpu.memory_space<vmem>> -> memref<1x128x32xf32, #tpu.memory_space<vmem>>
    %dma_wait3A_833 = tpu.memref_squeeze %dma_wait3A_832 : memref<1x128x32xf32, #tpu.memory_space<vmem>> -> memref<128x32xf32, #tpu.memory_space<vmem>>
    %dma_wait3A_834 = arith.constant 0 : i32
    %dma_wait3A_835 = tpu.memref_slice %arg8[%dma_wait3A_829, %dma_wait3A_834] : memref<80x128xi32, #tpu.memory_space<vmem>> -> memref<1x128xi32, #tpu.memory_space<vmem>>
    %dma_wait3A_836 = tpu.memref_squeeze %dma_wait3A_835 : memref<1x128xi32, #tpu.memory_space<vmem>> -> memref<128xi32, #tpu.memory_space<vmem>>
    %dma_wait3A_837 = arith.constant 0 : i32
    %dma_wait3A_838 = arith.constant 0 : i32
    %dma_wait3A_839 = tpu.memref_slice %arg10[%dma_wait3A_837, %dma_wait3A_838] : memref<10240x32xf32, #tpu.memory_space<vmem_shared>> -> memref<10240x32xf32, #tpu.memory_space<vmem_shared>>
    tpu.wait_indirect_dma semaphore(%arg24 : memref<!tpu.dma_semaphore, #tpu.memory_space<semaphore_mem>>) src(%dma_wait3A_833 : memref<128x32xf32, #tpu.memory_space<vmem>>) dst(%dma_wait3A_839 : memref<10240x32xf32, #tpu.memory_space<vmem_shared>>)
    %dma_wait3A_840 = arith.constant 6 : i32
    %dma_wait3A_841 = arith.constant 0 : i32
    %dma_wait3A_842 = arith.constant 0 : i32
    %dma_wait3A_843 = arith.constant 0 : i32
    %dma_wait3A_844 = tpu.memref_slice %arg9[%dma_wait3A_840, %dma_wait3A_842, %dma_wait3A_843] : memref<8x128x32xf32, #tpu.memory_space<vmem>> -> memref<1x128x32xf32, #tpu.memory_space<vmem>>
    %dma_wait3A_845 = tpu.memref_squeeze %dma_wait3A_844 : memref<1x128x32xf32, #tpu.memory_space<vmem>> -> memref<128x32xf32, #tpu.memory_space<vmem>>
    %dma_wait3A_846 = arith.constant 0 : i32
    %dma_wait3A_847 = tpu.memref_slice %arg8[%dma_wait3A_841, %dma_wait3A_846] : memref<80x128xi32, #tpu.memory_space<vmem>> -> memref<1x128xi32, #tpu.memory_space<vmem>>
    %dma_wait3A_848 = tpu.memref_squeeze %dma_wait3A_847 : memref<1x128xi32, #tpu.memory_space<vmem>> -> memref<128xi32, #tpu.memory_space<vmem>>
    %dma_wait3A_849 = arith.constant 0 : i32
    %dma_wait3A_850 = arith.constant 0 : i32
    %dma_wait3A_851 = tpu.memref_slice %arg10[%dma_wait3A_849, %dma_wait3A_850] : memref<10240x32xf32, #tpu.memory_space<vmem_shared>> -> memref<10240x32xf32, #tpu.memory_space<vmem_shared>>
    tpu.wait_indirect_dma semaphore(%arg25 : memref<!tpu.dma_semaphore, #tpu.memory_space<semaphore_mem>>) src(%dma_wait3A_845 : memref<128x32xf32, #tpu.memory_space<vmem>>) dst(%dma_wait3A_851 : memref<10240x32xf32, #tpu.memory_space<vmem_shared>>)
    %dma_wait3A_852 = arith.constant 7 : i32
    %dma_wait3A_853 = arith.constant 0 : i32
    %dma_wait3A_854 = arith.constant 0 : i32
    %dma_wait3A_855 = arith.constant 0 : i32
    %dma_wait3A_856 = tpu.memref_slice %arg9[%dma_wait3A_852, %dma_wait3A_854, %dma_wait3A_855] : memref<8x128x32xf32, #tpu.memory_space<vmem>> -> memref<1x128x32xf32, #tpu.memory_space<vmem>>
    %dma_wait3A_857 = tpu.memref_squeeze %dma_wait3A_856 : memref<1x128x32xf32, #tpu.memory_space<vmem>> -> memref<128x32xf32, #tpu.memory_space<vmem>>
    %dma_wait3A_858 = arith.constant 0 : i32
    %dma_wait3A_859 = tpu.memref_slice %arg8[%dma_wait3A_853, %dma_wait3A_858] : memref<80x128xi32, #tpu.memory_space<vmem>> -> memref<1x128xi32, #tpu.memory_space<vmem>>
    %dma_wait3A_860 = tpu.memref_squeeze %dma_wait3A_859 : memref<1x128xi32, #tpu.memory_space<vmem>> -> memref<128xi32, #tpu.memory_space<vmem>>
    %dma_wait3A_861 = arith.constant 0 : i32
    %dma_wait3A_862 = arith.constant 0 : i32
    %dma_wait3A_863 = tpu.memref_slice %arg10[%dma_wait3A_861, %dma_wait3A_862] : memref<10240x32xf32, #tpu.memory_space<vmem_shared>> -> memref<10240x32xf32, #tpu.memory_space<vmem_shared>>
    tpu.wait_indirect_dma semaphore(%arg26 : memref<!tpu.dma_semaphore, #tpu.memory_space<semaphore_mem>>) src(%dma_wait3A_857 : memref<128x32xf32, #tpu.memory_space<vmem>>) dst(%dma_wait3A_863 : memref<10240x32xf32, #tpu.memory_space<vmem_shared>>)
    %barrier3A_864 = arith.constant 0 : index
    tpu.barrier barrier_id(%barrier3A_864)
    %mul3A_865 = arith.constant 640 : i32
    %mul3A_866 = arith.muli %arg1, %mul3A_865 : i32
    %mul3A_867 = arith.constant 640 : i32
    %mul3A_868 = arith.muli %arg1, %mul3A_867 : i32
    "tpu.region"() ({
      %run_scoped3A = tpu.sem_alloc : memref<!tpu.dma_semaphore, #tpu.memory_space<semaphore_mem>>
      %dma_start3A_869 = arith.constant 0 : i32
      %dma_start3A_870 = tpu.memref_slice %arg6[%arg0, %mul3A_868, %dma_start3A_869] : memref<2x10240x32xf32, #tpu.memory_space<hbm>> -> memref<1x640x32xf32, #tpu.memory_space<hbm>>
      %dma_start3A_871 = tpu.memref_squeeze %dma_start3A_870 : memref<1x640x32xf32, #tpu.memory_space<hbm>> -> memref<640x32xf32, #tpu.memory_space<hbm>>
      %dma_start3A_872 = arith.constant 0 : i32
      %dma_start3A_873 = tpu.memref_slice %arg10[%mul3A_866, %dma_start3A_872] : memref<10240x32xf32, #tpu.memory_space<vmem_shared>> -> memref<640x32xf32, #tpu.memory_space<vmem_shared>>
      tpu.enqueue_dma source(%dma_start3A_873 : memref<640x32xf32, #tpu.memory_space<vmem_shared>>) target(%dma_start3A_871 : memref<640x32xf32, #tpu.memory_space<hbm>>) target_semaphore(%run_scoped3A : memref<!tpu.dma_semaphore, #tpu.memory_space<semaphore_mem>>)
      %dma_wait3A_874 = arith.constant 0 : i32
      %dma_wait3A_875 = tpu.memref_slice %arg6[%arg0, %mul3A_868, %dma_wait3A_874] : memref<2x10240x32xf32, #tpu.memory_space<hbm>> -> memref<1x640x32xf32, #tpu.memory_space<hbm>>
      %dma_wait3A_876 = tpu.memref_squeeze %dma_wait3A_875 : memref<1x640x32xf32, #tpu.memory_space<hbm>> -> memref<640x32xf32, #tpu.memory_space<hbm>>
      %dma_wait3A_877 = arith.constant 0 : i32
      %dma_wait3A_878 = tpu.memref_slice %arg10[%mul3A_866, %dma_wait3A_877] : memref<10240x32xf32, #tpu.memory_space<vmem_shared>> -> memref<640x32xf32, #tpu.memory_space<vmem_shared>>
      tpu.wait_dma2 semaphore(%run_scoped3A : memref<!tpu.dma_semaphore, #tpu.memory_space<semaphore_mem>>) src(%dma_wait3A_878 : memref<640x32xf32, #tpu.memory_space<vmem_shared>>) dst(%dma_wait3A_876 : memref<640x32xf32, #tpu.memory_space<hbm>>)
      tpu.yield
    }) : () -> ()
    return
  }
}

#map = affine_map<(d0, d1) -> (0, 0, 0)>
#map1 = affine_map<(d0, d1) -> (0)>
#map2 = affine_map<(d0, d1) -> (0, 0)>
module attributes {stable_mosaic.version = 14 : i64} {
  func.func @_hist_body(%arg0: i32, %arg1: i32, %arg2: memref<2x2500x128xi32, #tpu.memory_space<hbm>>, %arg3: memref<2x60x128xi32, #tpu.memory_space<hbm>>, %arg4: memref<128xf32, #tpu.memory_space<hbm>>, %arg5: memref<10240xf32, #tpu.memory_space<hbm>>, %arg6: memref<2x10240xf32, #tpu.memory_space<hbm>>, %arg7: memref<80x128xi32, #tpu.memory_space<vmem>>, %arg8: memref<128xf32, #tpu.memory_space<vmem>>, %arg9: memref<10240xf32, #tpu.memory_space<vmem_shared>>, %arg10: memref<!tpu.dma_semaphore, #tpu.memory_space<semaphore_mem>>) attributes {dimension_semantics = [#tpu.dimension_semantics<core_parallel>, #tpu.dimension_semantics<subcore_parallel>], iteration_bounds = array<i64: 2, 16>, scalar_prefetch = 0 : i64, scratch_operands = 4 : i64, tpu.core_type = #tpu.core_type<sc_vector_subcore>, window_params = [{transform_indices = #map}, {transform_indices = #map}, {transform_indices = #map1}, {transform_indices = #map1}, {transform_indices = #map2}]} {
    %mul3A = arith.constant 16 : i32
    %mul3A_0 = arith.muli %arg0, %mul3A : i32
    %add3A = arith.addi %mul3A_0, %arg1 : i32
    %mul3A_1 = arith.constant 640 : i32
    %mul3A_2 = arith.muli %arg1, %mul3A_1 : i32
    %mul3A_3 = arith.constant 640 : i32
    %mul3A_4 = arith.muli %arg1, %mul3A_3 : i32
    %dma_start3A = tpu.memref_slice %arg9[%mul3A_4] : memref<10240xf32, #tpu.memory_space<vmem_shared>> -> memref<640xf32, #tpu.memory_space<vmem_shared>>
    %dma_start3A_5 = tpu.memref_slice %arg5[%mul3A_2] : memref<10240xf32, #tpu.memory_space<hbm>> -> memref<640xf32, #tpu.memory_space<hbm>>
    tpu.enqueue_dma source(%dma_start3A_5 : memref<640xf32, #tpu.memory_space<hbm>>) target(%dma_start3A : memref<640xf32, #tpu.memory_space<vmem_shared>>) target_semaphore(%arg10 : memref<!tpu.dma_semaphore, #tpu.memory_space<semaphore_mem>>)
    tpu.enqueue_dma source(%arg4 : memref<128xf32, #tpu.memory_space<hbm>>) target(%arg8 : memref<128xf32, #tpu.memory_space<vmem>>) target_semaphore(%arg10 : memref<!tpu.dma_semaphore, #tpu.memory_space<semaphore_mem>>)
    %lt3A = arith.constant 31 : i32
    %lt3A_6 = arith.cmpi slt, %add3A, %lt3A : i32
    %convert_element_type3A = arith.extui %lt3A_6 : i1 to i32
    %cond3A = arith.constant 0 : i32
    %cond3A_7 = arith.cmpi ne, %convert_element_type3A, %cond3A : i32
    scf.if %cond3A_7 {
      %mul3A_153 = arith.constant 80 : i32
      %mul3A_154 = arith.muli %add3A, %mul3A_153 : i32
      %dma_start3A_155 = arith.constant 1 : i32
      %dma_start3A_156 = arith.constant 0 : i32
      %dma_start3A_157 = arith.constant 0 : i32
      %dma_start3A_158 = tpu.memref_slice %arg7[%dma_start3A_156, %dma_start3A_157] : memref<80x128xi32, #tpu.memory_space<vmem>> -> memref<20x128xi32, #tpu.memory_space<vmem>>
      %dma_start3A_159 = arith.constant 0 : i32
      %dma_start3A_160 = tpu.memref_slice %arg2[%dma_start3A_155, %mul3A_154, %dma_start3A_159] : memref<2x2500x128xi32, #tpu.memory_space<hbm>> -> memref<1x20x128xi32, #tpu.memory_space<hbm>>
      %dma_start3A_161 = tpu.memref_squeeze %dma_start3A_160 : memref<1x20x128xi32, #tpu.memory_space<hbm>> -> memref<20x128xi32, #tpu.memory_space<hbm>>
      %dma_start3A_162 = arith.constant 0 : i32
      %dma_start3A_163 = arith.constant 0 : i32
      %dma_start3A_164 = tpu.memref_slice %arg7[%dma_start3A_162, %dma_start3A_163] : memref<80x128xi32, #tpu.memory_space<vmem>> -> memref<20x128xi32, #tpu.memory_space<vmem>>
      %dma_start3A_165 = arith.constant 0 : i32
      %dma_start3A_166 = tpu.memref_slice %arg2[%dma_start3A_155, %mul3A_154, %dma_start3A_165] : memref<2x2500x128xi32, #tpu.memory_space<hbm>> -> memref<1x20x128xi32, #tpu.memory_space<hbm>>
      %dma_start3A_167 = tpu.memref_squeeze %dma_start3A_166 : memref<1x20x128xi32, #tpu.memory_space<hbm>> -> memref<20x128xi32, #tpu.memory_space<hbm>>
      tpu.enqueue_dma source(%dma_start3A_167 : memref<20x128xi32, #tpu.memory_space<hbm>>) target(%dma_start3A_164 : memref<20x128xi32, #tpu.memory_space<vmem>>) target_semaphore(%arg10 : memref<!tpu.dma_semaphore, #tpu.memory_space<semaphore_mem>>)
      %mul3A_168 = arith.constant 80 : i32
      %mul3A_169 = arith.muli %add3A, %mul3A_168 : i32
      %add3A_170 = arith.constant 20 : i32
      %add3A_171 = arith.addi %mul3A_169, %add3A_170 : i32
      %dma_start3A_172 = arith.constant 1 : i32
      %dma_start3A_173 = arith.constant 20 : i32
      %dma_start3A_174 = arith.constant 0 : i32
      %dma_start3A_175 = tpu.memref_slice %arg7[%dma_start3A_173, %dma_start3A_174] : memref<80x128xi32, #tpu.memory_space<vmem>> -> memref<60x128xi32, #tpu.memory_space<vmem>>
      %dma_start3A_176 = arith.constant 0 : i32
      %dma_start3A_177 = tpu.memref_slice %arg2[%dma_start3A_172, %add3A_171, %dma_start3A_176] : memref<2x2500x128xi32, #tpu.memory_space<hbm>> -> memref<1x60x128xi32, #tpu.memory_space<hbm>>
      %dma_start3A_178 = tpu.memref_squeeze %dma_start3A_177 : memref<1x60x128xi32, #tpu.memory_space<hbm>> -> memref<60x128xi32, #tpu.memory_space<hbm>>
      %dma_start3A_179 = arith.constant 20 : i32
      %dma_start3A_180 = arith.constant 0 : i32
      %dma_start3A_181 = tpu.memref_slice %arg7[%dma_start3A_179, %dma_start3A_180] : memref<80x128xi32, #tpu.memory_space<vmem>> -> memref<60x128xi32, #tpu.memory_space<vmem>>
      %dma_start3A_182 = arith.constant 0 : i32
      %dma_start3A_183 = tpu.memref_slice %arg2[%dma_start3A_172, %add3A_171, %dma_start3A_182] : memref<2x2500x128xi32, #tpu.memory_space<hbm>> -> memref<1x60x128xi32, #tpu.memory_space<hbm>>
      %dma_start3A_184 = tpu.memref_squeeze %dma_start3A_183 : memref<1x60x128xi32, #tpu.memory_space<hbm>> -> memref<60x128xi32, #tpu.memory_space<hbm>>
      tpu.enqueue_dma source(%dma_start3A_184 : memref<60x128xi32, #tpu.memory_space<hbm>>) target(%dma_start3A_181 : memref<60x128xi32, #tpu.memory_space<vmem>>) target_semaphore(%arg10 : memref<!tpu.dma_semaphore, #tpu.memory_space<semaphore_mem>>)
    } else {
    }
    %eq3A = arith.constant 31 : i32
    %eq3A_8 = arith.cmpi eq, %add3A, %eq3A : i32
    %convert_element_type3A_9 = arith.extui %eq3A_8 : i1 to i32
    %cond3A_10 = arith.constant 0 : i32
    %cond3A_11 = arith.cmpi ne, %convert_element_type3A_9, %cond3A_10 : i32
    scf.if %cond3A_11 {
      %mul3A_153 = arith.constant 80 : i32
      %mul3A_154 = arith.muli %add3A, %mul3A_153 : i32
      %dma_start3A_155 = arith.constant 1 : i32
      %dma_start3A_156 = arith.constant 0 : i32
      %dma_start3A_157 = arith.constant 0 : i32
      %dma_start3A_158 = tpu.memref_slice %arg7[%dma_start3A_156, %dma_start3A_157] : memref<80x128xi32, #tpu.memory_space<vmem>> -> memref<20x128xi32, #tpu.memory_space<vmem>>
      %dma_start3A_159 = arith.constant 0 : i32
      %dma_start3A_160 = tpu.memref_slice %arg2[%dma_start3A_155, %mul3A_154, %dma_start3A_159] : memref<2x2500x128xi32, #tpu.memory_space<hbm>> -> memref<1x20x128xi32, #tpu.memory_space<hbm>>
      %dma_start3A_161 = tpu.memref_squeeze %dma_start3A_160 : memref<1x20x128xi32, #tpu.memory_space<hbm>> -> memref<20x128xi32, #tpu.memory_space<hbm>>
      %dma_start3A_162 = arith.constant 0 : i32
      %dma_start3A_163 = arith.constant 0 : i32
      %dma_start3A_164 = tpu.memref_slice %arg7[%dma_start3A_162, %dma_start3A_163] : memref<80x128xi32, #tpu.memory_space<vmem>> -> memref<20x128xi32, #tpu.memory_space<vmem>>
      %dma_start3A_165 = arith.constant 0 : i32
      %dma_start3A_166 = tpu.memref_slice %arg2[%dma_start3A_155, %mul3A_154, %dma_start3A_165] : memref<2x2500x128xi32, #tpu.memory_space<hbm>> -> memref<1x20x128xi32, #tpu.memory_space<hbm>>
      %dma_start3A_167 = tpu.memref_squeeze %dma_start3A_166 : memref<1x20x128xi32, #tpu.memory_space<hbm>> -> memref<20x128xi32, #tpu.memory_space<hbm>>
      tpu.enqueue_dma source(%dma_start3A_167 : memref<20x128xi32, #tpu.memory_space<hbm>>) target(%dma_start3A_164 : memref<20x128xi32, #tpu.memory_space<vmem>>) target_semaphore(%arg10 : memref<!tpu.dma_semaphore, #tpu.memory_space<semaphore_mem>>)
      %dma_start3A_168 = arith.constant 1 : i32
      %dma_start3A_169 = arith.constant 20 : i32
      %dma_start3A_170 = arith.constant 0 : i32
      %dma_start3A_171 = tpu.memref_slice %arg7[%dma_start3A_169, %dma_start3A_170] : memref<80x128xi32, #tpu.memory_space<vmem>> -> memref<60x128xi32, #tpu.memory_space<vmem>>
      %dma_start3A_172 = arith.constant 0 : i32
      %dma_start3A_173 = arith.constant 0 : i32
      %dma_start3A_174 = tpu.memref_slice %arg3[%dma_start3A_168, %dma_start3A_172, %dma_start3A_173] : memref<2x60x128xi32, #tpu.memory_space<hbm>> -> memref<1x60x128xi32, #tpu.memory_space<hbm>>
      %dma_start3A_175 = tpu.memref_squeeze %dma_start3A_174 : memref<1x60x128xi32, #tpu.memory_space<hbm>> -> memref<60x128xi32, #tpu.memory_space<hbm>>
      %dma_start3A_176 = arith.constant 20 : i32
      %dma_start3A_177 = arith.constant 0 : i32
      %dma_start3A_178 = tpu.memref_slice %arg7[%dma_start3A_176, %dma_start3A_177] : memref<80x128xi32, #tpu.memory_space<vmem>> -> memref<60x128xi32, #tpu.memory_space<vmem>>
      %dma_start3A_179 = arith.constant 0 : i32
      %dma_start3A_180 = arith.constant 0 : i32
      %dma_start3A_181 = tpu.memref_slice %arg3[%dma_start3A_168, %dma_start3A_179, %dma_start3A_180] : memref<2x60x128xi32, #tpu.memory_space<hbm>> -> memref<1x60x128xi32, #tpu.memory_space<hbm>>
      %dma_start3A_182 = tpu.memref_squeeze %dma_start3A_181 : memref<1x60x128xi32, #tpu.memory_space<hbm>> -> memref<60x128xi32, #tpu.memory_space<hbm>>
      tpu.enqueue_dma source(%dma_start3A_182 : memref<60x128xi32, #tpu.memory_space<hbm>>) target(%dma_start3A_178 : memref<60x128xi32, #tpu.memory_space<vmem>>) target_semaphore(%arg10 : memref<!tpu.dma_semaphore, #tpu.memory_space<semaphore_mem>>)
    } else {
    }
    %mul3A_12 = arith.constant 640 : i32
    %mul3A_13 = arith.muli %arg1, %mul3A_12 : i32
    %mul3A_14 = arith.constant 640 : i32
    %mul3A_15 = arith.muli %arg1, %mul3A_14 : i32
    %dma_wait3A = tpu.memref_slice %arg9[%mul3A_15] : memref<10240xf32, #tpu.memory_space<vmem_shared>> -> memref<640xf32, #tpu.memory_space<vmem_shared>>
    %dma_wait3A_16 = tpu.memref_slice %arg5[%mul3A_13] : memref<10240xf32, #tpu.memory_space<hbm>> -> memref<640xf32, #tpu.memory_space<hbm>>
    tpu.wait_dma2 semaphore(%arg10 : memref<!tpu.dma_semaphore, #tpu.memory_space<semaphore_mem>>) src(%dma_wait3A_16 : memref<640xf32, #tpu.memory_space<hbm>>) dst(%dma_wait3A : memref<640xf32, #tpu.memory_space<vmem_shared>>)
    tpu.wait_dma2 semaphore(%arg10 : memref<!tpu.dma_semaphore, #tpu.memory_space<semaphore_mem>>) src(%arg4 : memref<128xf32, #tpu.memory_space<hbm>>) dst(%arg8 : memref<128xf32, #tpu.memory_space<vmem>>)
    %dma_wait3A_17 = arith.constant 1 : i32
    %dma_wait3A_18 = arith.constant 0 : i32
    %dma_wait3A_19 = arith.constant 0 : i32
    %dma_wait3A_20 = tpu.memref_slice %arg7[%dma_wait3A_18, %dma_wait3A_19] : memref<80x128xi32, #tpu.memory_space<vmem>> -> memref<20x128xi32, #tpu.memory_space<vmem>>
    %dma_wait3A_21 = arith.constant 0 : i32
    %dma_wait3A_22 = arith.constant 0 : i32
    %dma_wait3A_23 = tpu.memref_slice %arg2[%dma_wait3A_17, %dma_wait3A_21, %dma_wait3A_22] : memref<2x2500x128xi32, #tpu.memory_space<hbm>> -> memref<1x20x128xi32, #tpu.memory_space<hbm>>
    %dma_wait3A_24 = tpu.memref_squeeze %dma_wait3A_23 : memref<1x20x128xi32, #tpu.memory_space<hbm>> -> memref<20x128xi32, #tpu.memory_space<hbm>>
    %dma_wait3A_25 = arith.constant 0 : i32
    %dma_wait3A_26 = arith.constant 0 : i32
    %dma_wait3A_27 = tpu.memref_slice %arg7[%dma_wait3A_25, %dma_wait3A_26] : memref<80x128xi32, #tpu.memory_space<vmem>> -> memref<20x128xi32, #tpu.memory_space<vmem>>
    %dma_wait3A_28 = arith.constant 0 : i32
    %dma_wait3A_29 = arith.constant 0 : i32
    %dma_wait3A_30 = tpu.memref_slice %arg2[%dma_wait3A_17, %dma_wait3A_28, %dma_wait3A_29] : memref<2x2500x128xi32, #tpu.memory_space<hbm>> -> memref<1x20x128xi32, #tpu.memory_space<hbm>>
    %dma_wait3A_31 = tpu.memref_squeeze %dma_wait3A_30 : memref<1x20x128xi32, #tpu.memory_space<hbm>> -> memref<20x128xi32, #tpu.memory_space<hbm>>
    tpu.wait_dma2 semaphore(%arg10 : memref<!tpu.dma_semaphore, #tpu.memory_space<semaphore_mem>>) src(%dma_wait3A_31 : memref<20x128xi32, #tpu.memory_space<hbm>>) dst(%dma_wait3A_27 : memref<20x128xi32, #tpu.memory_space<vmem>>)
    %dma_wait3A_32 = arith.constant 1 : i32
    %dma_wait3A_33 = arith.constant 20 : i32
    %dma_wait3A_34 = arith.constant 0 : i32
    %dma_wait3A_35 = tpu.memref_slice %arg7[%dma_wait3A_33, %dma_wait3A_34] : memref<80x128xi32, #tpu.memory_space<vmem>> -> memref<60x128xi32, #tpu.memory_space<vmem>>
    %dma_wait3A_36 = arith.constant 0 : i32
    %dma_wait3A_37 = arith.constant 0 : i32
    %dma_wait3A_38 = tpu.memref_slice %arg3[%dma_wait3A_32, %dma_wait3A_36, %dma_wait3A_37] : memref<2x60x128xi32, #tpu.memory_space<hbm>> -> memref<1x60x128xi32, #tpu.memory_space<hbm>>
    %dma_wait3A_39 = tpu.memref_squeeze %dma_wait3A_38 : memref<1x60x128xi32, #tpu.memory_space<hbm>> -> memref<60x128xi32, #tpu.memory_space<hbm>>
    %dma_wait3A_40 = arith.constant 20 : i32
    %dma_wait3A_41 = arith.constant 0 : i32
    %dma_wait3A_42 = tpu.memref_slice %arg7[%dma_wait3A_40, %dma_wait3A_41] : memref<80x128xi32, #tpu.memory_space<vmem>> -> memref<60x128xi32, #tpu.memory_space<vmem>>
    %dma_wait3A_43 = arith.constant 0 : i32
    %dma_wait3A_44 = arith.constant 0 : i32
    %dma_wait3A_45 = tpu.memref_slice %arg3[%dma_wait3A_32, %dma_wait3A_43, %dma_wait3A_44] : memref<2x60x128xi32, #tpu.memory_space<hbm>> -> memref<1x60x128xi32, #tpu.memory_space<hbm>>
    %dma_wait3A_46 = tpu.memref_squeeze %dma_wait3A_45 : memref<1x60x128xi32, #tpu.memory_space<hbm>> -> memref<60x128xi32, #tpu.memory_space<hbm>>
    tpu.wait_dma2 semaphore(%arg10 : memref<!tpu.dma_semaphore, #tpu.memory_space<semaphore_mem>>) src(%dma_wait3A_46 : memref<60x128xi32, #tpu.memory_space<hbm>>) dst(%dma_wait3A_42 : memref<60x128xi32, #tpu.memory_space<vmem>>)
    %barrier3A = arith.constant 0 : index
    tpu.barrier barrier_id(%barrier3A)
    %dma_start3A_47 = arith.constant 0 : i32
    %dma_start3A_48 = arith.constant 0 : i32
    %dma_start3A_49 = tpu.memref_slice %arg7[%dma_start3A_47, %dma_start3A_48] : memref<80x128xi32, #tpu.memory_space<vmem>> -> memref<1x128xi32, #tpu.memory_space<vmem>>
    %dma_start3A_50 = tpu.memref_squeeze %dma_start3A_49 : memref<1x128xi32, #tpu.memory_space<vmem>> -> memref<128xi32, #tpu.memory_space<vmem>>
    %dma_start3A_51 = arith.constant 0 : i32
    %dma_start3A_52 = tpu.memref_slice %arg9[%dma_start3A_51] : memref<10240xf32, #tpu.memory_space<vmem_shared>> -> memref<10240xf32, #tpu.memory_space<vmem_shared>>
    tpu.enqueue_indirect_dma source(%arg8 : memref<128xf32, #tpu.memory_space<vmem>>) target(%dma_start3A_52 : memref<10240xf32, #tpu.memory_space<vmem_shared>>) offsets(%dma_start3A_50 : memref<128xi32, #tpu.memory_space<vmem>>) semaphore(%arg10 : memref<!tpu.dma_semaphore, #tpu.memory_space<semaphore_mem>>) {add = true}
    %dma_start3A_53 = arith.constant 1 : i32
    %dma_start3A_54 = arith.constant 0 : i32
    %dma_start3A_55 = tpu.memref_slice %arg7[%dma_start3A_53, %dma_start3A_54] : memref<80x128xi32, #tpu.memory_space<vmem>> -> memref<1x128xi32, #tpu.memory_space<vmem>>
    %dma_start3A_56 = tpu.memref_squeeze %dma_start3A_55 : memref<1x128xi32, #tpu.memory_space<vmem>> -> memref<128xi32, #tpu.memory_space<vmem>>
    %dma_start3A_57 = arith.constant 0 : i32
    %dma_start3A_58 = tpu.memref_slice %arg9[%dma_start3A_57] : memref<10240xf32, #tpu.memory_space<vmem_shared>> -> memref<10240xf32, #tpu.memory_space<vmem_shared>>
    tpu.enqueue_indirect_dma source(%arg8 : memref<128xf32, #tpu.memory_space<vmem>>) target(%dma_start3A_58 : memref<10240xf32, #tpu.memory_space<vmem_shared>>) offsets(%dma_start3A_56 : memref<128xi32, #tpu.memory_space<vmem>>) semaphore(%arg10 : memref<!tpu.dma_semaphore, #tpu.memory_space<semaphore_mem>>) {add = true}
    %dma_start3A_59 = arith.constant 2 : i32
    %dma_start3A_60 = arith.constant 0 : i32
    %dma_start3A_61 = tpu.memref_slice %arg7[%dma_start3A_59, %dma_start3A_60] : memref<80x128xi32, #tpu.memory_space<vmem>> -> memref<1x128xi32, #tpu.memory_space<vmem>>
    %dma_start3A_62 = tpu.memref_squeeze %dma_start3A_61 : memref<1x128xi32, #tpu.memory_space<vmem>> -> memref<128xi32, #tpu.memory_space<vmem>>
    %dma_start3A_63 = arith.constant 0 : i32
    %dma_start3A_64 = tpu.memref_slice %arg9[%dma_start3A_63] : memref<10240xf32, #tpu.memory_space<vmem_shared>> -> memref<10240xf32, #tpu.memory_space<vmem_shared>>
    tpu.enqueue_indirect_dma source(%arg8 : memref<128xf32, #tpu.memory_space<vmem>>) target(%dma_start3A_64 : memref<10240xf32, #tpu.memory_space<vmem_shared>>) offsets(%dma_start3A_62 : memref<128xi32, #tpu.memory_space<vmem>>) semaphore(%arg10 : memref<!tpu.dma_semaphore, #tpu.memory_space<semaphore_mem>>) {add = true}
    %dma_start3A_65 = arith.constant 3 : i32
    %dma_start3A_66 = arith.constant 0 : i32
    %dma_start3A_67 = tpu.memref_slice %arg7[%dma_start3A_65, %dma_start3A_66] : memref<80x128xi32, #tpu.memory_space<vmem>> -> memref<1x128xi32, #tpu.memory_space<vmem>>
    %dma_start3A_68 = tpu.memref_squeeze %dma_start3A_67 : memref<1x128xi32, #tpu.memory_space<vmem>> -> memref<128xi32, #tpu.memory_space<vmem>>
    %dma_start3A_69 = arith.constant 0 : i32
    %dma_start3A_70 = tpu.memref_slice %arg9[%dma_start3A_69] : memref<10240xf32, #tpu.memory_space<vmem_shared>> -> memref<10240xf32, #tpu.memory_space<vmem_shared>>
    tpu.enqueue_indirect_dma source(%arg8 : memref<128xf32, #tpu.memory_space<vmem>>) target(%dma_start3A_70 : memref<10240xf32, #tpu.memory_space<vmem_shared>>) offsets(%dma_start3A_68 : memref<128xi32, #tpu.memory_space<vmem>>) semaphore(%arg10 : memref<!tpu.dma_semaphore, #tpu.memory_space<semaphore_mem>>) {add = true}
    %dma_start3A_71 = arith.constant 4 : i32
    %dma_start3A_72 = arith.constant 0 : i32
    %dma_start3A_73 = tpu.memref_slice %arg7[%dma_start3A_71, %dma_start3A_72] : memref<80x128xi32, #tpu.memory_space<vmem>> -> memref<1x128xi32, #tpu.memory_space<vmem>>
    %dma_start3A_74 = tpu.memref_squeeze %dma_start3A_73 : memref<1x128xi32, #tpu.memory_space<vmem>> -> memref<128xi32, #tpu.memory_space<vmem>>
    %dma_start3A_75 = arith.constant 0 : i32
    %dma_start3A_76 = tpu.memref_slice %arg9[%dma_start3A_75] : memref<10240xf32, #tpu.memory_space<vmem_shared>> -> memref<10240xf32, #tpu.memory_space<vmem_shared>>
    tpu.enqueue_indirect_dma source(%arg8 : memref<128xf32, #tpu.memory_space<vmem>>) target(%dma_start3A_76 : memref<10240xf32, #tpu.memory_space<vmem_shared>>) offsets(%dma_start3A_74 : memref<128xi32, #tpu.memory_space<vmem>>) semaphore(%arg10 : memref<!tpu.dma_semaphore, #tpu.memory_space<semaphore_mem>>) {add = true}
    %dma_start3A_77 = arith.constant 5 : i32
    %dma_start3A_78 = arith.constant 0 : i32
    %dma_start3A_79 = tpu.memref_slice %arg7[%dma_start3A_77, %dma_start3A_78] : memref<80x128xi32, #tpu.memory_space<vmem>> -> memref<1x128xi32, #tpu.memory_space<vmem>>
    %dma_start3A_80 = tpu.memref_squeeze %dma_start3A_79 : memref<1x128xi32, #tpu.memory_space<vmem>> -> memref<128xi32, #tpu.memory_space<vmem>>
    %dma_start3A_81 = arith.constant 0 : i32
    %dma_start3A_82 = tpu.memref_slice %arg9[%dma_start3A_81] : memref<10240xf32, #tpu.memory_space<vmem_shared>> -> memref<10240xf32, #tpu.memory_space<vmem_shared>>
    tpu.enqueue_indirect_dma source(%arg8 : memref<128xf32, #tpu.memory_space<vmem>>) target(%dma_start3A_82 : memref<10240xf32, #tpu.memory_space<vmem_shared>>) offsets(%dma_start3A_80 : memref<128xi32, #tpu.memory_space<vmem>>) semaphore(%arg10 : memref<!tpu.dma_semaphore, #tpu.memory_space<semaphore_mem>>) {add = true}
    %dma_start3A_83 = arith.constant 6 : i32
    %dma_start3A_84 = arith.constant 0 : i32
    %dma_start3A_85 = tpu.memref_slice %arg7[%dma_start3A_83, %dma_start3A_84] : memref<80x128xi32, #tpu.memory_space<vmem>> -> memref<1x128xi32, #tpu.memory_space<vmem>>
    %dma_start3A_86 = tpu.memref_squeeze %dma_start3A_85 : memref<1x128xi32, #tpu.memory_space<vmem>> -> memref<128xi32, #tpu.memory_space<vmem>>
    %dma_start3A_87 = arith.constant 0 : i32
    %dma_start3A_88 = tpu.memref_slice %arg9[%dma_start3A_87] : memref<10240xf32, #tpu.memory_space<vmem_shared>> -> memref<10240xf32, #tpu.memory_space<vmem_shared>>
    tpu.enqueue_indirect_dma source(%arg8 : memref<128xf32, #tpu.memory_space<vmem>>) target(%dma_start3A_88 : memref<10240xf32, #tpu.memory_space<vmem_shared>>) offsets(%dma_start3A_86 : memref<128xi32, #tpu.memory_space<vmem>>) semaphore(%arg10 : memref<!tpu.dma_semaphore, #tpu.memory_space<semaphore_mem>>) {add = true}
    %dma_start3A_89 = arith.constant 7 : i32
    %dma_start3A_90 = arith.constant 0 : i32
    %dma_start3A_91 = tpu.memref_slice %arg7[%dma_start3A_89, %dma_start3A_90] : memref<80x128xi32, #tpu.memory_space<vmem>> -> memref<1x128xi32, #tpu.memory_space<vmem>>
    %dma_start3A_92 = tpu.memref_squeeze %dma_start3A_91 : memref<1x128xi32, #tpu.memory_space<vmem>> -> memref<128xi32, #tpu.memory_space<vmem>>
    %dma_start3A_93 = arith.constant 0 : i32
    %dma_start3A_94 = tpu.memref_slice %arg9[%dma_start3A_93] : memref<10240xf32, #tpu.memory_space<vmem_shared>> -> memref<10240xf32, #tpu.memory_space<vmem_shared>>
    tpu.enqueue_indirect_dma source(%arg8 : memref<128xf32, #tpu.memory_space<vmem>>) target(%dma_start3A_94 : memref<10240xf32, #tpu.memory_space<vmem_shared>>) offsets(%dma_start3A_92 : memref<128xi32, #tpu.memory_space<vmem>>) semaphore(%arg10 : memref<!tpu.dma_semaphore, #tpu.memory_space<semaphore_mem>>) {add = true}
    %scan3A = arith.constant 0 : i32
    %scan3A_95 = arith.constant 1 : i32
    %scan3A_96 = arith.constant 9 : i32
    %scan3A_97 = arith.addi %scan3A_95, %scan3A_96 : i32
    %scan3A_98 = arith.constant 1 : i32
    scf.for %scan3A_153 = %scan3A_95 to %scan3A_97 step %scan3A_98  : i32 {
      %mul3A_154 = arith.constant 8 : i32
      %mul3A_155 = arith.muli %scan3A_153, %mul3A_154 : i32
      %add3A_156 = arith.constant 0 : i32
      %add3A_157 = arith.addi %mul3A_155, %add3A_156 : i32
      %dma_start3A_158 = arith.constant 0 : i32
      %dma_start3A_159 = tpu.memref_slice %arg7[%add3A_157, %dma_start3A_158] : memref<80x128xi32, #tpu.memory_space<vmem>> -> memref<1x128xi32, #tpu.memory_space<vmem>>
      %dma_start3A_160 = tpu.memref_squeeze %dma_start3A_159 : memref<1x128xi32, #tpu.memory_space<vmem>> -> memref<128xi32, #tpu.memory_space<vmem>>
      %dma_start3A_161 = arith.constant 0 : i32
      %dma_start3A_162 = tpu.memref_slice %arg9[%dma_start3A_161] : memref<10240xf32, #tpu.memory_space<vmem_shared>> -> memref<10240xf32, #tpu.memory_space<vmem_shared>>
      tpu.enqueue_indirect_dma source(%arg8 : memref<128xf32, #tpu.memory_space<vmem>>) target(%dma_start3A_162 : memref<10240xf32, #tpu.memory_space<vmem_shared>>) offsets(%dma_start3A_160 : memref<128xi32, #tpu.memory_space<vmem>>) semaphore(%arg10 : memref<!tpu.dma_semaphore, #tpu.memory_space<semaphore_mem>>) {add = true}
      %mul3A_163 = arith.constant 8 : i32
      %mul3A_164 = arith.muli %scan3A_153, %mul3A_163 : i32
      %add3A_165 = arith.constant 1 : i32
      %add3A_166 = arith.addi %mul3A_164, %add3A_165 : i32
      %dma_start3A_167 = arith.constant 0 : i32
      %dma_start3A_168 = tpu.memref_slice %arg7[%add3A_166, %dma_start3A_167] : memref<80x128xi32, #tpu.memory_space<vmem>> -> memref<1x128xi32, #tpu.memory_space<vmem>>
      %dma_start3A_169 = tpu.memref_squeeze %dma_start3A_168 : memref<1x128xi32, #tpu.memory_space<vmem>> -> memref<128xi32, #tpu.memory_space<vmem>>
      %dma_start3A_170 = arith.constant 0 : i32
      %dma_start3A_171 = tpu.memref_slice %arg9[%dma_start3A_170] : memref<10240xf32, #tpu.memory_space<vmem_shared>> -> memref<10240xf32, #tpu.memory_space<vmem_shared>>
      tpu.enqueue_indirect_dma source(%arg8 : memref<128xf32, #tpu.memory_space<vmem>>) target(%dma_start3A_171 : memref<10240xf32, #tpu.memory_space<vmem_shared>>) offsets(%dma_start3A_169 : memref<128xi32, #tpu.memory_space<vmem>>) semaphore(%arg10 : memref<!tpu.dma_semaphore, #tpu.memory_space<semaphore_mem>>) {add = true}
      %mul3A_172 = arith.constant 8 : i32
      %mul3A_173 = arith.muli %scan3A_153, %mul3A_172 : i32
      %add3A_174 = arith.constant 2 : i32
      %add3A_175 = arith.addi %mul3A_173, %add3A_174 : i32
      %dma_start3A_176 = arith.constant 0 : i32
      %dma_start3A_177 = tpu.memref_slice %arg7[%add3A_175, %dma_start3A_176] : memref<80x128xi32, #tpu.memory_space<vmem>> -> memref<1x128xi32, #tpu.memory_space<vmem>>
      %dma_start3A_178 = tpu.memref_squeeze %dma_start3A_177 : memref<1x128xi32, #tpu.memory_space<vmem>> -> memref<128xi32, #tpu.memory_space<vmem>>
      %dma_start3A_179 = arith.constant 0 : i32
      %dma_start3A_180 = tpu.memref_slice %arg9[%dma_start3A_179] : memref<10240xf32, #tpu.memory_space<vmem_shared>> -> memref<10240xf32, #tpu.memory_space<vmem_shared>>
      tpu.enqueue_indirect_dma source(%arg8 : memref<128xf32, #tpu.memory_space<vmem>>) target(%dma_start3A_180 : memref<10240xf32, #tpu.memory_space<vmem_shared>>) offsets(%dma_start3A_178 : memref<128xi32, #tpu.memory_space<vmem>>) semaphore(%arg10 : memref<!tpu.dma_semaphore, #tpu.memory_space<semaphore_mem>>) {add = true}
      %mul3A_181 = arith.constant 8 : i32
      %mul3A_182 = arith.muli %scan3A_153, %mul3A_181 : i32
      %add3A_183 = arith.constant 3 : i32
      %add3A_184 = arith.addi %mul3A_182, %add3A_183 : i32
      %dma_start3A_185 = arith.constant 0 : i32
      %dma_start3A_186 = tpu.memref_slice %arg7[%add3A_184, %dma_start3A_185] : memref<80x128xi32, #tpu.memory_space<vmem>> -> memref<1x128xi32, #tpu.memory_space<vmem>>
      %dma_start3A_187 = tpu.memref_squeeze %dma_start3A_186 : memref<1x128xi32, #tpu.memory_space<vmem>> -> memref<128xi32, #tpu.memory_space<vmem>>
      %dma_start3A_188 = arith.constant 0 : i32
      %dma_start3A_189 = tpu.memref_slice %arg9[%dma_start3A_188] : memref<10240xf32, #tpu.memory_space<vmem_shared>> -> memref<10240xf32, #tpu.memory_space<vmem_shared>>
      tpu.enqueue_indirect_dma source(%arg8 : memref<128xf32, #tpu.memory_space<vmem>>) target(%dma_start3A_189 : memref<10240xf32, #tpu.memory_space<vmem_shared>>) offsets(%dma_start3A_187 : memref<128xi32, #tpu.memory_space<vmem>>) semaphore(%arg10 : memref<!tpu.dma_semaphore, #tpu.memory_space<semaphore_mem>>) {add = true}
      %mul3A_190 = arith.constant 8 : i32
      %mul3A_191 = arith.muli %scan3A_153, %mul3A_190 : i32
      %add3A_192 = arith.constant 4 : i32
      %add3A_193 = arith.addi %mul3A_191, %add3A_192 : i32
      %dma_start3A_194 = arith.constant 0 : i32
      %dma_start3A_195 = tpu.memref_slice %arg7[%add3A_193, %dma_start3A_194] : memref<80x128xi32, #tpu.memory_space<vmem>> -> memref<1x128xi32, #tpu.memory_space<vmem>>
      %dma_start3A_196 = tpu.memref_squeeze %dma_start3A_195 : memref<1x128xi32, #tpu.memory_space<vmem>> -> memref<128xi32, #tpu.memory_space<vmem>>
      %dma_start3A_197 = arith.constant 0 : i32
      %dma_start3A_198 = tpu.memref_slice %arg9[%dma_start3A_197] : memref<10240xf32, #tpu.memory_space<vmem_shared>> -> memref<10240xf32, #tpu.memory_space<vmem_shared>>
      tpu.enqueue_indirect_dma source(%arg8 : memref<128xf32, #tpu.memory_space<vmem>>) target(%dma_start3A_198 : memref<10240xf32, #tpu.memory_space<vmem_shared>>) offsets(%dma_start3A_196 : memref<128xi32, #tpu.memory_space<vmem>>) semaphore(%arg10 : memref<!tpu.dma_semaphore, #tpu.memory_space<semaphore_mem>>) {add = true}
      %mul3A_199 = arith.constant 8 : i32
      %mul3A_200 = arith.muli %scan3A_153, %mul3A_199 : i32
      %add3A_201 = arith.constant 5 : i32
      %add3A_202 = arith.addi %mul3A_200, %add3A_201 : i32
      %dma_start3A_203 = arith.constant 0 : i32
      %dma_start3A_204 = tpu.memref_slice %arg7[%add3A_202, %dma_start3A_203] : memref<80x128xi32, #tpu.memory_space<vmem>> -> memref<1x128xi32, #tpu.memory_space<vmem>>
      %dma_start3A_205 = tpu.memref_squeeze %dma_start3A_204 : memref<1x128xi32, #tpu.memory_space<vmem>> -> memref<128xi32, #tpu.memory_space<vmem>>
      %dma_start3A_206 = arith.constant 0 : i32
      %dma_start3A_207 = tpu.memref_slice %arg9[%dma_start3A_206] : memref<10240xf32, #tpu.memory_space<vmem_shared>> -> memref<10240xf32, #tpu.memory_space<vmem_shared>>
      tpu.enqueue_indirect_dma source(%arg8 : memref<128xf32, #tpu.memory_space<vmem>>) target(%dma_start3A_207 : memref<10240xf32, #tpu.memory_space<vmem_shared>>) offsets(%dma_start3A_205 : memref<128xi32, #tpu.memory_space<vmem>>) semaphore(%arg10 : memref<!tpu.dma_semaphore, #tpu.memory_space<semaphore_mem>>) {add = true}
      %mul3A_208 = arith.constant 8 : i32
      %mul3A_209 = arith.muli %scan3A_153, %mul3A_208 : i32
      %add3A_210 = arith.constant 6 : i32
      %add3A_211 = arith.addi %mul3A_209, %add3A_210 : i32
      %dma_start3A_212 = arith.constant 0 : i32
      %dma_start3A_213 = tpu.memref_slice %arg7[%add3A_211, %dma_start3A_212] : memref<80x128xi32, #tpu.memory_space<vmem>> -> memref<1x128xi32, #tpu.memory_space<vmem>>
      %dma_start3A_214 = tpu.memref_squeeze %dma_start3A_213 : memref<1x128xi32, #tpu.memory_space<vmem>> -> memref<128xi32, #tpu.memory_space<vmem>>
      %dma_start3A_215 = arith.constant 0 : i32
      %dma_start3A_216 = tpu.memref_slice %arg9[%dma_start3A_215] : memref<10240xf32, #tpu.memory_space<vmem_shared>> -> memref<10240xf32, #tpu.memory_space<vmem_shared>>
      tpu.enqueue_indirect_dma source(%arg8 : memref<128xf32, #tpu.memory_space<vmem>>) target(%dma_start3A_216 : memref<10240xf32, #tpu.memory_space<vmem_shared>>) offsets(%dma_start3A_214 : memref<128xi32, #tpu.memory_space<vmem>>) semaphore(%arg10 : memref<!tpu.dma_semaphore, #tpu.memory_space<semaphore_mem>>) {add = true}
      %mul3A_217 = arith.constant 8 : i32
      %mul3A_218 = arith.muli %scan3A_153, %mul3A_217 : i32
      %add3A_219 = arith.constant 7 : i32
      %add3A_220 = arith.addi %mul3A_218, %add3A_219 : i32
      %dma_start3A_221 = arith.constant 0 : i32
      %dma_start3A_222 = tpu.memref_slice %arg7[%add3A_220, %dma_start3A_221] : memref<80x128xi32, #tpu.memory_space<vmem>> -> memref<1x128xi32, #tpu.memory_space<vmem>>
      %dma_start3A_223 = tpu.memref_squeeze %dma_start3A_222 : memref<1x128xi32, #tpu.memory_space<vmem>> -> memref<128xi32, #tpu.memory_space<vmem>>
      %dma_start3A_224 = arith.constant 0 : i32
      %dma_start3A_225 = tpu.memref_slice %arg9[%dma_start3A_224] : memref<10240xf32, #tpu.memory_space<vmem_shared>> -> memref<10240xf32, #tpu.memory_space<vmem_shared>>
      tpu.enqueue_indirect_dma source(%arg8 : memref<128xf32, #tpu.memory_space<vmem>>) target(%dma_start3A_225 : memref<10240xf32, #tpu.memory_space<vmem_shared>>) offsets(%dma_start3A_223 : memref<128xi32, #tpu.memory_space<vmem>>) semaphore(%arg10 : memref<!tpu.dma_semaphore, #tpu.memory_space<semaphore_mem>>) {add = true}
      %dma_wait3A_226 = arith.constant 0 : i32
      %dma_wait3A_227 = arith.constant 0 : i32
      %dma_wait3A_228 = tpu.memref_slice %arg7[%dma_wait3A_226, %dma_wait3A_227] : memref<80x128xi32, #tpu.memory_space<vmem>> -> memref<1x128xi32, #tpu.memory_space<vmem>>
      %dma_wait3A_229 = tpu.memref_squeeze %dma_wait3A_228 : memref<1x128xi32, #tpu.memory_space<vmem>> -> memref<128xi32, #tpu.memory_space<vmem>>
      %dma_wait3A_230 = arith.constant 0 : i32
      %dma_wait3A_231 = tpu.memref_slice %arg9[%dma_wait3A_230] : memref<10240xf32, #tpu.memory_space<vmem_shared>> -> memref<10240xf32, #tpu.memory_space<vmem_shared>>
      tpu.wait_indirect_dma semaphore(%arg10 : memref<!tpu.dma_semaphore, #tpu.memory_space<semaphore_mem>>) src(%arg8 : memref<128xf32, #tpu.memory_space<vmem>>) dst(%dma_wait3A_231 : memref<10240xf32, #tpu.memory_space<vmem_shared>>)
      %dma_wait3A_232 = arith.constant 0 : i32
      %dma_wait3A_233 = arith.constant 0 : i32
      %dma_wait3A_234 = tpu.memref_slice %arg7[%dma_wait3A_232, %dma_wait3A_233] : memref<80x128xi32, #tpu.memory_space<vmem>> -> memref<1x128xi32, #tpu.memory_space<vmem>>
      %dma_wait3A_235 = tpu.memref_squeeze %dma_wait3A_234 : memref<1x128xi32, #tpu.memory_space<vmem>> -> memref<128xi32, #tpu.memory_space<vmem>>
      %dma_wait3A_236 = arith.constant 0 : i32
      %dma_wait3A_237 = tpu.memref_slice %arg9[%dma_wait3A_236] : memref<10240xf32, #tpu.memory_space<vmem_shared>> -> memref<10240xf32, #tpu.memory_space<vmem_shared>>
      tpu.wait_indirect_dma semaphore(%arg10 : memref<!tpu.dma_semaphore, #tpu.memory_space<semaphore_mem>>) src(%arg8 : memref<128xf32, #tpu.memory_space<vmem>>) dst(%dma_wait3A_237 : memref<10240xf32, #tpu.memory_space<vmem_shared>>)
      %dma_wait3A_238 = arith.constant 0 : i32
      %dma_wait3A_239 = arith.constant 0 : i32
      %dma_wait3A_240 = tpu.memref_slice %arg7[%dma_wait3A_238, %dma_wait3A_239] : memref<80x128xi32, #tpu.memory_space<vmem>> -> memref<1x128xi32, #tpu.memory_space<vmem>>
      %dma_wait3A_241 = tpu.memref_squeeze %dma_wait3A_240 : memref<1x128xi32, #tpu.memory_space<vmem>> -> memref<128xi32, #tpu.memory_space<vmem>>
      %dma_wait3A_242 = arith.constant 0 : i32
      %dma_wait3A_243 = tpu.memref_slice %arg9[%dma_wait3A_242] : memref<10240xf32, #tpu.memory_space<vmem_shared>> -> memref<10240xf32, #tpu.memory_space<vmem_shared>>
      tpu.wait_indirect_dma semaphore(%arg10 : memref<!tpu.dma_semaphore, #tpu.memory_space<semaphore_mem>>) src(%arg8 : memref<128xf32, #tpu.memory_space<vmem>>) dst(%dma_wait3A_243 : memref<10240xf32, #tpu.memory_space<vmem_shared>>)
      %dma_wait3A_244 = arith.constant 0 : i32
      %dma_wait3A_245 = arith.constant 0 : i32
      %dma_wait3A_246 = tpu.memref_slice %arg7[%dma_wait3A_244, %dma_wait3A_245] : memref<80x128xi32, #tpu.memory_space<vmem>> -> memref<1x128xi32, #tpu.memory_space<vmem>>
      %dma_wait3A_247 = tpu.memref_squeeze %dma_wait3A_246 : memref<1x128xi32, #tpu.memory_space<vmem>> -> memref<128xi32, #tpu.memory_space<vmem>>
      %dma_wait3A_248 = arith.constant 0 : i32
      %dma_wait3A_249 = tpu.memref_slice %arg9[%dma_wait3A_248] : memref<10240xf32, #tpu.memory_space<vmem_shared>> -> memref<10240xf32, #tpu.memory_space<vmem_shared>>
      tpu.wait_indirect_dma semaphore(%arg10 : memref<!tpu.dma_semaphore, #tpu.memory_space<semaphore_mem>>) src(%arg8 : memref<128xf32, #tpu.memory_space<vmem>>) dst(%dma_wait3A_249 : memref<10240xf32, #tpu.memory_space<vmem_shared>>)
      %dma_wait3A_250 = arith.constant 0 : i32
      %dma_wait3A_251 = arith.constant 0 : i32
      %dma_wait3A_252 = tpu.memref_slice %arg7[%dma_wait3A_250, %dma_wait3A_251] : memref<80x128xi32, #tpu.memory_space<vmem>> -> memref<1x128xi32, #tpu.memory_space<vmem>>
      %dma_wait3A_253 = tpu.memref_squeeze %dma_wait3A_252 : memref<1x128xi32, #tpu.memory_space<vmem>> -> memref<128xi32, #tpu.memory_space<vmem>>
      %dma_wait3A_254 = arith.constant 0 : i32
      %dma_wait3A_255 = tpu.memref_slice %arg9[%dma_wait3A_254] : memref<10240xf32, #tpu.memory_space<vmem_shared>> -> memref<10240xf32, #tpu.memory_space<vmem_shared>>
      tpu.wait_indirect_dma semaphore(%arg10 : memref<!tpu.dma_semaphore, #tpu.memory_space<semaphore_mem>>) src(%arg8 : memref<128xf32, #tpu.memory_space<vmem>>) dst(%dma_wait3A_255 : memref<10240xf32, #tpu.memory_space<vmem_shared>>)
      %dma_wait3A_256 = arith.constant 0 : i32
      %dma_wait3A_257 = arith.constant 0 : i32
      %dma_wait3A_258 = tpu.memref_slice %arg7[%dma_wait3A_256, %dma_wait3A_257] : memref<80x128xi32, #tpu.memory_space<vmem>> -> memref<1x128xi32, #tpu.memory_space<vmem>>
      %dma_wait3A_259 = tpu.memref_squeeze %dma_wait3A_258 : memref<1x128xi32, #tpu.memory_space<vmem>> -> memref<128xi32, #tpu.memory_space<vmem>>
      %dma_wait3A_260 = arith.constant 0 : i32
      %dma_wait3A_261 = tpu.memref_slice %arg9[%dma_wait3A_260] : memref<10240xf32, #tpu.memory_space<vmem_shared>> -> memref<10240xf32, #tpu.memory_space<vmem_shared>>
      tpu.wait_indirect_dma semaphore(%arg10 : memref<!tpu.dma_semaphore, #tpu.memory_space<semaphore_mem>>) src(%arg8 : memref<128xf32, #tpu.memory_space<vmem>>) dst(%dma_wait3A_261 : memref<10240xf32, #tpu.memory_space<vmem_shared>>)
      %dma_wait3A_262 = arith.constant 0 : i32
      %dma_wait3A_263 = arith.constant 0 : i32
      %dma_wait3A_264 = tpu.memref_slice %arg7[%dma_wait3A_262, %dma_wait3A_263] : memref<80x128xi32, #tpu.memory_space<vmem>> -> memref<1x128xi32, #tpu.memory_space<vmem>>
      %dma_wait3A_265 = tpu.memref_squeeze %dma_wait3A_264 : memref<1x128xi32, #tpu.memory_space<vmem>> -> memref<128xi32, #tpu.memory_space<vmem>>
      %dma_wait3A_266 = arith.constant 0 : i32
      %dma_wait3A_267 = tpu.memref_slice %arg9[%dma_wait3A_266] : memref<10240xf32, #tpu.memory_space<vmem_shared>> -> memref<10240xf32, #tpu.memory_space<vmem_shared>>
      tpu.wait_indirect_dma semaphore(%arg10 : memref<!tpu.dma_semaphore, #tpu.memory_space<semaphore_mem>>) src(%arg8 : memref<128xf32, #tpu.memory_space<vmem>>) dst(%dma_wait3A_267 : memref<10240xf32, #tpu.memory_space<vmem_shared>>)
      %dma_wait3A_268 = arith.constant 0 : i32
      %dma_wait3A_269 = arith.constant 0 : i32
      %dma_wait3A_270 = tpu.memref_slice %arg7[%dma_wait3A_268, %dma_wait3A_269] : memref<80x128xi32, #tpu.memory_space<vmem>> -> memref<1x128xi32, #tpu.memory_space<vmem>>
      %dma_wait3A_271 = tpu.memref_squeeze %dma_wait3A_270 : memref<1x128xi32, #tpu.memory_space<vmem>> -> memref<128xi32, #tpu.memory_space<vmem>>
      %dma_wait3A_272 = arith.constant 0 : i32
      %dma_wait3A_273 = tpu.memref_slice %arg9[%dma_wait3A_272] : memref<10240xf32, #tpu.memory_space<vmem_shared>> -> memref<10240xf32, #tpu.memory_space<vmem_shared>>
      tpu.wait_indirect_dma semaphore(%arg10 : memref<!tpu.dma_semaphore, #tpu.memory_space<semaphore_mem>>) src(%arg8 : memref<128xf32, #tpu.memory_space<vmem>>) dst(%dma_wait3A_273 : memref<10240xf32, #tpu.memory_space<vmem_shared>>)
    }
    %scan3A_99 = arith.constant 9 : i32
    %dma_wait3A_100 = arith.constant 0 : i32
    %dma_wait3A_101 = arith.constant 0 : i32
    %dma_wait3A_102 = tpu.memref_slice %arg7[%dma_wait3A_100, %dma_wait3A_101] : memref<80x128xi32, #tpu.memory_space<vmem>> -> memref<1x128xi32, #tpu.memory_space<vmem>>
    %dma_wait3A_103 = tpu.memref_squeeze %dma_wait3A_102 : memref<1x128xi32, #tpu.memory_space<vmem>> -> memref<128xi32, #tpu.memory_space<vmem>>
    %dma_wait3A_104 = arith.constant 0 : i32
    %dma_wait3A_105 = tpu.memref_slice %arg9[%dma_wait3A_104] : memref<10240xf32, #tpu.memory_space<vmem_shared>> -> memref<10240xf32, #tpu.memory_space<vmem_shared>>
    tpu.wait_indirect_dma semaphore(%arg10 : memref<!tpu.dma_semaphore, #tpu.memory_space<semaphore_mem>>) src(%arg8 : memref<128xf32, #tpu.memory_space<vmem>>) dst(%dma_wait3A_105 : memref<10240xf32, #tpu.memory_space<vmem_shared>>)
    %dma_wait3A_106 = arith.constant 0 : i32
    %dma_wait3A_107 = arith.constant 0 : i32
    %dma_wait3A_108 = tpu.memref_slice %arg7[%dma_wait3A_106, %dma_wait3A_107] : memref<80x128xi32, #tpu.memory_space<vmem>> -> memref<1x128xi32, #tpu.memory_space<vmem>>
    %dma_wait3A_109 = tpu.memref_squeeze %dma_wait3A_108 : memref<1x128xi32, #tpu.memory_space<vmem>> -> memref<128xi32, #tpu.memory_space<vmem>>
    %dma_wait3A_110 = arith.constant 0 : i32
    %dma_wait3A_111 = tpu.memref_slice %arg9[%dma_wait3A_110] : memref<10240xf32, #tpu.memory_space<vmem_shared>> -> memref<10240xf32, #tpu.memory_space<vmem_shared>>
    tpu.wait_indirect_dma semaphore(%arg10 : memref<!tpu.dma_semaphore, #tpu.memory_space<semaphore_mem>>) src(%arg8 : memref<128xf32, #tpu.memory_space<vmem>>) dst(%dma_wait3A_111 : memref<10240xf32, #tpu.memory_space<vmem_shared>>)
    %dma_wait3A_112 = arith.constant 0 : i32
    %dma_wait3A_113 = arith.constant 0 : i32
    %dma_wait3A_114 = tpu.memref_slice %arg7[%dma_wait3A_112, %dma_wait3A_113] : memref<80x128xi32, #tpu.memory_space<vmem>> -> memref<1x128xi32, #tpu.memory_space<vmem>>
    %dma_wait3A_115 = tpu.memref_squeeze %dma_wait3A_114 : memref<1x128xi32, #tpu.memory_space<vmem>> -> memref<128xi32, #tpu.memory_space<vmem>>
    %dma_wait3A_116 = arith.constant 0 : i32
    %dma_wait3A_117 = tpu.memref_slice %arg9[%dma_wait3A_116] : memref<10240xf32, #tpu.memory_space<vmem_shared>> -> memref<10240xf32, #tpu.memory_space<vmem_shared>>
    tpu.wait_indirect_dma semaphore(%arg10 : memref<!tpu.dma_semaphore, #tpu.memory_space<semaphore_mem>>) src(%arg8 : memref<128xf32, #tpu.memory_space<vmem>>) dst(%dma_wait3A_117 : memref<10240xf32, #tpu.memory_space<vmem_shared>>)
    %dma_wait3A_118 = arith.constant 0 : i32
    %dma_wait3A_119 = arith.constant 0 : i32
    %dma_wait3A_120 = tpu.memref_slice %arg7[%dma_wait3A_118, %dma_wait3A_119] : memref<80x128xi32, #tpu.memory_space<vmem>> -> memref<1x128xi32, #tpu.memory_space<vmem>>
    %dma_wait3A_121 = tpu.memref_squeeze %dma_wait3A_120 : memref<1x128xi32, #tpu.memory_space<vmem>> -> memref<128xi32, #tpu.memory_space<vmem>>
    %dma_wait3A_122 = arith.constant 0 : i32
    %dma_wait3A_123 = tpu.memref_slice %arg9[%dma_wait3A_122] : memref<10240xf32, #tpu.memory_space<vmem_shared>> -> memref<10240xf32, #tpu.memory_space<vmem_shared>>
    tpu.wait_indirect_dma semaphore(%arg10 : memref<!tpu.dma_semaphore, #tpu.memory_space<semaphore_mem>>) src(%arg8 : memref<128xf32, #tpu.memory_space<vmem>>) dst(%dma_wait3A_123 : memref<10240xf32, #tpu.memory_space<vmem_shared>>)
    %dma_wait3A_124 = arith.constant 0 : i32
    %dma_wait3A_125 = arith.constant 0 : i32
    %dma_wait3A_126 = tpu.memref_slice %arg7[%dma_wait3A_124, %dma_wait3A_125] : memref<80x128xi32, #tpu.memory_space<vmem>> -> memref<1x128xi32, #tpu.memory_space<vmem>>
    %dma_wait3A_127 = tpu.memref_squeeze %dma_wait3A_126 : memref<1x128xi32, #tpu.memory_space<vmem>> -> memref<128xi32, #tpu.memory_space<vmem>>
    %dma_wait3A_128 = arith.constant 0 : i32
    %dma_wait3A_129 = tpu.memref_slice %arg9[%dma_wait3A_128] : memref<10240xf32, #tpu.memory_space<vmem_shared>> -> memref<10240xf32, #tpu.memory_space<vmem_shared>>
    tpu.wait_indirect_dma semaphore(%arg10 : memref<!tpu.dma_semaphore, #tpu.memory_space<semaphore_mem>>) src(%arg8 : memref<128xf32, #tpu.memory_space<vmem>>) dst(%dma_wait3A_129 : memref<10240xf32, #tpu.memory_space<vmem_shared>>)
    %dma_wait3A_130 = arith.constant 0 : i32
    %dma_wait3A_131 = arith.constant 0 : i32
    %dma_wait3A_132 = tpu.memref_slice %arg7[%dma_wait3A_130, %dma_wait3A_131] : memref<80x128xi32, #tpu.memory_space<vmem>> -> memref<1x128xi32, #tpu.memory_space<vmem>>
    %dma_wait3A_133 = tpu.memref_squeeze %dma_wait3A_132 : memref<1x128xi32, #tpu.memory_space<vmem>> -> memref<128xi32, #tpu.memory_space<vmem>>
    %dma_wait3A_134 = arith.constant 0 : i32
    %dma_wait3A_135 = tpu.memref_slice %arg9[%dma_wait3A_134] : memref<10240xf32, #tpu.memory_space<vmem_shared>> -> memref<10240xf32, #tpu.memory_space<vmem_shared>>
    tpu.wait_indirect_dma semaphore(%arg10 : memref<!tpu.dma_semaphore, #tpu.memory_space<semaphore_mem>>) src(%arg8 : memref<128xf32, #tpu.memory_space<vmem>>) dst(%dma_wait3A_135 : memref<10240xf32, #tpu.memory_space<vmem_shared>>)
    %dma_wait3A_136 = arith.constant 0 : i32
    %dma_wait3A_137 = arith.constant 0 : i32
    %dma_wait3A_138 = tpu.memref_slice %arg7[%dma_wait3A_136, %dma_wait3A_137] : memref<80x128xi32, #tpu.memory_space<vmem>> -> memref<1x128xi32, #tpu.memory_space<vmem>>
    %dma_wait3A_139 = tpu.memref_squeeze %dma_wait3A_138 : memref<1x128xi32, #tpu.memory_space<vmem>> -> memref<128xi32, #tpu.memory_space<vmem>>
    %dma_wait3A_140 = arith.constant 0 : i32
    %dma_wait3A_141 = tpu.memref_slice %arg9[%dma_wait3A_140] : memref<10240xf32, #tpu.memory_space<vmem_shared>> -> memref<10240xf32, #tpu.memory_space<vmem_shared>>
    tpu.wait_indirect_dma semaphore(%arg10 : memref<!tpu.dma_semaphore, #tpu.memory_space<semaphore_mem>>) src(%arg8 : memref<128xf32, #tpu.memory_space<vmem>>) dst(%dma_wait3A_141 : memref<10240xf32, #tpu.memory_space<vmem_shared>>)
    %dma_wait3A_142 = arith.constant 0 : i32
    %dma_wait3A_143 = arith.constant 0 : i32
    %dma_wait3A_144 = tpu.memref_slice %arg7[%dma_wait3A_142, %dma_wait3A_143] : memref<80x128xi32, #tpu.memory_space<vmem>> -> memref<1x128xi32, #tpu.memory_space<vmem>>
    %dma_wait3A_145 = tpu.memref_squeeze %dma_wait3A_144 : memref<1x128xi32, #tpu.memory_space<vmem>> -> memref<128xi32, #tpu.memory_space<vmem>>
    %dma_wait3A_146 = arith.constant 0 : i32
    %dma_wait3A_147 = tpu.memref_slice %arg9[%dma_wait3A_146] : memref<10240xf32, #tpu.memory_space<vmem_shared>> -> memref<10240xf32, #tpu.memory_space<vmem_shared>>
    tpu.wait_indirect_dma semaphore(%arg10 : memref<!tpu.dma_semaphore, #tpu.memory_space<semaphore_mem>>) src(%arg8 : memref<128xf32, #tpu.memory_space<vmem>>) dst(%dma_wait3A_147 : memref<10240xf32, #tpu.memory_space<vmem_shared>>)
    %barrier3A_148 = arith.constant 0 : index
    tpu.barrier barrier_id(%barrier3A_148)
    %mul3A_149 = arith.constant 640 : i32
    %mul3A_150 = arith.muli %arg1, %mul3A_149 : i32
    %mul3A_151 = arith.constant 640 : i32
    %mul3A_152 = arith.muli %arg1, %mul3A_151 : i32
    "tpu.region"() ({
      %run_scoped3A = tpu.sem_alloc : memref<!tpu.dma_semaphore, #tpu.memory_space<semaphore_mem>>
      %dma_start3A_153 = tpu.memref_slice %arg6[%arg0, %mul3A_152] : memref<2x10240xf32, #tpu.memory_space<hbm>> -> memref<1x640xf32, #tpu.memory_space<hbm>>
      %dma_start3A_154 = tpu.memref_squeeze %dma_start3A_153 : memref<1x640xf32, #tpu.memory_space<hbm>> -> memref<640xf32, #tpu.memory_space<hbm>>
      %dma_start3A_155 = tpu.memref_slice %arg9[%mul3A_150] : memref<10240xf32, #tpu.memory_space<vmem_shared>> -> memref<640xf32, #tpu.memory_space<vmem_shared>>
      tpu.enqueue_dma source(%dma_start3A_155 : memref<640xf32, #tpu.memory_space<vmem_shared>>) target(%dma_start3A_154 : memref<640xf32, #tpu.memory_space<hbm>>) target_semaphore(%run_scoped3A : memref<!tpu.dma_semaphore, #tpu.memory_space<semaphore_mem>>)
      %dma_wait3A_156 = tpu.memref_slice %arg6[%arg0, %mul3A_152] : memref<2x10240xf32, #tpu.memory_space<hbm>> -> memref<1x640xf32, #tpu.memory_space<hbm>>
      %dma_wait3A_157 = tpu.memref_squeeze %dma_wait3A_156 : memref<1x640xf32, #tpu.memory_space<hbm>> -> memref<640xf32, #tpu.memory_space<hbm>>
      %dma_wait3A_158 = tpu.memref_slice %arg9[%mul3A_150] : memref<10240xf32, #tpu.memory_space<vmem_shared>> -> memref<640xf32, #tpu.memory_space<vmem_shared>>
      tpu.wait_dma2 semaphore(%run_scoped3A : memref<!tpu.dma_semaphore, #tpu.memory_space<semaphore_mem>>) src(%dma_wait3A_158 : memref<640xf32, #tpu.memory_space<vmem_shared>>) dst(%dma_wait3A_157 : memref<640xf32, #tpu.memory_space<hbm>>)
      tpu.yield
    }) : () -> ()
    return
  }
}

module attributes {stable_mosaic.version = 14 : i64} {
  func.func @_tc_a(%arg0: memref<2560x512xf32, #tpu.memory_space<vmem>>, %arg1: memref<512x128xf32, #tpu.memory_space<vmem>>, %arg2: memref<2560x128xf32, #tpu.memory_space<vmem>>, %arg3: memref<2560x128xf32, #tpu.memory_space<vmem>>) attributes {dimension_semantics = [], scalar_prefetch = 0 : i64, scratch_operands = 0 : i64, tpu.core_type = #tpu.core_type<tc>} {
    %get3A = arith.constant 0 : index
    %get3A_0 = arith.constant 0 : index
    %get3A_1 = vector.load %arg0[%get3A, %get3A_0] : memref<2560x512xf32, #tpu.memory_space<vmem>>, vector<2560x512xf32>
    %get3A_2 = arith.constant 0 : index
    %get3A_3 = arith.constant 0 : index
    %get3A_4 = vector.load %arg1[%get3A_2, %get3A_3] : memref<512x128xf32, #tpu.memory_space<vmem>>, vector<512x128xf32>
    %dot_general3A = arith.constant dense<0.000000e+00> : vector<2560x128xf32>
    %dot_general3A_5 = tpu.matmul %get3A_1, %get3A_4, %dot_general3A {dimension_numbers = #tpu.dot_dimension_numbers<[1], [0], [0], [1], [0, 0, 1, 1], [], []>, transpose_lhs_hint = false} : vector<2560x512xf32>, vector<512x128xf32>, vector<2560x128xf32> -> vector<2560x128xf32>
    %get3A_6 = arith.constant 0 : index
    %get3A_7 = arith.constant 0 : index
    %get3A_8 = vector.load %arg2[%get3A_6, %get3A_7] : memref<2560x128xf32, #tpu.memory_space<vmem>>, vector<2560x128xf32>
    %mul3A = arith.mulf %dot_general3A_5, %get3A_8 : vector<2560x128xf32>
    %swap3A = arith.constant 0 : index
    %swap3A_9 = arith.constant 0 : index
    %swap3A_10 = vector.load %arg3[%swap3A, %swap3A_9] : memref<2560x128xf32, #tpu.memory_space<vmem>>, vector<2560x128xf32>
    tpu.vector_store %arg3[%swap3A, %swap3A_9], %mul3A {strides = array<i32>} : memref<2560x128xf32, #tpu.memory_space<vmem>>, vector<2560x128xf32>,
    return
  }
}

module attributes {stable_mosaic.version = 14 : i64} {
  func.func @_tc_b(%arg0: memref<2x2560x128xf32, #tpu.memory_space<vmem>>, %arg1: memref<2560x128xf32, #tpu.memory_space<vmem>>, %arg2: memref<2560x128xf32, #tpu.memory_space<vmem>>, %arg3: memref<1x128xf32, #tpu.memory_space<vmem>>, %arg4: memref<2560x128xf32, #tpu.memory_space<vmem>>, %arg5: memref<2560x128xf32, #tpu.memory_space<vmem>>) attributes {dimension_semantics = [], scalar_prefetch = 0 : i64, scratch_operands = 0 : i64, tpu.core_type = #tpu.core_type<tc>} {
    %get3A = arith.constant 0 : index
    %get3A_0 = arith.constant 0 : index
    %get3A_1 = arith.constant 0 : index
    %get3A_2 = vector.load %arg0[%get3A, %get3A_0, %get3A_1] : memref<2x2560x128xf32, #tpu.memory_space<vmem>>, vector<1x2560x128xf32>
    %get3A_3 = vector.shape_cast %get3A_2 : vector<1x2560x128xf32> to vector<2560x128xf32>
    %get3A_4 = arith.constant 1 : index
    %get3A_5 = arith.constant 0 : index
    %get3A_6 = arith.constant 0 : index
    %get3A_7 = vector.load %arg0[%get3A_4, %get3A_5, %get3A_6] : memref<2x2560x128xf32, #tpu.memory_space<vmem>>, vector<1x2560x128xf32>
    %get3A_8 = vector.shape_cast %get3A_7 : vector<1x2560x128xf32> to vector<2560x128xf32>
    %add3A = arith.addf %get3A_3, %get3A_8 : vector<2560x128xf32>
    %get3A_9 = arith.constant 0 : index
    %get3A_10 = arith.constant 0 : index
    %get3A_11 = vector.load %arg1[%get3A_9, %get3A_10] : memref<2560x128xf32, #tpu.memory_space<vmem>>, vector<2560x128xf32>
    %add3A_12 = arith.addf %add3A, %get3A_11 : vector<2560x128xf32>
    %get3A_13 = arith.constant 0 : index
    %get3A_14 = arith.constant 0 : index
    %get3A_15 = vector.load %arg2[%get3A_13, %get3A_14] : memref<2560x128xf32, #tpu.memory_space<vmem>>, vector<2560x128xf32>
    %mul3A = arith.mulf %add3A_12, %get3A_15 : vector<2560x128xf32>
    %get3A_16 = arith.constant 0 : index
    %get3A_17 = arith.constant 0 : index
    %get3A_18 = vector.load %arg3[%get3A_16, %get3A_17] : memref<1x128xf32, #tpu.memory_space<vmem>>, vector<1x128xf32>
    %add3A_19 = vector.broadcast %get3A_18 : vector<1x128xf32> to vector<2560x128xf32>
    %add3A_20 = arith.addf %mul3A, %add3A_19 : vector<2560x128xf32>
    %max3A = arith.constant 0.000000e+00 : f32
    %max3A_21 = vector.broadcast %max3A : f32 to vector<2560x128xf32>
    %max3A_22 = arith.maximumf %add3A_20, %max3A_21 : vector<2560x128xf32>
    %swap3A = arith.constant 0 : index
    %swap3A_23 = arith.constant 0 : index
    %swap3A_24 = vector.load %arg4[%swap3A, %swap3A_23] : memref<2560x128xf32, #tpu.memory_space<vmem>>, vector<2560x128xf32>
    tpu.vector_store %arg4[%swap3A, %swap3A_23], %max3A_22 {strides = array<i32>} : memref<2560x128xf32, #tpu.memory_space<vmem>>, vector<2560x128xf32>,
    %get3A_25 = arith.constant 0 : index
    %get3A_26 = arith.constant 0 : index
    %get3A_27 = vector.load %arg2[%get3A_25, %get3A_26] : memref<2560x128xf32, #tpu.memory_space<vmem>>, vector<2560x128xf32>
    %mul3A_28 = arith.mulf %max3A_22, %get3A_27 : vector<2560x128xf32>
    %swap3A_29 = arith.constant 0 : index
    %swap3A_30 = arith.constant 0 : index
    %swap3A_31 = vector.load %arg5[%swap3A_29, %swap3A_30] : memref<2560x128xf32, #tpu.memory_space<vmem>>, vector<2560x128xf32>
    tpu.vector_store %arg5[%swap3A_29, %swap3A_30], %mul3A_28 {strides = array<i32>} : memref<2560x128xf32, #tpu.memory_space<vmem>>, vector<2560x128xf32>,
    return
  }
}

module attributes {stable_mosaic.version = 14 : i64} {
  func.func @_tc_c(%arg0: memref<2x2560x128xf32, #tpu.memory_space<vmem>>, %arg1: memref<2560x128xf32, #tpu.memory_space<vmem>>, %arg2: memref<2560x128xf32, #tpu.memory_space<vmem>>, %arg3: memref<128x512xf32, #tpu.memory_space<vmem>>, %arg4: memref<1x512xf32, #tpu.memory_space<vmem>>, %arg5: memref<2560x512xf32, #tpu.memory_space<vmem>>) attributes {dimension_semantics = [], scalar_prefetch = 0 : i64, scratch_operands = 0 : i64, tpu.core_type = #tpu.core_type<tc>} {
    %get3A = arith.constant 0 : index
    %get3A_0 = arith.constant 0 : index
    %get3A_1 = arith.constant 0 : index
    %get3A_2 = vector.load %arg0[%get3A, %get3A_0, %get3A_1] : memref<2x2560x128xf32, #tpu.memory_space<vmem>>, vector<1x2560x128xf32>
    %get3A_3 = vector.shape_cast %get3A_2 : vector<1x2560x128xf32> to vector<2560x128xf32>
    %get3A_4 = arith.constant 1 : index
    %get3A_5 = arith.constant 0 : index
    %get3A_6 = arith.constant 0 : index
    %get3A_7 = vector.load %arg0[%get3A_4, %get3A_5, %get3A_6] : memref<2x2560x128xf32, #tpu.memory_space<vmem>>, vector<1x2560x128xf32>
    %get3A_8 = vector.shape_cast %get3A_7 : vector<1x2560x128xf32> to vector<2560x128xf32>
    %add3A = arith.addf %get3A_3, %get3A_8 : vector<2560x128xf32>
    %get3A_9 = arith.constant 0 : index
    %get3A_10 = arith.constant 0 : index
    %get3A_11 = vector.load %arg1[%get3A_9, %get3A_10] : memref<2560x128xf32, #tpu.memory_space<vmem>>, vector<2560x128xf32>
    %add3A_12 = arith.addf %add3A, %get3A_11 : vector<2560x128xf32>
    %get3A_13 = arith.constant 0 : index
    %get3A_14 = arith.constant 0 : index
    %get3A_15 = vector.load %arg2[%get3A_13, %get3A_14] : memref<2560x128xf32, #tpu.memory_space<vmem>>, vector<2560x128xf32>
    %mul3A = arith.mulf %add3A_12, %get3A_15 : vector<2560x128xf32>
    %get3A_16 = arith.constant 0 : index
    %get3A_17 = arith.constant 0 : index
    %get3A_18 = vector.load %arg3[%get3A_16, %get3A_17] : memref<128x512xf32, #tpu.memory_space<vmem>>, vector<128x512xf32>
    %dot_general3A = arith.constant dense<0.000000e+00> : vector<2560x512xf32>
    %dot_general3A_19 = tpu.matmul %mul3A, %get3A_18, %dot_general3A {dimension_numbers = #tpu.dot_dimension_numbers<[1], [0], [0], [1], [0, 0, 1, 1], [], []>, transpose_lhs_hint = false} : vector<2560x128xf32>, vector<128x512xf32>, vector<2560x512xf32> -> vector<2560x512xf32>
    %get3A_20 = arith.constant 0 : index
    %get3A_21 = arith.constant 0 : index
    %get3A_22 = vector.load %arg4[%get3A_20, %get3A_21] : memref<1x512xf32, #tpu.memory_space<vmem>>, vector<1x512xf32>
    %add3A_23 = vector.broadcast %get3A_22 : vector<1x512xf32> to vector<2560x512xf32>
    %add3A_24 = arith.addf %dot_general3A_19, %add3A_23 : vector<2560x512xf32>
    %swap3A = arith.constant 0 : index
    %swap3A_25 = arith.constant 0 : index
    %swap3A_26 = vector.load %arg5[%swap3A, %swap3A_25] : memref<2560x512xf32, #tpu.memory_space<vmem>>, vector<2560x512xf32>
    tpu.vector_store %arg5[%swap3A, %swap3A_25], %add3A_24 {strides = array<i32>} : memref<2560x512xf32, #tpu.memory_space<vmem>>, vector<2560x512xf32>,
    return
  }
}

</mosaic_0001>

<sc_bundles>
// kernel: kernel.11.cloned.1.call-start
scs
__scs_entry_jumppad:
0x0: {  	(pc) =	sbr.rel $0x88, $3  }
0x1: {  	(tag) =	ssettag $0x0;
	lr =	simm.s32 $0x1  }
0x2: {  	[smem:$0x3F9B] =	sst lr;
	_ =	strace $0xD0000000  }
0x3: {  	_ = 	snop  }
0x4: {  	_ = 	snop  }
0x5: {  	_ = 	snop  }
0x6: {  	_ = 	snop  }
0x7: {  	_ = 	snop  }
__scs_overlays_trampoline_lowered:
0x8: {  	[smem:$0x3FAA] =	sst s0  }
0x9: {  	[smem:$0x3FAB] =	sst s1  }
0xa: {  	[smem:$0x3FAC] =	sst s2  }
0xb: {  	[smem:$0x3FAD] =	sst s3  }
0xc: {  	[smem:$0x3FAE] =	sst s4  }
0xd: {  	[smem:$0x3FAF] =	sst s5  }
0xe: {  	[smem:$0x3FB0] =	sst s6  }
0xf: {  	[smem:$0x3FB1] =	sst s7  }
0x10: {  	[smem:$0x3FB2] =	sst s8  }
0x11: {  	[smem:$0x3FB3] =	sst s9;
	s0 =	simm.s32 @!p0 $0x0  }
0x12: {  	s1 =	sld [smem:$0x3F99];
	s0 =	simm.s32 @p0 $0x1  }
0x13: {  	[smem:$0x3FB4] =	sst s0;
	s0 =	simm.s32 @!p1 $0x0  }
0x14: {  	s2 =	sld [smem:$0x3F98];
	s0 =	simm.s32 @p1 $0x1  }
0x15: {  	[smem:$0x3FB5] =	sst s0;
	s0 =	simm.s32 @!p2 $0x0  }
0x16: {  	s3 =	sld [smem:$0x3FDB];
	s0 =	simm.s32 @p2 $0x1  }
0x17: {  	s4 =	simm.s32 $0x1BF5;
	[smem:$0x3FB7] =	sst s0  }
0x18: {  	s0 =	sld [smem:$0x3F9A];
	_ =	swait.ge [sflag:s4], $0x0  }
0x19: {  	s7 =	sld [smem:$0x3F9B]  }
0x1a: {  	s8 =	sadd.s32 $0xFFFFE003, lr  }
0x1b: {  	s9 =	sadd.s32 $0xFFFFFEF7, lr;
	s5 =	simm.s32 $0xFFFFFFFF;
	p2 =	slt.u32 s8, $0xFFFFF086  }
0x1c: {  	p1 =	slt.u32 s9, $0xF7A;
	s5 =	simm.s32 @!p2 $0x0  }
0x1d: {  	s5 =	simm.s32 @p1 $0x1;
	p0 =	seq.s32 s7, s2  }
0x1e: {  	s7 =	smul.u32 @!p0 $0xF7A, s2;
	p2 =	seq.s32 @!p0 s5, $0x0  }
0x1f: {  	s9 =	smul.u32 $0xF7A, s1;
	s8 =	simm.s32 @!p0 $0x1BF5;
	p2 =	por !p2, p0  }
0x20: {  	[sflag:s8] =	ssyncset.s32 @!p0 $0xFFFFF086;
	s6 =	sadd.s32 @!p0 s3, s7;
	s7 =	simm.s32 @!p0 $0x108  }
0x21: {  	s3 =	sadd.s32 s3, s9;
	s6 =	sadd.s32 @!p0 $0x88, s6;
	s7 =	simm.s32 @p2 $0x1082  }
0x22: {  	[simem:s7], [sflag:s8] =	dma.local @!p0 [hbm:s6], $0xF7A  }
0x23: {  	s9 =	sor.u32 $0xD0000000, s2;
	s6 =	simm.s32 $0x108;
	_ =	swait.ge @!p0 [sflag:s8], $0x0  }
0x24: {  	s3 =	sadd.s32 $0x88, s3;
	s6 =	simm.s32 @!p1 $0x1082;
	[sflag:s4] =	ssyncset.s32 $0xFFFFF086  }
0x25: {  	[simem:s6], [sflag:s4] =	dma.local [hbm:s3], $0xF7A  }
0x26: {  	[smem:$0x3F9B] =	sst s1;
	(tag) =	ssettag s2;
	_ =	strace s9  }
0x27: {  	s1 =	sld [smem:$0x3FAB]  }
0x28: {  	s2 =	sld [smem:$0x3FAC]  }
0x29: {  	s4 =	sld [smem:$0x3FAE]  }
0x2a: {  	p0 =	seq.s32 s5, $0x0;
	s5 =	sld [smem:$0x3FAF]  }
0x2b: {  	s6 =	sld [smem:$0x3FB0]  }
0x2c: {  	s7 =	sld [smem:$0x3FB1]  }
0x2d: {  	s3 =	simm.s32 $0x108;
	s8 =	sld [smem:$0x3FB2]  }
0x2e: {  	s3 =	simm.s32 @!p0 $0x1082;
	s9 =	sld [smem:$0x3FB3]  }
0x2f: {  	lr =	sadd.s32 s0, s3;
	s0 =	sld [smem:$0x3FAA]  }
0x30: {  	s3 =	sld [smem:$0x3FAD]  }
0x31: {  	[smem:$0x3FB6] =	sst s10  }
0x32: {  	s10 =	sld [smem:$0x3FB4];
	_ =	sdelay $0x3  }
0x33: {  	p0 =	seq.s32 s10, $0x1;
	s10 =	sld [smem:$0x3FB6];
	_ =	sdelay $0x3  }
0x34: {  	[smem:$0x3FB6] =	sst s10  }
0x35: {  	s10 =	sld [smem:$0x3FB5];
	_ =	sdelay $0x3  }
0x36: {  	p1 =	seq.s32 s10, $0x1;
	s10 =	sld [smem:$0x3FB6];
	_ =	sdelay $0x3  }
0x37: {  	[smem:$0x3FB6] =	sst s10  }
0x38: {  	s10 =	sld [smem:$0x3FB7]  }
0x39: {  	_ = 	snop;
	(pc) =	sbr.ind lr, $3  }
0x3a: {  	_ = 	snop  }
0x3b: {  	_ = 	snop  }
0x3c: {  	p2 =	seq.s32 s10, $0x1;
	s10 =	sld [smem:$0x3FB6]  }
0x3d: {  	_ =	shalt  }
0x3e: {  	_ =	shalt  }
0x3f: {  	_ =	shalt  }
0x40: {  	_ =	shalt  }
0x41: {  	_ =	shalt  }
0x42: {  	_ =	shalt  }
0x43: {  	_ =	shalt  }
0x44: {  	_ =	shalt  }
0x45: {  	_ =	shalt  }
0x46: {  	_ =	shalt  }
0x47: {  	_ =	shalt  }
0x48: {  	_ =	shalt  }
0x49: {  	_ =	shalt  }
0x4a: {  	_ =	shalt  }
0x4b: {  	_ =	shalt  }
0x4c: {  	_ =	shalt  }
0x4d: {  	_ =	shalt  }
0x4e: {  	_ =	shalt  }
0x4f: {  	_ =	shalt  }
0x50: {  	_ =	shalt  }
0x51: {  	_ =	shalt  }
0x52: {  	_ =	shalt  }
0x53: {  	_ =	shalt  }
0x54: {  	_ =	shalt  }
0x55: {  	_ =	shalt  }
0x56: {  	_ =	shalt  }
0x57: {  	_ =	shalt  }
0x58: {  	_ =	shalt  }
0x59: {  	_ =	shalt  }
0x5a: {  	_ =	shalt  }
0x5b: {  	_ =	shalt  }
0x5c: {  	_ =	shalt  }
0x5d: {  	_ =	shalt  }
0x5e: {  	_ =	shalt  }
0x5f: {  	_ =	shalt  }
0x60: {  	_ =	shalt  }
0x61: {  	_ =	shalt  }
0x62: {  	_ =	shalt  }
0x63: {  	_ =	shalt  }
0x64: {  	_ =	shalt  }
0x65: {  	_ =	shalt  }
0x66: {  	_ =	shalt  }
0x67: {  	_ =	shalt  }
0x68: {  	_ =	shalt  }
0x69: {  	_ =	shalt  }
0x6a: {  	_ =	shalt  }
0x6b: {  	_ =	shalt  }
0x6c: {  	_ =	shalt  }
0x6d: {  	_ =	shalt  }
0x6e: {  	_ =	shalt  }
0x6f: {  	_ =	shalt  }
0x70: {  	_ =	shalt  }
0x71: {  	_ =	shalt  }
0x72: {  	_ =	shalt  }
0x73: {  	_ =	shalt  }
0x74: {  	_ =	shalt  }
0x75: {  	_ =	shalt  }
0x76: {  	_ =	shalt  }
0x77: {  	_ =	shalt  }
0x78: {  	_ =	shalt  }
0x79: {  	_ =	shalt  }
0x7a: {  	_ =	shalt  }
0x7b: {  	_ =	shalt  }
0x7c: {  	_ =	shalt  }
0x7d: {  	_ =	shalt  }
0x7e: {  	_ =	shalt  }
0x7f: {  	_ =	shalt  }
0x80: {  	_ =	shalt  }
0x81: {  	_ =	shalt  }
0x82: {  	_ =	shalt  }
0x83: {  	_ =	shalt  }
0x84: {  	_ =	shalt  }
0x85: {  	_ =	shalt  }
0x86: {  	_ =	shalt  }
0x87: {  	_ =	shalt  }
.Lfunc_end0:
.L_simem_size_0:
called_computation.1_lowered:
.L_overlay_start_0:
0x88: {  	s2 =	sld [smem:$0x3FD9]  }
0x89: {  	s3 =	sld [smem:$0x3FFE];
	_ =	sdelay $0x1  }
0x8a: {  	s1 =	srdreg.scid  }
0x8b: {  	s0 =	sand.u32 $0x1, s1  }
0x8c: {  	s14 =	sshll.u32 s0, $0xA;
	s2 =	sadd.s32 s3, s2  }
0x8d: {  	s2 =	sadd.s32 s2, s14  }
0x8e: {  	[smem:$0x3FC2] =	sst s2  }
0x8f: {  	_ = 	snop  }
0x90: {  	s2 =	sld [smem:$0x3FD0];
	_ =	sdelay $0x2  }
0x91: {  	s15 =	simm.s32 $0xA;
	s4 =	simm.s32 $0x10  }
0x92: {  	[smem:s4], [sflag:s15] =	dma.local [hbm:s2], $0x1  }
0x93: {  	_ =	swait.eq [sflag:s15], $0x1  }
0x94: {  	[sflag:s15] =	ssyncset.done $0x0  }
0x95: {  	[sflag:s15] =	ssyncadd.s32 $0xFFFFFFFF  }
0x96: {  	s16 =	sld [smem:$0x11];
	(tm) =	ssettm $0x1  }
0x97: {  	s17 =	sld [smem:$0x3FFB];
	_ =	sdelay $0x3  }
0x98: {  	_ =	strace s17  }
0x99: {  	s3 =	sld [smem:$0x3FFC];
	_ =	sdelay $0x3  }
0x9a: {  	_ =	strace s3  }
0x9b: {  	s3 =	sld [smem:$0x3FFD];
	_ =	sdelay $0x3  }
0x9c: {  	_ =	strace s3  }
0x9d: {  	_ =	strace $0x8FFFFFFF  }
0x9e: {  	s18 =	sld [smem:$0x3FDB];
	_ =	sdelay $0x1  }
0x9f: {  	s19 =	simm.s32 $_scs_section_size  }
0xa0: {  	s5 =	simm.s32 $_size__tile_overlayer_lowered;
	s6 =	simm.s32 $_tile_overlayer_lowered  }
0xa1: {  	s22 =	simm.s32 $0x1BFF;
	s21 =	sshll.u32 s6, $0x1;
	s3 =	sadd.s32 s19, s18  }
0xa2: {  	s7 =	simm.s32 $0x0;
	s20 =	sshll.u32 s5, $0x1;
	s5 =	sadd.s32 s21, s3  }
0xa3: {  	[timem:s7], [sflag:s22] =	dma.local [hbm:s5], s20  }
0xa4: {  	_ =	swait.ge [sflag:s22], s20  }
0xa5: {  	s4 =	ssub.s32 $0x0, s20;
	[sflag:s22] =	ssyncset.done $0x0  }
0xa6: {  	[sflag:s22] =	ssyncadd.s32 s4;
	_ =	sdelay $0x1  }
0xa7: {  	s23 =	simm.s32 $0x1B8B  }
0xa8: {  	_ =	swait.ge [sflag:s23], $0x1  }
0xa9: {  	[sflag:s23] =	ssyncset.done $0x0  }
0xaa: {  	s25 =	simm.s32 $0x1B8E;
	s24 =	sld [smem:$0x3FFE];
	[sflag:s23] =	ssyncadd.s32 $0xFFFFFFFF  }
0xab: {  	s26 =	simm.s32 $execute0_lowered;
	[smem:$0x3FD2] =	sst s25  }
0xac: {  	s5 =	sshll.u32 s26, $0x1;
	_ =	strace $0x80000049;
	[dreg:$0x1] =	wrdreg $0xFFFFFFFF  }
0xad: {  	s28 =	simm.s32 $_size_execute0_lowered;
	s3 =	sadd.s32 s3, s5;
	[dreg:$0x0] =	wrdreg $0x0  }
0xae: {  	s5 =	sshll.u32 s28, $0x1;
	[dreg:$0x2] =	wrdreg s3  }
0xaf: {  	[dreg:$0x3] =	wrdreg s5  }
0xb0: {  	[dreg:$0x4] =	wrdreg $0xC0  }
0xb1: {  	_ =	task [dreg:s7], $0x5FFFF  }
0xb2: {  	[dreg:$0x1] =	wrdreg $0xFFFFFFFF  }
0xb3: {  	[dreg:$0x0] =	wrdreg $0x60  }
0xb4: {  	[dreg:$0x2] =	wrdreg s24  }
0xb5: {  	[dreg:$0x3] =	wrdreg s16  }
0xb6: {  	[dreg:$0x4] =	wrdreg $0xD0000  }
0xb7: {  	[dreg:$0x5] =	wrdreg $0x9  }
0xb8: {  	_ =	task.clear_ibuf [dreg:s7], $0x6FFFF;
	_ =	strace $0x90000049  }
0xb9: {  	s29 =	simm.s32 $0x9;
	_ =	strace $0x8000004B  }
0xba: {  	_ =	swait.ge [sflag:s29], $0x1  }
0xbb: {  	[sflag:s29] =	ssyncadd.s32 $0xFFFFFFFF  }
0xbc: {  	_ =	strace $0x9000004B  }
0xbd: {  	_ =	sfence  }
0xbe: {  	s30 =	sld [smem:$0x0];
	_ =	sdelay $0x2  }
0xbf: {  	s31 =	sshll.u32 s1, $0xD;
	s1 =	sshrl.u32 s1, $0x2  }
0xc0: {  	s3 =	sand.u32 $0x4000, s31;
	s1 =	sadd.s32 s1, s30  }
0xc1: {  	s0 =	sor.u32 s3, s0;
	s1 =	sshll.u32 s1, $0x11  }
0xc2: {  	s0 =	sor.u32 s1, s0  }
0xc3: {  	s0 =	sadd.s32 $0x8F2B, s0  }
0xc4: {  	[sflag:s0] =	ssyncadd.remote.s32 $0x1  }
0xc5: {  	_ =	sfence.sel $0xFFFF  }
0xc6: {  	[dreg:$0x0] =	wrdreg $0xFFFFFFFF;
	(pc) =	sbr.abs _section_cstart, $3  }
0xc7: {  	[dreg:$0x1] =	wrdreg $0xFFFFFFFF  }
0xc8: {  	_ =	task.clear_ibuf [dreg:s7], $0x2FFFF;
	_ =	strace $0x9FFFFFFF  }
0xc9: {  	(tm) =	ssettm $0x7FFFFFFF  }
tec
execute0_lowered:
.L_overlay_start_1:
0x0: {  	(tag) =	ssettag $0x1  }
0x1: {  	s0 =	rddreg [dreg:$0x0]  }
0x2: {  	s2 =	rddreg [dreg:$0x1]  }
0x3: {  	s1 =	rddreg [dreg:$0x2];
	s3 =	simm.s32 $0x0  }
0x4: {  	s13 =	stileid.u32;
	s22 =	srdreg.scid;
	s19 =	simm.s32 $0x9  }
0x5: {  	s20 =	simm.s32 $0x80;
	s21 =	simm.s32 $0x5000;
	s29 =	simm.s32 $0x9000  }
0x6: {  	s31 =	simm.s32 $0xA000;
	s16 =	simm.s32 $0xB000;
	s18 =	simm.s32 $0x2  }
0x7: {  	s28 =	simm.s32 $0xC000;
	s30 =	simm.s32 $0x3;
	s17 =	simm.s32 $0xE  }
0x8: {  	s14 =	simm.s32 $0xF;
	[smem:$0x7FF] =	sst s3;
	s4 =	sadd.s32 $0x16A00, s0  }
0x9: {  	s5 =	smul.u32 $0x5000, s13;
	s3 =	sand.u32 $0x1, s22;
	s6 =	sadd.s32 $0x2800, s0  }
0xa: {  	s7 =	sadd.s32 $0x16200, s0;
	s25 =	sadd.s32 $0xC300, s0;
	s22 =	simm.s32 $0x6000  }
0xb: {  	_ =	strace $0x8000004A;
	s8 =	sshll.u32 s3, $0x4;
	s10 =	ssub.s32 $0x2, s3  }
0xc: {  	s3 =	smul.u32 $0x50000, s3;
	[dreg:$0xb] =	wrdreg s25;
	s25 =	simm.s32 $0x4  }
0xd: {  	s9 =	sshrl.u32 s5, $0x3;
	s8 =	sor.u32 s13, s8;
	s11 =	sshrl.u32 s10, $0x1  }
0xe: {  	s23 =	sadd.s32 s5, s1;
	s13 =	sshll.u32 s13, $0x6;
	s12 =	smul.u32 $0x2800, s8  }
0xf: {  	s9 =	sadd.s32 s9, s0;
	s10 =	ssub.s32 s10, s11;
	s24 =	smul.u32 $0x500, s8  }
0x10: {  	[dreg:$0x5] =	wrdreg s13;
	s13 =	sor.u32 $0x1C09, s13;
	s3 =	sadd.s32 s5, s3  }
0x11: {  	s5 =	sadd.s32 $0x15F40, s0;
	s0 =	sadd.s32 $0x165C0, s0;
	p0 =	seq.s32 s8, $0x1F  }
0x12: {  	s15 =	sshrl.u32 s23, $0x3;
	s23 =	simm.s32 $0xA;
	s8 =	simm.s32 $0xC  }
0x13: {  	s11 =	simm.s32 $0x0;
	s9 =	sadd.s32 $0x20A00, s9;
	[dreg:$0x6] =	wrdreg s13  }
0x14: {  	s3 =	sshrl.u32 s3, $0x3;
	s26 =	smax.u32 s10, $0x1;
	[dreg:$0xe] =	wrdreg s15  }
0x15: {  	s13 =	simm.s32 $0x8;
	[dreg:$0x4] =	wrdreg s9;
	s12 =	sshrl.u32 s12, $0x3  }
0x16: {  	s2 =	sadd.s32 s2, s3;
	[dreg:$0xd] =	wrdreg s26;
	s26 =	simm.s32 $0x8000  }
0x17: {  	s12 =	sadd.s32 s6, s12;
	s6 =	sadd.s32 s6, s24;
	[dreg:$0xc] =	wrdreg s2  }
0x18: {  	s24 =	simm.s32 $0x7000;
	[dreg:$0x7] =	wrdreg s6;
	s6 =	sadd.s32 $0x140, s12  }
0x19: {  	s2 =	simm.s32 $0x5;
	s9 =	sadd.s32 $0x9C40, s12;
	s6 =	smov.u32 @p0 s7  }
0x1a: {  	s12 =	sadd.s32 $0x9D80, s12;
	s9 =	smov.u32 @p0 s5;
	[dreg:$0x8] =	wrdreg s6  }
0x1b: {  	s12 =	smov.u32 @p0 s0;
	s0 =	simm.s32 $0x1;
	[dreg:$0x9] =	wrdreg s9  }
0x1c: {  	s5 =	simm.s32 $0xB;
	s7 =	simm.s32 $0x6;
	[dreg:$0xa] =	wrdreg s12  }
0x1d: {  	s12 =	simm.s32 $0x7;
	s6 =	simm.s32 $0xD;
	s9 =	simm.s32 $0x10  }
.LBB2_1:
0x1e: {  	[dreg:$0xf] =	wrdreg s11  }
0x1f: {  	s3 =	rddreg [dreg:$0x4]  }
0x20: {  	s10 =	rddreg [dreg:$0x6]  }
0x21: {  	[spmem:s15], [sflag:s10] =	dma.local [hbm:s3], $0xA00  }
0x22: {  	s3 =	simm.s32 @p0 $0x0;
	s10 =	rddreg [dreg:$0xb]  }
0x23: {  	[tilespmem:s3], [sflag:$0x9] =	stream.linear.gather @p0 [hbm4b:s10+s3], $0xA00, $0x38;
	[tilespmem:$0x12000] =	vst v63  }
0x24: {  	s3 =	simm.s32 @!p0 $0x0;
	s10 =	rddreg [dreg:$0x7]  }
0x25: {  	[tilespmem:s3], [sflag:$0x9] =	stream.linear.gather @!p0 [hbm4b:s10+s3], $0xA00, $0x38;
	[tilespmem:$0x12000] =	vst v63  }
0x26: {  	s11 =	simm.s32 $0xA00;
	s15 =	rddreg [dreg:$0x8];
	s3 =	simm.s32 $0x0  }
0x27: {  	[tilespmem:s11], [sflag:$0x9] =	stream.linear.gather [hbm4b:s15+s3], $0x1E00, $0x38;
	[tilespmem:$0x12000] =	vst v63  }
0x28: {  	s11 =	rddreg [dreg:$0x9];
	s15 =	simm.s32 $0x2800  }
0x29: {  	[tilespmem:s15], [sflag:$0x9] =	stream.linear.gather [hbm4b:s11+s3], $0xA00, $0x38;
	[tilespmem:$0x12000] =	vst v63  }
0x2a: {  	s10 =	rddreg [dreg:$0xa];
	s11 =	simm.s32 $0x3200  }
0x2b: {  	[tilespmem:s11], [sflag:$0x9] =	stream.linear.gather [hbm4b:s10+s3], $0x1E00, $0x38;
	[tilespmem:$0x12000] =	vst v63  }
0x2c: {  	_ =	swait.ge [sflag:s19], $0xA00  }
0x2d: {  	[sflag:s19] =	ssyncset.done $0x0  }
0x2e: {  	[sflag:s19] =	ssyncadd.s32 $0xFFFFF600  }
0x2f: {  	_ =	swait.ge [sflag:s19], $0xA00  }
0x30: {  	[sflag:s19] =	ssyncset.done $0x0  }
0x31: {  	[sflag:s19] =	ssyncadd.s32 $0xFFFFF600  }
0x32: {  	_ =	swait.ge [sflag:s19], $0x1E00  }
0x33: {  	[sflag:s19] =	ssyncset.done $0x0  }
0x34: {  	[sflag:s19] =	ssyncadd.s32 $0xFFFFE200  }
0x35: {  	_ =	swait.ge [sflag:s19], $0xA00  }
0x36: {  	[sflag:s19] =	ssyncset.done $0x0  }
0x37: {  	[sflag:s19] =	ssyncadd.s32 $0xFFFFF600  }
0x38: {  	_ =	swait.ge [sflag:s19], $0x1E00  }
0x39: {  	[sflag:s19] =	ssyncset.done $0x0  }
0x3a: {  	[sflag:s19] =	ssyncadd.s32 $0xFFFFE200  }
0x3b: {  	[bflag:$0x0] =	sbarrier.arrive $0xFFFF  }
0x3c: {  	[tilespmem:s21], [sflag:$0x1] =	stream.indirect.gather [hbm4b:s4+s20], $0x20, s3, s20, $0xb8;
	[tilespmem:$0x12000] =	vst v63  }
0x3d: {  	_ = 	snop  }
0x3e: {  	[tilespmem:s22], [sflag:$0x2] =	stream.indirect.gather [hbm4b:s4+s20], $0x20, s20, s20, $0xb8;
	[tilespmem:$0x12000] =	vst v63  }
0x3f: {  	s10 =	simm.s32 $0x100  }
0x40: {  	[tilespmem:s24], [sflag:$0x3] =	stream.indirect.gather [hbm4b:s4+s20], $0x20, s10, s20, $0xb8;
	[tilespmem:$0x12000] =	vst v63  }
0x41: {  	s11 =	simm.s32 $0x180  }
0x42: {  	[tilespmem:s26], [sflag:$0x4] =	stream.indirect.gather [hbm4b:s4+s20], $0x20, s11, s20, $0xb8;
	[tilespmem:$0x12000] =	vst v63  }
0x43: {  	s10 =	simm.s32 $0x200  }
0x44: {  	[tilespmem:s29], [sflag:$0x5] =	stream.indirect.gather [hbm4b:s4+s20], $0x20, s10, s20, $0xb8;
	[tilespmem:$0x12000] =	vst v63  }
0x45: {  	s11 =	simm.s32 $0x280  }
0x46: {  	[tilespmem:s31], [sflag:$0x6] =	stream.indirect.gather [hbm4b:s4+s20], $0x20, s11, s20, $0xb8;
	[tilespmem:$0x12000] =	vst v63  }
0x47: {  	_ =	swait.ge [sflag:s0], $0x1000  }
0x48: {  	[sflag:s0] =	ssyncset.done $0x0  }
0x49: {  	[sflag:s0] =	ssyncadd.s32 $0xFFFFF000  }
0x4a: {  	[spmem:s1] =	stream.indirect.scatter.add.f32 [tilespmem:s21], [sflag:$0x9], $0x20, s15, s20, $0xb8;
	[tilespmem:$0x12000] =	vst v63  }
0x4b: {  	s10 =	simm.s32 $0x300  }
0x4c: {  	[tilespmem:s16], [sflag:$0x7] =	stream.indirect.gather [hbm4b:s4+s20], $0x20, s10, s20, $0xb8;
	[tilespmem:$0x12000] =	vst v63  }
0x4d: {  	_ =	swait.ge [sflag:s18], $0x1000  }
0x4e: {  	[sflag:s18] =	ssyncset.done $0x0  }
0x4f: {  	s11 =	simm.s32 $0x2880;
	[sflag:s18] =	ssyncadd.s32 $0xFFFFF000  }
0x50: {  	[spmem:s1] =	stream.indirect.scatter.add.f32 [tilespmem:s22], [sflag:$0xA], $0x20, s11, s20, $0xb8;
	[tilespmem:$0x12000] =	vst v63  }
0x51: {  	s15 =	simm.s32 $0x380  }
0x52: {  	[tilespmem:s28], [sflag:$0x8] =	stream.indirect.gather [hbm4b:s4+s20], $0x20, s15, s20, $0xb8;
	[tilespmem:$0x12000] =	vst v63  }
0x53: {  	_ =	swait.ge [sflag:s30], $0x1000  }
0x54: {  	[sflag:s30] =	ssyncset.done $0x0  }
0x55: {  	s10 =	simm.s32 $0x2900;
	[sflag:s30] =	ssyncadd.s32 $0xFFFFF000  }
0x56: {  	[spmem:s1] =	stream.indirect.scatter.add.f32 [tilespmem:s24], [sflag:$0xB], $0x20, s10, s20, $0xb8;
	[tilespmem:$0x12000] =	vst v63  }
0x57: {  	_ =	swait.ge [sflag:s19], $0x1000  }
0x58: {  	[sflag:s19] =	ssyncset.done $0x0  }
0x59: {  	s11 =	simm.s32 $0x400;
	[sflag:s19] =	ssyncadd.s32 $0xFFFFF000  }
0x5a: {  	[tilespmem:s21], [sflag:$0x1] =	stream.indirect.gather [hbm4b:s4+s20], $0x20, s11, s20, $0xb8;
	[tilespmem:$0x12000] =	vst v63  }
0x5b: {  	_ =	swait.ge [sflag:s25], $0x1000  }
0x5c: {  	[sflag:s25] =	ssyncset.done $0x0  }
0x5d: {  	s15 =	simm.s32 $0x2980;
	[sflag:s25] =	ssyncadd.s32 $0xFFFFF000  }
0x5e: {  	[spmem:s1] =	stream.indirect.scatter.add.f32 [tilespmem:s26], [sflag:$0xC], $0x20, s15, s20, $0xb8;
	[tilespmem:$0x12000] =	vst v63  }
0x5f: {  	_ =	swait.ge [sflag:s23], $0x1000  }
0x60: {  	[sflag:s23] =	ssyncset.done $0x0  }
0x61: {  	s10 =	simm.s32 $0x480;
	[sflag:s23] =	ssyncadd.s32 $0xFFFFF000  }
0x62: {  	[tilespmem:s22], [sflag:$0x2] =	stream.indirect.gather [hbm4b:s4+s20], $0x20, s10, s20, $0xb8;
	[tilespmem:$0x12000] =	vst v63  }
0x63: {  	_ =	swait.ge [sflag:s2], $0x1000  }
0x64: {  	[sflag:s2] =	ssyncset.done $0x0  }
0x65: {  	s11 =	simm.s32 $0x2A00;
	[sflag:s2] =	ssyncadd.s32 $0xFFFFF000  }
0x66: {  	[spmem:s1] =	stream.indirect.scatter.add.f32 [tilespmem:s29], [sflag:$0xD], $0x20, s11, s20, $0xb8;
	[tilespmem:$0x12000] =	vst v63  }
0x67: {  	_ =	swait.ge [sflag:s5], $0x1000  }
0x68: {  	[sflag:s5] =	ssyncset.done $0x0  }
0x69: {  	s15 =	simm.s32 $0x500;
	[sflag:s5] =	ssyncadd.s32 $0xFFFFF000  }
0x6a: {  	[tilespmem:s24], [sflag:$0x3] =	stream.indirect.gather [hbm4b:s4+s20], $0x20, s15, s20, $0xb8;
	[tilespmem:$0x12000] =	vst v63  }
0x6b: {  	_ =	swait.ge [sflag:s7], $0x1000  }
0x6c: {  	[sflag:s7] =	ssyncset.done $0x0  }
0x6d: {  	s10 =	simm.s32 $0x2A80;
	[sflag:s7] =	ssyncadd.s32 $0xFFFFF000  }
0x6e: {  	[spmem:s1] =	stream.indirect.scatter.add.f32 [tilespmem:s31], [sflag:$0xE], $0x20, s10, s20, $0xb8;
	[tilespmem:$0x12000] =	vst v63  }
0x6f: {  	_ =	swait.ge [sflag:s8], $0x1000  }
0x70: {  	[sflag:s8] =	ssyncset.done $0x0  }
0x71: {  	s11 =	simm.s32 $0x580;
	[sflag:s8] =	ssyncadd.s32 $0xFFFFF000  }
0x72: {  	[tilespmem:s26], [sflag:$0x4] =	stream.indirect.gather [hbm4b:s4+s20], $0x20, s11, s20, $0xb8;
	[tilespmem:$0x12000] =	vst v63  }
0x73: {  	_ =	swait.ge [sflag:s12], $0x1000  }
0x74: {  	[sflag:s12] =	ssyncset.done $0x0  }
0x75: {  	s15 =	simm.s32 $0x2B00;
	[sflag:s12] =	ssyncadd.s32 $0xFFFFF000  }
0x76: {  	[spmem:s1] =	stream.indirect.scatter.add.f32 [tilespmem:s16], [sflag:$0xF], $0x20, s15, s20, $0xb8;
	[tilespmem:$0x12000] =	vst v63  }
0x77: {  	_ =	swait.ge [sflag:s6], $0x1000  }
0x78: {  	[sflag:s6] =	ssyncset.done $0x0  }
0x79: {  	s10 =	simm.s32 $0x600;
	[sflag:s6] =	ssyncadd.s32 $0xFFFFF000  }
0x7a: {  	[tilespmem:s29], [sflag:$0x5] =	stream.indirect.gather [hbm4b:s4+s20], $0x20, s10, s20, $0xb8;
	[tilespmem:$0x12000] =	vst v63  }
0x7b: {  	_ =	swait.ge [sflag:s13], $0x1000  }
0x7c: {  	[sflag:s13] =	ssyncset.done $0x0  }
0x7d: {  	s11 =	simm.s32 $0x2B80;
	[sflag:s13] =	ssyncadd.s32 $0xFFFFF000  }
0x7e: {  	[spmem:s1] =	stream.indirect.scatter.add.f32 [tilespmem:s28], [sflag:$0x10], $0x20, s11, s20, $0xb8;
	[tilespmem:$0x12000] =	vst v63  }
0x7f: {  	_ =	swait.ge [sflag:s17], $0x1000  }
0x80: {  	[sflag:s17] =	ssyncset.done $0x0  }
0x81: {  	s15 =	simm.s32 $0x680;
	[sflag:s17] =	ssyncadd.s32 $0xFFFFF000  }
0x82: {  	[tilespmem:s31], [sflag:$0x6] =	stream.indirect.gather [hbm4b:s4+s20], $0x20, s15, s20, $0xb8;
	[tilespmem:$0x12000] =	vst v63  }
0x83: {  	_ =	swait.ge [sflag:s0], $0x1000  }
0x84: {  	[sflag:s0] =	ssyncset.done $0x0  }
0x85: {  	s10 =	simm.s32 $0x2C00;
	[sflag:s0] =	ssyncadd.s32 $0xFFFFF000  }
0x86: {  	[spmem:s1] =	stream.indirect.scatter.add.f32 [tilespmem:s21], [sflag:$0x9], $0x20, s10, s20, $0xb8;
	[tilespmem:$0x12000] =	vst v63  }
0x87: {  	_ =	swait.ge [sflag:s14], $0x1000  }
0x88: {  	[sflag:s14] =	ssyncset.done $0x0  }
0x89: {  	s11 =	simm.s32 $0x700;
	[sflag:s14] =	ssyncadd.s32 $0xFFFFF000  }
0x8a: {  	[tilespmem:s16], [sflag:$0x7] =	stream.indirect.gather [hbm4b:s4+s20], $0x20, s11, s20, $0xb8;
	[tilespmem:$0x12000] =	vst v63  }
0x8b: {  	_ =	swait.ge [sflag:s18], $0x1000  }
0x8c: {  	[sflag:s18] =	ssyncset.done $0x0  }
0x8d: {  	s15 =	simm.s32 $0x2C80;
	[sflag:s18] =	ssyncadd.s32 $0xFFFFF000  }
0x8e: {  	[spmem:s1] =	stream.indirect.scatter.add.f32 [tilespmem:s22], [sflag:$0xA], $0x20, s15, s20, $0xb8;
	[tilespmem:$0x12000] =	vst v63  }
0x8f: {  	_ =	swait.ge [sflag:s9], $0x1000  }
0x90: {  	[sflag:s9] =	ssyncset.done $0x0  }
0x91: {  	s10 =	simm.s32 $0x780;
	[sflag:s9] =	ssyncadd.s32 $0xFFFFF000  }
0x92: {  	[tilespmem:s28], [sflag:$0x8] =	stream.indirect.gather [hbm4b:s4+s20], $0x20, s10, s20, $0xb8;
	[tilespmem:$0x12000] =	vst v63  }
0x93: {  	_ =	swait.ge [sflag:s30], $0x1000  }
0x94: {  	[sflag:s30] =	ssyncset.done $0x0  }
0x95: {  	s11 =	simm.s32 $0x2D00;
	[sflag:s30] =	ssyncadd.s32 $0xFFFFF000  }
0x96: {  	[spmem:s1] =	stream.indirect.scatter.add.f32 [tilespmem:s24], [sflag:$0xB], $0x20, s11, s20, $0xb8;
	[tilespmem:$0x12000] =	vst v63  }
0x97: {  	_ =	swait.ge [sflag:s19], $0x1000  }
0x98: {  	[sflag:s19] =	ssyncset.done $0x0  }
0x99: {  	s15 =	simm.s32 $0x800;
	[sflag:s19] =	ssyncadd.s32 $0xFFFFF000  }
0x9a: {  	[tilespmem:s21], [sflag:$0x1] =	stream.indirect.gather [hbm4b:s4+s20], $0x20, s15, s20, $0xb8;
	[tilespmem:$0x12000] =	vst v63  }
0x9b: {  	_ =	swait.ge [sflag:s25], $0x1000  }
0x9c: {  	[sflag:s25] =	ssyncset.done $0x0  }
0x9d: {  	s10 =	simm.s32 $0x2D80;
	[sflag:s25] =	ssyncadd.s32 $0xFFFFF000  }
0x9e: {  	[spmem:s1] =	stream.indirect.scatter.add.f32 [tilespmem:s26], [sflag:$0xC], $0x20, s10, s20, $0xb8;
	[tilespmem:$0x12000] =	vst v63  }
0x9f: {  	_ =	swait.ge [sflag:s23], $0x1000  }
0xa0: {  	[sflag:s23] =	ssyncset.done $0x0  }
0xa1: {  	s11 =	simm.s32 $0x880;
	[sflag:s23] =	ssyncadd.s32 $0xFFFFF000  }
0xa2: {  	[tilespmem:s22], [sflag:$0x2] =	stream.indirect.gather [hbm4b:s4+s20], $0x20, s11, s20, $0xb8;
	[tilespmem:$0x12000] =	vst v63  }
0xa3: {  	_ =	swait.ge [sflag:s2], $0x1000  }
0xa4: {  	[sflag:s2] =	ssyncset.done $0x0  }
0xa5: {  	s15 =	simm.s32 $0x2E00;
	[sflag:s2] =	ssyncadd.s32 $0xFFFFF000  }
0xa6: {  	[spmem:s1] =	stream.indirect.scatter.add.f32 [tilespmem:s29], [sflag:$0xD], $0x20, s15, s20, $0xb8;
	[tilespmem:$0x12000] =	vst v63  }
0xa7: {  	_ =	swait.ge [sflag:s5], $0x1000  }
0xa8: {  	[sflag:s5] =	ssyncset.done $0x0  }
0xa9: {  	s10 =	simm.s32 $0x900;
	[sflag:s5] =	ssyncadd.s32 $0xFFFFF000  }
0xaa: {  	[tilespmem:s24], [sflag:$0x3] =	stream.indirect.gather [hbm4b:s4+s20], $0x20, s10, s20, $0xb8;
	[tilespmem:$0x12000] =	vst v63  }
0xab: {  	_ =	swait.ge [sflag:s7], $0x1000  }
0xac: {  	[sflag:s7] =	ssyncset.done $0x0  }
0xad: {  	s11 =	simm.s32 $0x2E80;
	[sflag:s7] =	ssyncadd.s32 $0xFFFFF000  }
0xae: {  	[spmem:s1] =	stream.indirect.scatter.add.f32 [tilespmem:s31], [sflag:$0xE], $0x20, s11, s20, $0xb8;
	[tilespmem:$0x12000] =	vst v63  }
0xaf: {  	_ =	swait.ge [sflag:s8], $0x1000  }
0xb0: {  	[sflag:s8] =	ssyncset.done $0x0  }
0xb1: {  	s15 =	simm.s32 $0x980;
	[sflag:s8] =	ssyncadd.s32 $0xFFFFF000  }
0xb2: {  	[tilespmem:s26], [sflag:$0x4] =	stream.indirect.gather [hbm4b:s4+s20], $0x20, s15, s20, $0xb8;
	[tilespmem:$0x12000] =	vst v63  }
0xb3: {  	_ =	swait.ge [sflag:s12], $0x1000  }
0xb4: {  	[sflag:s12] =	ssyncset.done $0x0  }
0xb5: {  	s10 =	simm.s32 $0x2F00;
	[sflag:s12] =	ssyncadd.s32 $0xFFFFF000  }
0xb6: {  	[spmem:s1] =	stream.indirect.scatter.add.f32 [tilespmem:s16], [sflag:$0xF], $0x20, s10, s20, $0xb8;
	[tilespmem:$0x12000] =	vst v63  }
0xb7: {  	_ =	swait.ge [sflag:s6], $0x1000  }
0xb8: {  	[sflag:s6] =	ssyncset.done $0x0  }
0xb9: {  	s11 =	simm.s32 $0xA00;
	[sflag:s6] =	ssyncadd.s32 $0xFFFFF000  }
0xba: {  	[tilespmem:s29], [sflag:$0x5] =	stream.indirect.gather [hbm4b:s4+s20], $0x20, s11, s20, $0xb8;
	[tilespmem:$0x12000] =	vst v63  }
0xbb: {  	_ =	swait.ge [sflag:s13], $0x1000  }
0xbc: {  	[sflag:s13] =	ssyncset.done $0x0  }
0xbd: {  	s15 =	simm.s32 $0x2F80;
	[sflag:s13] =	ssyncadd.s32 $0xFFFFF000  }
0xbe: {  	[spmem:s1] =	stream.indirect.scatter.add.f32 [tilespmem:s28], [sflag:$0x10], $0x20, s15, s20, $0xb8;
	[tilespmem:$0x12000] =	vst v63  }
0xbf: {  	_ =	swait.ge [sflag:s17], $0x1000  }
0xc0: {  	[sflag:s17] =	ssyncset.done $0x0  }
0xc1: {  	s3 =	simm.s32 $0xA80;
	s10 =	simm.s32 $0x1000;
	[sflag:s17] =	ssyncadd.s32 $0xFFFFF000  }
.LBB2_2:
0xc2: {  	[tilespmem:s31], [sflag:$0x6] =	stream.indirect.gather [hbm4b:s4+s20], $0x20, s3, s20, $0xb8;
	[tilespmem:$0x12000] =	vst v63  }
0xc3: {  	s3 =	smov.u32 s10  }
0xc4: {  	p1 =	sne.s32 s10, $0x7000;
	s10 =	sadd.s32 $0x1000, s10;
	_ =	swait.ge [sflag:s0], $0x1000  }
0xc5: {  	s3 =	sshra.s32 s3, $0x2;
	[sflag:s0] =	ssyncset.done $0x0  }
0xc6: {  	s15 =	sadd.s32 $0x2C00, s3;
	[sflag:s0] =	ssyncadd.s32 $0xFFFFF000  }
0xc7: {  	[spmem:s1] =	stream.indirect.scatter.add.f32 [tilespmem:s21], [sflag:$0x9], $0x20, s15, s20, $0xb8;
	[tilespmem:$0x12000] =	vst v63  }
0xc8: {  	_ =	swait.ge [sflag:s14], $0x1000  }
0xc9: {  	[sflag:s14] =	ssyncset.done $0x0  }
0xca: {  	s15 =	sadd.s32 $0x700, s3;
	[sflag:s14] =	ssyncadd.s32 $0xFFFFF000  }
0xcb: {  	[tilespmem:s16], [sflag:$0x7] =	stream.indirect.gather [hbm4b:s4+s20], $0x20, s15, s20, $0xb8;
	[tilespmem:$0x12000] =	vst v63  }
0xcc: {  	_ =	swait.ge [sflag:s18], $0x1000  }
0xcd: {  	[sflag:s18] =	ssyncset.done $0x0  }
0xce: {  	s15 =	sadd.s32 $0x2C80, s3;
	[sflag:s18] =	ssyncadd.s32 $0xFFFFF000  }
0xcf: {  	[spmem:s1] =	stream.indirect.scatter.add.f32 [tilespmem:s22], [sflag:$0xA], $0x20, s15, s20, $0xb8;
	[tilespmem:$0x12000] =	vst v63  }
0xd0: {  	_ =	swait.ge [sflag:s9], $0x1000  }
0xd1: {  	[sflag:s9] =	ssyncset.done $0x0  }
0xd2: {  	s15 =	sadd.s32 $0x780, s3;
	[sflag:s9] =	ssyncadd.s32 $0xFFFFF000  }
0xd3: {  	[tilespmem:s28], [sflag:$0x8] =	stream.indirect.gather [hbm4b:s4+s20], $0x20, s15, s20, $0xb8;
	[tilespmem:$0x12000] =	vst v63  }
0xd4: {  	_ =	swait.ge [sflag:s30], $0x1000  }
0xd5: {  	[sflag:s30] =	ssyncset.done $0x0  }
0xd6: {  	s15 =	sadd.s32 $0x2D00, s3;
	[sflag:s30] =	ssyncadd.s32 $0xFFFFF000  }
0xd7: {  	[spmem:s1] =	stream.indirect.scatter.add.f32 [tilespmem:s24], [sflag:$0xB], $0x20, s15, s20, $0xb8;
	[tilespmem:$0x12000] =	vst v63  }
0xd8: {  	_ =	swait.ge [sflag:s19], $0x1000  }
0xd9: {  	[sflag:s19] =	ssyncset.done $0x0  }
0xda: {  	s15 =	sadd.s32 $0x800, s3;
	[sflag:s19] =	ssyncadd.s32 $0xFFFFF000  }
0xdb: {  	[tilespmem:s21], [sflag:$0x1] =	stream.indirect.gather [hbm4b:s4+s20], $0x20, s15, s20, $0xb8;
	[tilespmem:$0x12000] =	vst v63  }
0xdc: {  	_ =	swait.ge [sflag:s25], $0x1000  }
0xdd: {  	[sflag:s25] =	ssyncset.done $0x0  }
0xde: {  	s15 =	sadd.s32 $0x2D80, s3;
	[sflag:s25] =	ssyncadd.s32 $0xFFFFF000  }
0xdf: {  	[spmem:s1] =	stream.indirect.scatter.add.f32 [tilespmem:s26], [sflag:$0xC], $0x20, s15, s20, $0xb8;
	[tilespmem:$0x12000] =	vst v63  }
0xe0: {  	_ =	swait.ge [sflag:s23], $0x1000  }
0xe1: {  	[sflag:s23] =	ssyncset.done $0x0  }
0xe2: {  	s15 =	sadd.s32 $0x880, s3;
	[sflag:s23] =	ssyncadd.s32 $0xFFFFF000  }
0xe3: {  	[tilespmem:s22], [sflag:$0x2] =	stream.indirect.gather [hbm4b:s4+s20], $0x20, s15, s20, $0xb8;
	[tilespmem:$0x12000] =	vst v63  }
0xe4: {  	_ =	swait.ge [sflag:s2], $0x1000  }
0xe5: {  	[sflag:s2] =	ssyncset.done $0x0  }
0xe6: {  	s15 =	sadd.s32 $0x2E00, s3;
	[sflag:s2] =	ssyncadd.s32 $0xFFFFF000  }
0xe7: {  	[spmem:s1] =	stream.indirect.scatter.add.f32 [tilespmem:s29], [sflag:$0xD], $0x20, s15, s20, $0xb8;
	[tilespmem:$0x12000] =	vst v63  }
0xe8: {  	_ =	swait.ge [sflag:s5], $0x1000  }
0xe9: {  	[sflag:s5] =	ssyncset.done $0x0  }
0xea: {  	s15 =	sadd.s32 $0x900, s3;
	[sflag:s5] =	ssyncadd.s32 $0xFFFFF000  }
0xeb: {  	[tilespmem:s24], [sflag:$0x3] =	stream.indirect.gather [hbm4b:s4+s20], $0x20, s15, s20, $0xb8;
	[tilespmem:$0x12000] =	vst v63  }
0xec: {  	_ =	swait.ge [sflag:s7], $0x1000  }
0xed: {  	[sflag:s7] =	ssyncset.done $0x0  }
0xee: {  	s15 =	sadd.s32 $0x2E80, s3;
	[sflag:s7] =	ssyncadd.s32 $0xFFFFF000  }
0xef: {  	[spmem:s1] =	stream.indirect.scatter.add.f32 [tilespmem:s31], [sflag:$0xE], $0x20, s15, s20, $0xb8;
	[tilespmem:$0x12000] =	vst v63  }
0xf0: {  	_ =	swait.ge [sflag:s8], $0x1000  }
0xf1: {  	[sflag:s8] =	ssyncset.done $0x0  }
0xf2: {  	s15 =	sadd.s32 $0x980, s3;
	[sflag:s8] =	ssyncadd.s32 $0xFFFFF000  }
0xf3: {  	[tilespmem:s26], [sflag:$0x4] =	stream.indirect.gather [hbm4b:s4+s20], $0x20, s15, s20, $0xb8;
	[tilespmem:$0x12000] =	vst v63  }
0xf4: {  	_ =	swait.ge [sflag:s12], $0x1000  }
0xf5: {  	[sflag:s12] =	ssyncset.done $0x0  }
0xf6: {  	s15 =	sadd.s32 $0x2F00, s3;
	[sflag:s12] =	ssyncadd.s32 $0xFFFFF000  }
0xf7: {  	[spmem:s1] =	stream.indirect.scatter.add.f32 [tilespmem:s16], [sflag:$0xF], $0x20, s15, s20, $0xb8;
	[tilespmem:$0x12000] =	vst v63  }
0xf8: {  	_ =	swait.ge [sflag:s6], $0x1000  }
0xf9: {  	[sflag:s6] =	ssyncset.done $0x0  }
0xfa: {  	s15 =	sadd.s32 $0xA00, s3;
	[sflag:s6] =	ssyncadd.s32 $0xFFFFF000  }
0xfb: {  	[tilespmem:s29], [sflag:$0x5] =	stream.indirect.gather [hbm4b:s4+s20], $0x20, s15, s20, $0xb8;
	[tilespmem:$0x12000] =	vst v63  }
0xfc: {  	_ =	swait.ge [sflag:s13], $0x1000  }
0xfd: {  	[sflag:s13] =	ssyncset.done $0x0  }
.Ltmp0:
0xfe: {  	s15 =	sadd.s32 $0x2F80, s3;
	[sflag:s13] =	ssyncadd.s32 $0xFFFFF000;
	(pc) =	sbr.rel @p1 .LBB2_2-.Ltmp0, $4  }
0xff: {  	[spmem:s1] =	stream.indirect.scatter.add.f32 [tilespmem:s28], [sflag:$0x10], $0x20, s15, s20, $0xb8;
	[tilespmem:$0x12000] =	vst v63  }
0x100: {  	_ =	swait.ge [sflag:s17], $0x1000  }
0x101: {  	[sflag:s17] =	ssyncset.done $0x0  }
0x102: {  	s3 =	sadd.s32 $0xA80, s3;
	[sflag:s17] =	ssyncadd.s32 $0xFFFFF000  }
0x103: {  	[tilespmem:s31], [sflag:$0x6] =	stream.indirect.gather [hbm4b:s4+s20], $0x20, s3, s20, $0xb8;
	[tilespmem:$0x12000] =	vst v63  }
0x104: {  	_ =	swait.ge [sflag:s0], $0x1000  }
0x105: {  	[sflag:s0] =	ssyncset.done $0x0  }
0x106: {  	s11 =	simm.s32 $0x4C00;
	[sflag:s0] =	ssyncadd.s32 $0xFFFFF000  }
0x107: {  	[spmem:s1] =	stream.indirect.scatter.add.f32 [tilespmem:s21], [sflag:$0x9], $0x20, s11, s20, $0xb8;
	[tilespmem:$0x12000] =	vst v63  }
0x108: {  	_ =	swait.ge [sflag:s14], $0x1000  }
0x109: {  	[sflag:s14] =	ssyncset.done $0x0  }
0x10a: {  	s15 =	simm.s32 $0x2700;
	[sflag:s14] =	ssyncadd.s32 $0xFFFFF000  }
0x10b: {  	[tilespmem:s16], [sflag:$0x7] =	stream.indirect.gather [hbm4b:s4+s20], $0x20, s15, s20, $0xb8;
	[tilespmem:$0x12000] =	vst v63  }
0x10c: {  	_ =	swait.ge [sflag:s18], $0x1000  }
0x10d: {  	[sflag:s18] =	ssyncset.done $0x0  }
0x10e: {  	s10 =	simm.s32 $0x4C80;
	[sflag:s18] =	ssyncadd.s32 $0xFFFFF000  }
0x10f: {  	[spmem:s1] =	stream.indirect.scatter.add.f32 [tilespmem:s22], [sflag:$0xA], $0x20, s10, s20, $0xb8;
	[tilespmem:$0x12000] =	vst v63  }
0x110: {  	_ =	swait.ge [sflag:s9], $0x1000  }
0x111: {  	[sflag:s9] =	ssyncset.done $0x0  }
0x112: {  	s11 =	simm.s32 $0x2780;
	[sflag:s9] =	ssyncadd.s32 $0xFFFFF000  }
0x113: {  	[tilespmem:s28], [sflag:$0x8] =	stream.indirect.gather [hbm4b:s4+s20], $0x20, s11, s20, $0xb8;
	[tilespmem:$0x12000] =	vst v63  }
0x114: {  	_ =	swait.ge [sflag:s30], $0x1000  }
0x115: {  	[sflag:s30] =	ssyncset.done $0x0  }
0x116: {  	s15 =	simm.s32 $0x4D00;
	[sflag:s30] =	ssyncadd.s32 $0xFFFFF000  }
0x117: {  	[spmem:s1] =	stream.indirect.scatter.add.f32 [tilespmem:s24], [sflag:$0xB], $0x20, s15, s20, $0xb8;
	[tilespmem:$0x12000] =	vst v63  }
0x118: {  	_ =	swait.ge [sflag:s25], $0x1000  }
0x119: {  	[sflag:s25] =	ssyncset.done $0x0  }
0x11a: {  	s10 =	simm.s32 $0x4D80;
	[sflag:s25] =	ssyncadd.s32 $0xFFFFF000  }
0x11b: {  	[spmem:s1] =	stream.indirect.scatter.add.f32 [tilespmem:s26], [sflag:$0xC], $0x20, s10, s20, $0xb8;
	[tilespmem:$0x12000] =	vst v63  }
0x11c: {  	_ =	swait.ge [sflag:s2], $0x1000  }
0x11d: {  	[sflag:s2] =	ssyncset.done $0x0  }
0x11e: {  	s11 =	simm.s32 $0x4E00;
	[sflag:s2] =	ssyncadd.s32 $0xFFFFF000  }
0x11f: {  	[spmem:s1] =	stream.indirect.scatter.add.f32 [tilespmem:s29], [sflag:$0xD], $0x20, s11, s20, $0xb8;
	[tilespmem:$0x12000] =	vst v63  }
0x120: {  	_ =	swait.ge [sflag:s7], $0x1000  }
0x121: {  	[sflag:s7] =	ssyncset.done $0x0  }
0x122: {  	s15 =	simm.s32 $0x4E80;
	[sflag:s7] =	ssyncadd.s32 $0xFFFFF000  }
0x123: {  	[spmem:s1] =	stream.indirect.scatter.add.f32 [tilespmem:s31], [sflag:$0xE], $0x20, s15, s20, $0xb8;
	[tilespmem:$0x12000] =	vst v63  }
0x124: {  	_ =	swait.ge [sflag:s12], $0x1000  }
0x125: {  	[sflag:s12] =	ssyncset.done $0x0  }
0x126: {  	s10 =	simm.s32 $0x4F00;
	[sflag:s12] =	ssyncadd.s32 $0xFFFFF000  }
0x127: {  	[spmem:s1] =	stream.indirect.scatter.add.f32 [tilespmem:s16], [sflag:$0xF], $0x20, s10, s20, $0xb8;
	[tilespmem:$0x12000] =	vst v63  }
0x128: {  	_ =	swait.ge [sflag:s13], $0x1000  }
0x129: {  	[sflag:s13] =	ssyncset.done $0x0  }
0x12a: {  	s11 =	simm.s32 $0x4F80;
	[sflag:s13] =	ssyncadd.s32 $0xFFFFF000  }
0x12b: {  	[spmem:s1] =	stream.indirect.scatter.add.f32 [tilespmem:s28], [sflag:$0x10], $0x20, s11, s20, $0xb8;
	[tilespmem:$0x12000] =	vst v63  }
0x12c: {  	_ =	swait.ge [sflag:s19], $0x1000  }
0x12d: {  	[sflag:s19] =	ssyncset.done $0x0  }
0x12e: {  	[sflag:s19] =	ssyncadd.s32 $0xFFFFF000  }
0x12f: {  	_ =	swait.ge [sflag:s23], $0x1000  }
0x130: {  	[sflag:s23] =	ssyncset.done $0x0  }
0x131: {  	[sflag:s23] =	ssyncadd.s32 $0xFFFFF000  }
0x132: {  	_ =	swait.ge [sflag:s5], $0x1000  }
0x133: {  	[sflag:s5] =	ssyncset.done $0x0  }
0x134: {  	[sflag:s5] =	ssyncadd.s32 $0xFFFFF000  }
0x135: {  	_ =	swait.ge [sflag:s8], $0x1000  }
0x136: {  	[sflag:s8] =	ssyncset.done $0x0  }
0x137: {  	[sflag:s8] =	ssyncadd.s32 $0xFFFFF000  }
0x138: {  	_ =	swait.ge [sflag:s6], $0x1000  }
0x139: {  	[sflag:s6] =	ssyncset.done $0x0  }
0x13a: {  	[sflag:s6] =	ssyncadd.s32 $0xFFFFF000  }
0x13b: {  	_ =	swait.ge [sflag:s17], $0x1000  }
0x13c: {  	[sflag:s17] =	ssyncset.done $0x0  }
0x13d: {  	[sflag:s17] =	ssyncadd.s32 $0xFFFFF000  }
0x13e: {  	_ =	swait.ge [sflag:s14], $0x1000  }
0x13f: {  	[sflag:s14] =	ssyncset.done $0x0  }
0x140: {  	[sflag:s14] =	ssyncadd.s32 $0xFFFFF000  }
0x141: {  	_ =	swait.ge [sflag:s9], $0x1000  }
0x142: {  	[sflag:s9] =	ssyncset.done $0x0  }
0x143: {  	[sflag:s9] =	ssyncadd.s32 $0xFFFFF000  }
0x144: {  	[bflag:$0x0] =	sbarrier.arrive $0xFFFF  }
0x145: {  	s15 =	rddreg [dreg:$0x5]  }
0x146: {  	s10 =	rddreg [dreg:$0xc]  }
0x147: {  	s3 =	sor.u32 $0x1C11, s15;
	s15 =	rddreg [dreg:$0xe]  }
0x148: {  	[hbm:s10], [sflag:s3] =	dma.local [spmem:s15], $0xA00  }
0x149: {  	s10 =	simm.s32 $0x11  }
0x14a: {  	_ =	swait.ge [sflag:s10], $0xA00  }
0x14b: {  	s11 =	rddreg [dreg:$0xf]  }
0x14c: {  	s3 =	rddreg [dreg:$0xd];
	s11 =	sadd.s32 $0x1, s11  }
0x14d: {  	p1 =	sne.s32 s11, s3  }
.Ltmp1:
0x14e: {  	_ = 	snop;
	(pc) =	sbr.rel @p1 .LBB2_1-.Ltmp1, $3  }
0x14f: {  	_ =	sdelay $0x1  }
0x150: {  	[sflag:s10] =	ssyncset.done $0x0  }
0x151: {  	[sflag:s10] =	ssyncadd.s32 $0xFFFFF600  }
0x152: {  	_ =	sfence.sel $0x180000  }
0x153: {  	[bflag:$0x0] =	sbarrier.arrive $0xFFFF  }
0x154: {  	_ =	strace $0x9000004A  }
0x155: {  	s0 =	stileid.u32;
	[bflag:$0x2] =	sbarrier.arrive $0xFFFF  }
0x156: {  	p0 =	sne.s32 s0, $0x0;
	s0 =	rddreg [dreg:$0x3]  }
0x157: {  	s0 =	sadd.s32 @!p0 $0x100000, s0  }
0x158: {  	[sflag:s0] =	ssyncadd.tile.s32 @!p0 $0x1;
	_ =	shalt  }
.Lfunc_end2:
_tile_overlayer_lowered:
.L_overlay_start_2:
0x159: {  	(tag) =	ssettag $0x2  }
0x15a: {  	s0 =	rddreg [dreg:$0x0];
	s2 =	stileid.u32  }
0x15b: {  	s1 =	rddreg [dreg:$0x1];
	p0 =	sne.s32 s2, $0x0  }
0x15c: {  	s3 =	rddreg [dreg:$0x2];
	[bflag:$0x3] =	sbarrier.arrive $0xFFFF;
	s2 =	simm.s32 @!p0 $0x1C11  }
0x15d: {  	[timem:s3], [sflag:s2] =	dma.local @!p0 [hbm:s0], s1  }
0x15e: {  	s0 =	simm.s32 @!p0 $0x11  }
0x15f: {  	_ =	swait.ge @!p0 [sflag:s0], s1  }
0x160: {  	s1 =	ssub.s32 @!p0 $0x0, s1;
	[sflag:s0] =	ssyncset.done @!p0 $0x0  }
0x161: {  	[sflag:s0] =	ssyncadd.s32 @!p0 s1  }
0x162: {  	[bflag:$0x3] =	sbarrier.arrive $0xFFFF  }
0x163: {  	_ =	shalt  }

// kernel: kernel.14.cloned.1.call-start
scs
__scs_entry_jumppad:
0x0: {  	(pc) =	sbr.rel $0x88, $3  }
0x1: {  	(tag) =	ssettag $0x0;
	lr =	simm.s32 $0x1  }
0x2: {  	[smem:$0x3F9B] =	sst lr;
	_ =	strace $0xD0000000  }
0x3: {  	_ = 	snop  }
0x4: {  	_ = 	snop  }
0x5: {  	_ = 	snop  }
0x6: {  	_ = 	snop  }
0x7: {  	_ = 	snop  }
__scs_overlays_trampoline_lowered:
0x8: {  	[smem:$0x3FAA] =	sst s0  }
0x9: {  	[smem:$0x3FAB] =	sst s1  }
0xa: {  	[smem:$0x3FAC] =	sst s2  }
0xb: {  	[smem:$0x3FAD] =	sst s3  }
0xc: {  	[smem:$0x3FAE] =	sst s4  }
0xd: {  	[smem:$0x3FAF] =	sst s5  }
0xe: {  	[smem:$0x3FB0] =	sst s6  }
0xf: {  	[smem:$0x3FB1] =	sst s7  }
0x10: {  	[smem:$0x3FB2] =	sst s8  }
0x11: {  	[smem:$0x3FB3] =	sst s9;
	s0 =	simm.s32 @!p0 $0x0  }
0x12: {  	s1 =	sld [smem:$0x3F99];
	s0 =	simm.s32 @p0 $0x1  }
0x13: {  	[smem:$0x3FB4] =	sst s0;
	s0 =	simm.s32 @!p1 $0x0  }
0x14: {  	s2 =	sld [smem:$0x3F98];
	s0 =	simm.s32 @p1 $0x1  }
0x15: {  	[smem:$0x3FB5] =	sst s0;
	s0 =	simm.s32 @!p2 $0x0  }
0x16: {  	s3 =	sld [smem:$0x3FDB];
	s0 =	simm.s32 @p2 $0x1  }
0x17: {  	s4 =	simm.s32 $0x1BF5;
	[smem:$0x3FB7] =	sst s0  }
0x18: {  	s0 =	sld [smem:$0x3F9A];
	_ =	swait.ge [sflag:s4], $0x0  }
0x19: {  	s7 =	sld [smem:$0x3F9B]  }
0x1a: {  	s8 =	sadd.s32 $0xFFFFE003, lr  }
0x1b: {  	s9 =	sadd.s32 $0xFFFFFEF7, lr;
	s5 =	simm.s32 $0xFFFFFFFF;
	p2 =	slt.u32 s8, $0xFFFFF086  }
0x1c: {  	p1 =	slt.u32 s9, $0xF7A;
	s5 =	simm.s32 @!p2 $0x0  }
0x1d: {  	s5 =	simm.s32 @p1 $0x1;
	p0 =	seq.s32 s7, s2  }
0x1e: {  	s7 =	smul.u32 @!p0 $0xF7A, s2;
	p2 =	seq.s32 @!p0 s5, $0x0  }
0x1f: {  	s9 =	smul.u32 $0xF7A, s1;
	s8 =	simm.s32 @!p0 $0x1BF5;
	p2 =	por !p2, p0  }
0x20: {  	[sflag:s8] =	ssyncset.s32 @!p0 $0xFFFFF086;
	s6 =	sadd.s32 @!p0 s3, s7;
	s7 =	simm.s32 @!p0 $0x108  }
0x21: {  	s3 =	sadd.s32 s3, s9;
	s6 =	sadd.s32 @!p0 $0x88, s6;
	s7 =	simm.s32 @p2 $0x1082  }
0x22: {  	[simem:s7], [sflag:s8] =	dma.local @!p0 [hbm:s6], $0xF7A  }
0x23: {  	s9 =	sor.u32 $0xD0000000, s2;
	s6 =	simm.s32 $0x108;
	_ =	swait.ge @!p0 [sflag:s8], $0x0  }
0x24: {  	s3 =	sadd.s32 $0x88, s3;
	s6 =	simm.s32 @!p1 $0x1082;
	[sflag:s4] =	ssyncset.s32 $0xFFFFF086  }
0x25: {  	[simem:s6], [sflag:s4] =	dma.local [hbm:s3], $0xF7A  }
0x26: {  	[smem:$0x3F9B] =	sst s1;
	(tag) =	ssettag s2;
	_ =	strace s9  }
0x27: {  	s1 =	sld [smem:$0x3FAB]  }
0x28: {  	s2 =	sld [smem:$0x3FAC]  }
0x29: {  	s4 =	sld [smem:$0x3FAE]  }
0x2a: {  	p0 =	seq.s32 s5, $0x0;
	s5 =	sld [smem:$0x3FAF]  }
0x2b: {  	s6 =	sld [smem:$0x3FB0]  }
0x2c: {  	s7 =	sld [smem:$0x3FB1]  }
0x2d: {  	s3 =	simm.s32 $0x108;
	s8 =	sld [smem:$0x3FB2]  }
0x2e: {  	s3 =	simm.s32 @!p0 $0x1082;
	s9 =	sld [smem:$0x3FB3]  }
0x2f: {  	lr =	sadd.s32 s0, s3;
	s0 =	sld [smem:$0x3FAA]  }
0x30: {  	s3 =	sld [smem:$0x3FAD]  }
0x31: {  	[smem:$0x3FB6] =	sst s10  }
0x32: {  	s10 =	sld [smem:$0x3FB4];
	_ =	sdelay $0x3  }
0x33: {  	p0 =	seq.s32 s10, $0x1;
	s10 =	sld [smem:$0x3FB6];
	_ =	sdelay $0x3  }
0x34: {  	[smem:$0x3FB6] =	sst s10  }
0x35: {  	s10 =	sld [smem:$0x3FB5];
	_ =	sdelay $0x3  }
0x36: {  	p1 =	seq.s32 s10, $0x1;
	s10 =	sld [smem:$0x3FB6];
	_ =	sdelay $0x3  }
0x37: {  	[smem:$0x3FB6] =	sst s10  }
0x38: {  	s10 =	sld [smem:$0x3FB7]  }
0x39: {  	_ = 	snop;
	(pc) =	sbr.ind lr, $3  }
0x3a: {  	_ = 	snop  }
0x3b: {  	_ = 	snop  }
0x3c: {  	p2 =	seq.s32 s10, $0x1;
	s10 =	sld [smem:$0x3FB6]  }
0x3d: {  	_ =	shalt  }
0x3e: {  	_ =	shalt  }
0x3f: {  	_ =	shalt  }
0x40: {  	_ =	shalt  }
0x41: {  	_ =	shalt  }
0x42: {  	_ =	shalt  }
0x43: {  	_ =	shalt  }
0x44: {  	_ =	shalt  }
0x45: {  	_ =	shalt  }
0x46: {  	_ =	shalt  }
0x47: {  	_ =	shalt  }
0x48: {  	_ =	shalt  }
0x49: {  	_ =	shalt  }
0x4a: {  	_ =	shalt  }
0x4b: {  	_ =	shalt  }
0x4c: {  	_ =	shalt  }
0x4d: {  	_ =	shalt  }
0x4e: {  	_ =	shalt  }
0x4f: {  	_ =	shalt  }
0x50: {  	_ =	shalt  }
0x51: {  	_ =	shalt  }
0x52: {  	_ =	shalt  }
0x53: {  	_ =	shalt  }
0x54: {  	_ =	shalt  }
0x55: {  	_ =	shalt  }
0x56: {  	_ =	shalt  }
0x57: {  	_ =	shalt  }
0x58: {  	_ =	shalt  }
0x59: {  	_ =	shalt  }
0x5a: {  	_ =	shalt  }
0x5b: {  	_ =	shalt  }
0x5c: {  	_ =	shalt  }
0x5d: {  	_ =	shalt  }
0x5e: {  	_ =	shalt  }
0x5f: {  	_ =	shalt  }
0x60: {  	_ =	shalt  }
0x61: {  	_ =	shalt  }
0x62: {  	_ =	shalt  }
0x63: {  	_ =	shalt  }
0x64: {  	_ =	shalt  }
0x65: {  	_ =	shalt  }
0x66: {  	_ =	shalt  }
0x67: {  	_ =	shalt  }
0x68: {  	_ =	shalt  }
0x69: {  	_ =	shalt  }
0x6a: {  	_ =	shalt  }
0x6b: {  	_ =	shalt  }
0x6c: {  	_ =	shalt  }
0x6d: {  	_ =	shalt  }
0x6e: {  	_ =	shalt  }
0x6f: {  	_ =	shalt  }
0x70: {  	_ =	shalt  }
0x71: {  	_ =	shalt  }
0x72: {  	_ =	shalt  }
0x73: {  	_ =	shalt  }
0x74: {  	_ =	shalt  }
0x75: {  	_ =	shalt  }
0x76: {  	_ =	shalt  }
0x77: {  	_ =	shalt  }
0x78: {  	_ =	shalt  }
0x79: {  	_ =	shalt  }
0x7a: {  	_ =	shalt  }
0x7b: {  	_ =	shalt  }
0x7c: {  	_ =	shalt  }
0x7d: {  	_ =	shalt  }
0x7e: {  	_ =	shalt  }
0x7f: {  	_ =	shalt  }
0x80: {  	_ =	shalt  }
0x81: {  	_ =	shalt  }
0x82: {  	_ =	shalt  }
0x83: {  	_ =	shalt  }
0x84: {  	_ =	shalt  }
0x85: {  	_ =	shalt  }
0x86: {  	_ =	shalt  }
0x87: {  	_ =	shalt  }
.Lfunc_end0:
.L_simem_size_0:
called_computation.2_lowered:
.L_overlay_start_0:
0x88: {  	s2 =	sld [smem:$0x3FD9]  }
0x89: {  	s3 =	sld [smem:$0x3FFE];
	_ =	sdelay $0x1  }
0x8a: {  	s1 =	srdreg.scid  }
0x8b: {  	s0 =	sand.u32 $0x1, s1  }
0x8c: {  	s14 =	sshll.u32 s0, $0xA;
	s2 =	sadd.s32 s3, s2  }
0x8d: {  	s2 =	sadd.s32 s2, s14  }
0x8e: {  	[smem:$0x3FC2] =	sst s2  }
0x8f: {  	_ = 	snop  }
0x90: {  	s2 =	sld [smem:$0x3FD0];
	_ =	sdelay $0x2  }
0x91: {  	s15 =	simm.s32 $0xA;
	s4 =	simm.s32 $0x10  }
0x92: {  	[smem:s4], [sflag:s15] =	dma.local [hbm:s2], $0x1  }
0x93: {  	_ =	swait.eq [sflag:s15], $0x1  }
0x94: {  	[sflag:s15] =	ssyncset.done $0x0  }
0x95: {  	[sflag:s15] =	ssyncadd.s32 $0xFFFFFFFF  }
0x96: {  	s16 =	sld [smem:$0x11];
	(tm) =	ssettm $0x1  }
0x97: {  	s17 =	sld [smem:$0x3FFB];
	_ =	sdelay $0x3  }
0x98: {  	_ =	strace s17  }
0x99: {  	s3 =	sld [smem:$0x3FFC];
	_ =	sdelay $0x3  }
0x9a: {  	_ =	strace s3  }
0x9b: {  	s3 =	sld [smem:$0x3FFD];
	_ =	sdelay $0x3  }
0x9c: {  	_ =	strace s3  }
0x9d: {  	_ =	strace $0x8FFFFFFF  }
0x9e: {  	s18 =	sld [smem:$0x3FDB];
	_ =	sdelay $0x1  }
0x9f: {  	s19 =	simm.s32 $_scs_section_size  }
0xa0: {  	s5 =	simm.s32 $_size__tile_overlayer_lowered;
	s6 =	simm.s32 $_tile_overlayer_lowered  }
0xa1: {  	s22 =	simm.s32 $0x1BFF;
	s21 =	sshll.u32 s6, $0x1;
	s3 =	sadd.s32 s19, s18  }
0xa2: {  	s7 =	simm.s32 $0x0;
	s20 =	sshll.u32 s5, $0x1;
	s5 =	sadd.s32 s21, s3  }
0xa3: {  	[timem:s7], [sflag:s22] =	dma.local [hbm:s5], s20  }
0xa4: {  	_ =	swait.ge [sflag:s22], s20  }
0xa5: {  	s4 =	ssub.s32 $0x0, s20;
	[sflag:s22] =	ssyncset.done $0x0  }
0xa6: {  	[sflag:s22] =	ssyncadd.s32 s4;
	_ =	sdelay $0x1  }
0xa7: {  	s23 =	simm.s32 $0x1B8B  }
0xa8: {  	_ =	swait.ge [sflag:s23], $0x1  }
0xa9: {  	[sflag:s23] =	ssyncset.done $0x0  }
0xaa: {  	s25 =	simm.s32 $0x1B8E;
	s24 =	sld [smem:$0x3FFE];
	[sflag:s23] =	ssyncadd.s32 $0xFFFFFFFF  }
0xab: {  	s26 =	simm.s32 $execute0_lowered;
	[smem:$0x3FD2] =	sst s25  }
0xac: {  	s5 =	sshll.u32 s26, $0x1;
	_ =	strace $0x8000004C;
	[dreg:$0x1] =	wrdreg $0xFFFFFFFF  }
0xad: {  	s28 =	simm.s32 $_size_execute0_lowered;
	s3 =	sadd.s32 s3, s5;
	[dreg:$0x0] =	wrdreg $0x0  }
0xae: {  	s5 =	sshll.u32 s28, $0x1;
	[dreg:$0x2] =	wrdreg s3  }
0xaf: {  	[dreg:$0x3] =	wrdreg s5  }
0xb0: {  	[dreg:$0x4] =	wrdreg $0xC0  }
0xb1: {  	_ =	task [dreg:s7], $0x5FFFF  }
0xb2: {  	[dreg:$0x1] =	wrdreg $0xFFFFFFFF  }
0xb3: {  	[dreg:$0x0] =	wrdreg $0x60  }
0xb4: {  	[dreg:$0x2] =	wrdreg s24  }
0xb5: {  	[dreg:$0x3] =	wrdreg s16  }
0xb6: {  	[dreg:$0x4] =	wrdreg $0xD0000  }
0xb7: {  	[dreg:$0x5] =	wrdreg $0x9  }
0xb8: {  	_ =	task.clear_ibuf [dreg:s7], $0x6FFFF;
	_ =	strace $0x9000004C  }
0xb9: {  	s29 =	simm.s32 $0x9;
	_ =	strace $0x8000004E  }
0xba: {  	_ =	swait.ge [sflag:s29], $0x1  }
0xbb: {  	[sflag:s29] =	ssyncadd.s32 $0xFFFFFFFF  }
0xbc: {  	_ =	strace $0x9000004E  }
0xbd: {  	_ =	sfence  }
0xbe: {  	s30 =	sld [smem:$0x0];
	_ =	sdelay $0x2  }
0xbf: {  	s31 =	sshll.u32 s1, $0xD;
	s1 =	sshrl.u32 s1, $0x2  }
0xc0: {  	s3 =	sand.u32 $0x4000, s31;
	s1 =	sadd.s32 s1, s30  }
0xc1: {  	s0 =	sor.u32 s3, s0;
	s1 =	sshll.u32 s1, $0x11  }
0xc2: {  	s0 =	sor.u32 s1, s0  }
0xc3: {  	s0 =	sadd.s32 $0x8F2B, s0  }
0xc4: {  	[sflag:s0] =	ssyncadd.remote.s32 $0x1  }
0xc5: {  	_ =	sfence.sel $0xFFFF  }
0xc6: {  	[dreg:$0x0] =	wrdreg $0xFFFFFFFF;
	(pc) =	sbr.abs _section_cstart, $3  }
0xc7: {  	[dreg:$0x1] =	wrdreg $0xFFFFFFFF  }
0xc8: {  	_ =	task.clear_ibuf [dreg:s7], $0x2FFFF;
	_ =	strace $0x9FFFFFFF  }
0xc9: {  	(tm) =	ssettm $0x7FFFFFFF  }
tec
execute0_lowered:
.L_overlay_start_1:
0x0: {  	(tag) =	ssettag $0x1  }
0x1: {  	s0 =	rddreg [dreg:$0x0]  }
0x2: {  	s2 =	rddreg [dreg:$0x1]  }
0x3: {  	s1 =	rddreg [dreg:$0x2];
	s3 =	simm.s32 $0x0  }
0x4: {  	s13 =	stileid.u32;
	s22 =	srdreg.scid;
	s19 =	simm.s32 $0x9  }
0x5: {  	s20 =	simm.s32 $0x80;
	s21 =	simm.s32 $0x5000;
	s29 =	simm.s32 $0x9000  }
0x6: {  	s31 =	simm.s32 $0xA000;
	s16 =	simm.s32 $0xB000;
	s18 =	simm.s32 $0x2  }
0x7: {  	s28 =	simm.s32 $0xC000;
	s30 =	simm.s32 $0x3;
	s17 =	simm.s32 $0xE  }
0x8: {  	s14 =	simm.s32 $0xF;
	[smem:$0x7FF] =	sst s3;
	s4 =	sadd.s32 $0x16A00, s0  }
0x9: {  	s5 =	smul.u32 $0x5000, s13;
	s3 =	sand.u32 $0x1, s22;
	s6 =	sadd.s32 $0x2800, s0  }
0xa: {  	s7 =	sadd.s32 $0x16200, s0;
	s25 =	sadd.s32 $0xC300, s0;
	s22 =	simm.s32 $0x6000  }
0xb: {  	_ =	strace $0x8000004D;
	s8 =	sshll.u32 s3, $0x4;
	s10 =	ssub.s32 $0x2, s3  }
0xc: {  	s3 =	smul.u32 $0x50000, s3;
	[dreg:$0xb] =	wrdreg s25;
	s25 =	simm.s32 $0x4  }
0xd: {  	s9 =	sshrl.u32 s5, $0x3;
	s8 =	sor.u32 s13, s8;
	s11 =	sshrl.u32 s10, $0x1  }
0xe: {  	s23 =	sadd.s32 s5, s1;
	s13 =	sshll.u32 s13, $0x6;
	s12 =	smul.u32 $0x2800, s8  }
0xf: {  	s9 =	sadd.s32 s9, s0;
	s10 =	ssub.s32 s10, s11;
	s24 =	smul.u32 $0x500, s8  }
0x10: {  	[dreg:$0x5] =	wrdreg s13;
	s13 =	sor.u32 $0x1C09, s13;
	s3 =	sadd.s32 s5, s3  }
0x11: {  	s5 =	sadd.s32 $0x15F40, s0;
	s0 =	sadd.s32 $0x165C0, s0;
	p0 =	seq.s32 s8, $0x1F  }
0x12: {  	s15 =	sshrl.u32 s23, $0x3;
	s23 =	simm.s32 $0xA;
	s8 =	simm.s32 $0xC  }
0x13: {  	s11 =	simm.s32 $0x0;
	s9 =	sadd.s32 $0x20A00, s9;
	[dreg:$0x6] =	wrdreg s13  }
0x14: {  	s3 =	sshrl.u32 s3, $0x3;
	s26 =	smax.u32 s10, $0x1;
	[dreg:$0xe] =	wrdreg s15  }
0x15: {  	s13 =	simm.s32 $0x8;
	[dreg:$0x4] =	wrdreg s9;
	s12 =	sshrl.u32 s12, $0x3  }
0x16: {  	s2 =	sadd.s32 s2, s3;
	[dreg:$0xd] =	wrdreg s26;
	s26 =	simm.s32 $0x8000  }
0x17: {  	s12 =	sadd.s32 s6, s12;
	s6 =	sadd.s32 s6, s24;
	[dreg:$0xc] =	wrdreg s2  }
0x18: {  	s24 =	simm.s32 $0x7000;
	[dreg:$0x7] =	wrdreg s6;
	s6 =	sadd.s32 $0x140, s12  }
0x19: {  	s2 =	simm.s32 $0x5;
	s9 =	sadd.s32 $0x9C40, s12;
	s6 =	smov.u32 @p0 s7  }
0x1a: {  	s12 =	sadd.s32 $0x9D80, s12;
	s9 =	smov.u32 @p0 s5;
	[dreg:$0x8] =	wrdreg s6  }
0x1b: {  	s12 =	smov.u32 @p0 s0;
	s0 =	simm.s32 $0x1;
	[dreg:$0x9] =	wrdreg s9  }
0x1c: {  	s5 =	simm.s32 $0xB;
	s7 =	simm.s32 $0x6;
	[dreg:$0xa] =	wrdreg s12  }
0x1d: {  	s12 =	simm.s32 $0x7;
	s6 =	simm.s32 $0xD;
	s9 =	simm.s32 $0x10  }
.LBB2_1:
0x1e: {  	[dreg:$0xf] =	wrdreg s11  }
0x1f: {  	s3 =	rddreg [dreg:$0x4]  }
0x20: {  	s10 =	rddreg [dreg:$0x6]  }
0x21: {  	[spmem:s15], [sflag:s10] =	dma.local [hbm:s3], $0xA00  }
0x22: {  	s3 =	simm.s32 @p0 $0x0;
	s10 =	rddreg [dreg:$0xb]  }
0x23: {  	[tilespmem:s3], [sflag:$0x9] =	stream.linear.gather @p0 [hbm4b:s10+s3], $0xA00, $0x38;
	[tilespmem:$0x12000] =	vst v63  }
0x24: {  	s3 =	simm.s32 @!p0 $0x0;
	s10 =	rddreg [dreg:$0x7]  }
0x25: {  	[tilespmem:s3], [sflag:$0x9] =	stream.linear.gather @!p0 [hbm4b:s10+s3], $0xA00, $0x38;
	[tilespmem:$0x12000] =	vst v63  }
0x26: {  	s11 =	simm.s32 $0xA00;
	s15 =	rddreg [dreg:$0x8];
	s3 =	simm.s32 $0x0  }
0x27: {  	[tilespmem:s11], [sflag:$0x9] =	stream.linear.gather [hbm4b:s15+s3], $0x1E00, $0x38;
	[tilespmem:$0x12000] =	vst v63  }
0x28: {  	s11 =	rddreg [dreg:$0x9];
	s15 =	simm.s32 $0x2800  }
0x29: {  	[tilespmem:s15], [sflag:$0x9] =	stream.linear.gather [hbm4b:s11+s3], $0xA00, $0x38;
	[tilespmem:$0x12000] =	vst v63  }
0x2a: {  	s10 =	rddreg [dreg:$0xa];
	s11 =	simm.s32 $0x3200  }
0x2b: {  	[tilespmem:s11], [sflag:$0x9] =	stream.linear.gather [hbm4b:s10+s3], $0x1E00, $0x38;
	[tilespmem:$0x12000] =	vst v63  }
0x2c: {  	_ =	swait.ge [sflag:s19], $0xA00  }
0x2d: {  	[sflag:s19] =	ssyncset.done $0x0  }
0x2e: {  	[sflag:s19] =	ssyncadd.s32 $0xFFFFF600  }
0x2f: {  	_ =	swait.ge [sflag:s19], $0xA00  }
0x30: {  	[sflag:s19] =	ssyncset.done $0x0  }
0x31: {  	[sflag:s19] =	ssyncadd.s32 $0xFFFFF600  }
0x32: {  	_ =	swait.ge [sflag:s19], $0x1E00  }
0x33: {  	[sflag:s19] =	ssyncset.done $0x0  }
0x34: {  	[sflag:s19] =	ssyncadd.s32 $0xFFFFE200  }
0x35: {  	_ =	swait.ge [sflag:s19], $0xA00  }
0x36: {  	[sflag:s19] =	ssyncset.done $0x0  }
0x37: {  	[sflag:s19] =	ssyncadd.s32 $0xFFFFF600  }
0x38: {  	_ =	swait.ge [sflag:s19], $0x1E00  }
0x39: {  	[sflag:s19] =	ssyncset.done $0x0  }
0x3a: {  	[sflag:s19] =	ssyncadd.s32 $0xFFFFE200  }
0x3b: {  	[bflag:$0x0] =	sbarrier.arrive $0xFFFF  }
0x3c: {  	[tilespmem:s21], [sflag:$0x1] =	stream.indirect.gather [hbm4b:s4+s20], $0x20, s3, s20, $0xb8;
	[tilespmem:$0x12000] =	vst v63  }
0x3d: {  	_ = 	snop  }
0x3e: {  	[tilespmem:s22], [sflag:$0x2] =	stream.indirect.gather [hbm4b:s4+s20], $0x20, s20, s20, $0xb8;
	[tilespmem:$0x12000] =	vst v63  }
0x3f: {  	s10 =	simm.s32 $0x100  }
0x40: {  	[tilespmem:s24], [sflag:$0x3] =	stream.indirect.gather [hbm4b:s4+s20], $0x20, s10, s20, $0xb8;
	[tilespmem:$0x12000] =	vst v63  }
0x41: {  	s11 =	simm.s32 $0x180  }
0x42: {  	[tilespmem:s26], [sflag:$0x4] =	stream.indirect.gather [hbm4b:s4+s20], $0x20, s11, s20, $0xb8;
	[tilespmem:$0x12000] =	vst v63  }
0x43: {  	s10 =	simm.s32 $0x200  }
0x44: {  	[tilespmem:s29], [sflag:$0x5] =	stream.indirect.gather [hbm4b:s4+s20], $0x20, s10, s20, $0xb8;
	[tilespmem:$0x12000] =	vst v63  }
0x45: {  	s11 =	simm.s32 $0x280  }
0x46: {  	[tilespmem:s31], [sflag:$0x6] =	stream.indirect.gather [hbm4b:s4+s20], $0x20, s11, s20, $0xb8;
	[tilespmem:$0x12000] =	vst v63  }
0x47: {  	_ =	swait.ge [sflag:s0], $0x1000  }
0x48: {  	[sflag:s0] =	ssyncset.done $0x0  }
0x49: {  	[sflag:s0] =	ssyncadd.s32 $0xFFFFF000  }
0x4a: {  	[spmem:s1] =	stream.indirect.scatter.add.f32 [tilespmem:s21], [sflag:$0x9], $0x20, s15, s20, $0xb8;
	[tilespmem:$0x12000] =	vst v63  }
0x4b: {  	s10 =	simm.s32 $0x300  }
0x4c: {  	[tilespmem:s16], [sflag:$0x7] =	stream.indirect.gather [hbm4b:s4+s20], $0x20, s10, s20, $0xb8;
	[tilespmem:$0x12000] =	vst v63  }
0x4d: {  	_ =	swait.ge [sflag:s18], $0x1000  }
0x4e: {  	[sflag:s18] =	ssyncset.done $0x0  }
0x4f: {  	s11 =	simm.s32 $0x2880;
	[sflag:s18] =	ssyncadd.s32 $0xFFFFF000  }
0x50: {  	[spmem:s1] =	stream.indirect.scatter.add.f32 [tilespmem:s22], [sflag:$0xA], $0x20, s11, s20, $0xb8;
	[tilespmem:$0x12000] =	vst v63  }
0x51: {  	s15 =	simm.s32 $0x380  }
0x52: {  	[tilespmem:s28], [sflag:$0x8] =	stream.indirect.gather [hbm4b:s4+s20], $0x20, s15, s20, $0xb8;
	[tilespmem:$0x12000] =	vst v63  }
0x53: {  	_ =	swait.ge [sflag:s30], $0x1000  }
0x54: {  	[sflag:s30] =	ssyncset.done $0x0  }
0x55: {  	s10 =	simm.s32 $0x2900;
	[sflag:s30] =	ssyncadd.s32 $0xFFFFF000  }
0x56: {  	[spmem:s1] =	stream.indirect.scatter.add.f32 [tilespmem:s24], [sflag:$0xB], $0x20, s10, s20, $0xb8;
	[tilespmem:$0x12000] =	vst v63  }
0x57: {  	_ =	swait.ge [sflag:s19], $0x1000  }
0x58: {  	[sflag:s19] =	ssyncset.done $0x0  }
0x59: {  	s11 =	simm.s32 $0x400;
	[sflag:s19] =	ssyncadd.s32 $0xFFFFF000  }
0x5a: {  	[tilespmem:s21], [sflag:$0x1] =	stream.indirect.gather [hbm4b:s4+s20], $0x20, s11, s20, $0xb8;
	[tilespmem:$0x12000] =	vst v63  }
0x5b: {  	_ =	swait.ge [sflag:s25], $0x1000  }
0x5c: {  	[sflag:s25] =	ssyncset.done $0x0  }
0x5d: {  	s15 =	simm.s32 $0x2980;
	[sflag:s25] =	ssyncadd.s32 $0xFFFFF000  }
0x5e: {  	[spmem:s1] =	stream.indirect.scatter.add.f32 [tilespmem:s26], [sflag:$0xC], $0x20, s15, s20, $0xb8;
	[tilespmem:$0x12000] =	vst v63  }
0x5f: {  	_ =	swait.ge [sflag:s23], $0x1000  }
0x60: {  	[sflag:s23] =	ssyncset.done $0x0  }
0x61: {  	s10 =	simm.s32 $0x480;
	[sflag:s23] =	ssyncadd.s32 $0xFFFFF000  }
0x62: {  	[tilespmem:s22], [sflag:$0x2] =	stream.indirect.gather [hbm4b:s4+s20], $0x20, s10, s20, $0xb8;
	[tilespmem:$0x12000] =	vst v63  }
0x63: {  	_ =	swait.ge [sflag:s2], $0x1000  }
0x64: {  	[sflag:s2] =	ssyncset.done $0x0  }
0x65: {  	s11 =	simm.s32 $0x2A00;
	[sflag:s2] =	ssyncadd.s32 $0xFFFFF000  }
0x66: {  	[spmem:s1] =	stream.indirect.scatter.add.f32 [tilespmem:s29], [sflag:$0xD], $0x20, s11, s20, $0xb8;
	[tilespmem:$0x12000] =	vst v63  }
0x67: {  	_ =	swait.ge [sflag:s5], $0x1000  }
0x68: {  	[sflag:s5] =	ssyncset.done $0x0  }
0x69: {  	s15 =	simm.s32 $0x500;
	[sflag:s5] =	ssyncadd.s32 $0xFFFFF000  }
0x6a: {  	[tilespmem:s24], [sflag:$0x3] =	stream.indirect.gather [hbm4b:s4+s20], $0x20, s15, s20, $0xb8;
	[tilespmem:$0x12000] =	vst v63  }
0x6b: {  	_ =	swait.ge [sflag:s7], $0x1000  }
0x6c: {  	[sflag:s7] =	ssyncset.done $0x0  }
0x6d: {  	s10 =	simm.s32 $0x2A80;
	[sflag:s7] =	ssyncadd.s32 $0xFFFFF000  }
0x6e: {  	[spmem:s1] =	stream.indirect.scatter.add.f32 [tilespmem:s31], [sflag:$0xE], $0x20, s10, s20, $0xb8;
	[tilespmem:$0x12000] =	vst v63  }
0x6f: {  	_ =	swait.ge [sflag:s8], $0x1000  }
0x70: {  	[sflag:s8] =	ssyncset.done $0x0  }
0x71: {  	s11 =	simm.s32 $0x580;
	[sflag:s8] =	ssyncadd.s32 $0xFFFFF000  }
0x72: {  	[tilespmem:s26], [sflag:$0x4] =	stream.indirect.gather [hbm4b:s4+s20], $0x20, s11, s20, $0xb8;
	[tilespmem:$0x12000] =	vst v63  }
0x73: {  	_ =	swait.ge [sflag:s12], $0x1000  }
0x74: {  	[sflag:s12] =	ssyncset.done $0x0  }
0x75: {  	s15 =	simm.s32 $0x2B00;
	[sflag:s12] =	ssyncadd.s32 $0xFFFFF000  }
0x76: {  	[spmem:s1] =	stream.indirect.scatter.add.f32 [tilespmem:s16], [sflag:$0xF], $0x20, s15, s20, $0xb8;
	[tilespmem:$0x12000] =	vst v63  }
0x77: {  	_ =	swait.ge [sflag:s6], $0x1000  }
0x78: {  	[sflag:s6] =	ssyncset.done $0x0  }
0x79: {  	s10 =	simm.s32 $0x600;
	[sflag:s6] =	ssyncadd.s32 $0xFFFFF000  }
0x7a: {  	[tilespmem:s29], [sflag:$0x5] =	stream.indirect.gather [hbm4b:s4+s20], $0x20, s10, s20, $0xb8;
	[tilespmem:$0x12000] =	vst v63  }
0x7b: {  	_ =	swait.ge [sflag:s13], $0x1000  }
0x7c: {  	[sflag:s13] =	ssyncset.done $0x0  }
0x7d: {  	s11 =	simm.s32 $0x2B80;
	[sflag:s13] =	ssyncadd.s32 $0xFFFFF000  }
0x7e: {  	[spmem:s1] =	stream.indirect.scatter.add.f32 [tilespmem:s28], [sflag:$0x10], $0x20, s11, s20, $0xb8;
	[tilespmem:$0x12000] =	vst v63  }
0x7f: {  	_ =	swait.ge [sflag:s17], $0x1000  }
0x80: {  	[sflag:s17] =	ssyncset.done $0x0  }
0x81: {  	s15 =	simm.s32 $0x680;
	[sflag:s17] =	ssyncadd.s32 $0xFFFFF000  }
0x82: {  	[tilespmem:s31], [sflag:$0x6] =	stream.indirect.gather [hbm4b:s4+s20], $0x20, s15, s20, $0xb8;
	[tilespmem:$0x12000] =	vst v63  }
0x83: {  	_ =	swait.ge [sflag:s0], $0x1000  }
0x84: {  	[sflag:s0] =	ssyncset.done $0x0  }
0x85: {  	s10 =	simm.s32 $0x2C00;
	[sflag:s0] =	ssyncadd.s32 $0xFFFFF000  }
0x86: {  	[spmem:s1] =	stream.indirect.scatter.add.f32 [tilespmem:s21], [sflag:$0x9], $0x20, s10, s20, $0xb8;
	[tilespmem:$0x12000] =	vst v63  }
0x87: {  	_ =	swait.ge [sflag:s14], $0x1000  }
0x88: {  	[sflag:s14] =	ssyncset.done $0x0  }
0x89: {  	s11 =	simm.s32 $0x700;
	[sflag:s14] =	ssyncadd.s32 $0xFFFFF000  }
0x8a: {  	[tilespmem:s16], [sflag:$0x7] =	stream.indirect.gather [hbm4b:s4+s20], $0x20, s11, s20, $0xb8;
	[tilespmem:$0x12000] =	vst v63  }
0x8b: {  	_ =	swait.ge [sflag:s18], $0x1000  }
0x8c: {  	[sflag:s18] =	ssyncset.done $0x0  }
0x8d: {  	s15 =	simm.s32 $0x2C80;
	[sflag:s18] =	ssyncadd.s32 $0xFFFFF000  }
0x8e: {  	[spmem:s1] =	stream.indirect.scatter.add.f32 [tilespmem:s22], [sflag:$0xA], $0x20, s15, s20, $0xb8;
	[tilespmem:$0x12000] =	vst v63  }
0x8f: {  	_ =	swait.ge [sflag:s9], $0x1000  }
0x90: {  	[sflag:s9] =	ssyncset.done $0x0  }
0x91: {  	s10 =	simm.s32 $0x780;
	[sflag:s9] =	ssyncadd.s32 $0xFFFFF000  }
0x92: {  	[tilespmem:s28], [sflag:$0x8] =	stream.indirect.gather [hbm4b:s4+s20], $0x20, s10, s20, $0xb8;
	[tilespmem:$0x12000] =	vst v63  }
0x93: {  	_ =	swait.ge [sflag:s30], $0x1000  }
0x94: {  	[sflag:s30] =	ssyncset.done $0x0  }
0x95: {  	s11 =	simm.s32 $0x2D00;
	[sflag:s30] =	ssyncadd.s32 $0xFFFFF000  }
0x96: {  	[spmem:s1] =	stream.indirect.scatter.add.f32 [tilespmem:s24], [sflag:$0xB], $0x20, s11, s20, $0xb8;
	[tilespmem:$0x12000] =	vst v63  }
0x97: {  	_ =	swait.ge [sflag:s19], $0x1000  }
0x98: {  	[sflag:s19] =	ssyncset.done $0x0  }
0x99: {  	s15 =	simm.s32 $0x800;
	[sflag:s19] =	ssyncadd.s32 $0xFFFFF000  }
0x9a: {  	[tilespmem:s21], [sflag:$0x1] =	stream.indirect.gather [hbm4b:s4+s20], $0x20, s15, s20, $0xb8;
	[tilespmem:$0x12000] =	vst v63  }
0x9b: {  	_ =	swait.ge [sflag:s25], $0x1000  }
0x9c: {  	[sflag:s25] =	ssyncset.done $0x0  }
0x9d: {  	s10 =	simm.s32 $0x2D80;
	[sflag:s25] =	ssyncadd.s32 $0xFFFFF000  }
0x9e: {  	[spmem:s1] =	stream.indirect.scatter.add.f32 [tilespmem:s26], [sflag:$0xC], $0x20, s10, s20, $0xb8;
	[tilespmem:$0x12000] =	vst v63  }
0x9f: {  	_ =	swait.ge [sflag:s23], $0x1000  }
0xa0: {  	[sflag:s23] =	ssyncset.done $0x0  }
0xa1: {  	s11 =	simm.s32 $0x880;
	[sflag:s23] =	ssyncadd.s32 $0xFFFFF000  }
0xa2: {  	[tilespmem:s22], [sflag:$0x2] =	stream.indirect.gather [hbm4b:s4+s20], $0x20, s11, s20, $0xb8;
	[tilespmem:$0x12000] =	vst v63  }
0xa3: {  	_ =	swait.ge [sflag:s2], $0x1000  }
0xa4: {  	[sflag:s2] =	ssyncset.done $0x0  }
0xa5: {  	s15 =	simm.s32 $0x2E00;
	[sflag:s2] =	ssyncadd.s32 $0xFFFFF000  }
0xa6: {  	[spmem:s1] =	stream.indirect.scatter.add.f32 [tilespmem:s29], [sflag:$0xD], $0x20, s15, s20, $0xb8;
	[tilespmem:$0x12000] =	vst v63  }
0xa7: {  	_ =	swait.ge [sflag:s5], $0x1000  }
0xa8: {  	[sflag:s5] =	ssyncset.done $0x0  }
0xa9: {  	s10 =	simm.s32 $0x900;
	[sflag:s5] =	ssyncadd.s32 $0xFFFFF000  }
0xaa: {  	[tilespmem:s24], [sflag:$0x3] =	stream.indirect.gather [hbm4b:s4+s20], $0x20, s10, s20, $0xb8;
	[tilespmem:$0x12000] =	vst v63  }
0xab: {  	_ =	swait.ge [sflag:s7], $0x1000  }
0xac: {  	[sflag:s7] =	ssyncset.done $0x0  }
0xad: {  	s11 =	simm.s32 $0x2E80;
	[sflag:s7] =	ssyncadd.s32 $0xFFFFF000  }
0xae: {  	[spmem:s1] =	stream.indirect.scatter.add.f32 [tilespmem:s31], [sflag:$0xE], $0x20, s11, s20, $0xb8;
	[tilespmem:$0x12000] =	vst v63  }
0xaf: {  	_ =	swait.ge [sflag:s8], $0x1000  }
0xb0: {  	[sflag:s8] =	ssyncset.done $0x0  }
0xb1: {  	s15 =	simm.s32 $0x980;
	[sflag:s8] =	ssyncadd.s32 $0xFFFFF000  }
0xb2: {  	[tilespmem:s26], [sflag:$0x4] =	stream.indirect.gather [hbm4b:s4+s20], $0x20, s15, s20, $0xb8;
	[tilespmem:$0x12000] =	vst v63  }
0xb3: {  	_ =	swait.ge [sflag:s12], $0x1000  }
0xb4: {  	[sflag:s12] =	ssyncset.done $0x0  }
0xb5: {  	s10 =	simm.s32 $0x2F00;
	[sflag:s12] =	ssyncadd.s32 $0xFFFFF000  }
0xb6: {  	[spmem:s1] =	stream.indirect.scatter.add.f32 [tilespmem:s16], [sflag:$0xF], $0x20, s10, s20, $0xb8;
	[tilespmem:$0x12000] =	vst v63  }
0xb7: {  	_ =	swait.ge [sflag:s6], $0x1000  }
0xb8: {  	[sflag:s6] =	ssyncset.done $0x0  }
0xb9: {  	s11 =	simm.s32 $0xA00;
	[sflag:s6] =	ssyncadd.s32 $0xFFFFF000  }
0xba: {  	[tilespmem:s29], [sflag:$0x5] =	stream.indirect.gather [hbm4b:s4+s20], $0x20, s11, s20, $0xb8;
	[tilespmem:$0x12000] =	vst v63  }
0xbb: {  	_ =	swait.ge [sflag:s13], $0x1000  }
0xbc: {  	[sflag:s13] =	ssyncset.done $0x0  }
0xbd: {  	s15 =	simm.s32 $0x2F80;
	[sflag:s13] =	ssyncadd.s32 $0xFFFFF000  }
0xbe: {  	[spmem:s1] =	stream.indirect.scatter.add.f32 [tilespmem:s28], [sflag:$0x10], $0x20, s15, s20, $0xb8;
	[tilespmem:$0x12000] =	vst v63  }
0xbf: {  	_ =	swait.ge [sflag:s17], $0x1000  }
0xc0: {  	[sflag:s17] =	ssyncset.done $0x0  }
0xc1: {  	s3 =	simm.s32 $0xA80;
	s10 =	simm.s32 $0x1000;
	[sflag:s17] =	ssyncadd.s32 $0xFFFFF000  }
.LBB2_2:
0xc2: {  	[tilespmem:s31], [sflag:$0x6] =	stream.indirect.gather [hbm4b:s4+s20], $0x20, s3, s20, $0xb8;
	[tilespmem:$0x12000] =	vst v63  }
0xc3: {  	s3 =	smov.u32 s10  }
0xc4: {  	p1 =	sne.s32 s10, $0x7000;
	s10 =	sadd.s32 $0x1000, s10;
	_ =	swait.ge [sflag:s0], $0x1000  }
0xc5: {  	s3 =	sshra.s32 s3, $0x2;
	[sflag:s0] =	ssyncset.done $0x0  }
0xc6: {  	s15 =	sadd.s32 $0x2C00, s3;
	[sflag:s0] =	ssyncadd.s32 $0xFFFFF000  }
0xc7: {  	[spmem:s1] =	stream.indirect.scatter.add.f32 [tilespmem:s21], [sflag:$0x9], $0x20, s15, s20, $0xb8;
	[tilespmem:$0x12000] =	vst v63  }
0xc8: {  	_ =	swait.ge [sflag:s14], $0x1000  }
0xc9: {  	[sflag:s14] =	ssyncset.done $0x0  }
0xca: {  	s15 =	sadd.s32 $0x700, s3;
	[sflag:s14] =	ssyncadd.s32 $0xFFFFF000  }
0xcb: {  	[tilespmem:s16], [sflag:$0x7] =	stream.indirect.gather [hbm4b:s4+s20], $0x20, s15, s20, $0xb8;
	[tilespmem:$0x12000] =	vst v63  }
0xcc: {  	_ =	swait.ge [sflag:s18], $0x1000  }
0xcd: {  	[sflag:s18] =	ssyncset.done $0x0  }
0xce: {  	s15 =	sadd.s32 $0x2C80, s3;
	[sflag:s18] =	ssyncadd.s32 $0xFFFFF000  }
0xcf: {  	[spmem:s1] =	stream.indirect.scatter.add.f32 [tilespmem:s22], [sflag:$0xA], $0x20, s15, s20, $0xb8;
	[tilespmem:$0x12000] =	vst v63  }
0xd0: {  	_ =	swait.ge [sflag:s9], $0x1000  }
0xd1: {  	[sflag:s9] =	ssyncset.done $0x0  }
0xd2: {  	s15 =	sadd.s32 $0x780, s3;
	[sflag:s9] =	ssyncadd.s32 $0xFFFFF000  }
0xd3: {  	[tilespmem:s28], [sflag:$0x8] =	stream.indirect.gather [hbm4b:s4+s20], $0x20, s15, s20, $0xb8;
	[tilespmem:$0x12000] =	vst v63  }
0xd4: {  	_ =	swait.ge [sflag:s30], $0x1000  }
0xd5: {  	[sflag:s30] =	ssyncset.done $0x0  }
0xd6: {  	s15 =	sadd.s32 $0x2D00, s3;
	[sflag:s30] =	ssyncadd.s32 $0xFFFFF000  }
0xd7: {  	[spmem:s1] =	stream.indirect.scatter.add.f32 [tilespmem:s24], [sflag:$0xB], $0x20, s15, s20, $0xb8;
	[tilespmem:$0x12000] =	vst v63  }
0xd8: {  	_ =	swait.ge [sflag:s19], $0x1000  }
0xd9: {  	[sflag:s19] =	ssyncset.done $0x0  }
0xda: {  	s15 =	sadd.s32 $0x800, s3;
	[sflag:s19] =	ssyncadd.s32 $0xFFFFF000  }
0xdb: {  	[tilespmem:s21], [sflag:$0x1] =	stream.indirect.gather [hbm4b:s4+s20], $0x20, s15, s20, $0xb8;
	[tilespmem:$0x12000] =	vst v63  }
0xdc: {  	_ =	swait.ge [sflag:s25], $0x1000  }
0xdd: {  	[sflag:s25] =	ssyncset.done $0x0  }
0xde: {  	s15 =	sadd.s32 $0x2D80, s3;
	[sflag:s25] =	ssyncadd.s32 $0xFFFFF000  }
0xdf: {  	[spmem:s1] =	stream.indirect.scatter.add.f32 [tilespmem:s26], [sflag:$0xC], $0x20, s15, s20, $0xb8;
	[tilespmem:$0x12000] =	vst v63  }
0xe0: {  	_ =	swait.ge [sflag:s23], $0x1000  }
0xe1: {  	[sflag:s23] =	ssyncset.done $0x0  }
0xe2: {  	s15 =	sadd.s32 $0x880, s3;
	[sflag:s23] =	ssyncadd.s32 $0xFFFFF000  }
0xe3: {  	[tilespmem:s22], [sflag:$0x2] =	stream.indirect.gather [hbm4b:s4+s20], $0x20, s15, s20, $0xb8;
	[tilespmem:$0x12000] =	vst v63  }
0xe4: {  	_ =	swait.ge [sflag:s2], $0x1000  }
0xe5: {  	[sflag:s2] =	ssyncset.done $0x0  }
0xe6: {  	s15 =	sadd.s32 $0x2E00, s3;
	[sflag:s2] =	ssyncadd.s32 $0xFFFFF000  }
0xe7: {  	[spmem:s1] =	stream.indirect.scatter.add.f32 [tilespmem:s29], [sflag:$0xD], $0x20, s15, s20, $0xb8;
	[tilespmem:$0x12000] =	vst v63  }
0xe8: {  	_ =	swait.ge [sflag:s5], $0x1000  }
0xe9: {  	[sflag:s5] =	ssyncset.done $0x0  }
0xea: {  	s15 =	sadd.s32 $0x900, s3;
	[sflag:s5] =	ssyncadd.s32 $0xFFFFF000  }
0xeb: {  	[tilespmem:s24], [sflag:$0x3] =	stream.indirect.gather [hbm4b:s4+s20], $0x20, s15, s20, $0xb8;
	[tilespmem:$0x12000] =	vst v63  }
0xec: {  	_ =	swait.ge [sflag:s7], $0x1000  }
0xed: {  	[sflag:s7] =	ssyncset.done $0x0  }
0xee: {  	s15 =	sadd.s32 $0x2E80, s3;
	[sflag:s7] =	ssyncadd.s32 $0xFFFFF000  }
0xef: {  	[spmem:s1] =	stream.indirect.scatter.add.f32 [tilespmem:s31], [sflag:$0xE], $0x20, s15, s20, $0xb8;
	[tilespmem:$0x12000] =	vst v63  }
0xf0: {  	_ =	swait.ge [sflag:s8], $0x1000  }
0xf1: {  	[sflag:s8] =	ssyncset.done $0x0  }
0xf2: {  	s15 =	sadd.s32 $0x980, s3;
	[sflag:s8] =	ssyncadd.s32 $0xFFFFF000  }
0xf3: {  	[tilespmem:s26], [sflag:$0x4] =	stream.indirect.gather [hbm4b:s4+s20], $0x20, s15, s20, $0xb8;
	[tilespmem:$0x12000] =	vst v63  }
0xf4: {  	_ =	swait.ge [sflag:s12], $0x1000  }
0xf5: {  	[sflag:s12] =	ssyncset.done $0x0  }
0xf6: {  	s15 =	sadd.s32 $0x2F00, s3;
	[sflag:s12] =	ssyncadd.s32 $0xFFFFF000  }
0xf7: {  	[spmem:s1] =	stream.indirect.scatter.add.f32 [tilespmem:s16], [sflag:$0xF], $0x20, s15, s20, $0xb8;
	[tilespmem:$0x12000] =	vst v63  }
0xf8: {  	_ =	swait.ge [sflag:s6], $0x1000  }
0xf9: {  	[sflag:s6] =	ssyncset.done $0x0  }
0xfa: {  	s15 =	sadd.s32 $0xA00, s3;
	[sflag:s6] =	ssyncadd.s32 $0xFFFFF000  }
0xfb: {  	[tilespmem:s29], [sflag:$0x5] =	stream.indirect.gather [hbm4b:s4+s20], $0x20, s15, s20, $0xb8;
	[tilespmem:$0x12000] =	vst v63  }
0xfc: {  	_ =	swait.ge [sflag:s13], $0x1000  }
0xfd: {  	[sflag:s13] =	ssyncset.done $0x0  }
.Ltmp0:
0xfe: {  	s15 =	sadd.s32 $0x2F80, s3;
	[sflag:s13] =	ssyncadd.s32 $0xFFFFF000;
	(pc) =	sbr.rel @p1 .LBB2_2-.Ltmp0, $4  }
0xff: {  	[spmem:s1] =	stream.indirect.scatter.add.f32 [tilespmem:s28], [sflag:$0x10], $0x20, s15, s20, $0xb8;
	[tilespmem:$0x12000] =	vst v63  }
0x100: {  	_ =	swait.ge [sflag:s17], $0x1000  }
0x101: {  	[sflag:s17] =	ssyncset.done $0x0  }
0x102: {  	s3 =	sadd.s32 $0xA80, s3;
	[sflag:s17] =	ssyncadd.s32 $0xFFFFF000  }
0x103: {  	[tilespmem:s31], [sflag:$0x6] =	stream.indirect.gather [hbm4b:s4+s20], $0x20, s3, s20, $0xb8;
	[tilespmem:$0x12000] =	vst v63  }
0x104: {  	_ =	swait.ge [sflag:s0], $0x1000  }
0x105: {  	[sflag:s0] =	ssyncset.done $0x0  }
0x106: {  	s11 =	simm.s32 $0x4C00;
	[sflag:s0] =	ssyncadd.s32 $0xFFFFF000  }
0x107: {  	[spmem:s1] =	stream.indirect.scatter.add.f32 [tilespmem:s21], [sflag:$0x9], $0x20, s11, s20, $0xb8;
	[tilespmem:$0x12000] =	vst v63  }
0x108: {  	_ =	swait.ge [sflag:s14], $0x1000  }
0x109: {  	[sflag:s14] =	ssyncset.done $0x0  }
0x10a: {  	s15 =	simm.s32 $0x2700;
	[sflag:s14] =	ssyncadd.s32 $0xFFFFF000  }
0x10b: {  	[tilespmem:s16], [sflag:$0x7] =	stream.indirect.gather [hbm4b:s4+s20], $0x20, s15, s20, $0xb8;
	[tilespmem:$0x12000] =	vst v63  }
0x10c: {  	_ =	swait.ge [sflag:s18], $0x1000  }
0x10d: {  	[sflag:s18] =	ssyncset.done $0x0  }
0x10e: {  	s10 =	simm.s32 $0x4C80;
	[sflag:s18] =	ssyncadd.s32 $0xFFFFF000  }
0x10f: {  	[spmem:s1] =	stream.indirect.scatter.add.f32 [tilespmem:s22], [sflag:$0xA], $0x20, s10, s20, $0xb8;
	[tilespmem:$0x12000] =	vst v63  }
0x110: {  	_ =	swait.ge [sflag:s9], $0x1000  }
0x111: {  	[sflag:s9] =	ssyncset.done $0x0  }
0x112: {  	s11 =	simm.s32 $0x2780;
	[sflag:s9] =	ssyncadd.s32 $0xFFFFF000  }
0x113: {  	[tilespmem:s28], [sflag:$0x8] =	stream.indirect.gather [hbm4b:s4+s20], $0x20, s11, s20, $0xb8;
	[tilespmem:$0x12000] =	vst v63  }
0x114: {  	_ =	swait.ge [sflag:s30], $0x1000  }
0x115: {  	[sflag:s30] =	ssyncset.done $0x0  }
0x116: {  	s15 =	simm.s32 $0x4D00;
	[sflag:s30] =	ssyncadd.s32 $0xFFFFF000  }
0x117: {  	[spmem:s1] =	stream.indirect.scatter.add.f32 [tilespmem:s24], [sflag:$0xB], $0x20, s15, s20, $0xb8;
	[tilespmem:$0x12000] =	vst v63  }
0x118: {  	_ =	swait.ge [sflag:s25], $0x1000  }
0x119: {  	[sflag:s25] =	ssyncset.done $0x0  }
0x11a: {  	s10 =	simm.s32 $0x4D80;
	[sflag:s25] =	ssyncadd.s32 $0xFFFFF000  }
0x11b: {  	[spmem:s1] =	stream.indirect.scatter.add.f32 [tilespmem:s26], [sflag:$0xC], $0x20, s10, s20, $0xb8;
	[tilespmem:$0x12000] =	vst v63  }
0x11c: {  	_ =	swait.ge [sflag:s2], $0x1000  }
0x11d: {  	[sflag:s2] =	ssyncset.done $0x0  }
0x11e: {  	s11 =	simm.s32 $0x4E00;
	[sflag:s2] =	ssyncadd.s32 $0xFFFFF000  }
0x11f: {  	[spmem:s1] =	stream.indirect.scatter.add.f32 [tilespmem:s29], [sflag:$0xD], $0x20, s11, s20, $0xb8;
	[tilespmem:$0x12000] =	vst v63  }
0x120: {  	_ =	swait.ge [sflag:s7], $0x1000  }
0x121: {  	[sflag:s7] =	ssyncset.done $0x0  }
0x122: {  	s15 =	simm.s32 $0x4E80;
	[sflag:s7] =	ssyncadd.s32 $0xFFFFF000  }
0x123: {  	[spmem:s1] =	stream.indirect.scatter.add.f32 [tilespmem:s31], [sflag:$0xE], $0x20, s15, s20, $0xb8;
	[tilespmem:$0x12000] =	vst v63  }
0x124: {  	_ =	swait.ge [sflag:s12], $0x1000  }
0x125: {  	[sflag:s12] =	ssyncset.done $0x0  }
0x126: {  	s10 =	simm.s32 $0x4F00;
	[sflag:s12] =	ssyncadd.s32 $0xFFFFF000  }
0x127: {  	[spmem:s1] =	stream.indirect.scatter.add.f32 [tilespmem:s16], [sflag:$0xF], $0x20, s10, s20, $0xb8;
	[tilespmem:$0x12000] =	vst v63  }
0x128: {  	_ =	swait.ge [sflag:s13], $0x1000  }
0x129: {  	[sflag:s13] =	ssyncset.done $0x0  }
0x12a: {  	s11 =	simm.s32 $0x4F80;
	[sflag:s13] =	ssyncadd.s32 $0xFFFFF000  }
0x12b: {  	[spmem:s1] =	stream.indirect.scatter.add.f32 [tilespmem:s28], [sflag:$0x10], $0x20, s11, s20, $0xb8;
	[tilespmem:$0x12000] =	vst v63  }
0x12c: {  	_ =	swait.ge [sflag:s19], $0x1000  }
0x12d: {  	[sflag:s19] =	ssyncset.done $0x0  }
0x12e: {  	[sflag:s19] =	ssyncadd.s32 $0xFFFFF000  }
0x12f: {  	_ =	swait.ge [sflag:s23], $0x1000  }
0x130: {  	[sflag:s23] =	ssyncset.done $0x0  }
0x131: {  	[sflag:s23] =	ssyncadd.s32 $0xFFFFF000  }
0x132: {  	_ =	swait.ge [sflag:s5], $0x1000  }
0x133: {  	[sflag:s5] =	ssyncset.done $0x0  }
0x134: {  	[sflag:s5] =	ssyncadd.s32 $0xFFFFF000  }
0x135: {  	_ =	swait.ge [sflag:s8], $0x1000  }
0x136: {  	[sflag:s8] =	ssyncset.done $0x0  }
0x137: {  	[sflag:s8] =	ssyncadd.s32 $0xFFFFF000  }
0x138: {  	_ =	swait.ge [sflag:s6], $0x1000  }
0x139: {  	[sflag:s6] =	ssyncset.done $0x0  }
0x13a: {  	[sflag:s6] =	ssyncadd.s32 $0xFFFFF000  }
0x13b: {  	_ =	swait.ge [sflag:s17], $0x1000  }
0x13c: {  	[sflag:s17] =	ssyncset.done $0x0  }
0x13d: {  	[sflag:s17] =	ssyncadd.s32 $0xFFFFF000  }
0x13e: {  	_ =	swait.ge [sflag:s14], $0x1000  }
0x13f: {  	[sflag:s14] =	ssyncset.done $0x0  }
0x140: {  	[sflag:s14] =	ssyncadd.s32 $0xFFFFF000  }
0x141: {  	_ =	swait.ge [sflag:s9], $0x1000  }
0x142: {  	[sflag:s9] =	ssyncset.done $0x0  }
0x143: {  	[sflag:s9] =	ssyncadd.s32 $0xFFFFF000  }
0x144: {  	[bflag:$0x0] =	sbarrier.arrive $0xFFFF  }
0x145: {  	s15 =	rddreg [dreg:$0x5]  }
0x146: {  	s10 =	rddreg [dreg:$0xc]  }
0x147: {  	s3 =	sor.u32 $0x1C11, s15;
	s15 =	rddreg [dreg:$0xe]  }
0x148: {  	[hbm:s10], [sflag:s3] =	dma.local [spmem:s15], $0xA00  }
0x149: {  	s10 =	simm.s32 $0x11  }
0x14a: {  	_ =	swait.ge [sflag:s10], $0xA00  }
0x14b: {  	s11 =	rddreg [dreg:$0xf]  }
0x14c: {  	s3 =	rddreg [dreg:$0xd];
	s11 =	sadd.s32 $0x1, s11  }
0x14d: {  	p1 =	sne.s32 s11, s3  }
.Ltmp1:
0x14e: {  	_ = 	snop;
	(pc) =	sbr.rel @p1 .LBB2_1-.Ltmp1, $3  }
0x14f: {  	_ =	sdelay $0x1  }
0x150: {  	[sflag:s10] =	ssyncset.done $0x0  }
0x151: {  	[sflag:s10] =	ssyncadd.s32 $0xFFFFF600  }
0x152: {  	_ =	sfence.sel $0x180000  }
0x153: {  	[bflag:$0x0] =	sbarrier.arrive $0xFFFF  }
0x154: {  	_ =	strace $0x9000004D  }
0x155: {  	s0 =	stileid.u32;
	[bflag:$0x2] =	sbarrier.arrive $0xFFFF  }
0x156: {  	p0 =	sne.s32 s0, $0x0;
	s0 =	rddreg [dreg:$0x3]  }
0x157: {  	s0 =	sadd.s32 @!p0 $0x100000, s0  }
0x158: {  	[sflag:s0] =	ssyncadd.tile.s32 @!p0 $0x1;
	_ =	shalt  }
.Lfunc_end2:
_tile_overlayer_lowered:
.L_overlay_start_2:
0x159: {  	(tag) =	ssettag $0x2  }
0x15a: {  	s0 =	rddreg [dreg:$0x0];
	s2 =	stileid.u32  }
0x15b: {  	s1 =	rddreg [dreg:$0x1];
	p0 =	sne.s32 s2, $0x0  }
0x15c: {  	s3 =	rddreg [dreg:$0x2];
	[bflag:$0x3] =	sbarrier.arrive $0xFFFF;
	s2 =	simm.s32 @!p0 $0x1C11  }
0x15d: {  	[timem:s3], [sflag:s2] =	dma.local @!p0 [hbm:s0], s1  }
0x15e: {  	s0 =	simm.s32 @!p0 $0x11  }
0x15f: {  	_ =	swait.ge @!p0 [sflag:s0], s1  }
0x160: {  	s1 =	ssub.s32 @!p0 $0x0, s1;
	[sflag:s0] =	ssyncset.done @!p0 $0x0  }
0x161: {  	[sflag:s0] =	ssyncadd.s32 @!p0 s1  }
0x162: {  	[bflag:$0x3] =	sbarrier.arrive $0xFFFF  }
0x163: {  	_ =	shalt  }

// kernel: kernel.8.cloned.1.call-start
scs
__scs_entry_jumppad:
0x0: {  	(pc) =	sbr.rel $0x88, $3  }
0x1: {  	(tag) =	ssettag $0x0;
	lr =	simm.s32 $0x1  }
0x2: {  	[smem:$0x3F9B] =	sst lr;
	_ =	strace $0xD0000000  }
0x3: {  	_ = 	snop  }
0x4: {  	_ = 	snop  }
0x5: {  	_ = 	snop  }
0x6: {  	_ = 	snop  }
0x7: {  	_ = 	snop  }
__scs_overlays_trampoline_lowered:
0x8: {  	[smem:$0x3FAA] =	sst s0  }
0x9: {  	[smem:$0x3FAB] =	sst s1  }
0xa: {  	[smem:$0x3FAC] =	sst s2  }
0xb: {  	[smem:$0x3FAD] =	sst s3  }
0xc: {  	[smem:$0x3FAE] =	sst s4  }
0xd: {  	[smem:$0x3FAF] =	sst s5  }
0xe: {  	[smem:$0x3FB0] =	sst s6  }
0xf: {  	[smem:$0x3FB1] =	sst s7  }
0x10: {  	[smem:$0x3FB2] =	sst s8  }
0x11: {  	[smem:$0x3FB3] =	sst s9;
	s0 =	simm.s32 @!p0 $0x0  }
0x12: {  	s1 =	sld [smem:$0x3F99];
	s0 =	simm.s32 @p0 $0x1  }
0x13: {  	[smem:$0x3FB4] =	sst s0;
	s0 =	simm.s32 @!p1 $0x0  }
0x14: {  	s2 =	sld [smem:$0x3F98];
	s0 =	simm.s32 @p1 $0x1  }
0x15: {  	[smem:$0x3FB5] =	sst s0;
	s0 =	simm.s32 @!p2 $0x0  }
0x16: {  	s3 =	sld [smem:$0x3FDB];
	s0 =	simm.s32 @p2 $0x1  }
0x17: {  	s4 =	simm.s32 $0x1BF5;
	[smem:$0x3FB7] =	sst s0  }
0x18: {  	s0 =	sld [smem:$0x3F9A];
	_ =	swait.ge [sflag:s4], $0x0  }
0x19: {  	s7 =	sld [smem:$0x3F9B]  }
0x1a: {  	s8 =	sadd.s32 $0xFFFFE003, lr  }
0x1b: {  	s9 =	sadd.s32 $0xFFFFFEF7, lr;
	s5 =	simm.s32 $0xFFFFFFFF;
	p2 =	slt.u32 s8, $0xFFFFF086  }
0x1c: {  	p1 =	slt.u32 s9, $0xF7A;
	s5 =	simm.s32 @!p2 $0x0  }
0x1d: {  	s5 =	simm.s32 @p1 $0x1;
	p0 =	seq.s32 s7, s2  }
0x1e: {  	s7 =	smul.u32 @!p0 $0xF7A, s2;
	p2 =	seq.s32 @!p0 s5, $0x0  }
0x1f: {  	s9 =	smul.u32 $0xF7A, s1;
	s8 =	simm.s32 @!p0 $0x1BF5;
	p2 =	por !p2, p0  }
0x20: {  	[sflag:s8] =	ssyncset.s32 @!p0 $0xFFFFF086;
	s6 =	sadd.s32 @!p0 s3, s7;
	s7 =	simm.s32 @!p0 $0x108  }
0x21: {  	s3 =	sadd.s32 s3, s9;
	s6 =	sadd.s32 @!p0 $0x88, s6;
	s7 =	simm.s32 @p2 $0x1082  }
0x22: {  	[simem:s7], [sflag:s8] =	dma.local @!p0 [hbm:s6], $0xF7A  }
0x23: {  	s9 =	sor.u32 $0xD0000000, s2;
	s6 =	simm.s32 $0x108;
	_ =	swait.ge @!p0 [sflag:s8], $0x0  }
0x24: {  	s3 =	sadd.s32 $0x88, s3;
	s6 =	simm.s32 @!p1 $0x1082;
	[sflag:s4] =	ssyncset.s32 $0xFFFFF086  }
0x25: {  	[simem:s6], [sflag:s4] =	dma.local [hbm:s3], $0xF7A  }
0x26: {  	[smem:$0x3F9B] =	sst s1;
	(tag) =	ssettag s2;
	_ =	strace s9  }
0x27: {  	s1 =	sld [smem:$0x3FAB]  }
0x28: {  	s2 =	sld [smem:$0x3FAC]  }
0x29: {  	s4 =	sld [smem:$0x3FAE]  }
0x2a: {  	p0 =	seq.s32 s5, $0x0;
	s5 =	sld [smem:$0x3FAF]  }
0x2b: {  	s6 =	sld [smem:$0x3FB0]  }
0x2c: {  	s7 =	sld [smem:$0x3FB1]  }
0x2d: {  	s3 =	simm.s32 $0x108;
	s8 =	sld [smem:$0x3FB2]  }
0x2e: {  	s3 =	simm.s32 @!p0 $0x1082;
	s9 =	sld [smem:$0x3FB3]  }
0x2f: {  	lr =	sadd.s32 s0, s3;
	s0 =	sld [smem:$0x3FAA]  }
0x30: {  	s3 =	sld [smem:$0x3FAD]  }
0x31: {  	[smem:$0x3FB6] =	sst s10  }
0x32: {  	s10 =	sld [smem:$0x3FB4];
	_ =	sdelay $0x3  }
0x33: {  	p0 =	seq.s32 s10, $0x1;
	s10 =	sld [smem:$0x3FB6];
	_ =	sdelay $0x3  }
0x34: {  	[smem:$0x3FB6] =	sst s10  }
0x35: {  	s10 =	sld [smem:$0x3FB5];
	_ =	sdelay $0x3  }
0x36: {  	p1 =	seq.s32 s10, $0x1;
	s10 =	sld [smem:$0x3FB6];
	_ =	sdelay $0x3  }
0x37: {  	[smem:$0x3FB6] =	sst s10  }
0x38: {  	s10 =	sld [smem:$0x3FB7]  }
0x39: {  	_ = 	snop;
	(pc) =	sbr.ind lr, $3  }
0x3a: {  	_ = 	snop  }
0x3b: {  	_ = 	snop  }
0x3c: {  	p2 =	seq.s32 s10, $0x1;
	s10 =	sld [smem:$0x3FB6]  }
0x3d: {  	_ =	shalt  }
0x3e: {  	_ =	shalt  }
0x3f: {  	_ =	shalt  }
0x40: {  	_ =	shalt  }
0x41: {  	_ =	shalt  }
0x42: {  	_ =	shalt  }
0x43: {  	_ =	shalt  }
0x44: {  	_ =	shalt  }
0x45: {  	_ =	shalt  }
0x46: {  	_ =	shalt  }
0x47: {  	_ =	shalt  }
0x48: {  	_ =	shalt  }
0x49: {  	_ =	shalt  }
0x4a: {  	_ =	shalt  }
0x4b: {  	_ =	shalt  }
0x4c: {  	_ =	shalt  }
0x4d: {  	_ =	shalt  }
0x4e: {  	_ =	shalt  }
0x4f: {  	_ =	shalt  }
0x50: {  	_ =	shalt  }
0x51: {  	_ =	shalt  }
0x52: {  	_ =	shalt  }
0x53: {  	_ =	shalt  }
0x54: {  	_ =	shalt  }
0x55: {  	_ =	shalt  }
0x56: {  	_ =	shalt  }
0x57: {  	_ =	shalt  }
0x58: {  	_ =	shalt  }
0x59: {  	_ =	shalt  }
0x5a: {  	_ =	shalt  }
0x5b: {  	_ =	shalt  }
0x5c: {  	_ =	shalt  }
0x5d: {  	_ =	shalt  }
0x5e: {  	_ =	shalt  }
0x5f: {  	_ =	shalt  }
0x60: {  	_ =	shalt  }
0x61: {  	_ =	shalt  }
0x62: {  	_ =	shalt  }
0x63: {  	_ =	shalt  }
0x64: {  	_ =	shalt  }
0x65: {  	_ =	shalt  }
0x66: {  	_ =	shalt  }
0x67: {  	_ =	shalt  }
0x68: {  	_ =	shalt  }
0x69: {  	_ =	shalt  }
0x6a: {  	_ =	shalt  }
0x6b: {  	_ =	shalt  }
0x6c: {  	_ =	shalt  }
0x6d: {  	_ =	shalt  }
0x6e: {  	_ =	shalt  }
0x6f: {  	_ =	shalt  }
0x70: {  	_ =	shalt  }
0x71: {  	_ =	shalt  }
0x72: {  	_ =	shalt  }
0x73: {  	_ =	shalt  }
0x74: {  	_ =	shalt  }
0x75: {  	_ =	shalt  }
0x76: {  	_ =	shalt  }
0x77: {  	_ =	shalt  }
0x78: {  	_ =	shalt  }
0x79: {  	_ =	shalt  }
0x7a: {  	_ =	shalt  }
0x7b: {  	_ =	shalt  }
0x7c: {  	_ =	shalt  }
0x7d: {  	_ =	shalt  }
0x7e: {  	_ =	shalt  }
0x7f: {  	_ =	shalt  }
0x80: {  	_ =	shalt  }
0x81: {  	_ =	shalt  }
0x82: {  	_ =	shalt  }
0x83: {  	_ =	shalt  }
0x84: {  	_ =	shalt  }
0x85: {  	_ =	shalt  }
0x86: {  	_ =	shalt  }
0x87: {  	_ =	shalt  }
.Lfunc_end0:
.L_simem_size_0:
called_computation_lowered:
.L_overlay_start_0:
0x88: {  	s2 =	sld [smem:$0x3FD9]  }
0x89: {  	s3 =	sld [smem:$0x3FFE];
	_ =	sdelay $0x1  }
0x8a: {  	s1 =	srdreg.scid  }
0x8b: {  	s0 =	sand.u32 $0x1, s1  }
0x8c: {  	s14 =	sshll.u32 s0, $0xA;
	s2 =	sadd.s32 s3, s2  }
0x8d: {  	s2 =	sadd.s32 s2, s14  }
0x8e: {  	[smem:$0x3FC2] =	sst s2  }
0x8f: {  	_ = 	snop  }
0x90: {  	s2 =	sld [smem:$0x3FD0];
	_ =	sdelay $0x2  }
0x91: {  	s15 =	simm.s32 $0xA;
	s4 =	simm.s32 $0x10  }
0x92: {  	[smem:s4], [sflag:s15] =	dma.local [hbm:s2], $0x1  }
0x93: {  	_ =	swait.eq [sflag:s15], $0x1  }
0x94: {  	[sflag:s15] =	ssyncset.done $0x0  }
0x95: {  	s16 =	sld [smem:$0x10];
	[sflag:s15] =	ssyncadd.s32 $0xFFFFFFFF  }
0x96: {  	s17 =	sld [smem:$0x11];
	(tm) =	ssettm $0x1  }
0x97: {  	s18 =	sld [smem:$0x3FFB];
	_ =	sdelay $0x3  }
0x98: {  	_ =	strace s18  }
0x99: {  	s4 =	sld [smem:$0x3FFC];
	_ =	sdelay $0x3  }
0x9a: {  	_ =	strace s4  }
0x9b: {  	s4 =	sld [smem:$0x3FFD];
	_ =	sdelay $0x3  }
0x9c: {  	_ =	strace s4  }
0x9d: {  	_ =	strace $0x8FFFFFFF  }
0x9e: {  	s19 =	sld [smem:$0x3FDB];
	_ =	sdelay $0x1  }
0x9f: {  	s5 =	simm.s32 $_scs_section_size  }
0xa0: {  	s6 =	simm.s32 $_size__tile_overlayer_lowered;
	s7 =	simm.s32 $_tile_overlayer_lowered  }
0xa1: {  	s22 =	simm.s32 $0x1BFF;
	s21 =	sshll.u32 s7, $0x1;
	s4 =	sadd.s32 s5, s19  }
0xa2: {  	s8 =	simm.s32 $0x0;
	s20 =	sshll.u32 s6, $0x1;
	s6 =	sadd.s32 s21, s4  }
0xa3: {  	[timem:s8], [sflag:s22] =	dma.local [hbm:s6], s20  }
0xa4: {  	_ =	swait.ge [sflag:s22], s20  }
0xa5: {  	s5 =	ssub.s32 $0x0, s20;
	[sflag:s22] =	ssyncset.done $0x0  }
0xa6: {  	[sflag:s22] =	ssyncadd.s32 s5;
	_ =	sdelay $0x1  }
0xa7: {  	s23 =	simm.s32 $0x1B8B  }
0xa8: {  	_ =	swait.ge [sflag:s23], $0x1  }
0xa9: {  	[sflag:s23] =	ssyncset.done $0x0  }
0xaa: {  	s25 =	simm.s32 $0x1B8E;
	s24 =	sld [smem:$0x3FFE];
	[sflag:s23] =	ssyncadd.s32 $0xFFFFFFFF  }
0xab: {  	s26 =	simm.s32 $execute0_lowered;
	[smem:$0x3FD2] =	sst s25  }
0xac: {  	s6 =	sshll.u32 s26, $0x1;
	_ =	strace $0x80000046;
	[dreg:$0x1] =	wrdreg $0xFFFFFFFF  }
0xad: {  	s28 =	simm.s32 $_size_execute0_lowered;
	s4 =	sadd.s32 s4, s6;
	[dreg:$0x0] =	wrdreg $0x0  }
0xae: {  	s6 =	sshll.u32 s28, $0x1;
	[dreg:$0x2] =	wrdreg s4  }
0xaf: {  	[dreg:$0x3] =	wrdreg s6  }
0xb0: {  	[dreg:$0x4] =	wrdreg $0xC0  }
0xb1: {  	_ =	task [dreg:s8], $0x5FFFF  }
0xb2: {  	[dreg:$0x1] =	wrdreg $0xFFFFFFFF  }
0xb3: {  	[dreg:$0x0] =	wrdreg $0x60  }
0xb4: {  	[dreg:$0x2] =	wrdreg s24  }
0xb5: {  	[dreg:$0x3] =	wrdreg s17  }
0xb6: {  	[dreg:$0x4] =	wrdreg s16  }
0xb7: {  	[dreg:$0x5] =	wrdreg $0x28800  }
0xb8: {  	[dreg:$0x6] =	wrdreg $0x9  }
0xb9: {  	_ =	task.clear_ibuf [dreg:s8], $0x7FFFF;
	_ =	strace $0x90000046  }
0xba: {  	s29 =	simm.s32 $0x9;
	_ =	strace $0x80000048  }
0xbb: {  	_ =	swait.ge [sflag:s29], $0x1  }
0xbc: {  	[sflag:s29] =	ssyncadd.s32 $0xFFFFFFFF  }
0xbd: {  	_ =	strace $0x90000048  }
0xbe: {  	_ =	sfence  }
0xbf: {  	s30 =	sld [smem:$0x0];
	_ =	sdelay $0x2  }
0xc0: {  	s31 =	sshll.u32 s1, $0xD;
	s1 =	sshrl.u32 s1, $0x2  }
0xc1: {  	s3 =	sand.u32 $0x4000, s31;
	s1 =	sadd.s32 s1, s30  }
0xc2: {  	s0 =	sor.u32 s3, s0;
	s1 =	sshll.u32 s1, $0x11  }
0xc3: {  	s0 =	sor.u32 s1, s0  }
0xc4: {  	s0 =	sadd.s32 $0x8F2B, s0  }
0xc5: {  	[sflag:s0] =	ssyncadd.remote.s32 $0x1  }
0xc6: {  	_ =	sfence.sel $0xFFFF  }
0xc7: {  	[dreg:$0x0] =	wrdreg $0xFFFFFFFF;
	(pc) =	sbr.abs _section_cstart, $3  }
0xc8: {  	[dreg:$0x1] =	wrdreg $0xFFFFFFFF  }
0xc9: {  	_ =	task.clear_ibuf [dreg:s8], $0x2FFFF;
	_ =	strace $0x9FFFFFFF  }
0xca: {  	(tm) =	ssettm $0x7FFFFFFF  }
0xcb: {  	_ =	shalt  }
tec
execute0_lowered:
.L_overlay_start_1:
0x0: {  	(tag) =	ssettag $0x1  }
0x1: {  	s8 =	rddreg [dreg:$0x0]  }
0x2: {  	s5 =	rddreg [dreg:$0x1]  }
0x3: {  	s9 =	rddreg [dreg:$0x2]  }
0x4: {  	s0 =	srdreg.scid;
	s2 =	rddreg [dreg:$0x3]  }
0x5: {  	s1 =	stileid.u32;
	s3 =	simm.s32 $0x0;
	s16 =	simm.s32 $0x100  }
0x6: {  	s17 =	simm.s32 $0x180;
	s18 =	simm.s32 $0x200;
	s19 =	simm.s32 $0x280  }
0x7: {  	s20 =	simm.s32 $0x300;
	s21 =	simm.s32 $0x380;
	s23 =	simm.s32 $0x2  }
0x8: {  	s24 =	simm.s32 $0x0;
	s6 =	sand.u32 $0x1, s0;
	s0 =	rddreg [dreg:$0x4]  }
0x9: {  	[smem:$0x7FF] =	sst s3;
	s11 =	smul.u32 $0x280, s1;
	s22 =	sshll.u32 s1, $0x6  }
0xa: {  	s4 =	sshll.u32 s6, $0x4;
	_ =	strace $0x80000047;
	s10 =	ssub.s32 $0x2, s6  }
0xb: {  	s14 =	smul.u32 $0x2800, s6;
	s6 =	sor.u32 $0x1C01, s22;
	s22 =	sor.u32 $0x1C02, s22  }
0xc: {  	s7 =	sor.u32 s1, s4;
	s13 =	sshrl.u32 s10, $0x1;
	s30 =	sshrl.u32 s11, $0x3  }
0xd: {  	s15 =	sadd.s32 s11, s2;
	s4 =	smul.u32 $0x2800, s7;
	s10 =	ssub.s32 s10, s13  }
0xe: {  	s5 =	sadd.s32 s5, s30;
	p0 =	seq.s32 s7, $0x1F;
	s11 =	sadd.s32 s11, s14  }
0xf: {  	s13 =	sadd.s32 $0x165C0, s8;
	s14 =	simm.s32 $0x1;
	s31 =	sshrl.u32 s11, $0x3  }
0x10: {  	s11 =	sshrl.u32 s15, $0x3;
	s15 =	simm.s32 $0x80;
	s4 =	sshrl.u32 s4, $0x3  }
0x11: {  	s12 =	sadd.s32 s4, s8;
	s4 =	sadd.s32 $0x16A00, s8;
	s8 =	sadd.s32 s9, s31  }
0x12: {  	s9 =	smax.u32 s10, $0x1;
	s7 =	sadd.s32 $0xC580, s12;
	s10 =	sadd.s32 $0xC440, s12  }
0x13: {  	s12 =	simm.s32 $0x2800;
	s7 =	smov.u32 @p0 s13;
	s13 =	simm.s32 $0xA00  }
.LBB2_1:
0x14: {  	[spmem:s11], [sflag:s6] =	dma.local [hbm:s5], $0x50  }
0x15: {  	[tilespmem:s12], [sflag:$0x1] =	stream.linear.gather [hbm4b:s4+s3], $0x80, $0x38;
	[tilespmem:$0x2B00] =	vst v63  }
0x16: {  	_ = 	snop  }
0x17: {  	[tilespmem:s3], [sflag:$0x1] =	stream.linear.gather [hbm4b:s10+s3], $0xA00, $0x38;
	[tilespmem:$0x2B00] =	vst v63  }
0x18: {  	_ = 	snop  }
0x19: {  	[tilespmem:s13], [sflag:$0x1] =	stream.linear.gather [hbm4b:s7+s3], $0x1E00, $0x38;
	[tilespmem:$0x2B00] =	vst v63  }
0x1a: {  	_ =	swait.ge [sflag:s14], $0x50  }
0x1b: {  	[sflag:s14] =	ssyncset.done $0x0  }
0x1c: {  	[sflag:s14] =	ssyncadd.s32 $0xFFFFFFB0  }
0x1d: {  	_ =	swait.ge [sflag:s14], $0x80  }
0x1e: {  	[sflag:s14] =	ssyncset.done $0x0  }
0x1f: {  	[sflag:s14] =	ssyncadd.s32 $0xFFFFFF80  }
0x20: {  	_ =	swait.ge [sflag:s14], $0xA00  }
0x21: {  	[sflag:s14] =	ssyncset.done $0x0  }
0x22: {  	[sflag:s14] =	ssyncadd.s32 $0xFFFFF600  }
0x23: {  	_ =	swait.ge [sflag:s14], $0x1E00  }
0x24: {  	[sflag:s14] =	ssyncset.done $0x0  }
0x25: {  	[sflag:s14] =	ssyncadd.s32 $0xFFFFE200  }
0x26: {  	[bflag:$0x0] =	sbarrier.arrive $0xFFFF  }
0x27: {  	[spmem:s2] =	stream.indirect.scatter.add.f32 [tilespmem:s12], [sflag:$0x1], $0x1, s3, s15, $0xb8;
	[tilespmem:$0x2B00] =	vst v63  }
0x28: {  	_ = 	snop  }
0x29: {  	[spmem:s2] =	stream.indirect.scatter.add.f32 [tilespmem:s12], [sflag:$0x1], $0x1, s15, s15, $0xb8;
	[tilespmem:$0x2B00] =	vst v63  }
0x2a: {  	_ = 	snop  }
0x2b: {  	[spmem:s2] =	stream.indirect.scatter.add.f32 [tilespmem:s12], [sflag:$0x1], $0x1, s16, s15, $0xb8;
	[tilespmem:$0x2B00] =	vst v63  }
0x2c: {  	_ = 	snop  }
0x2d: {  	[spmem:s2] =	stream.indirect.scatter.add.f32 [tilespmem:s12], [sflag:$0x1], $0x1, s17, s15, $0xb8;
	[tilespmem:$0x2B00] =	vst v63  }
0x2e: {  	_ = 	snop  }
0x2f: {  	[spmem:s2] =	stream.indirect.scatter.add.f32 [tilespmem:s12], [sflag:$0x1], $0x1, s18, s15, $0xb8;
	[tilespmem:$0x2B00] =	vst v63  }
0x30: {  	_ = 	snop  }
0x31: {  	[spmem:s2] =	stream.indirect.scatter.add.f32 [tilespmem:s12], [sflag:$0x1], $0x1, s19, s15, $0xb8;
	[tilespmem:$0x2B00] =	vst v63  }
0x32: {  	_ = 	snop  }
0x33: {  	[spmem:s2] =	stream.indirect.scatter.add.f32 [tilespmem:s12], [sflag:$0x1], $0x1, s20, s15, $0xb8;
	[tilespmem:$0x2B00] =	vst v63  }
0x34: {  	_ = 	snop  }
0x35: {  	[spmem:s2] =	stream.indirect.scatter.add.f32 [tilespmem:s12], [sflag:$0x1], $0x1, s21, s15, $0xb8;
	[tilespmem:$0x2B00] =	vst v63  }
0x36: {  	s25 =	simm.s32 $0x400  }
0x37: {  	[spmem:s2] =	stream.indirect.scatter.add.f32 [tilespmem:s12], [sflag:$0x1], $0x1, s25, s15, $0xb8;
	[tilespmem:$0x2B00] =	vst v63  }
0x38: {  	s31 =	simm.s32 $0x480  }
0x39: {  	[spmem:s2] =	stream.indirect.scatter.add.f32 [tilespmem:s12], [sflag:$0x1], $0x1, s31, s15, $0xb8;
	[tilespmem:$0x2B00] =	vst v63  }
0x3a: {  	s26 =	simm.s32 $0x500  }
0x3b: {  	[spmem:s2] =	stream.indirect.scatter.add.f32 [tilespmem:s12], [sflag:$0x1], $0x1, s26, s15, $0xb8;
	[tilespmem:$0x2B00] =	vst v63  }
0x3c: {  	s30 =	simm.s32 $0x580  }
0x3d: {  	[spmem:s2] =	stream.indirect.scatter.add.f32 [tilespmem:s12], [sflag:$0x1], $0x1, s30, s15, $0xb8;
	[tilespmem:$0x2B00] =	vst v63  }
0x3e: {  	s31 =	simm.s32 $0x600  }
0x3f: {  	[spmem:s2] =	stream.indirect.scatter.add.f32 [tilespmem:s12], [sflag:$0x1], $0x1, s31, s15, $0xb8;
	[tilespmem:$0x2B00] =	vst v63  }
0x40: {  	s26 =	simm.s32 $0x680  }
0x41: {  	[spmem:s2] =	stream.indirect.scatter.add.f32 [tilespmem:s12], [sflag:$0x1], $0x1, s26, s15, $0xb8;
	[tilespmem:$0x2B00] =	vst v63  }
0x42: {  	s30 =	simm.s32 $0x700  }
0x43: {  	[spmem:s2] =	stream.indirect.scatter.add.f32 [tilespmem:s12], [sflag:$0x1], $0x1, s30, s15, $0xb8;
	[tilespmem:$0x2B00] =	vst v63  }
0x44: {  	s31 =	simm.s32 $0x780  }
0x45: {  	[spmem:s2] =	stream.indirect.scatter.add.f32 [tilespmem:s12], [sflag:$0x1], $0x1, s31, s15, $0xb8;
	[tilespmem:$0x2B00] =	vst v63  }
0x46: {  	_ =	swait.ge [sflag:s14], $0x80  }
0x47: {  	[sflag:s14] =	ssyncset.done $0x0  }
0x48: {  	[sflag:s14] =	ssyncadd.s32 $0xFFFFFF80  }
0x49: {  	_ =	swait.ge [sflag:s14], $0x80  }
0x4a: {  	[sflag:s14] =	ssyncset.done $0x0  }
0x4b: {  	[sflag:s14] =	ssyncadd.s32 $0xFFFFFF80  }
0x4c: {  	_ =	swait.ge [sflag:s14], $0x80  }
0x4d: {  	[sflag:s14] =	ssyncset.done $0x0  }
0x4e: {  	[sflag:s14] =	ssyncadd.s32 $0xFFFFFF80  }
0x4f: {  	_ =	swait.ge [sflag:s14], $0x80  }
0x50: {  	[sflag:s14] =	ssyncset.done $0x0  }
0x51: {  	[sflag:s14] =	ssyncadd.s32 $0xFFFFFF80  }
0x52: {  	_ =	swait.ge [sflag:s14], $0x80  }
0x53: {  	[sflag:s14] =	ssyncset.done $0x0  }
0x54: {  	[sflag:s14] =	ssyncadd.s32 $0xFFFFFF80  }
0x55: {  	_ =	swait.ge [sflag:s14], $0x80  }
0x56: {  	[sflag:s14] =	ssyncset.done $0x0  }
0x57: {  	[sflag:s14] =	ssyncadd.s32 $0xFFFFFF80  }
0x58: {  	_ =	swait.ge [sflag:s14], $0x80  }
0x59: {  	[sflag:s14] =	ssyncset.done $0x0  }
0x5a: {  	[sflag:s14] =	ssyncadd.s32 $0xFFFFFF80  }
0x5b: {  	_ =	swait.ge [sflag:s14], $0x80  }
0x5c: {  	s29 =	simm.s32 $0x2000;
	s28 =	simm.s32 $0x400;
	[sflag:s14] =	ssyncset.done $0x0  }
.LBB2_2:
0x5d: {  	s30 =	sadd.s32 $0x400, s28  }
0x5e: {  	[sflag:s14] =	ssyncadd.s32 $0xFFFFFF80;
	s26 =	smov.u32 s29;
	s25 =	sadd.s32 $0x1000, s29  }
0x5f: {  	[spmem:s2] =	stream.indirect.scatter.add.f32 [tilespmem:s12], [sflag:$0x1], $0x1, s30, s15, $0xb8;
	[tilespmem:$0x2B00] =	vst v63  }
0x60: {  	p0 =	sne.s32 s29, $0x8000;
	s29 =	sadd.s32 $0x480, s28  }
0x61: {  	[spmem:s2] =	stream.indirect.scatter.add.f32 [tilespmem:s12], [sflag:$0x1], $0x1, s29, s15, $0xb8;
	[tilespmem:$0x2B00] =	vst v63  }
0x62: {  	s29 =	sadd.s32 $0x500, s28  }
0x63: {  	[spmem:s2] =	stream.indirect.scatter.add.f32 [tilespmem:s12], [sflag:$0x1], $0x1, s29, s15, $0xb8;
	[tilespmem:$0x2B00] =	vst v63  }
0x64: {  	s29 =	sadd.s32 $0x580, s28  }
0x65: {  	[spmem:s2] =	stream.indirect.scatter.add.f32 [tilespmem:s12], [sflag:$0x1], $0x1, s29, s15, $0xb8;
	[tilespmem:$0x2B00] =	vst v63  }
0x66: {  	s29 =	sadd.s32 $0x600, s28  }
0x67: {  	[spmem:s2] =	stream.indirect.scatter.add.f32 [tilespmem:s12], [sflag:$0x1], $0x1, s29, s15, $0xb8;
	[tilespmem:$0x2B00] =	vst v63  }
0x68: {  	s29 =	sadd.s32 $0x680, s28  }
0x69: {  	[spmem:s2] =	stream.indirect.scatter.add.f32 [tilespmem:s12], [sflag:$0x1], $0x1, s29, s15, $0xb8;
	[tilespmem:$0x2B00] =	vst v63  }
0x6a: {  	s29 =	sadd.s32 $0x700, s28  }
0x6b: {  	[spmem:s2] =	stream.indirect.scatter.add.f32 [tilespmem:s12], [sflag:$0x1], $0x1, s29, s15, $0xb8;
	[tilespmem:$0x2B00] =	vst v63  }
0x6c: {  	s28 =	sadd.s32 $0x780, s28  }
0x6d: {  	[spmem:s2] =	stream.indirect.scatter.add.f32 [tilespmem:s12], [sflag:$0x1], $0x1, s28, s15, $0xb8;
	[tilespmem:$0x2B00] =	vst v63  }
0x6e: {  	_ =	swait.ge [sflag:s14], $0x80  }
0x6f: {  	[sflag:s14] =	ssyncset.done $0x0  }
0x70: {  	[sflag:s14] =	ssyncadd.s32 $0xFFFFFF80  }
0x71: {  	_ =	swait.ge [sflag:s14], $0x80  }
0x72: {  	[sflag:s14] =	ssyncset.done $0x0  }
0x73: {  	[sflag:s14] =	ssyncadd.s32 $0xFFFFFF80  }
0x74: {  	_ =	swait.ge [sflag:s14], $0x80  }
0x75: {  	[sflag:s14] =	ssyncset.done $0x0  }
0x76: {  	[sflag:s14] =	ssyncadd.s32 $0xFFFFFF80  }
0x77: {  	_ =	swait.ge [sflag:s14], $0x80  }
0x78: {  	[sflag:s14] =	ssyncset.done $0x0  }
0x79: {  	[sflag:s14] =	ssyncadd.s32 $0xFFFFFF80  }
0x7a: {  	_ =	swait.ge [sflag:s14], $0x80  }
0x7b: {  	[sflag:s14] =	ssyncset.done $0x0  }
0x7c: {  	[sflag:s14] =	ssyncadd.s32 $0xFFFFFF80  }
0x7d: {  	_ =	swait.ge [sflag:s14], $0x80  }
0x7e: {  	[sflag:s14] =	ssyncset.done $0x0  }
0x7f: {  	[sflag:s14] =	ssyncadd.s32 $0xFFFFFF80  }
.Ltmp0:
0x80: {  	_ =	swait.ge [sflag:s14], $0x80;
	(pc) =	sbr.rel @p0 .LBB2_2-.Ltmp0, $4  }
0x81: {  	[sflag:s14] =	ssyncset.done $0x0  }
0x82: {  	[sflag:s14] =	ssyncadd.s32 $0xFFFFFF80  }
0x83: {  	_ =	swait.ge [sflag:s14], $0x80  }
0x84: {  	s29 =	smov.u32 s25;
	s28 =	sshra.s32 s26, $0x2;
	[sflag:s14] =	ssyncset.done $0x0  }
0x85: {  	s25 =	sadd.s32 $0x400, s28;
	[sflag:s14] =	ssyncadd.s32 $0xFFFFFF80  }
0x86: {  	[spmem:s2] =	stream.indirect.scatter.add.f32 [tilespmem:s12], [sflag:$0x1], $0x1, s25, s15, $0xb8;
	[tilespmem:$0x2B00] =	vst v63  }
0x87: {  	s29 =	sadd.s32 $0x480, s28  }
0x88: {  	[spmem:s2] =	stream.indirect.scatter.add.f32 [tilespmem:s12], [sflag:$0x1], $0x1, s29, s15, $0xb8;
	[tilespmem:$0x2B00] =	vst v63  }
0x89: {  	s30 =	sadd.s32 $0x500, s28  }
0x8a: {  	[spmem:s2] =	stream.indirect.scatter.add.f32 [tilespmem:s12], [sflag:$0x1], $0x1, s30, s15, $0xb8;
	[tilespmem:$0x2B00] =	vst v63  }
0x8b: {  	s31 =	sadd.s32 $0x580, s28  }
0x8c: {  	[spmem:s2] =	stream.indirect.scatter.add.f32 [tilespmem:s12], [sflag:$0x1], $0x1, s31, s15, $0xb8;
	[tilespmem:$0x2B00] =	vst v63  }
0x8d: {  	s26 =	sadd.s32 $0x600, s28  }
0x8e: {  	[spmem:s2] =	stream.indirect.scatter.add.f32 [tilespmem:s12], [sflag:$0x1], $0x1, s26, s15, $0xb8;
	[tilespmem:$0x2B00] =	vst v63  }
0x8f: {  	s29 =	sadd.s32 $0x680, s28  }
0x90: {  	[spmem:s2] =	stream.indirect.scatter.add.f32 [tilespmem:s12], [sflag:$0x1], $0x1, s29, s15, $0xb8;
	[tilespmem:$0x2B00] =	vst v63  }
0x91: {  	s30 =	sadd.s32 $0x700, s28  }
0x92: {  	[spmem:s2] =	stream.indirect.scatter.add.f32 [tilespmem:s12], [sflag:$0x1], $0x1, s30, s15, $0xb8;
	[tilespmem:$0x2B00] =	vst v63  }
0x93: {  	s31 =	sadd.s32 $0x780, s28  }
0x94: {  	[spmem:s2] =	stream.indirect.scatter.add.f32 [tilespmem:s12], [sflag:$0x1], $0x1, s31, s15, $0xb8;
	[tilespmem:$0x2B00] =	vst v63  }
0x95: {  	_ =	swait.ge [sflag:s14], $0x80  }
0x96: {  	[sflag:s14] =	ssyncset.done $0x0  }
0x97: {  	[sflag:s14] =	ssyncadd.s32 $0xFFFFFF80  }
0x98: {  	_ =	swait.ge [sflag:s14], $0x80  }
0x99: {  	[sflag:s14] =	ssyncset.done $0x0  }
0x9a: {  	[sflag:s14] =	ssyncadd.s32 $0xFFFFFF80  }
0x9b: {  	_ =	swait.ge [sflag:s14], $0x80  }
0x9c: {  	[sflag:s14] =	ssyncset.done $0x0  }
0x9d: {  	[sflag:s14] =	ssyncadd.s32 $0xFFFFFF80  }
0x9e: {  	_ =	swait.ge [sflag:s14], $0x80  }
0x9f: {  	[sflag:s14] =	ssyncset.done $0x0  }
0xa0: {  	[sflag:s14] =	ssyncadd.s32 $0xFFFFFF80  }
0xa1: {  	_ =	swait.ge [sflag:s14], $0x80  }
0xa2: {  	[sflag:s14] =	ssyncset.done $0x0  }
0xa3: {  	[sflag:s14] =	ssyncadd.s32 $0xFFFFFF80  }
0xa4: {  	_ =	swait.ge [sflag:s14], $0x80  }
0xa5: {  	[sflag:s14] =	ssyncset.done $0x0  }
0xa6: {  	[sflag:s14] =	ssyncadd.s32 $0xFFFFFF80  }
0xa7: {  	_ =	swait.ge [sflag:s14], $0x80  }
0xa8: {  	[sflag:s14] =	ssyncset.done $0x0  }
0xa9: {  	[sflag:s14] =	ssyncadd.s32 $0xFFFFFF80  }
0xaa: {  	_ =	swait.ge [sflag:s14], $0x80  }
0xab: {  	[sflag:s14] =	ssyncset.done $0x0  }
0xac: {  	[sflag:s14] =	ssyncadd.s32 $0xFFFFFF80  }
0xad: {  	_ =	swait.ge [sflag:s14], $0x80  }
0xae: {  	[sflag:s14] =	ssyncset.done $0x0  }
0xaf: {  	[sflag:s14] =	ssyncadd.s32 $0xFFFFFF80  }
0xb0: {  	_ =	swait.ge [sflag:s14], $0x80  }
0xb1: {  	[sflag:s14] =	ssyncset.done $0x0  }
0xb2: {  	[sflag:s14] =	ssyncadd.s32 $0xFFFFFF80  }
0xb3: {  	_ =	swait.ge [sflag:s14], $0x80  }
0xb4: {  	[sflag:s14] =	ssyncset.done $0x0  }
0xb5: {  	[sflag:s14] =	ssyncadd.s32 $0xFFFFFF80  }
0xb6: {  	_ =	swait.ge [sflag:s14], $0x80  }
0xb7: {  	[sflag:s14] =	ssyncset.done $0x0  }
0xb8: {  	[sflag:s14] =	ssyncadd.s32 $0xFFFFFF80  }
0xb9: {  	_ =	swait.ge [sflag:s14], $0x80  }
0xba: {  	[sflag:s14] =	ssyncset.done $0x0  }
0xbb: {  	[sflag:s14] =	ssyncadd.s32 $0xFFFFFF80  }
0xbc: {  	_ =	swait.ge [sflag:s14], $0x80  }
0xbd: {  	[sflag:s14] =	ssyncset.done $0x0  }
0xbe: {  	[sflag:s14] =	ssyncadd.s32 $0xFFFFFF80  }
0xbf: {  	_ =	swait.ge [sflag:s14], $0x80  }
0xc0: {  	[sflag:s14] =	ssyncset.done $0x0  }
0xc1: {  	[sflag:s14] =	ssyncadd.s32 $0xFFFFFF80  }
0xc2: {  	_ =	swait.ge [sflag:s14], $0x80  }
0xc3: {  	s24 =	sadd.s32 $0x1, s24;
	[sflag:s14] =	ssyncset.done $0x0  }
0xc4: {  	p0 =	sne.s32 s24, s9;
	[sflag:s14] =	ssyncadd.s32 $0xFFFFFF80  }
.Ltmp1:
0xc5: {  	[bflag:$0x0] =	sbarrier.arrive $0xFFFF;
	(pc) =	sbr.rel @p0 .LBB2_1-.Ltmp1, $4  }
0xc6: {  	[hbm:s8], [sflag:s22] =	dma.local [spmem:s11], $0x50  }
0xc7: {  	_ =	swait.ge [sflag:s23], $0x50  }
0xc8: {  	[sflag:s23] =	ssyncset.done $0x0  }
0xc9: {  	[sflag:s23] =	ssyncadd.s32 $0xFFFFFFB0  }
0xca: {  	_ =	sfence.sel $0x180000  }
0xcb: {  	[bflag:$0x0] =	sbarrier.arrive $0xFFFF  }
0xcc: {  	p0 =	sne.s32 s1, $0x0;
	_ =	strace $0x90000047  }
0xcd: {  	s0 =	sadd.s32 @!p0 $0x100000, s0;
	[bflag:$0x2] =	sbarrier.arrive $0xFFFF  }
0xce: {  	[sflag:s0] =	ssyncadd.tile.s32 @!p0 $0x1;
	_ =	shalt  }
.Lfunc_end2:
_tile_overlayer_lowered:
.L_overlay_start_2:
0xcf: {  	(tag) =	ssettag $0x2  }
0xd0: {  	s0 =	rddreg [dreg:$0x0];
	s2 =	stileid.u32  }
0xd1: {  	s1 =	rddreg [dreg:$0x1];
	p0 =	sne.s32 s2, $0x0  }
0xd2: {  	s3 =	rddreg [dreg:$0x2];
	[bflag:$0x3] =	sbarrier.arrive $0xFFFF;
	s2 =	simm.s32 @!p0 $0x1C02  }
0xd3: {  	[timem:s3], [sflag:s2] =	dma.local @!p0 [hbm:s0], s1  }
0xd4: {  	s0 =	simm.s32 @!p0 $0x2  }
0xd5: {  	_ =	swait.ge @!p0 [sflag:s0], s1  }
0xd6: {  	s1 =	ssub.s32 @!p0 $0x0, s1;
	[sflag:s0] =	ssyncset.done @!p0 $0x0  }
0xd7: {  	[sflag:s0] =	ssyncadd.s32 @!p0 s1  }
0xd8: {  	[bflag:$0x3] =	sbarrier.arrive $0xFFFF  }
0xd9: {  	_ =	shalt  }

</sc_bundles>
